<compile_context>
chip_gen: v7x
topology: tpu7x:2x2x1
jax: 0.10.2.dev20260603
libtpu: 0.0.44.dev20260713+nightly
codegen_flags: <defaults>
</compile_context>

<pallas_src>
import jax
import jax.numpy as jnp
from jax import lax
from jax.experimental import pallas as pl
from jax.experimental.pallas import tpu as pltpu
from jax.experimental.pallas import tpu_sc as plsc

N = 10000
NPAD = 10240
E = 320000
EPAD = 327680
CHUNK = 128
EROWS = EPAD // CHUNK
F_IN = 128
F3 = 96
FP = 128
P = 12
NPAIR = 6
NC = 2
NS = 16
L = 16

def _sc_mesh():
    return plsc.VectorSubcoreMesh(core_axis_name="c", subcore_axis_name="s",
                                  num_cores=NC, num_subcores=NS)


_DEG_ROWS_PER_TILE = EROWS // (NC * NS)
_STRIPE = NPAD // NS


def _deg_body(dst2d, out, dstv, ones, zb, hist):
    cid = lax.axis_index("c")
    sid = lax.axis_index("s")
    wid = sid * NC + cid

    def _fill_ones(r, carry):
        for t in range(FP // L):
            ones[r, pl.ds(t * L, L)] = jnp.full((L,), 1.0, jnp.float32)
        return carry

    lax.fori_loop(0, CHUNK, _fill_ones, 0)

    def _fill_zb(r, carry):
        for t in range(FP // L):
            zb[r, pl.ds(t * L, L)] = jnp.zeros((L,), jnp.float32)
        return carry

    lax.fori_loop(0, 80, _fill_zb, 0)

    pltpu.sync_copy(dst2d.at[pl.ds(wid * _DEG_ROWS_PER_TILE, _DEG_ROWS_PER_TILE)], dstv)
    for kk in range(_STRIPE // 80):
        pltpu.sync_copy(zb, hist.at[pl.ds(sid * _STRIPE + kk * 80, 80)])
    plsc.subcore_barrier()

    def _scatter(j, carry):
        pltpu.sync_copy(ones, hist.at[dstv.at[j]], add=True)
        return carry

    lax.fori_loop(0, _DEG_ROWS_PER_TILE, _scatter, 0)
    plsc.subcore_barrier()
    pltpu.sync_copy(hist.at[pl.ds(sid * _STRIPE, _STRIPE)],
                    out.at[cid, pl.ds(sid * _STRIPE, _STRIPE)])


def _deg_kernel(dst2d):
    return pl.kernel(
        _deg_body,
        out_type=jax.ShapeDtypeStruct((NC, NPAD, FP), jnp.float32),
        mesh=_sc_mesh(),
        scratch_types=[
            pltpu.VMEM((_DEG_ROWS_PER_TILE, CHUNK), jnp.int32),
            pltpu.VMEM((CHUNK, FP), jnp.float32),
            pltpu.VMEM((80, FP), jnp.float32),
            pltpu.VMEM_SHARED((NPAD, FP), jnp.float32),
        ],
    )(dst2d)



_AGG_ROWS_PER_TILE = EROWS // NS
_PPC = NPAIR // NC
_SN = 4
_RN = 2
_PF = _SN - _RN
_D = _RN - 1


def _agg_body(edges2d, qflat, out, ebuf, soff, rows, zb, agg, *sems):
    cid = lax.axis_index("c")
    sid = lax.axis_index("s")
    ei = sems[:_SN]
    gsem = sems[_SN:_SN + _RN]
    ssem = sems[_SN + _RN:]
    C = _AGG_ROWS_PER_TILE

    def _fill_zb(r, carry):
        for h in range(2):
            for t in range(4):
                zb[r, h, pl.ds(t * 32, 32)] = jnp.zeros((32,), jnp.bfloat16)
        return carry

    lax.fori_loop(0, 80, _fill_zb, 0)

    def _idx_load(j, b):
        row = sid * C + j
        return pltpu.async_copy(edges2d.at[pl.ds(row, 1)],
                                ebuf.at[pl.ds(b, 1)], ei[b])

    def _idx_wait(j, b):
        row = sid * C + j
        pltpu.make_async_copy(edges2d.at[pl.ds(row, 1)],
                              ebuf.at[pl.ds(b, 1)], ei[b]).wait()

    def _gather(u, rb, off):
        for t in range(CHUNK // L):
            soff[u, pl.ds(t * L, L)] = ebuf[u, 0, pl.ds(t * L, L)] + off
        pltpu.async_copy(qflat.at[soff.at[u]], rows.at[rb], gsem[rb])

    def _gather_wait(u, rb):
        pltpu.make_async_copy(qflat.at[soff.at[u]], rows.at[rb],
                              gsem[rb]).wait()

    def _scatter(u, rb):
        pltpu.async_copy(rows.at[rb], agg.at[ebuf.at[u, 1]], ssem[rb],
                         add=True)

    def _scatter_wait(u, rb):
        pltpu.make_async_copy(rows.at[rb], agg.at[ebuf.at[u, 1]],
                              ssem[rb]).wait()

    def _pos(j, u, k0, klast):
        rb = u % _RN
        if not (k0 and j < _RN):
            _scatter_wait((u - _RN) % _SN, rb)
        if not (klast and j + _PF >= C):
            _idx_load(j + _PF, (u + _PF) % _SN)
        _idx_wait(j, u % _SN)
        yield rb
        if not (k0 and j < _D):
            _gather_wait((u - _D) % _SN, (u - _D) % _RN)
            _scatter((u - _D) % _SN, (u - _D) % _RN)

    def _period(pi, carry):
        p = cid * _PPC + pi
        off = p * NPAD

        for kk in range(_STRIPE // 80):
            pltpu.sync_copy(zb, agg.at[pl.ds(sid * _STRIPE + kk * 80, 80)])
        for b in range(_PF):
            _idx_load(b, b)
        plsc.subcore_barrier()

        def _block(k, c2, k0=False, klast=False):
            for u in range(_SN):
                j = k * _SN + u
                step = _pos(j, u, k0, klast)
                rb = next(step)
                _gather(u, rb, off)
                for _ in step:
                    pass
            return c2

        _block(0, 0, k0=True)
        lax.fori_loop(1, C // _SN - 1, _block, 0)
        _block(C // _SN - 1, 0, klast=True)
        for d in range(_D):
            j2 = C - _D + d
            _gather_wait(j2 % _SN, j2 % _RN)
            _scatter(j2 % _SN, j2 % _RN)
        for r in range(_RN):
            j2 = C - _RN + r
            _scatter_wait(j2 % _SN, j2 % _RN)
        plsc.subcore_barrier()
        pltpu.sync_copy(agg.at[pl.ds(sid * _STRIPE, _STRIPE)],
                        out.at[p, pl.ds(sid * _STRIPE, _STRIPE)])
        return carry

    lax.fori_loop(0, _PPC, _period, 0)


def _agg_kernel(edges2d, qflat):
    return pl.kernel(
        _agg_body,
        out_type=jax.ShapeDtypeStruct((NPAIR, NPAD, 2, 128), jnp.bfloat16),
        mesh=_sc_mesh(),
        scratch_types=[
            pltpu.VMEM((_SN, 2, CHUNK), jnp.int32),
            pltpu.VMEM((_SN, CHUNK), jnp.int32),
            pltpu.VMEM((_RN, CHUNK, 2, 128), jnp.bfloat16),
            pltpu.VMEM((80, 2, 128), jnp.bfloat16),
            pltpu.VMEM_SHARED((NPAD, 2, 128), jnp.bfloat16),
        ] + [pltpu.SemaphoreType.DMA] * (_SN + 2 * _RN),
        compiler_params=pltpu.CompilerParams(use_tc_tiling_on_sc=False),
    )(edges2d, qflat)



_BLK = 1280
_NB = NPAD // _BLK
_BLKG = 640
_NBG = NPAD // _BLKG


def _proj_body(deg_ref, xt_ref, wcat_ref, q_ref):
    deg = deg_ref[0, :, 0] + deg_ref[1, :, 0] + 1.0
    dinv = lax.rsqrt(deg)[:, None]
    z32 = jnp.zeros((_BLK, 128 - F3), jnp.float32)
    q0 = dinv * jnp.dot(xt_ref[0], wcat_ref[...],
                        preferred_element_type=jnp.float32)
    q1 = dinv * jnp.dot(xt_ref[1], wcat_ref[...],
                        preferred_element_type=jnp.float32)
    q_ref[0] = jnp.concatenate([q0, z32, q1, z32], axis=1).astype(jnp.bfloat16)


def _proj_call(deg_parts, xt, wcat):
    return pl.pallas_call(
        _proj_body,
        grid=(NPAIR, _NB),
        in_specs=[
            pl.BlockSpec((NC, _BLK, FP), lambda p, i: (0, i, 0)),
            pl.BlockSpec((2, _BLK, F_IN), lambda p, i: (p, i, 0)),
            pl.BlockSpec((F_IN, F3), lambda p, i: (0, 0)),
        ],
        out_specs=pl.BlockSpec((1, _BLK, 256), lambda p, i: (p, i, 0)),
        out_shape=jax.ShapeDtypeStruct((NPAIR, NPAD, 256), jnp.bfloat16),
    )(deg_parts, xt, wcat)



def _gru_body(raw_ref, q_ref, deg_ref, att_ref, bcat_ref,
              lza_ref, lzb2_ref, lzbias_ref,
              lra_ref, lrb2_ref, lrbias_ref,
              lha_ref, lhb2_ref, lhbias_ref,
              wlin_ref, blin_ref, out_ref):
    att = att_ref[...]
    m = jnp.max(att)
    e = jnp.exp(att - m)
    probs = e / jnp.sum(e)

    dinv = lax.rsqrt(deg_ref[0, :, 0] + deg_ref[1, :, 0] + 1.0)[:, None]
    bcat = bcat_ref[...]
    lza, lzb2, lzbias = lza_ref[...], lzb2_ref[...], lzbias_ref[...]
    lra, lrb2, lrbias = lra_ref[...], lrb2_ref[...], lrbias_ref[...]
    lha, lhb2, lhbias = lha_ref[...], lhb2_ref[...], lhbias_ref[...]

    h = jnp.zeros((_BLKG, 32), jnp.float32)
    hacc = jnp.zeros((_BLKG, 32), jnp.float32)
    for p in range(P):
        pair, half = p // 2, p % 2
        rawp = raw_ref[pair][:, half * 128:half * 128 + F3].astype(jnp.float32)
        qp = q_ref[pair][:, half * 128:half * 128 + F3].astype(jnp.float32)
        g = dinv * (rawp + qp) + bcat
        gz = g[:, 0:32]
        gr = g[:, 32:64]
        gh = g[:, 64:96]
        z = jax.nn.sigmoid(
            jnp.dot(gz, lza, preferred_element_type=jnp.float32)
            + jnp.dot(h, lzb2, preferred_element_type=jnp.float32) + lzbias)
        r = jax.nn.sigmoid(
            jnp.dot(gr, lra, preferred_element_type=jnp.float32)
            + jnp.dot(h, lrb2, preferred_element_type=jnp.float32) + lrbias)
        ht = jnp.tanh(
            jnp.dot(gh, lha, preferred_element_type=jnp.float32)
            + jnp.dot(h * r, lhb2, preferred_element_type=jnp.float32) + lhbias)
        h = z * h + (1.0 - z) * ht
        hacc = hacc + probs[p:p + 1] * h
    hrelu = jnp.maximum(hacc, 0.0)
    out_ref[...] = (jnp.dot(hrelu, wlin_ref[...],
                            preferred_element_type=jnp.float32) + blin_ref[...])


def _gru_call(raw, q, deg_parts, att, bcat, lza, lzb2, lzbias, lra, lrb2, lrbias,
              lha, lhb2, lhbias, wlint, blin):
    full = lambda shape: pl.BlockSpec(shape, lambda i: tuple(0 for _ in shape))
    return pl.pallas_call(
        _gru_body,
        grid=(_NBG,),
        in_specs=[
            pl.BlockSpec((NPAIR, _BLKG, 256), lambda i: (0, i, 0)),
            pl.BlockSpec((NPAIR, _BLKG, 256), lambda i: (0, i, 0)),
            pl.BlockSpec((NC, _BLKG, FP), lambda i: (0, i, 0)),
            full((P,)),
            full((F3,)),
            full((32, 32)), full((32, 32)), full((32,)),
            full((32, 32)), full((32, 32)), full((32,)),
            full((32, 32)), full((32, 32)), full((32,)),
            full((32, 2)), full((2,)),
        ],
        out_specs=pl.BlockSpec((_BLKG, 2), lambda i: (i, 0)),
        out_shape=jax.ShapeDtypeStruct((NPAD, 2), jnp.float32),
    )(raw, q, deg_parts, att, bcat, lza, lzb2, lzbias, lra, lrb2, lrbias,
      lha, lhb2, lhbias, wlint, blin)



def kernel(x, edge_index, task, attention, Wz, bz, Wr, br, Wh, bh,
           Lz, Lz_b, Lr, Lr_b, Lh, Lh_b, Wlin, blin):
    del task
    pad = jnp.full((EPAD - E,), N, jnp.int32)
    src2d = jnp.concatenate([edge_index[0], pad]).reshape(EROWS, CHUNK)
    dst2d = jnp.concatenate([edge_index[1], pad]).reshape(EROWS, CHUNK)
    edges2d = jnp.pad(jnp.stack([src2d, dst2d], axis=1),
                      ((0, _PF), (0, 0), (0, 0)), constant_values=N)
    xt = jnp.pad(jnp.transpose(x, (2, 0, 1)), ((0, 0), (0, NPAD - N), (0, 0)))
    wcat = jnp.concatenate([Wz, Wr, Wh], axis=1)
    bcat = jnp.concatenate([bz, br, bh])

    deg_parts = _deg_kernel(dst2d)
    q = _proj_call(deg_parts, xt, wcat)
    raw = _agg_kernel(edges2d, q.reshape(NPAIR * NPAD, 2, 128))
    out = _gru_call(raw.reshape(NPAIR, NPAD, 256), q, deg_parts, attention, bcat,
                    Lz[:, :32].T, Lz[:, 32:].T, Lz_b,
                    Lr[:, :32].T, Lr[:, 32:].T, Lr_b,
                    Lh[:, :32].T, Lh[:, 32:].T, Lh_b,
                    Wlin.T, blin)
    return out[:N]

# --- scband reference (transcript-rebuilt; emitter-appended) ---
"""Pipeline reference for scband-attention-gnn-13752485282260 (READ-ONLY COPY).

The authoritative reference and input builder live on the scoring server;
editing this copy changes nothing except your own understanding.
"""

import jax, jax.numpy as jnp
import numpy as np

N = 10000
E = 320000
F_IN = 128
F_OUT = 32
PERIODS = 12


def setup_inputs(seed: int = 0) -> dict:
    key = jax.random.key(seed)
    ks = jax.random.split(key, 16)

    def u(k, shape, fan_in):
        s = 1.0 / np.sqrt(fan_in)
        return jax.random.uniform(k, shape, jnp.float32, -s, s)

    inp = {
        "x": jax.random.normal(ks[0], (N, F_IN, PERIODS), dtype=jnp.float32),
        "edge_index": jax.random.randint(ks[1], (2, E), 0, N, dtype=jnp.int32),
        "task": 0,
        "attention": jax.random.uniform(ks[2], (PERIODS,), jnp.float32),
        "Wz": u(ks[3], (F_IN, F_OUT), F_IN),
        "bz": jnp.zeros((F_OUT,), jnp.float32),
        "Wr": u(ks[4], (F_IN, F_OUT), F_IN),
        "br": jnp.zeros((F_OUT,), jnp.float32),
        "Wh": u(ks[5], (F_IN, F_OUT), F_IN),
        "bh": jnp.zeros((F_OUT,), jnp.float32),
        "Lz": u(ks[6], (F_OUT, 2 * F_OUT), 2 * F_OUT),
        "Lz_b": u(ks[7], (F_OUT,), 2 * F_OUT),
        "Lr": u(ks[8], (F_OUT, 2 * F_OUT), 2 * F_OUT),
        "Lr_b": u(ks[9], (F_OUT,), 2 * F_OUT),
        "Lh": u(ks[10], (F_OUT, 2 * F_OUT), 2 * F_OUT),
        "Lh_b": u(ks[11], (F_OUT,), 2 * F_OUT),
        "Wlin": u(ks[12], (2, F_OUT), F_OUT),
        "blin": u(ks[13], (2,), F_OUT),
    }
    return inp


def _forward(x, edge_index, attention, Wz, bz, Wr, br, Wh, bh, Lz, Lz_b, Lr, Lr_b, Lh, Lh_b, Wlin, blin):
    src = edge_index[0]
    dst = edge_index[1]
    ones = jnp.ones((E,), jnp.float32)
    # GCN symmetric normalization with added self loops: A_hat = D^-1/2 (A + I) D^-1/2
    deg = jnp.zeros((N,), jnp.float32).at[dst].add(ones) + 1.0
    dinv = jnp.where(deg > 0, 1.0 / jnp.sqrt(deg), 0.0)
    norm = dinv[src] * dinv[dst]
    self_norm = dinv * dinv

    def gcn(h, W, b):
        hw = h @ W
        msg = hw[src] * norm[:, None]          # gather over edges
        agg = jnp.zeros((N, hw.shape[1]), hw.dtype).at[dst].add(msg)  # scatter-add
        agg = agg + hw * self_norm[:, None]    # self-loop contribution
        return agg + b

    probs = jax.nn.softmax(attention)
    H = jnp.zeros((N, F_OUT), jnp.float32)
    H_accum = jnp.zeros((N, F_OUT), jnp.float32)
    for p in range(PERIODS):
        Xp = x[:, :, p]
        Z = jax.nn.sigmoid(jnp.concatenate([gcn(Xp, Wz, bz), H], axis=1) @ Lz.T + Lz_b)
        R = jax.nn.sigmoid(jnp.concatenate([gcn(Xp, Wr, br), H], axis=1) @ Lr.T + Lr_b)
        Ht = jnp.tanh(jnp.concatenate([gcn(Xp, Wh, bh), H * R], axis=1) @ Lh.T + Lh_b)
        H = Z * H + (1.0 - Z) * Ht
        H_accum = H_accum + probs[p] * H
    h = jax.nn.relu(H_accum)
    out = h @ Wlin.T + blin
    return out


def reference(x, edge_index, task, attention, Wz, bz, Wr, br, Wh, bh, Lz, Lz_b, Lr, Lr_b, Lh, Lh_b, Wlin, blin):
    # task passed as int 0 (non-'binary'): returns raw logits, no softmax
    return _forward(x, edge_index, attention, Wz, bz, Wr, br, Wh, bh, Lz, Lz_b, Lr, Lr_b, Lh, Lh_b, Wlin, blin)

if __name__ == "__main__":
    import jax
    _d = setup_inputs()
    print(jax.jit(kernel)(*tuple(_d.values())))

</pallas_src>

<mosaic_0001>
#map = affine_map<(d0, d1) -> (0, 0)>
#map1 = affine_map<(d0, d1) -> (0, 0, 0)>
module attributes {stable_mosaic.version = 14 : i64} {
  func.func @_deg_body(%arg0: i32, %arg1: i32, %arg2: memref<2560x128xi32, #tpu.memory_space<hbm>>, %arg3: memref<2x10240x128xf32, #tpu.memory_space<hbm>>, %arg4: memref<80x128xi32, #tpu.memory_space<vmem>>, %arg5: memref<128x128xf32, #tpu.memory_space<vmem>>, %arg6: memref<80x128xf32, #tpu.memory_space<vmem>>, %arg7: memref<10240x128xf32, #tpu.memory_space<vmem_shared>>) attributes {dimension_semantics = [#tpu.dimension_semantics<core_parallel>, #tpu.dimension_semantics<subcore_parallel>], iteration_bounds = array<i64: 2, 16>, scalar_prefetch = 0 : i64, scratch_operands = 4 : i64, tpu.core_type = #tpu.core_type<sc_vector_subcore>, window_params = [{transform_indices = #map}, {transform_indices = #map1}]} {
    %mul3A = arith.constant 2 : i32
    %mul3A_0 = arith.muli %arg1, %mul3A : i32
    %add3A = arith.addi %mul3A_0, %arg0 : i32
    %scan3A = arith.constant 0 : i32
    %scan3A_1 = arith.constant 0 : i32
    %scan3A_2 = arith.constant 128 : i32
    %scan3A_3 = arith.addi %scan3A_1, %scan3A_2 : i32
    %scan3A_4 = arith.constant 1 : i32
    scf.for %scan3A_57 = %scan3A_1 to %scan3A_3 step %scan3A_4  : i32 {
      %broadcast_in_dim3A = arith.constant 1.000000e+00 : f32
      %broadcast_in_dim3A_58 = vector.broadcast %broadcast_in_dim3A : f32 to vector<16xf32>
      %swap3A = arith.index_cast %scan3A_57 : i32 to index
      %swap3A_59 = arith.constant 0 : index
      %swap3A_60 = tpu.vector_load %arg5[%swap3A, %swap3A_59] {strides = array<i32>} : memref<128x128xf32, #tpu.memory_space<vmem>>, vector<1x16xf32>,
      %swap3A_61 = vector.shape_cast %swap3A_60 : vector<1x16xf32> to vector<16xf32>
      %swap3A_62 = vector.shape_cast %broadcast_in_dim3A_58 : vector<16xf32> to vector<1x16xf32>
      tpu.vector_store %arg5[%swap3A, %swap3A_59], %swap3A_62 {strides = array<i32>} : memref<128x128xf32, #tpu.memory_space<vmem>>, vector<1x16xf32>,
      %broadcast_in_dim3A_63 = arith.constant 1.000000e+00 : f32
      %broadcast_in_dim3A_64 = vector.broadcast %broadcast_in_dim3A_63 : f32 to vector<16xf32>
      %swap3A_65 = arith.index_cast %scan3A_57 : i32 to index
      %swap3A_66 = arith.constant 16 : index
      %swap3A_67 = tpu.vector_load %arg5[%swap3A_65, %swap3A_66] {strides = array<i32>} : memref<128x128xf32, #tpu.memory_space<vmem>>, vector<1x16xf32>,
      %swap3A_68 = vector.shape_cast %swap3A_67 : vector<1x16xf32> to vector<16xf32>
      %swap3A_69 = vector.shape_cast %broadcast_in_dim3A_64 : vector<16xf32> to vector<1x16xf32>
      tpu.vector_store %arg5[%swap3A_65, %swap3A_66], %swap3A_69 {strides = array<i32>} : memref<128x128xf32, #tpu.memory_space<vmem>>, vector<1x16xf32>,
      %broadcast_in_dim3A_70 = arith.constant 1.000000e+00 : f32
      %broadcast_in_dim3A_71 = vector.broadcast %broadcast_in_dim3A_70 : f32 to vector<16xf32>
      %swap3A_72 = arith.index_cast %scan3A_57 : i32 to index
      %swap3A_73 = arith.constant 32 : index
      %swap3A_74 = tpu.vector_load %arg5[%swap3A_72, %swap3A_73] {strides = array<i32>} : memref<128x128xf32, #tpu.memory_space<vmem>>, vector<1x16xf32>,
      %swap3A_75 = vector.shape_cast %swap3A_74 : vector<1x16xf32> to vector<16xf32>
      %swap3A_76 = vector.shape_cast %broadcast_in_dim3A_71 : vector<16xf32> to vector<1x16xf32>
      tpu.vector_store %arg5[%swap3A_72, %swap3A_73], %swap3A_76 {strides = array<i32>} : memref<128x128xf32, #tpu.memory_space<vmem>>, vector<1x16xf32>,
      %broadcast_in_dim3A_77 = arith.constant 1.000000e+00 : f32
      %broadcast_in_dim3A_78 = vector.broadcast %broadcast_in_dim3A_77 : f32 to vector<16xf32>
      %swap3A_79 = arith.index_cast %scan3A_57 : i32 to index
      %swap3A_80 = arith.constant 48 : index
      %swap3A_81 = tpu.vector_load %arg5[%swap3A_79, %swap3A_80] {strides = array<i32>} : memref<128x128xf32, #tpu.memory_space<vmem>>, vector<1x16xf32>,
      %swap3A_82 = vector.shape_cast %swap3A_81 : vector<1x16xf32> to vector<16xf32>
      %swap3A_83 = vector.shape_cast %broadcast_in_dim3A_78 : vector<16xf32> to vector<1x16xf32>
      tpu.vector_store %arg5[%swap3A_79, %swap3A_80], %swap3A_83 {strides = array<i32>} : memref<128x128xf32, #tpu.memory_space<vmem>>, vector<1x16xf32>,
      %broadcast_in_dim3A_84 = arith.constant 1.000000e+00 : f32
      %broadcast_in_dim3A_85 = vector.broadcast %broadcast_in_dim3A_84 : f32 to vector<16xf32>
      %swap3A_86 = arith.index_cast %scan3A_57 : i32 to index
      %swap3A_87 = arith.constant 64 : index
      %swap3A_88 = tpu.vector_load %arg5[%swap3A_86, %swap3A_87] {strides = array<i32>} : memref<128x128xf32, #tpu.memory_space<vmem>>, vector<1x16xf32>,
      %swap3A_89 = vector.shape_cast %swap3A_88 : vector<1x16xf32> to vector<16xf32>
      %swap3A_90 = vector.shape_cast %broadcast_in_dim3A_85 : vector<16xf32> to vector<1x16xf32>
      tpu.vector_store %arg5[%swap3A_86, %swap3A_87], %swap3A_90 {strides = array<i32>} : memref<128x128xf32, #tpu.memory_space<vmem>>, vector<1x16xf32>,
      %broadcast_in_dim3A_91 = arith.constant 1.000000e+00 : f32
      %broadcast_in_dim3A_92 = vector.broadcast %broadcast_in_dim3A_91 : f32 to vector<16xf32>
      %swap3A_93 = arith.index_cast %scan3A_57 : i32 to index
      %swap3A_94 = arith.constant 80 : index
      %swap3A_95 = tpu.vector_load %arg5[%swap3A_93, %swap3A_94] {strides = array<i32>} : memref<128x128xf32, #tpu.memory_space<vmem>>, vector<1x16xf32>,
      %swap3A_96 = vector.shape_cast %swap3A_95 : vector<1x16xf32> to vector<16xf32>
      %swap3A_97 = vector.shape_cast %broadcast_in_dim3A_92 : vector<16xf32> to vector<1x16xf32>
      tpu.vector_store %arg5[%swap3A_93, %swap3A_94], %swap3A_97 {strides = array<i32>} : memref<128x128xf32, #tpu.memory_space<vmem>>, vector<1x16xf32>,
      %broadcast_in_dim3A_98 = arith.constant 1.000000e+00 : f32
      %broadcast_in_dim3A_99 = vector.broadcast %broadcast_in_dim3A_98 : f32 to vector<16xf32>
      %swap3A_100 = arith.index_cast %scan3A_57 : i32 to index
      %swap3A_101 = arith.constant 96 : index
      %swap3A_102 = tpu.vector_load %arg5[%swap3A_100, %swap3A_101] {strides = array<i32>} : memref<128x128xf32, #tpu.memory_space<vmem>>, vector<1x16xf32>,
      %swap3A_103 = vector.shape_cast %swap3A_102 : vector<1x16xf32> to vector<16xf32>
      %swap3A_104 = vector.shape_cast %broadcast_in_dim3A_99 : vector<16xf32> to vector<1x16xf32>
      tpu.vector_store %arg5[%swap3A_100, %swap3A_101], %swap3A_104 {strides = array<i32>} : memref<128x128xf32, #tpu.memory_space<vmem>>, vector<1x16xf32>,
      %broadcast_in_dim3A_105 = arith.constant 1.000000e+00 : f32
      %broadcast_in_dim3A_106 = vector.broadcast %broadcast_in_dim3A_105 : f32 to vector<16xf32>
      %swap3A_107 = arith.index_cast %scan3A_57 : i32 to index
      %swap3A_108 = arith.constant 112 : index
      %swap3A_109 = tpu.vector_load %arg5[%swap3A_107, %swap3A_108] {strides = array<i32>} : memref<128x128xf32, #tpu.memory_space<vmem>>, vector<1x16xf32>,
      %swap3A_110 = vector.shape_cast %swap3A_109 : vector<1x16xf32> to vector<16xf32>
      %swap3A_111 = vector.shape_cast %broadcast_in_dim3A_106 : vector<16xf32> to vector<1x16xf32>
      tpu.vector_store %arg5[%swap3A_107, %swap3A_108], %swap3A_111 {strides = array<i32>} : memref<128x128xf32, #tpu.memory_space<vmem>>, vector<1x16xf32>,
    }
    %scan3A_5 = arith.constant 128 : i32
    %scan3A_6 = arith.constant 0 : i32
    %scan3A_7 = arith.constant 0 : i32
    %scan3A_8 = arith.constant 80 : i32
    %scan3A_9 = arith.addi %scan3A_7, %scan3A_8 : i32
    %scan3A_10 = arith.constant 1 : i32
    scf.for %scan3A_57 = %scan3A_7 to %scan3A_9 step %scan3A_10  : i32 {
      %broadcast_in_dim3A = arith.constant 0.000000e+00 : f32
      %broadcast_in_dim3A_58 = vector.broadcast %broadcast_in_dim3A : f32 to vector<16xf32>
      %swap3A = arith.index_cast %scan3A_57 : i32 to index
      %swap3A_59 = arith.constant 0 : index
      %swap3A_60 = tpu.vector_load %arg6[%swap3A, %swap3A_59] {strides = array<i32>} : memref<80x128xf32, #tpu.memory_space<vmem>>, vector<1x16xf32>,
      %swap3A_61 = vector.shape_cast %swap3A_60 : vector<1x16xf32> to vector<16xf32>
      %swap3A_62 = vector.shape_cast %broadcast_in_dim3A_58 : vector<16xf32> to vector<1x16xf32>
      tpu.vector_store %arg6[%swap3A, %swap3A_59], %swap3A_62 {strides = array<i32>} : memref<80x128xf32, #tpu.memory_space<vmem>>, vector<1x16xf32>,
      %broadcast_in_dim3A_63 = arith.constant 0.000000e+00 : f32
      %broadcast_in_dim3A_64 = vector.broadcast %broadcast_in_dim3A_63 : f32 to vector<16xf32>
      %swap3A_65 = arith.index_cast %scan3A_57 : i32 to index
      %swap3A_66 = arith.constant 16 : index
      %swap3A_67 = tpu.vector_load %arg6[%swap3A_65, %swap3A_66] {strides = array<i32>} : memref<80x128xf32, #tpu.memory_space<vmem>>, vector<1x16xf32>,
      %swap3A_68 = vector.shape_cast %swap3A_67 : vector<1x16xf32> to vector<16xf32>
      %swap3A_69 = vector.shape_cast %broadcast_in_dim3A_64 : vector<16xf32> to vector<1x16xf32>
      tpu.vector_store %arg6[%swap3A_65, %swap3A_66], %swap3A_69 {strides = array<i32>} : memref<80x128xf32, #tpu.memory_space<vmem>>, vector<1x16xf32>,
      %broadcast_in_dim3A_70 = arith.constant 0.000000e+00 : f32
      %broadcast_in_dim3A_71 = vector.broadcast %broadcast_in_dim3A_70 : f32 to vector<16xf32>
      %swap3A_72 = arith.index_cast %scan3A_57 : i32 to index
      %swap3A_73 = arith.constant 32 : index
      %swap3A_74 = tpu.vector_load %arg6[%swap3A_72, %swap3A_73] {strides = array<i32>} : memref<80x128xf32, #tpu.memory_space<vmem>>, vector<1x16xf32>,
      %swap3A_75 = vector.shape_cast %swap3A_74 : vector<1x16xf32> to vector<16xf32>
      %swap3A_76 = vector.shape_cast %broadcast_in_dim3A_71 : vector<16xf32> to vector<1x16xf32>
      tpu.vector_store %arg6[%swap3A_72, %swap3A_73], %swap3A_76 {strides = array<i32>} : memref<80x128xf32, #tpu.memory_space<vmem>>, vector<1x16xf32>,
      %broadcast_in_dim3A_77 = arith.constant 0.000000e+00 : f32
      %broadcast_in_dim3A_78 = vector.broadcast %broadcast_in_dim3A_77 : f32 to vector<16xf32>
      %swap3A_79 = arith.index_cast %scan3A_57 : i32 to index
      %swap3A_80 = arith.constant 48 : index
      %swap3A_81 = tpu.vector_load %arg6[%swap3A_79, %swap3A_80] {strides = array<i32>} : memref<80x128xf32, #tpu.memory_space<vmem>>, vector<1x16xf32>,
      %swap3A_82 = vector.shape_cast %swap3A_81 : vector<1x16xf32> to vector<16xf32>
      %swap3A_83 = vector.shape_cast %broadcast_in_dim3A_78 : vector<16xf32> to vector<1x16xf32>
      tpu.vector_store %arg6[%swap3A_79, %swap3A_80], %swap3A_83 {strides = array<i32>} : memref<80x128xf32, #tpu.memory_space<vmem>>, vector<1x16xf32>,
      %broadcast_in_dim3A_84 = arith.constant 0.000000e+00 : f32
      %broadcast_in_dim3A_85 = vector.broadcast %broadcast_in_dim3A_84 : f32 to vector<16xf32>
      %swap3A_86 = arith.index_cast %scan3A_57 : i32 to index
      %swap3A_87 = arith.constant 64 : index
      %swap3A_88 = tpu.vector_load %arg6[%swap3A_86, %swap3A_87] {strides = array<i32>} : memref<80x128xf32, #tpu.memory_space<vmem>>, vector<1x16xf32>,
      %swap3A_89 = vector.shape_cast %swap3A_88 : vector<1x16xf32> to vector<16xf32>
      %swap3A_90 = vector.shape_cast %broadcast_in_dim3A_85 : vector<16xf32> to vector<1x16xf32>
      tpu.vector_store %arg6[%swap3A_86, %swap3A_87], %swap3A_90 {strides = array<i32>} : memref<80x128xf32, #tpu.memory_space<vmem>>, vector<1x16xf32>,
      %broadcast_in_dim3A_91 = arith.constant 0.000000e+00 : f32
      %broadcast_in_dim3A_92 = vector.broadcast %broadcast_in_dim3A_91 : f32 to vector<16xf32>
      %swap3A_93 = arith.index_cast %scan3A_57 : i32 to index
      %swap3A_94 = arith.constant 80 : index
      %swap3A_95 = tpu.vector_load %arg6[%swap3A_93, %swap3A_94] {strides = array<i32>} : memref<80x128xf32, #tpu.memory_space<vmem>>, vector<1x16xf32>,
      %swap3A_96 = vector.shape_cast %swap3A_95 : vector<1x16xf32> to vector<16xf32>
      %swap3A_97 = vector.shape_cast %broadcast_in_dim3A_92 : vector<16xf32> to vector<1x16xf32>
      tpu.vector_store %arg6[%swap3A_93, %swap3A_94], %swap3A_97 {strides = array<i32>} : memref<80x128xf32, #tpu.memory_space<vmem>>, vector<1x16xf32>,
      %broadcast_in_dim3A_98 = arith.constant 0.000000e+00 : f32
      %broadcast_in_dim3A_99 = vector.broadcast %broadcast_in_dim3A_98 : f32 to vector<16xf32>
      %swap3A_100 = arith.index_cast %scan3A_57 : i32 to index
      %swap3A_101 = arith.constant 96 : index
      %swap3A_102 = tpu.vector_load %arg6[%swap3A_100, %swap3A_101] {strides = array<i32>} : memref<80x128xf32, #tpu.memory_space<vmem>>, vector<1x16xf32>,
      %swap3A_103 = vector.shape_cast %swap3A_102 : vector<1x16xf32> to vector<16xf32>
      %swap3A_104 = vector.shape_cast %broadcast_in_dim3A_99 : vector<16xf32> to vector<1x16xf32>
      tpu.vector_store %arg6[%swap3A_100, %swap3A_101], %swap3A_104 {strides = array<i32>} : memref<80x128xf32, #tpu.memory_space<vmem>>, vector<1x16xf32>,
      %broadcast_in_dim3A_105 = arith.constant 0.000000e+00 : f32
      %broadcast_in_dim3A_106 = vector.broadcast %broadcast_in_dim3A_105 : f32 to vector<16xf32>
      %swap3A_107 = arith.index_cast %scan3A_57 : i32 to index
      %swap3A_108 = arith.constant 112 : index
      %swap3A_109 = tpu.vector_load %arg6[%swap3A_107, %swap3A_108] {strides = array<i32>} : memref<80x128xf32, #tpu.memory_space<vmem>>, vector<1x16xf32>,
      %swap3A_110 = vector.shape_cast %swap3A_109 : vector<1x16xf32> to vector<16xf32>
      %swap3A_111 = vector.shape_cast %broadcast_in_dim3A_106 : vector<16xf32> to vector<1x16xf32>
      tpu.vector_store %arg6[%swap3A_107, %swap3A_108], %swap3A_111 {strides = array<i32>} : memref<80x128xf32, #tpu.memory_space<vmem>>, vector<1x16xf32>,
    }
    %scan3A_11 = arith.constant 80 : i32
    %mul3A_12 = arith.constant 80 : i32
    %mul3A_13 = arith.muli %add3A, %mul3A_12 : i32
    "tpu.region"() ({
      %run_scoped3A = tpu.sem_alloc : memref<!tpu.dma_semaphore, #tpu.memory_space<semaphore_mem>>
      %dma_start3A = arith.constant 0 : i32
      %dma_start3A_57 = tpu.memref_slice %arg2[%mul3A_13, %dma_start3A] : memref<2560x128xi32, #tpu.memory_space<hbm>> -> memref<80x128xi32, #tpu.memory_space<hbm>>
      %dma_start3A_58 = arith.constant 0 : i32
      %dma_start3A_59 = tpu.memref_slice %arg2[%mul3A_13, %dma_start3A_58] : memref<2560x128xi32, #tpu.memory_space<hbm>> -> memref<80x128xi32, #tpu.memory_space<hbm>>
      tpu.enqueue_dma source(%dma_start3A_59 : memref<80x128xi32, #tpu.memory_space<hbm>>) target(%arg4 : memref<80x128xi32, #tpu.memory_space<vmem>>) target_semaphore(%run_scoped3A : memref<!tpu.dma_semaphore, #tpu.memory_space<semaphore_mem>>)
      %dma_wait3A = arith.constant 0 : i32
      %dma_wait3A_60 = tpu.memref_slice %arg2[%mul3A_13, %dma_wait3A] : memref<2560x128xi32, #tpu.memory_space<hbm>> -> memref<80x128xi32, #tpu.memory_space<hbm>>
      %dma_wait3A_61 = arith.constant 0 : i32
      %dma_wait3A_62 = tpu.memref_slice %arg2[%mul3A_13, %dma_wait3A_61] : memref<2560x128xi32, #tpu.memory_space<hbm>> -> memref<80x128xi32, #tpu.memory_space<hbm>>
      tpu.wait_dma2 semaphore(%run_scoped3A : memref<!tpu.dma_semaphore, #tpu.memory_space<semaphore_mem>>) src(%dma_wait3A_62 : memref<80x128xi32, #tpu.memory_space<hbm>>) dst(%arg4 : memref<80x128xi32, #tpu.memory_space<vmem>>)
      tpu.yield
    }) : () -> ()
    %mul3A_14 = arith.constant 640 : i32
    %mul3A_15 = arith.muli %arg1, %mul3A_14 : i32
    %add3A_16 = arith.constant 0 : i32
    %add3A_17 = arith.addi %mul3A_15, %add3A_16 : i32
    "tpu.region"() ({
      %run_scoped3A = tpu.sem_alloc : memref<!tpu.dma_semaphore, #tpu.memory_space<semaphore_mem>>
      %dma_start3A = arith.constant 0 : i32
      %dma_start3A_57 = tpu.memref_slice %arg7[%add3A_17, %dma_start3A] : memref<10240x128xf32, #tpu.memory_space<vmem_shared>> -> memref<80x128xf32, #tpu.memory_space<vmem_shared>>
      %dma_start3A_58 = arith.constant 0 : i32
      %dma_start3A_59 = tpu.memref_slice %arg7[%add3A_17, %dma_start3A_58] : memref<10240x128xf32, #tpu.memory_space<vmem_shared>> -> memref<80x128xf32, #tpu.memory_space<vmem_shared>>
      tpu.enqueue_dma source(%arg6 : memref<80x128xf32, #tpu.memory_space<vmem>>) target(%dma_start3A_59 : memref<80x128xf32, #tpu.memory_space<vmem_shared>>) target_semaphore(%run_scoped3A : memref<!tpu.dma_semaphore, #tpu.memory_space<semaphore_mem>>)
      %dma_wait3A = arith.constant 0 : i32
      %dma_wait3A_60 = tpu.memref_slice %arg7[%add3A_17, %dma_wait3A] : memref<10240x128xf32, #tpu.memory_space<vmem_shared>> -> memref<80x128xf32, #tpu.memory_space<vmem_shared>>
      %dma_wait3A_61 = arith.constant 0 : i32
      %dma_wait3A_62 = tpu.memref_slice %arg7[%add3A_17, %dma_wait3A_61] : memref<10240x128xf32, #tpu.memory_space<vmem_shared>> -> memref<80x128xf32, #tpu.memory_space<vmem_shared>>
      tpu.wait_dma2 semaphore(%run_scoped3A : memref<!tpu.dma_semaphore, #tpu.memory_space<semaphore_mem>>) src(%arg6 : memref<80x128xf32, #tpu.memory_space<vmem>>) dst(%dma_wait3A_62 : memref<80x128xf32, #tpu.memory_space<vmem_shared>>)
      tpu.yield
    }) : () -> ()
    %mul3A_18 = arith.constant 640 : i32
    %mul3A_19 = arith.muli %arg1, %mul3A_18 : i32
    %add3A_20 = arith.constant 80 : i32
    %add3A_21 = arith.addi %mul3A_19, %add3A_20 : i32
    "tpu.region"() ({
      %run_scoped3A = tpu.sem_alloc : memref<!tpu.dma_semaphore, #tpu.memory_space<semaphore_mem>>
      %dma_start3A = arith.constant 0 : i32
      %dma_start3A_57 = tpu.memref_slice %arg7[%add3A_21, %dma_start3A] : memref<10240x128xf32, #tpu.memory_space<vmem_shared>> -> memref<80x128xf32, #tpu.memory_space<vmem_shared>>
      %dma_start3A_58 = arith.constant 0 : i32
      %dma_start3A_59 = tpu.memref_slice %arg7[%add3A_21, %dma_start3A_58] : memref<10240x128xf32, #tpu.memory_space<vmem_shared>> -> memref<80x128xf32, #tpu.memory_space<vmem_shared>>
      tpu.enqueue_dma source(%arg6 : memref<80x128xf32, #tpu.memory_space<vmem>>) target(%dma_start3A_59 : memref<80x128xf32, #tpu.memory_space<vmem_shared>>) target_semaphore(%run_scoped3A : memref<!tpu.dma_semaphore, #tpu.memory_space<semaphore_mem>>)
      %dma_wait3A = arith.constant 0 : i32
      %dma_wait3A_60 = tpu.memref_slice %arg7[%add3A_21, %dma_wait3A] : memref<10240x128xf32, #tpu.memory_space<vmem_shared>> -> memref<80x128xf32, #tpu.memory_space<vmem_shared>>
      %dma_wait3A_61 = arith.constant 0 : i32
      %dma_wait3A_62 = tpu.memref_slice %arg7[%add3A_21, %dma_wait3A_61] : memref<10240x128xf32, #tpu.memory_space<vmem_shared>> -> memref<80x128xf32, #tpu.memory_space<vmem_shared>>
      tpu.wait_dma2 semaphore(%run_scoped3A : memref<!tpu.dma_semaphore, #tpu.memory_space<semaphore_mem>>) src(%arg6 : memref<80x128xf32, #tpu.memory_space<vmem>>) dst(%dma_wait3A_62 : memref<80x128xf32, #tpu.memory_space<vmem_shared>>)
      tpu.yield
    }) : () -> ()
    %mul3A_22 = arith.constant 640 : i32
    %mul3A_23 = arith.muli %arg1, %mul3A_22 : i32
    %add3A_24 = arith.constant 160 : i32
    %add3A_25 = arith.addi %mul3A_23, %add3A_24 : i32
    "tpu.region"() ({
      %run_scoped3A = tpu.sem_alloc : memref<!tpu.dma_semaphore, #tpu.memory_space<semaphore_mem>>
      %dma_start3A = arith.constant 0 : i32
      %dma_start3A_57 = tpu.memref_slice %arg7[%add3A_25, %dma_start3A] : memref<10240x128xf32, #tpu.memory_space<vmem_shared>> -> memref<80x128xf32, #tpu.memory_space<vmem_shared>>
      %dma_start3A_58 = arith.constant 0 : i32
      %dma_start3A_59 = tpu.memref_slice %arg7[%add3A_25, %dma_start3A_58] : memref<10240x128xf32, #tpu.memory_space<vmem_shared>> -> memref<80x128xf32, #tpu.memory_space<vmem_shared>>
      tpu.enqueue_dma source(%arg6 : memref<80x128xf32, #tpu.memory_space<vmem>>) target(%dma_start3A_59 : memref<80x128xf32, #tpu.memory_space<vmem_shared>>) target_semaphore(%run_scoped3A : memref<!tpu.dma_semaphore, #tpu.memory_space<semaphore_mem>>)
      %dma_wait3A = arith.constant 0 : i32
      %dma_wait3A_60 = tpu.memref_slice %arg7[%add3A_25, %dma_wait3A] : memref<10240x128xf32, #tpu.memory_space<vmem_shared>> -> memref<80x128xf32, #tpu.memory_space<vmem_shared>>
      %dma_wait3A_61 = arith.constant 0 : i32
      %dma_wait3A_62 = tpu.memref_slice %arg7[%add3A_25, %dma_wait3A_61] : memref<10240x128xf32, #tpu.memory_space<vmem_shared>> -> memref<80x128xf32, #tpu.memory_space<vmem_shared>>
      tpu.wait_dma2 semaphore(%run_scoped3A : memref<!tpu.dma_semaphore, #tpu.memory_space<semaphore_mem>>) src(%arg6 : memref<80x128xf32, #tpu.memory_space<vmem>>) dst(%dma_wait3A_62 : memref<80x128xf32, #tpu.memory_space<vmem_shared>>)
      tpu.yield
    }) : () -> ()
    %mul3A_26 = arith.constant 640 : i32
    %mul3A_27 = arith.muli %arg1, %mul3A_26 : i32
    %add3A_28 = arith.constant 240 : i32
    %add3A_29 = arith.addi %mul3A_27, %add3A_28 : i32
    "tpu.region"() ({
      %run_scoped3A = tpu.sem_alloc : memref<!tpu.dma_semaphore, #tpu.memory_space<semaphore_mem>>
      %dma_start3A = arith.constant 0 : i32
      %dma_start3A_57 = tpu.memref_slice %arg7[%add3A_29, %dma_start3A] : memref<10240x128xf32, #tpu.memory_space<vmem_shared>> -> memref<80x128xf32, #tpu.memory_space<vmem_shared>>
      %dma_start3A_58 = arith.constant 0 : i32
      %dma_start3A_59 = tpu.memref_slice %arg7[%add3A_29, %dma_start3A_58] : memref<10240x128xf32, #tpu.memory_space<vmem_shared>> -> memref<80x128xf32, #tpu.memory_space<vmem_shared>>
      tpu.enqueue_dma source(%arg6 : memref<80x128xf32, #tpu.memory_space<vmem>>) target(%dma_start3A_59 : memref<80x128xf32, #tpu.memory_space<vmem_shared>>) target_semaphore(%run_scoped3A : memref<!tpu.dma_semaphore, #tpu.memory_space<semaphore_mem>>)
      %dma_wait3A = arith.constant 0 : i32
      %dma_wait3A_60 = tpu.memref_slice %arg7[%add3A_29, %dma_wait3A] : memref<10240x128xf32, #tpu.memory_space<vmem_shared>> -> memref<80x128xf32, #tpu.memory_space<vmem_shared>>
      %dma_wait3A_61 = arith.constant 0 : i32
      %dma_wait3A_62 = tpu.memref_slice %arg7[%add3A_29, %dma_wait3A_61] : memref<10240x128xf32, #tpu.memory_space<vmem_shared>> -> memref<80x128xf32, #tpu.memory_space<vmem_shared>>
      tpu.wait_dma2 semaphore(%run_scoped3A : memref<!tpu.dma_semaphore, #tpu.memory_space<semaphore_mem>>) src(%arg6 : memref<80x128xf32, #tpu.memory_space<vmem>>) dst(%dma_wait3A_62 : memref<80x128xf32, #tpu.memory_space<vmem_shared>>)
      tpu.yield
    }) : () -> ()
    %mul3A_30 = arith.constant 640 : i32
    %mul3A_31 = arith.muli %arg1, %mul3A_30 : i32
    %add3A_32 = arith.constant 320 : i32
    %add3A_33 = arith.addi %mul3A_31, %add3A_32 : i32
    "tpu.region"() ({
      %run_scoped3A = tpu.sem_alloc : memref<!tpu.dma_semaphore, #tpu.memory_space<semaphore_mem>>
      %dma_start3A = arith.constant 0 : i32
      %dma_start3A_57 = tpu.memref_slice %arg7[%add3A_33, %dma_start3A] : memref<10240x128xf32, #tpu.memory_space<vmem_shared>> -> memref<80x128xf32, #tpu.memory_space<vmem_shared>>
      %dma_start3A_58 = arith.constant 0 : i32
      %dma_start3A_59 = tpu.memref_slice %arg7[%add3A_33, %dma_start3A_58] : memref<10240x128xf32, #tpu.memory_space<vmem_shared>> -> memref<80x128xf32, #tpu.memory_space<vmem_shared>>
      tpu.enqueue_dma source(%arg6 : memref<80x128xf32, #tpu.memory_space<vmem>>) target(%dma_start3A_59 : memref<80x128xf32, #tpu.memory_space<vmem_shared>>) target_semaphore(%run_scoped3A : memref<!tpu.dma_semaphore, #tpu.memory_space<semaphore_mem>>)
      %dma_wait3A = arith.constant 0 : i32
      %dma_wait3A_60 = tpu.memref_slice %arg7[%add3A_33, %dma_wait3A] : memref<10240x128xf32, #tpu.memory_space<vmem_shared>> -> memref<80x128xf32, #tpu.memory_space<vmem_shared>>
      %dma_wait3A_61 = arith.constant 0 : i32
      %dma_wait3A_62 = tpu.memref_slice %arg7[%add3A_33, %dma_wait3A_61] : memref<10240x128xf32, #tpu.memory_space<vmem_shared>> -> memref<80x128xf32, #tpu.memory_space<vmem_shared>>
      tpu.wait_dma2 semaphore(%run_scoped3A : memref<!tpu.dma_semaphore, #tpu.memory_space<semaphore_mem>>) src(%arg6 : memref<80x128xf32, #tpu.memory_space<vmem>>) dst(%dma_wait3A_62 : memref<80x128xf32, #tpu.memory_space<vmem_shared>>)
      tpu.yield
    }) : () -> ()
    %mul3A_34 = arith.constant 640 : i32
    %mul3A_35 = arith.muli %arg1, %mul3A_34 : i32
    %add3A_36 = arith.constant 400 : i32
    %add3A_37 = arith.addi %mul3A_35, %add3A_36 : i32
    "tpu.region"() ({
      %run_scoped3A = tpu.sem_alloc : memref<!tpu.dma_semaphore, #tpu.memory_space<semaphore_mem>>
      %dma_start3A = arith.constant 0 : i32
      %dma_start3A_57 = tpu.memref_slice %arg7[%add3A_37, %dma_start3A] : memref<10240x128xf32, #tpu.memory_space<vmem_shared>> -> memref<80x128xf32, #tpu.memory_space<vmem_shared>>
      %dma_start3A_58 = arith.constant 0 : i32
      %dma_start3A_59 = tpu.memref_slice %arg7[%add3A_37, %dma_start3A_58] : memref<10240x128xf32, #tpu.memory_space<vmem_shared>> -> memref<80x128xf32, #tpu.memory_space<vmem_shared>>
      tpu.enqueue_dma source(%arg6 : memref<80x128xf32, #tpu.memory_space<vmem>>) target(%dma_start3A_59 : memref<80x128xf32, #tpu.memory_space<vmem_shared>>) target_semaphore(%run_scoped3A : memref<!tpu.dma_semaphore, #tpu.memory_space<semaphore_mem>>)
      %dma_wait3A = arith.constant 0 : i32
      %dma_wait3A_60 = tpu.memref_slice %arg7[%add3A_37, %dma_wait3A] : memref<10240x128xf32, #tpu.memory_space<vmem_shared>> -> memref<80x128xf32, #tpu.memory_space<vmem_shared>>
      %dma_wait3A_61 = arith.constant 0 : i32
      %dma_wait3A_62 = tpu.memref_slice %arg7[%add3A_37, %dma_wait3A_61] : memref<10240x128xf32, #tpu.memory_space<vmem_shared>> -> memref<80x128xf32, #tpu.memory_space<vmem_shared>>
      tpu.wait_dma2 semaphore(%run_scoped3A : memref<!tpu.dma_semaphore, #tpu.memory_space<semaphore_mem>>) src(%arg6 : memref<80x128xf32, #tpu.memory_space<vmem>>) dst(%dma_wait3A_62 : memref<80x128xf32, #tpu.memory_space<vmem_shared>>)
      tpu.yield
    }) : () -> ()
    %mul3A_38 = arith.constant 640 : i32
    %mul3A_39 = arith.muli %arg1, %mul3A_38 : i32
    %add3A_40 = arith.constant 480 : i32
    %add3A_41 = arith.addi %mul3A_39, %add3A_40 : i32
    "tpu.region"() ({
      %run_scoped3A = tpu.sem_alloc : memref<!tpu.dma_semaphore, #tpu.memory_space<semaphore_mem>>
      %dma_start3A = arith.constant 0 : i32
      %dma_start3A_57 = tpu.memref_slice %arg7[%add3A_41, %dma_start3A] : memref<10240x128xf32, #tpu.memory_space<vmem_shared>> -> memref<80x128xf32, #tpu.memory_space<vmem_shared>>
      %dma_start3A_58 = arith.constant 0 : i32
      %dma_start3A_59 = tpu.memref_slice %arg7[%add3A_41, %dma_start3A_58] : memref<10240x128xf32, #tpu.memory_space<vmem_shared>> -> memref<80x128xf32, #tpu.memory_space<vmem_shared>>
      tpu.enqueue_dma source(%arg6 : memref<80x128xf32, #tpu.memory_space<vmem>>) target(%dma_start3A_59 : memref<80x128xf32, #tpu.memory_space<vmem_shared>>) target_semaphore(%run_scoped3A : memref<!tpu.dma_semaphore, #tpu.memory_space<semaphore_mem>>)
      %dma_wait3A = arith.constant 0 : i32
      %dma_wait3A_60 = tpu.memref_slice %arg7[%add3A_41, %dma_wait3A] : memref<10240x128xf32, #tpu.memory_space<vmem_shared>> -> memref<80x128xf32, #tpu.memory_space<vmem_shared>>
      %dma_wait3A_61 = arith.constant 0 : i32
      %dma_wait3A_62 = tpu.memref_slice %arg7[%add3A_41, %dma_wait3A_61] : memref<10240x128xf32, #tpu.memory_space<vmem_shared>> -> memref<80x128xf32, #tpu.memory_space<vmem_shared>>
      tpu.wait_dma2 semaphore(%run_scoped3A : memref<!tpu.dma_semaphore, #tpu.memory_space<semaphore_mem>>) src(%arg6 : memref<80x128xf32, #tpu.memory_space<vmem>>) dst(%dma_wait3A_62 : memref<80x128xf32, #tpu.memory_space<vmem_shared>>)
      tpu.yield
    }) : () -> ()
    %mul3A_42 = arith.constant 640 : i32
    %mul3A_43 = arith.muli %arg1, %mul3A_42 : i32
    %add3A_44 = arith.constant 560 : i32
    %add3A_45 = arith.addi %mul3A_43, %add3A_44 : i32
    "tpu.region"() ({
      %run_scoped3A = tpu.sem_alloc : memref<!tpu.dma_semaphore, #tpu.memory_space<semaphore_mem>>
      %dma_start3A = arith.constant 0 : i32
      %dma_start3A_57 = tpu.memref_slice %arg7[%add3A_45, %dma_start3A] : memref<10240x128xf32, #tpu.memory_space<vmem_shared>> -> memref<80x128xf32, #tpu.memory_space<vmem_shared>>
      %dma_start3A_58 = arith.constant 0 : i32
      %dma_start3A_59 = tpu.memref_slice %arg7[%add3A_45, %dma_start3A_58] : memref<10240x128xf32, #tpu.memory_space<vmem_shared>> -> memref<80x128xf32, #tpu.memory_space<vmem_shared>>
      tpu.enqueue_dma source(%arg6 : memref<80x128xf32, #tpu.memory_space<vmem>>) target(%dma_start3A_59 : memref<80x128xf32, #tpu.memory_space<vmem_shared>>) target_semaphore(%run_scoped3A : memref<!tpu.dma_semaphore, #tpu.memory_space<semaphore_mem>>)
      %dma_wait3A = arith.constant 0 : i32
      %dma_wait3A_60 = tpu.memref_slice %arg7[%add3A_45, %dma_wait3A] : memref<10240x128xf32, #tpu.memory_space<vmem_shared>> -> memref<80x128xf32, #tpu.memory_space<vmem_shared>>
      %dma_wait3A_61 = arith.constant 0 : i32
      %dma_wait3A_62 = tpu.memref_slice %arg7[%add3A_45, %dma_wait3A_61] : memref<10240x128xf32, #tpu.memory_space<vmem_shared>> -> memref<80x128xf32, #tpu.memory_space<vmem_shared>>
      tpu.wait_dma2 semaphore(%run_scoped3A : memref<!tpu.dma_semaphore, #tpu.memory_space<semaphore_mem>>) src(%arg6 : memref<80x128xf32, #tpu.memory_space<vmem>>) dst(%dma_wait3A_62 : memref<80x128xf32, #tpu.memory_space<vmem_shared>>)
      tpu.yield
    }) : () -> ()
    %barrier3A = arith.constant 0 : index
    tpu.barrier barrier_id(%barrier3A)
    %scan3A_46 = arith.constant 0 : i32
    %scan3A_47 = arith.constant 0 : i32
    %scan3A_48 = arith.constant 80 : i32
    %scan3A_49 = arith.addi %scan3A_47, %scan3A_48 : i32
    %scan3A_50 = arith.constant 1 : i32
    scf.for %scan3A_57 = %scan3A_47 to %scan3A_49 step %scan3A_50  : i32 {
      "tpu.region"() ({
        %run_scoped3A = tpu.sem_alloc : memref<!tpu.dma_semaphore, #tpu.memory_space<semaphore_mem>>
        %dma_start3A = arith.constant 0 : i32
        %dma_start3A_58 = tpu.memref_slice %arg4[%scan3A_57, %dma_start3A] : memref<80x128xi32, #tpu.memory_space<vmem>> -> memref<1x128xi32, #tpu.memory_space<vmem>>
        %dma_start3A_59 = tpu.memref_squeeze %dma_start3A_58 : memref<1x128xi32, #tpu.memory_space<vmem>> -> memref<128xi32, #tpu.memory_space<vmem>>
        %dma_start3A_60 = arith.constant 0 : i32
        %dma_start3A_61 = arith.constant 0 : i32
        %dma_start3A_62 = tpu.memref_slice %arg7[%dma_start3A_60, %dma_start3A_61] : memref<10240x128xf32, #tpu.memory_space<vmem_shared>> -> memref<10240x128xf32, #tpu.memory_space<vmem_shared>>
        tpu.enqueue_indirect_dma source(%arg5 : memref<128x128xf32, #tpu.memory_space<vmem>>) target(%dma_start3A_62 : memref<10240x128xf32, #tpu.memory_space<vmem_shared>>) offsets(%dma_start3A_59 : memref<128xi32, #tpu.memory_space<vmem>>) semaphore(%run_scoped3A : memref<!tpu.dma_semaphore, #tpu.memory_space<semaphore_mem>>) {add = true}
        %dma_wait3A = arith.constant 0 : i32
        %dma_wait3A_63 = tpu.memref_slice %arg4[%scan3A_57, %dma_wait3A] : memref<80x128xi32, #tpu.memory_space<vmem>> -> memref<1x128xi32, #tpu.memory_space<vmem>>
        %dma_wait3A_64 = tpu.memref_squeeze %dma_wait3A_63 : memref<1x128xi32, #tpu.memory_space<vmem>> -> memref<128xi32, #tpu.memory_space<vmem>>
        %dma_wait3A_65 = arith.constant 0 : i32
        %dma_wait3A_66 = arith.constant 0 : i32
        %dma_wait3A_67 = tpu.memref_slice %arg7[%dma_wait3A_65, %dma_wait3A_66] : memref<10240x128xf32, #tpu.memory_space<vmem_shared>> -> memref<10240x128xf32, #tpu.memory_space<vmem_shared>>
        tpu.wait_indirect_dma semaphore(%run_scoped3A : memref<!tpu.dma_semaphore, #tpu.memory_space<semaphore_mem>>) src(%arg5 : memref<128x128xf32, #tpu.memory_space<vmem>>) dst(%dma_wait3A_67 : memref<10240x128xf32, #tpu.memory_space<vmem_shared>>)
        tpu.yield
      }) : () -> ()
    }
    %scan3A_51 = arith.constant 80 : i32
    %barrier3A_52 = arith.constant 0 : index
    tpu.barrier barrier_id(%barrier3A_52)
    %mul3A_53 = arith.constant 640 : i32
    %mul3A_54 = arith.muli %arg1, %mul3A_53 : i32
    %mul3A_55 = arith.constant 640 : i32
    %mul3A_56 = arith.muli %arg1, %mul3A_55 : i32
    "tpu.region"() ({
      %run_scoped3A = tpu.sem_alloc : memref<!tpu.dma_semaphore, #tpu.memory_space<semaphore_mem>>
      %dma_start3A = arith.constant 0 : i32
      %dma_start3A_57 = tpu.memref_slice %arg3[%arg0, %mul3A_56, %dma_start3A] : memref<2x10240x128xf32, #tpu.memory_space<hbm>> -> memref<1x640x128xf32, #tpu.memory_space<hbm>>
      %dma_start3A_58 = tpu.memref_squeeze %dma_start3A_57 : memref<1x640x128xf32, #tpu.memory_space<hbm>> -> memref<640x128xf32, #tpu.memory_space<hbm>>
      %dma_start3A_59 = arith.constant 0 : i32
      %dma_start3A_60 = tpu.memref_slice %arg7[%mul3A_54, %dma_start3A_59] : memref<10240x128xf32, #tpu.memory_space<vmem_shared>> -> memref<640x128xf32, #tpu.memory_space<vmem_shared>>
      tpu.enqueue_dma source(%dma_start3A_60 : memref<640x128xf32, #tpu.memory_space<vmem_shared>>) target(%dma_start3A_58 : memref<640x128xf32, #tpu.memory_space<hbm>>) target_semaphore(%run_scoped3A : memref<!tpu.dma_semaphore, #tpu.memory_space<semaphore_mem>>)
      %dma_wait3A = arith.constant 0 : i32
      %dma_wait3A_61 = tpu.memref_slice %arg3[%arg0, %mul3A_56, %dma_wait3A] : memref<2x10240x128xf32, #tpu.memory_space<hbm>> -> memref<1x640x128xf32, #tpu.memory_space<hbm>>
      %dma_wait3A_62 = tpu.memref_squeeze %dma_wait3A_61 : memref<1x640x128xf32, #tpu.memory_space<hbm>> -> memref<640x128xf32, #tpu.memory_space<hbm>>
      %dma_wait3A_63 = arith.constant 0 : i32
      %dma_wait3A_64 = tpu.memref_slice %arg7[%mul3A_54, %dma_wait3A_63] : memref<10240x128xf32, #tpu.memory_space<vmem_shared>> -> memref<640x128xf32, #tpu.memory_space<vmem_shared>>
      tpu.wait_dma2 semaphore(%run_scoped3A : memref<!tpu.dma_semaphore, #tpu.memory_space<semaphore_mem>>) src(%dma_wait3A_64 : memref<640x128xf32, #tpu.memory_space<vmem_shared>>) dst(%dma_wait3A_62 : memref<640x128xf32, #tpu.memory_space<hbm>>)
      tpu.yield
    }) : () -> ()
    return
  }
}

#map = affine_map<(d0, d1) -> (0, 0, 0)>
#map1 = affine_map<(d0, d1) -> (0, 0, 0, 0)>
module attributes {stable_mosaic.version = 14 : i64} {
  func.func @_agg_body(%arg0: i32, %arg1: i32, %arg2: memref<2562x2x128xi32, #tpu.memory_space<hbm>>, %arg3: memref<61440x2x128xbf16, #tpu.memory_space<hbm>>, %arg4: memref<6x10240x2x128xbf16, #tpu.memory_space<hbm>>, %arg5: memref<4x2x128xi32, #tpu.memory_space<vmem>>, %arg6: memref<4x128xi32, #tpu.memory_space<vmem>>, %arg7: memref<2x128x2x128xbf16, #tpu.memory_space<vmem>>, %arg8: memref<80x2x128xbf16, #tpu.memory_space<vmem>>, %arg9: memref<10240x2x128xbf16, #tpu.memory_space<vmem_shared>>, %arg10: memref<!tpu.dma_semaphore, #tpu.memory_space<semaphore_mem>>, %arg11: memref<!tpu.dma_semaphore, #tpu.memory_space<semaphore_mem>>, %arg12: memref<!tpu.dma_semaphore, #tpu.memory_space<semaphore_mem>>, %arg13: memref<!tpu.dma_semaphore, #tpu.memory_space<semaphore_mem>>, %arg14: memref<!tpu.dma_semaphore, #tpu.memory_space<semaphore_mem>>, %arg15: memref<!tpu.dma_semaphore, #tpu.memory_space<semaphore_mem>>, %arg16: memref<!tpu.dma_semaphore, #tpu.memory_space<semaphore_mem>>, %arg17: memref<!tpu.dma_semaphore, #tpu.memory_space<semaphore_mem>>) attributes {dimension_semantics = [#tpu.dimension_semantics<core_parallel>, #tpu.dimension_semantics<subcore_parallel>], iteration_bounds = array<i64: 2, 16>, scalar_prefetch = 0 : i64, scratch_operands = 13 : i64, tpu.core_type = #tpu.core_type<sc_vector_subcore>, window_params = [{transform_indices = #map}, {transform_indices = #map}, {transform_indices = #map1}]} {
    %scan3A = arith.constant 0 : i32
    %scan3A_0 = arith.constant 0 : i32
    %scan3A_1 = arith.constant 80 : i32
    %scan3A_2 = arith.addi %scan3A_0, %scan3A_1 : i32
    %scan3A_3 = arith.constant 1 : i32
    scf.for %scan3A_11 = %scan3A_0 to %scan3A_2 step %scan3A_3  : i32 {
      %broadcast_in_dim3A = arith.constant 0.000000e+00 : bf16
      %broadcast_in_dim3A_12 = vector.broadcast %broadcast_in_dim3A : bf16 to vector<32xbf16>
      %swap3A = arith.constant 0 : i32
      %swap3A_13 = arith.index_cast %scan3A_11 : i32 to index
      %swap3A_14 = arith.index_cast %swap3A : i32 to index
      %swap3A_15 = arith.constant 0 : index
      %swap3A_16 = tpu.vector_load %arg8[%swap3A_13, %swap3A_14, %swap3A_15] {strides = array<i32>} : memref<80x2x128xbf16, #tpu.memory_space<vmem>>, vector<1x1x32xbf16>,
      %swap3A_17 = vector.shape_cast %swap3A_16 : vector<1x1x32xbf16> to vector<32xbf16>
      %swap3A_18 = vector.shape_cast %broadcast_in_dim3A_12 : vector<32xbf16> to vector<1x1x32xbf16>
      tpu.vector_store %arg8[%swap3A_13, %swap3A_14, %swap3A_15], %swap3A_18 {strides = array<i32>} : memref<80x2x128xbf16, #tpu.memory_space<vmem>>, vector<1x1x32xbf16>,
      %broadcast_in_dim3A_19 = arith.constant 0.000000e+00 : bf16
      %broadcast_in_dim3A_20 = vector.broadcast %broadcast_in_dim3A_19 : bf16 to vector<32xbf16>
      %swap3A_21 = arith.constant 0 : i32
      %swap3A_22 = arith.index_cast %scan3A_11 : i32 to index
      %swap3A_23 = arith.index_cast %swap3A_21 : i32 to index
      %swap3A_24 = arith.constant 32 : index
      %swap3A_25 = tpu.vector_load %arg8[%swap3A_22, %swap3A_23, %swap3A_24] {strides = array<i32>} : memref<80x2x128xbf16, #tpu.memory_space<vmem>>, vector<1x1x32xbf16>,
      %swap3A_26 = vector.shape_cast %swap3A_25 : vector<1x1x32xbf16> to vector<32xbf16>
      %swap3A_27 = vector.shape_cast %broadcast_in_dim3A_20 : vector<32xbf16> to vector<1x1x32xbf16>
      tpu.vector_store %arg8[%swap3A_22, %swap3A_23, %swap3A_24], %swap3A_27 {strides = array<i32>} : memref<80x2x128xbf16, #tpu.memory_space<vmem>>, vector<1x1x32xbf16>,
      %broadcast_in_dim3A_28 = arith.constant 0.000000e+00 : bf16
      %broadcast_in_dim3A_29 = vector.broadcast %broadcast_in_dim3A_28 : bf16 to vector<32xbf16>
      %swap3A_30 = arith.constant 0 : i32
      %swap3A_31 = arith.index_cast %scan3A_11 : i32 to index
      %swap3A_32 = arith.index_cast %swap3A_30 : i32 to index
      %swap3A_33 = arith.constant 64 : index
      %swap3A_34 = tpu.vector_load %arg8[%swap3A_31, %swap3A_32, %swap3A_33] {strides = array<i32>} : memref<80x2x128xbf16, #tpu.memory_space<vmem>>, vector<1x1x32xbf16>,
      %swap3A_35 = vector.shape_cast %swap3A_34 : vector<1x1x32xbf16> to vector<32xbf16>
      %swap3A_36 = vector.shape_cast %broadcast_in_dim3A_29 : vector<32xbf16> to vector<1x1x32xbf16>
      tpu.vector_store %arg8[%swap3A_31, %swap3A_32, %swap3A_33], %swap3A_36 {strides = array<i32>} : memref<80x2x128xbf16, #tpu.memory_space<vmem>>, vector<1x1x32xbf16>,
      %broadcast_in_dim3A_37 = arith.constant 0.000000e+00 : bf16
      %broadcast_in_dim3A_38 = vector.broadcast %broadcast_in_dim3A_37 : bf16 to vector<32xbf16>
      %swap3A_39 = arith.constant 0 : i32
      %swap3A_40 = arith.index_cast %scan3A_11 : i32 to index
      %swap3A_41 = arith.index_cast %swap3A_39 : i32 to index
      %swap3A_42 = arith.constant 96 : index
      %swap3A_43 = tpu.vector_load %arg8[%swap3A_40, %swap3A_41, %swap3A_42] {strides = array<i32>} : memref<80x2x128xbf16, #tpu.memory_space<vmem>>, vector<1x1x32xbf16>,
      %swap3A_44 = vector.shape_cast %swap3A_43 : vector<1x1x32xbf16> to vector<32xbf16>
      %swap3A_45 = vector.shape_cast %broadcast_in_dim3A_38 : vector<32xbf16> to vector<1x1x32xbf16>
      tpu.vector_store %arg8[%swap3A_40, %swap3A_41, %swap3A_42], %swap3A_45 {strides = array<i32>} : memref<80x2x128xbf16, #tpu.memory_space<vmem>>, vector<1x1x32xbf16>,
      %broadcast_in_dim3A_46 = arith.constant 0.000000e+00 : bf16
      %broadcast_in_dim3A_47 = vector.broadcast %broadcast_in_dim3A_46 : bf16 to vector<32xbf16>
      %swap3A_48 = arith.constant 1 : i32
      %swap3A_49 = arith.index_cast %scan3A_11 : i32 to index
      %swap3A_50 = arith.index_cast %swap3A_48 : i32 to index
      %swap3A_51 = arith.constant 0 : index
      %swap3A_52 = tpu.vector_load %arg8[%swap3A_49, %swap3A_50, %swap3A_51] {strides = array<i32>} : memref<80x2x128xbf16, #tpu.memory_space<vmem>>, vector<1x1x32xbf16>,
      %swap3A_53 = vector.shape_cast %swap3A_52 : vector<1x1x32xbf16> to vector<32xbf16>
      %swap3A_54 = vector.shape_cast %broadcast_in_dim3A_47 : vector<32xbf16> to vector<1x1x32xbf16>
      tpu.vector_store %arg8[%swap3A_49, %swap3A_50, %swap3A_51], %swap3A_54 {strides = array<i32>} : memref<80x2x128xbf16, #tpu.memory_space<vmem>>, vector<1x1x32xbf16>,
      %broadcast_in_dim3A_55 = arith.constant 0.000000e+00 : bf16
      %broadcast_in_dim3A_56 = vector.broadcast %broadcast_in_dim3A_55 : bf16 to vector<32xbf16>
      %swap3A_57 = arith.constant 1 : i32
      %swap3A_58 = arith.index_cast %scan3A_11 : i32 to index
      %swap3A_59 = arith.index_cast %swap3A_57 : i32 to index
      %swap3A_60 = arith.constant 32 : index
      %swap3A_61 = tpu.vector_load %arg8[%swap3A_58, %swap3A_59, %swap3A_60] {strides = array<i32>} : memref<80x2x128xbf16, #tpu.memory_space<vmem>>, vector<1x1x32xbf16>,
      %swap3A_62 = vector.shape_cast %swap3A_61 : vector<1x1x32xbf16> to vector<32xbf16>
      %swap3A_63 = vector.shape_cast %broadcast_in_dim3A_56 : vector<32xbf16> to vector<1x1x32xbf16>
      tpu.vector_store %arg8[%swap3A_58, %swap3A_59, %swap3A_60], %swap3A_63 {strides = array<i32>} : memref<80x2x128xbf16, #tpu.memory_space<vmem>>, vector<1x1x32xbf16>,
      %broadcast_in_dim3A_64 = arith.constant 0.000000e+00 : bf16
      %broadcast_in_dim3A_65 = vector.broadcast %broadcast_in_dim3A_64 : bf16 to vector<32xbf16>
      %swap3A_66 = arith.constant 1 : i32
      %swap3A_67 = arith.index_cast %scan3A_11 : i32 to index
      %swap3A_68 = arith.index_cast %swap3A_66 : i32 to index
      %swap3A_69 = arith.constant 64 : index
      %swap3A_70 = tpu.vector_load %arg8[%swap3A_67, %swap3A_68, %swap3A_69] {strides = array<i32>} : memref<80x2x128xbf16, #tpu.memory_space<vmem>>, vector<1x1x32xbf16>,
      %swap3A_71 = vector.shape_cast %swap3A_70 : vector<1x1x32xbf16> to vector<32xbf16>
      %swap3A_72 = vector.shape_cast %broadcast_in_dim3A_65 : vector<32xbf16> to vector<1x1x32xbf16>
      tpu.vector_store %arg8[%swap3A_67, %swap3A_68, %swap3A_69], %swap3A_72 {strides = array<i32>} : memref<80x2x128xbf16, #tpu.memory_space<vmem>>, vector<1x1x32xbf16>,
      %broadcast_in_dim3A_73 = arith.constant 0.000000e+00 : bf16
      %broadcast_in_dim3A_74 = vector.broadcast %broadcast_in_dim3A_73 : bf16 to vector<32xbf16>
      %swap3A_75 = arith.constant 1 : i32
      %swap3A_76 = arith.index_cast %scan3A_11 : i32 to index
      %swap3A_77 = arith.index_cast %swap3A_75 : i32 to index
      %swap3A_78 = arith.constant 96 : index
      %swap3A_79 = tpu.vector_load %arg8[%swap3A_76, %swap3A_77, %swap3A_78] {strides = array<i32>} : memref<80x2x128xbf16, #tpu.memory_space<vmem>>, vector<1x1x32xbf16>,
      %swap3A_80 = vector.shape_cast %swap3A_79 : vector<1x1x32xbf16> to vector<32xbf16>
      %swap3A_81 = vector.shape_cast %broadcast_in_dim3A_74 : vector<32xbf16> to vector<1x1x32xbf16>
      tpu.vector_store %arg8[%swap3A_76, %swap3A_77, %swap3A_78], %swap3A_81 {strides = array<i32>} : memref<80x2x128xbf16, #tpu.memory_space<vmem>>, vector<1x1x32xbf16>,
    }
    %scan3A_4 = arith.constant 80 : i32
    %scan3A_5 = arith.constant 0 : i32
    %scan3A_6 = arith.constant 0 : i32
    %scan3A_7 = arith.constant 3 : i32
    %scan3A_8 = arith.addi %scan3A_6, %scan3A_7 : i32
    %scan3A_9 = arith.constant 1 : i32
    scf.for %scan3A_11 = %scan3A_6 to %scan3A_8 step %scan3A_9  : i32 {
      %mul3A = arith.constant 3 : i32
      %mul3A_12 = arith.muli %arg0, %mul3A : i32
      %add3A = arith.addi %mul3A_12, %scan3A_11 : i32
      %mul3A_13 = arith.constant 10240 : i32
      %mul3A_14 = arith.muli %add3A, %mul3A_13 : i32
      %mul3A_15 = arith.constant 640 : i32
      %mul3A_16 = arith.muli %arg1, %mul3A_15 : i32
      %add3A_17 = arith.constant 0 : i32
      %add3A_18 = arith.addi %mul3A_16, %add3A_17 : i32
      "tpu.region"() ({
        %run_scoped3A = tpu.sem_alloc : memref<!tpu.dma_semaphore, #tpu.memory_space<semaphore_mem>>
        %dma_start3A_1766 = arith.constant 0 : i32
        %dma_start3A_1767 = arith.constant 0 : i32
        %dma_start3A_1768 = tpu.memref_slice %arg9[%add3A_18, %dma_start3A_1766, %dma_start3A_1767] : memref<10240x2x128xbf16, #tpu.memory_space<vmem_shared>> -> memref<80x2x128xbf16, #tpu.memory_space<vmem_shared>>
        %dma_start3A_1769 = arith.constant 0 : i32
        %dma_start3A_1770 = arith.constant 0 : i32
        %dma_start3A_1771 = tpu.memref_slice %arg9[%add3A_18, %dma_start3A_1769, %dma_start3A_1770] : memref<10240x2x128xbf16, #tpu.memory_space<vmem_shared>> -> memref<80x2x128xbf16, #tpu.memory_space<vmem_shared>>
        tpu.enqueue_dma source(%arg8 : memref<80x2x128xbf16, #tpu.memory_space<vmem>>) target(%dma_start3A_1771 : memref<80x2x128xbf16, #tpu.memory_space<vmem_shared>>) target_semaphore(%run_scoped3A : memref<!tpu.dma_semaphore, #tpu.memory_space<semaphore_mem>>)
        %dma_wait3A_1772 = arith.constant 0 : i32
        %dma_wait3A_1773 = arith.constant 0 : i32
        %dma_wait3A_1774 = tpu.memref_slice %arg9[%add3A_18, %dma_wait3A_1772, %dma_wait3A_1773] : memref<10240x2x128xbf16, #tpu.memory_space<vmem_shared>> -> memref<80x2x128xbf16, #tpu.memory_space<vmem_shared>>
        %dma_wait3A_1775 = arith.constant 0 : i32
        %dma_wait3A_1776 = arith.constant 0 : i32
        %dma_wait3A_1777 = tpu.memref_slice %arg9[%add3A_18, %dma_wait3A_1775, %dma_wait3A_1776] : memref<10240x2x128xbf16, #tpu.memory_space<vmem_shared>> -> memref<80x2x128xbf16, #tpu.memory_space<vmem_shared>>
        tpu.wait_dma2 semaphore(%run_scoped3A : memref<!tpu.dma_semaphore, #tpu.memory_space<semaphore_mem>>) src(%arg8 : memref<80x2x128xbf16, #tpu.memory_space<vmem>>) dst(%dma_wait3A_1777 : memref<80x2x128xbf16, #tpu.memory_space<vmem_shared>>)
        tpu.yield
      }) : () -> ()
      %mul3A_19 = arith.constant 640 : i32
      %mul3A_20 = arith.muli %arg1, %mul3A_19 : i32
      %add3A_21 = arith.constant 80 : i32
      %add3A_22 = arith.addi %mul3A_20, %add3A_21 : i32
      "tpu.region"() ({
        %run_scoped3A = tpu.sem_alloc : memref<!tpu.dma_semaphore, #tpu.memory_space<semaphore_mem>>
        %dma_start3A_1766 = arith.constant 0 : i32
        %dma_start3A_1767 = arith.constant 0 : i32
        %dma_start3A_1768 = tpu.memref_slice %arg9[%add3A_22, %dma_start3A_1766, %dma_start3A_1767] : memref<10240x2x128xbf16, #tpu.memory_space<vmem_shared>> -> memref<80x2x128xbf16, #tpu.memory_space<vmem_shared>>
        %dma_start3A_1769 = arith.constant 0 : i32
        %dma_start3A_1770 = arith.constant 0 : i32
        %dma_start3A_1771 = tpu.memref_slice %arg9[%add3A_22, %dma_start3A_1769, %dma_start3A_1770] : memref<10240x2x128xbf16, #tpu.memory_space<vmem_shared>> -> memref<80x2x128xbf16, #tpu.memory_space<vmem_shared>>
        tpu.enqueue_dma source(%arg8 : memref<80x2x128xbf16, #tpu.memory_space<vmem>>) target(%dma_start3A_1771 : memref<80x2x128xbf16, #tpu.memory_space<vmem_shared>>) target_semaphore(%run_scoped3A : memref<!tpu.dma_semaphore, #tpu.memory_space<semaphore_mem>>)
        %dma_wait3A_1772 = arith.constant 0 : i32
        %dma_wait3A_1773 = arith.constant 0 : i32
        %dma_wait3A_1774 = tpu.memref_slice %arg9[%add3A_22, %dma_wait3A_1772, %dma_wait3A_1773] : memref<10240x2x128xbf16, #tpu.memory_space<vmem_shared>> -> memref<80x2x128xbf16, #tpu.memory_space<vmem_shared>>
        %dma_wait3A_1775 = arith.constant 0 : i32
        %dma_wait3A_1776 = arith.constant 0 : i32
        %dma_wait3A_1777 = tpu.memref_slice %arg9[%add3A_22, %dma_wait3A_1775, %dma_wait3A_1776] : memref<10240x2x128xbf16, #tpu.memory_space<vmem_shared>> -> memref<80x2x128xbf16, #tpu.memory_space<vmem_shared>>
        tpu.wait_dma2 semaphore(%run_scoped3A : memref<!tpu.dma_semaphore, #tpu.memory_space<semaphore_mem>>) src(%arg8 : memref<80x2x128xbf16, #tpu.memory_space<vmem>>) dst(%dma_wait3A_1777 : memref<80x2x128xbf16, #tpu.memory_space<vmem_shared>>)
        tpu.yield
      }) : () -> ()
      %mul3A_23 = arith.constant 640 : i32
      %mul3A_24 = arith.muli %arg1, %mul3A_23 : i32
      %add3A_25 = arith.constant 160 : i32
      %add3A_26 = arith.addi %mul3A_24, %add3A_25 : i32
      "tpu.region"() ({
        %run_scoped3A = tpu.sem_alloc : memref<!tpu.dma_semaphore, #tpu.memory_space<semaphore_mem>>
        %dma_start3A_1766 = arith.constant 0 : i32
        %dma_start3A_1767 = arith.constant 0 : i32
        %dma_start3A_1768 = tpu.memref_slice %arg9[%add3A_26, %dma_start3A_1766, %dma_start3A_1767] : memref<10240x2x128xbf16, #tpu.memory_space<vmem_shared>> -> memref<80x2x128xbf16, #tpu.memory_space<vmem_shared>>
        %dma_start3A_1769 = arith.constant 0 : i32
        %dma_start3A_1770 = arith.constant 0 : i32
        %dma_start3A_1771 = tpu.memref_slice %arg9[%add3A_26, %dma_start3A_1769, %dma_start3A_1770] : memref<10240x2x128xbf16, #tpu.memory_space<vmem_shared>> -> memref<80x2x128xbf16, #tpu.memory_space<vmem_shared>>
        tpu.enqueue_dma source(%arg8 : memref<80x2x128xbf16, #tpu.memory_space<vmem>>) target(%dma_start3A_1771 : memref<80x2x128xbf16, #tpu.memory_space<vmem_shared>>) target_semaphore(%run_scoped3A : memref<!tpu.dma_semaphore, #tpu.memory_space<semaphore_mem>>)
        %dma_wait3A_1772 = arith.constant 0 : i32
        %dma_wait3A_1773 = arith.constant 0 : i32
        %dma_wait3A_1774 = tpu.memref_slice %arg9[%add3A_26, %dma_wait3A_1772, %dma_wait3A_1773] : memref<10240x2x128xbf16, #tpu.memory_space<vmem_shared>> -> memref<80x2x128xbf16, #tpu.memory_space<vmem_shared>>
        %dma_wait3A_1775 = arith.constant 0 : i32
        %dma_wait3A_1776 = arith.constant 0 : i32
        %dma_wait3A_1777 = tpu.memref_slice %arg9[%add3A_26, %dma_wait3A_1775, %dma_wait3A_1776] : memref<10240x2x128xbf16, #tpu.memory_space<vmem_shared>> -> memref<80x2x128xbf16, #tpu.memory_space<vmem_shared>>
        tpu.wait_dma2 semaphore(%run_scoped3A : memref<!tpu.dma_semaphore, #tpu.memory_space<semaphore_mem>>) src(%arg8 : memref<80x2x128xbf16, #tpu.memory_space<vmem>>) dst(%dma_wait3A_1777 : memref<80x2x128xbf16, #tpu.memory_space<vmem_shared>>)
        tpu.yield
      }) : () -> ()
      %mul3A_27 = arith.constant 640 : i32
      %mul3A_28 = arith.muli %arg1, %mul3A_27 : i32
      %add3A_29 = arith.constant 240 : i32
      %add3A_30 = arith.addi %mul3A_28, %add3A_29 : i32
      "tpu.region"() ({
        %run_scoped3A = tpu.sem_alloc : memref<!tpu.dma_semaphore, #tpu.memory_space<semaphore_mem>>
        %dma_start3A_1766 = arith.constant 0 : i32
        %dma_start3A_1767 = arith.constant 0 : i32
        %dma_start3A_1768 = tpu.memref_slice %arg9[%add3A_30, %dma_start3A_1766, %dma_start3A_1767] : memref<10240x2x128xbf16, #tpu.memory_space<vmem_shared>> -> memref<80x2x128xbf16, #tpu.memory_space<vmem_shared>>
        %dma_start3A_1769 = arith.constant 0 : i32
        %dma_start3A_1770 = arith.constant 0 : i32
        %dma_start3A_1771 = tpu.memref_slice %arg9[%add3A_30, %dma_start3A_1769, %dma_start3A_1770] : memref<10240x2x128xbf16, #tpu.memory_space<vmem_shared>> -> memref<80x2x128xbf16, #tpu.memory_space<vmem_shared>>
        tpu.enqueue_dma source(%arg8 : memref<80x2x128xbf16, #tpu.memory_space<vmem>>) target(%dma_start3A_1771 : memref<80x2x128xbf16, #tpu.memory_space<vmem_shared>>) target_semaphore(%run_scoped3A : memref<!tpu.dma_semaphore, #tpu.memory_space<semaphore_mem>>)
        %dma_wait3A_1772 = arith.constant 0 : i32
        %dma_wait3A_1773 = arith.constant 0 : i32
        %dma_wait3A_1774 = tpu.memref_slice %arg9[%add3A_30, %dma_wait3A_1772, %dma_wait3A_1773] : memref<10240x2x128xbf16, #tpu.memory_space<vmem_shared>> -> memref<80x2x128xbf16, #tpu.memory_space<vmem_shared>>
        %dma_wait3A_1775 = arith.constant 0 : i32
        %dma_wait3A_1776 = arith.constant 0 : i32
        %dma_wait3A_1777 = tpu.memref_slice %arg9[%add3A_30, %dma_wait3A_1775, %dma_wait3A_1776] : memref<10240x2x128xbf16, #tpu.memory_space<vmem_shared>> -> memref<80x2x128xbf16, #tpu.memory_space<vmem_shared>>
        tpu.wait_dma2 semaphore(%run_scoped3A : memref<!tpu.dma_semaphore, #tpu.memory_space<semaphore_mem>>) src(%arg8 : memref<80x2x128xbf16, #tpu.memory_space<vmem>>) dst(%dma_wait3A_1777 : memref<80x2x128xbf16, #tpu.memory_space<vmem_shared>>)
        tpu.yield
      }) : () -> ()
      %mul3A_31 = arith.constant 640 : i32
      %mul3A_32 = arith.muli %arg1, %mul3A_31 : i32
      %add3A_33 = arith.constant 320 : i32
      %add3A_34 = arith.addi %mul3A_32, %add3A_33 : i32
      "tpu.region"() ({
        %run_scoped3A = tpu.sem_alloc : memref<!tpu.dma_semaphore, #tpu.memory_space<semaphore_mem>>
        %dma_start3A_1766 = arith.constant 0 : i32
        %dma_start3A_1767 = arith.constant 0 : i32
        %dma_start3A_1768 = tpu.memref_slice %arg9[%add3A_34, %dma_start3A_1766, %dma_start3A_1767] : memref<10240x2x128xbf16, #tpu.memory_space<vmem_shared>> -> memref<80x2x128xbf16, #tpu.memory_space<vmem_shared>>
        %dma_start3A_1769 = arith.constant 0 : i32
        %dma_start3A_1770 = arith.constant 0 : i32
        %dma_start3A_1771 = tpu.memref_slice %arg9[%add3A_34, %dma_start3A_1769, %dma_start3A_1770] : memref<10240x2x128xbf16, #tpu.memory_space<vmem_shared>> -> memref<80x2x128xbf16, #tpu.memory_space<vmem_shared>>
        tpu.enqueue_dma source(%arg8 : memref<80x2x128xbf16, #tpu.memory_space<vmem>>) target(%dma_start3A_1771 : memref<80x2x128xbf16, #tpu.memory_space<vmem_shared>>) target_semaphore(%run_scoped3A : memref<!tpu.dma_semaphore, #tpu.memory_space<semaphore_mem>>)
        %dma_wait3A_1772 = arith.constant 0 : i32
        %dma_wait3A_1773 = arith.constant 0 : i32
        %dma_wait3A_1774 = tpu.memref_slice %arg9[%add3A_34, %dma_wait3A_1772, %dma_wait3A_1773] : memref<10240x2x128xbf16, #tpu.memory_space<vmem_shared>> -> memref<80x2x128xbf16, #tpu.memory_space<vmem_shared>>
        %dma_wait3A_1775 = arith.constant 0 : i32
        %dma_wait3A_1776 = arith.constant 0 : i32
        %dma_wait3A_1777 = tpu.memref_slice %arg9[%add3A_34, %dma_wait3A_1775, %dma_wait3A_1776] : memref<10240x2x128xbf16, #tpu.memory_space<vmem_shared>> -> memref<80x2x128xbf16, #tpu.memory_space<vmem_shared>>
        tpu.wait_dma2 semaphore(%run_scoped3A : memref<!tpu.dma_semaphore, #tpu.memory_space<semaphore_mem>>) src(%arg8 : memref<80x2x128xbf16, #tpu.memory_space<vmem>>) dst(%dma_wait3A_1777 : memref<80x2x128xbf16, #tpu.memory_space<vmem_shared>>)
        tpu.yield
      }) : () -> ()
      %mul3A_35 = arith.constant 640 : i32
      %mul3A_36 = arith.muli %arg1, %mul3A_35 : i32
      %add3A_37 = arith.constant 400 : i32
      %add3A_38 = arith.addi %mul3A_36, %add3A_37 : i32
      "tpu.region"() ({
        %run_scoped3A = tpu.sem_alloc : memref<!tpu.dma_semaphore, #tpu.memory_space<semaphore_mem>>
        %dma_start3A_1766 = arith.constant 0 : i32
        %dma_start3A_1767 = arith.constant 0 : i32
        %dma_start3A_1768 = tpu.memref_slice %arg9[%add3A_38, %dma_start3A_1766, %dma_start3A_1767] : memref<10240x2x128xbf16, #tpu.memory_space<vmem_shared>> -> memref<80x2x128xbf16, #tpu.memory_space<vmem_shared>>
        %dma_start3A_1769 = arith.constant 0 : i32
        %dma_start3A_1770 = arith.constant 0 : i32
        %dma_start3A_1771 = tpu.memref_slice %arg9[%add3A_38, %dma_start3A_1769, %dma_start3A_1770] : memref<10240x2x128xbf16, #tpu.memory_space<vmem_shared>> -> memref<80x2x128xbf16, #tpu.memory_space<vmem_shared>>
        tpu.enqueue_dma source(%arg8 : memref<80x2x128xbf16, #tpu.memory_space<vmem>>) target(%dma_start3A_1771 : memref<80x2x128xbf16, #tpu.memory_space<vmem_shared>>) target_semaphore(%run_scoped3A : memref<!tpu.dma_semaphore, #tpu.memory_space<semaphore_mem>>)
        %dma_wait3A_1772 = arith.constant 0 : i32
        %dma_wait3A_1773 = arith.constant 0 : i32
        %dma_wait3A_1774 = tpu.memref_slice %arg9[%add3A_38, %dma_wait3A_1772, %dma_wait3A_1773] : memref<10240x2x128xbf16, #tpu.memory_space<vmem_shared>> -> memref<80x2x128xbf16, #tpu.memory_space<vmem_shared>>
        %dma_wait3A_1775 = arith.constant 0 : i32
        %dma_wait3A_1776 = arith.constant 0 : i32
        %dma_wait3A_1777 = tpu.memref_slice %arg9[%add3A_38, %dma_wait3A_1775, %dma_wait3A_1776] : memref<10240x2x128xbf16, #tpu.memory_space<vmem_shared>> -> memref<80x2x128xbf16, #tpu.memory_space<vmem_shared>>
        tpu.wait_dma2 semaphore(%run_scoped3A : memref<!tpu.dma_semaphore, #tpu.memory_space<semaphore_mem>>) src(%arg8 : memref<80x2x128xbf16, #tpu.memory_space<vmem>>) dst(%dma_wait3A_1777 : memref<80x2x128xbf16, #tpu.memory_space<vmem_shared>>)
        tpu.yield
      }) : () -> ()
      %mul3A_39 = arith.constant 640 : i32
      %mul3A_40 = arith.muli %arg1, %mul3A_39 : i32
      %add3A_41 = arith.constant 480 : i32
      %add3A_42 = arith.addi %mul3A_40, %add3A_41 : i32
      "tpu.region"() ({
        %run_scoped3A = tpu.sem_alloc : memref<!tpu.dma_semaphore, #tpu.memory_space<semaphore_mem>>
        %dma_start3A_1766 = arith.constant 0 : i32
        %dma_start3A_1767 = arith.constant 0 : i32
        %dma_start3A_1768 = tpu.memref_slice %arg9[%add3A_42, %dma_start3A_1766, %dma_start3A_1767] : memref<10240x2x128xbf16, #tpu.memory_space<vmem_shared>> -> memref<80x2x128xbf16, #tpu.memory_space<vmem_shared>>
        %dma_start3A_1769 = arith.constant 0 : i32
        %dma_start3A_1770 = arith.constant 0 : i32
        %dma_start3A_1771 = tpu.memref_slice %arg9[%add3A_42, %dma_start3A_1769, %dma_start3A_1770] : memref<10240x2x128xbf16, #tpu.memory_space<vmem_shared>> -> memref<80x2x128xbf16, #tpu.memory_space<vmem_shared>>
        tpu.enqueue_dma source(%arg8 : memref<80x2x128xbf16, #tpu.memory_space<vmem>>) target(%dma_start3A_1771 : memref<80x2x128xbf16, #tpu.memory_space<vmem_shared>>) target_semaphore(%run_scoped3A : memref<!tpu.dma_semaphore, #tpu.memory_space<semaphore_mem>>)
        %dma_wait3A_1772 = arith.constant 0 : i32
        %dma_wait3A_1773 = arith.constant 0 : i32
        %dma_wait3A_1774 = tpu.memref_slice %arg9[%add3A_42, %dma_wait3A_1772, %dma_wait3A_1773] : memref<10240x2x128xbf16, #tpu.memory_space<vmem_shared>> -> memref<80x2x128xbf16, #tpu.memory_space<vmem_shared>>
        %dma_wait3A_1775 = arith.constant 0 : i32
        %dma_wait3A_1776 = arith.constant 0 : i32
        %dma_wait3A_1777 = tpu.memref_slice %arg9[%add3A_42, %dma_wait3A_1775, %dma_wait3A_1776] : memref<10240x2x128xbf16, #tpu.memory_space<vmem_shared>> -> memref<80x2x128xbf16, #tpu.memory_space<vmem_shared>>
        tpu.wait_dma2 semaphore(%run_scoped3A : memref<!tpu.dma_semaphore, #tpu.memory_space<semaphore_mem>>) src(%arg8 : memref<80x2x128xbf16, #tpu.memory_space<vmem>>) dst(%dma_wait3A_1777 : memref<80x2x128xbf16, #tpu.memory_space<vmem_shared>>)
        tpu.yield
      }) : () -> ()
      %mul3A_43 = arith.constant 640 : i32
      %mul3A_44 = arith.muli %arg1, %mul3A_43 : i32
      %add3A_45 = arith.constant 560 : i32
      %add3A_46 = arith.addi %mul3A_44, %add3A_45 : i32
      "tpu.region"() ({
        %run_scoped3A = tpu.sem_alloc : memref<!tpu.dma_semaphore, #tpu.memory_space<semaphore_mem>>
        %dma_start3A_1766 = arith.constant 0 : i32
        %dma_start3A_1767 = arith.constant 0 : i32
        %dma_start3A_1768 = tpu.memref_slice %arg9[%add3A_46, %dma_start3A_1766, %dma_start3A_1767] : memref<10240x2x128xbf16, #tpu.memory_space<vmem_shared>> -> memref<80x2x128xbf16, #tpu.memory_space<vmem_shared>>
        %dma_start3A_1769 = arith.constant 0 : i32
        %dma_start3A_1770 = arith.constant 0 : i32
        %dma_start3A_1771 = tpu.memref_slice %arg9[%add3A_46, %dma_start3A_1769, %dma_start3A_1770] : memref<10240x2x128xbf16, #tpu.memory_space<vmem_shared>> -> memref<80x2x128xbf16, #tpu.memory_space<vmem_shared>>
        tpu.enqueue_dma source(%arg8 : memref<80x2x128xbf16, #tpu.memory_space<vmem>>) target(%dma_start3A_1771 : memref<80x2x128xbf16, #tpu.memory_space<vmem_shared>>) target_semaphore(%run_scoped3A : memref<!tpu.dma_semaphore, #tpu.memory_space<semaphore_mem>>)
        %dma_wait3A_1772 = arith.constant 0 : i32
        %dma_wait3A_1773 = arith.constant 0 : i32
        %dma_wait3A_1774 = tpu.memref_slice %arg9[%add3A_46, %dma_wait3A_1772, %dma_wait3A_1773] : memref<10240x2x128xbf16, #tpu.memory_space<vmem_shared>> -> memref<80x2x128xbf16, #tpu.memory_space<vmem_shared>>
        %dma_wait3A_1775 = arith.constant 0 : i32
        %dma_wait3A_1776 = arith.constant 0 : i32
        %dma_wait3A_1777 = tpu.memref_slice %arg9[%add3A_46, %dma_wait3A_1775, %dma_wait3A_1776] : memref<10240x2x128xbf16, #tpu.memory_space<vmem_shared>> -> memref<80x2x128xbf16, #tpu.memory_space<vmem_shared>>
        tpu.wait_dma2 semaphore(%run_scoped3A : memref<!tpu.dma_semaphore, #tpu.memory_space<semaphore_mem>>) src(%arg8 : memref<80x2x128xbf16, #tpu.memory_space<vmem>>) dst(%dma_wait3A_1777 : memref<80x2x128xbf16, #tpu.memory_space<vmem_shared>>)
        tpu.yield
      }) : () -> ()
      %mul3A_47 = arith.constant 160 : i32
      %mul3A_48 = arith.muli %arg1, %mul3A_47 : i32
      %add3A_49 = arith.constant 0 : i32
      %add3A_50 = arith.addi %mul3A_48, %add3A_49 : i32
      %dma_start3A = arith.constant 0 : i32
      %dma_start3A_51 = arith.constant 0 : i32
      %dma_start3A_52 = arith.constant 0 : i32
      %dma_start3A_53 = tpu.memref_slice %arg5[%dma_start3A, %dma_start3A_51, %dma_start3A_52] : memref<4x2x128xi32, #tpu.memory_space<vmem>> -> memref<1x2x128xi32, #tpu.memory_space<vmem>>
      %dma_start3A_54 = arith.constant 0 : i32
      %dma_start3A_55 = arith.constant 0 : i32
      %dma_start3A_56 = tpu.memref_slice %arg2[%add3A_50, %dma_start3A_54, %dma_start3A_55] : memref<2562x2x128xi32, #tpu.memory_space<hbm>> -> memref<1x2x128xi32, #tpu.memory_space<hbm>>
      %dma_start3A_57 = arith.constant 0 : i32
      %dma_start3A_58 = arith.constant 0 : i32
      %dma_start3A_59 = arith.constant 0 : i32
      %dma_start3A_60 = tpu.memref_slice %arg5[%dma_start3A_57, %dma_start3A_58, %dma_start3A_59] : memref<4x2x128xi32, #tpu.memory_space<vmem>> -> memref<1x2x128xi32, #tpu.memory_space<vmem>>
      %dma_start3A_61 = arith.constant 0 : i32
      %dma_start3A_62 = arith.constant 0 : i32
      %dma_start3A_63 = tpu.memref_slice %arg2[%add3A_50, %dma_start3A_61, %dma_start3A_62] : memref<2562x2x128xi32, #tpu.memory_space<hbm>> -> memref<1x2x128xi32, #tpu.memory_space<hbm>>
      tpu.enqueue_dma source(%dma_start3A_63 : memref<1x2x128xi32, #tpu.memory_space<hbm>>) target(%dma_start3A_60 : memref<1x2x128xi32, #tpu.memory_space<vmem>>) target_semaphore(%arg10 : memref<!tpu.dma_semaphore, #tpu.memory_space<semaphore_mem>>)
      %mul3A_64 = arith.constant 160 : i32
      %mul3A_65 = arith.muli %arg1, %mul3A_64 : i32
      %add3A_66 = arith.constant 1 : i32
      %add3A_67 = arith.addi %mul3A_65, %add3A_66 : i32
      %dma_start3A_68 = arith.constant 1 : i32
      %dma_start3A_69 = arith.constant 0 : i32
      %dma_start3A_70 = arith.constant 0 : i32
      %dma_start3A_71 = tpu.memref_slice %arg5[%dma_start3A_68, %dma_start3A_69, %dma_start3A_70] : memref<4x2x128xi32, #tpu.memory_space<vmem>> -> memref<1x2x128xi32, #tpu.memory_space<vmem>>
      %dma_start3A_72 = arith.constant 0 : i32
      %dma_start3A_73 = arith.constant 0 : i32
      %dma_start3A_74 = tpu.memref_slice %arg2[%add3A_67, %dma_start3A_72, %dma_start3A_73] : memref<2562x2x128xi32, #tpu.memory_space<hbm>> -> memref<1x2x128xi32, #tpu.memory_space<hbm>>
      %dma_start3A_75 = arith.constant 1 : i32
      %dma_start3A_76 = arith.constant 0 : i32
      %dma_start3A_77 = arith.constant 0 : i32
      %dma_start3A_78 = tpu.memref_slice %arg5[%dma_start3A_75, %dma_start3A_76, %dma_start3A_77] : memref<4x2x128xi32, #tpu.memory_space<vmem>> -> memref<1x2x128xi32, #tpu.memory_space<vmem>>
      %dma_start3A_79 = arith.constant 0 : i32
      %dma_start3A_80 = arith.constant 0 : i32
      %dma_start3A_81 = tpu.memref_slice %arg2[%add3A_67, %dma_start3A_79, %dma_start3A_80] : memref<2562x2x128xi32, #tpu.memory_space<hbm>> -> memref<1x2x128xi32, #tpu.memory_space<hbm>>
      tpu.enqueue_dma source(%dma_start3A_81 : memref<1x2x128xi32, #tpu.memory_space<hbm>>) target(%dma_start3A_78 : memref<1x2x128xi32, #tpu.memory_space<vmem>>) target_semaphore(%arg11 : memref<!tpu.dma_semaphore, #tpu.memory_space<semaphore_mem>>)
      %barrier3A = arith.constant 0 : index
      tpu.barrier barrier_id(%barrier3A)
      %mul3A_82 = arith.constant 160 : i32
      %mul3A_83 = arith.muli %arg1, %mul3A_82 : i32
      %add3A_84 = arith.constant 2 : i32
      %add3A_85 = arith.addi %mul3A_83, %add3A_84 : i32
      %dma_start3A_86 = arith.constant 2 : i32
      %dma_start3A_87 = arith.constant 0 : i32
      %dma_start3A_88 = arith.constant 0 : i32
      %dma_start3A_89 = tpu.memref_slice %arg5[%dma_start3A_86, %dma_start3A_87, %dma_start3A_88] : memref<4x2x128xi32, #tpu.memory_space<vmem>> -> memref<1x2x128xi32, #tpu.memory_space<vmem>>
      %dma_start3A_90 = arith.constant 0 : i32
      %dma_start3A_91 = arith.constant 0 : i32
      %dma_start3A_92 = tpu.memref_slice %arg2[%add3A_85, %dma_start3A_90, %dma_start3A_91] : memref<2562x2x128xi32, #tpu.memory_space<hbm>> -> memref<1x2x128xi32, #tpu.memory_space<hbm>>
      %dma_start3A_93 = arith.constant 2 : i32
      %dma_start3A_94 = arith.constant 0 : i32
      %dma_start3A_95 = arith.constant 0 : i32
      %dma_start3A_96 = tpu.memref_slice %arg5[%dma_start3A_93, %dma_start3A_94, %dma_start3A_95] : memref<4x2x128xi32, #tpu.memory_space<vmem>> -> memref<1x2x128xi32, #tpu.memory_space<vmem>>
      %dma_start3A_97 = arith.constant 0 : i32
      %dma_start3A_98 = arith.constant 0 : i32
      %dma_start3A_99 = tpu.memref_slice %arg2[%add3A_85, %dma_start3A_97, %dma_start3A_98] : memref<2562x2x128xi32, #tpu.memory_space<hbm>> -> memref<1x2x128xi32, #tpu.memory_space<hbm>>
      tpu.enqueue_dma source(%dma_start3A_99 : memref<1x2x128xi32, #tpu.memory_space<hbm>>) target(%dma_start3A_96 : memref<1x2x128xi32, #tpu.memory_space<vmem>>) target_semaphore(%arg12 : memref<!tpu.dma_semaphore, #tpu.memory_space<semaphore_mem>>)
      %mul3A_100 = arith.constant 160 : i32
      %mul3A_101 = arith.muli %arg1, %mul3A_100 : i32
      %add3A_102 = arith.constant 0 : i32
      %add3A_103 = arith.addi %mul3A_101, %add3A_102 : i32
      %dma_wait3A = arith.constant 0 : i32
      %dma_wait3A_104 = arith.constant 0 : i32
      %dma_wait3A_105 = arith.constant 0 : i32
      %dma_wait3A_106 = tpu.memref_slice %arg5[%dma_wait3A, %dma_wait3A_104, %dma_wait3A_105] : memref<4x2x128xi32, #tpu.memory_space<vmem>> -> memref<1x2x128xi32, #tpu.memory_space<vmem>>
      %dma_wait3A_107 = arith.constant 0 : i32
      %dma_wait3A_108 = arith.constant 0 : i32
      %dma_wait3A_109 = tpu.memref_slice %arg2[%add3A_103, %dma_wait3A_107, %dma_wait3A_108] : memref<2562x2x128xi32, #tpu.memory_space<hbm>> -> memref<1x2x128xi32, #tpu.memory_space<hbm>>
      %dma_wait3A_110 = arith.constant 0 : i32
      %dma_wait3A_111 = arith.constant 0 : i32
      %dma_wait3A_112 = arith.constant 0 : i32
      %dma_wait3A_113 = tpu.memref_slice %arg5[%dma_wait3A_110, %dma_wait3A_111, %dma_wait3A_112] : memref<4x2x128xi32, #tpu.memory_space<vmem>> -> memref<1x2x128xi32, #tpu.memory_space<vmem>>
      %dma_wait3A_114 = arith.constant 0 : i32
      %dma_wait3A_115 = arith.constant 0 : i32
      %dma_wait3A_116 = tpu.memref_slice %arg2[%add3A_103, %dma_wait3A_114, %dma_wait3A_115] : memref<2562x2x128xi32, #tpu.memory_space<hbm>> -> memref<1x2x128xi32, #tpu.memory_space<hbm>>
      tpu.wait_dma2 semaphore(%arg10 : memref<!tpu.dma_semaphore, #tpu.memory_space<semaphore_mem>>) src(%dma_wait3A_116 : memref<1x2x128xi32, #tpu.memory_space<hbm>>) dst(%dma_wait3A_113 : memref<1x2x128xi32, #tpu.memory_space<vmem>>)
      %get3A = arith.constant 0 : i32
      %get3A_117 = arith.constant 0 : i32
      %get3A_118 = arith.index_cast %get3A : i32 to index
      %get3A_119 = arith.index_cast %get3A_117 : i32 to index
      %get3A_120 = arith.constant 0 : index
      %get3A_121 = tpu.vector_load %arg5[%get3A_118, %get3A_119, %get3A_120] {strides = array<i32>} : memref<4x2x128xi32, #tpu.memory_space<vmem>>, vector<1x1x16xi32>,
      %get3A_122 = vector.shape_cast %get3A_121 : vector<1x1x16xi32> to vector<16xi32>
      %add3A_123 = vector.broadcast %mul3A_14 : i32 to vector<16xi32>
      %add3A_124 = arith.addi %get3A_122, %add3A_123 : vector<16xi32>
      %swap3A = arith.constant 0 : i32
      %swap3A_125 = arith.index_cast %swap3A : i32 to index
      %swap3A_126 = arith.constant 0 : index
      %swap3A_127 = tpu.vector_load %arg6[%swap3A_125, %swap3A_126] {strides = array<i32>} : memref<4x128xi32, #tpu.memory_space<vmem>>, vector<1x16xi32>,
      %swap3A_128 = vector.shape_cast %swap3A_127 : vector<1x16xi32> to vector<16xi32>
      %swap3A_129 = vector.shape_cast %add3A_124 : vector<16xi32> to vector<1x16xi32>
      tpu.vector_store %arg6[%swap3A_125, %swap3A_126], %swap3A_129 {strides = array<i32>} : memref<4x128xi32, #tpu.memory_space<vmem>>, vector<1x16xi32>,
      %get3A_130 = arith.constant 0 : i32
      %get3A_131 = arith.constant 0 : i32
      %get3A_132 = arith.index_cast %get3A_130 : i32 to index
      %get3A_133 = arith.index_cast %get3A_131 : i32 to index
      %get3A_134 = arith.constant 16 : index
      %get3A_135 = tpu.vector_load %arg5[%get3A_132, %get3A_133, %get3A_134] {strides = array<i32>} : memref<4x2x128xi32, #tpu.memory_space<vmem>>, vector<1x1x16xi32>,
      %get3A_136 = vector.shape_cast %get3A_135 : vector<1x1x16xi32> to vector<16xi32>
      %add3A_137 = vector.broadcast %mul3A_14 : i32 to vector<16xi32>
      %add3A_138 = arith.addi %get3A_136, %add3A_137 : vector<16xi32>
      %swap3A_139 = arith.constant 0 : i32
      %swap3A_140 = arith.index_cast %swap3A_139 : i32 to index
      %swap3A_141 = arith.constant 16 : index
      %swap3A_142 = tpu.vector_load %arg6[%swap3A_140, %swap3A_141] {strides = array<i32>} : memref<4x128xi32, #tpu.memory_space<vmem>>, vector<1x16xi32>,
      %swap3A_143 = vector.shape_cast %swap3A_142 : vector<1x16xi32> to vector<16xi32>
      %swap3A_144 = vector.shape_cast %add3A_138 : vector<16xi32> to vector<1x16xi32>
      tpu.vector_store %arg6[%swap3A_140, %swap3A_141], %swap3A_144 {strides = array<i32>} : memref<4x128xi32, #tpu.memory_space<vmem>>, vector<1x16xi32>,
      %get3A_145 = arith.constant 0 : i32
      %get3A_146 = arith.constant 0 : i32
      %get3A_147 = arith.index_cast %get3A_145 : i32 to index
      %get3A_148 = arith.index_cast %get3A_146 : i32 to index
      %get3A_149 = arith.constant 32 : index
      %get3A_150 = tpu.vector_load %arg5[%get3A_147, %get3A_148, %get3A_149] {strides = array<i32>} : memref<4x2x128xi32, #tpu.memory_space<vmem>>, vector<1x1x16xi32>,
      %get3A_151 = vector.shape_cast %get3A_150 : vector<1x1x16xi32> to vector<16xi32>
      %add3A_152 = vector.broadcast %mul3A_14 : i32 to vector<16xi32>
      %add3A_153 = arith.addi %get3A_151, %add3A_152 : vector<16xi32>
      %swap3A_154 = arith.constant 0 : i32
      %swap3A_155 = arith.index_cast %swap3A_154 : i32 to index
      %swap3A_156 = arith.constant 32 : index
      %swap3A_157 = tpu.vector_load %arg6[%swap3A_155, %swap3A_156] {strides = array<i32>} : memref<4x128xi32, #tpu.memory_space<vmem>>, vector<1x16xi32>,
      %swap3A_158 = vector.shape_cast %swap3A_157 : vector<1x16xi32> to vector<16xi32>
      %swap3A_159 = vector.shape_cast %add3A_153 : vector<16xi32> to vector<1x16xi32>
      tpu.vector_store %arg6[%swap3A_155, %swap3A_156], %swap3A_159 {strides = array<i32>} : memref<4x128xi32, #tpu.memory_space<vmem>>, vector<1x16xi32>,
      %get3A_160 = arith.constant 0 : i32
      %get3A_161 = arith.constant 0 : i32
      %get3A_162 = arith.index_cast %get3A_160 : i32 to index
      %get3A_163 = arith.index_cast %get3A_161 : i32 to index
      %get3A_164 = arith.constant 48 : index
      %get3A_165 = tpu.vector_load %arg5[%get3A_162, %get3A_163, %get3A_164] {strides = array<i32>} : memref<4x2x128xi32, #tpu.memory_space<vmem>>, vector<1x1x16xi32>,
      %get3A_166 = vector.shape_cast %get3A_165 : vector<1x1x16xi32> to vector<16xi32>
      %add3A_167 = vector.broadcast %mul3A_14 : i32 to vector<16xi32>
      %add3A_168 = arith.addi %get3A_166, %add3A_167 : vector<16xi32>
      %swap3A_169 = arith.constant 0 : i32
      %swap3A_170 = arith.index_cast %swap3A_169 : i32 to index
      %swap3A_171 = arith.constant 48 : index
      %swap3A_172 = tpu.vector_load %arg6[%swap3A_170, %swap3A_171] {strides = array<i32>} : memref<4x128xi32, #tpu.memory_space<vmem>>, vector<1x16xi32>,
      %swap3A_173 = vector.shape_cast %swap3A_172 : vector<1x16xi32> to vector<16xi32>
      %swap3A_174 = vector.shape_cast %add3A_168 : vector<16xi32> to vector<1x16xi32>
      tpu.vector_store %arg6[%swap3A_170, %swap3A_171], %swap3A_174 {strides = array<i32>} : memref<4x128xi32, #tpu.memory_space<vmem>>, vector<1x16xi32>,
      %get3A_175 = arith.constant 0 : i32
      %get3A_176 = arith.constant 0 : i32
      %get3A_177 = arith.index_cast %get3A_175 : i32 to index
      %get3A_178 = arith.index_cast %get3A_176 : i32 to index
      %get3A_179 = arith.constant 64 : index
      %get3A_180 = tpu.vector_load %arg5[%get3A_177, %get3A_178, %get3A_179] {strides = array<i32>} : memref<4x2x128xi32, #tpu.memory_space<vmem>>, vector<1x1x16xi32>,
      %get3A_181 = vector.shape_cast %get3A_180 : vector<1x1x16xi32> to vector<16xi32>
      %add3A_182 = vector.broadcast %mul3A_14 : i32 to vector<16xi32>
      %add3A_183 = arith.addi %get3A_181, %add3A_182 : vector<16xi32>
      %swap3A_184 = arith.constant 0 : i32
      %swap3A_185 = arith.index_cast %swap3A_184 : i32 to index
      %swap3A_186 = arith.constant 64 : index
      %swap3A_187 = tpu.vector_load %arg6[%swap3A_185, %swap3A_186] {strides = array<i32>} : memref<4x128xi32, #tpu.memory_space<vmem>>, vector<1x16xi32>,
      %swap3A_188 = vector.shape_cast %swap3A_187 : vector<1x16xi32> to vector<16xi32>
      %swap3A_189 = vector.shape_cast %add3A_183 : vector<16xi32> to vector<1x16xi32>
      tpu.vector_store %arg6[%swap3A_185, %swap3A_186], %swap3A_189 {strides = array<i32>} : memref<4x128xi32, #tpu.memory_space<vmem>>, vector<1x16xi32>,
      %get3A_190 = arith.constant 0 : i32
      %get3A_191 = arith.constant 0 : i32
      %get3A_192 = arith.index_cast %get3A_190 : i32 to index
      %get3A_193 = arith.index_cast %get3A_191 : i32 to index
      %get3A_194 = arith.constant 80 : index
      %get3A_195 = tpu.vector_load %arg5[%get3A_192, %get3A_193, %get3A_194] {strides = array<i32>} : memref<4x2x128xi32, #tpu.memory_space<vmem>>, vector<1x1x16xi32>,
      %get3A_196 = vector.shape_cast %get3A_195 : vector<1x1x16xi32> to vector<16xi32>
      %add3A_197 = vector.broadcast %mul3A_14 : i32 to vector<16xi32>
      %add3A_198 = arith.addi %get3A_196, %add3A_197 : vector<16xi32>
      %swap3A_199 = arith.constant 0 : i32
      %swap3A_200 = arith.index_cast %swap3A_199 : i32 to index
      %swap3A_201 = arith.constant 80 : index
      %swap3A_202 = tpu.vector_load %arg6[%swap3A_200, %swap3A_201] {strides = array<i32>} : memref<4x128xi32, #tpu.memory_space<vmem>>, vector<1x16xi32>,
      %swap3A_203 = vector.shape_cast %swap3A_202 : vector<1x16xi32> to vector<16xi32>
      %swap3A_204 = vector.shape_cast %add3A_198 : vector<16xi32> to vector<1x16xi32>
      tpu.vector_store %arg6[%swap3A_200, %swap3A_201], %swap3A_204 {strides = array<i32>} : memref<4x128xi32, #tpu.memory_space<vmem>>, vector<1x16xi32>,
      %get3A_205 = arith.constant 0 : i32
      %get3A_206 = arith.constant 0 : i32
      %get3A_207 = arith.index_cast %get3A_205 : i32 to index
      %get3A_208 = arith.index_cast %get3A_206 : i32 to index
      %get3A_209 = arith.constant 96 : index
      %get3A_210 = tpu.vector_load %arg5[%get3A_207, %get3A_208, %get3A_209] {strides = array<i32>} : memref<4x2x128xi32, #tpu.memory_space<vmem>>, vector<1x1x16xi32>,
      %get3A_211 = vector.shape_cast %get3A_210 : vector<1x1x16xi32> to vector<16xi32>
      %add3A_212 = vector.broadcast %mul3A_14 : i32 to vector<16xi32>
      %add3A_213 = arith.addi %get3A_211, %add3A_212 : vector<16xi32>
      %swap3A_214 = arith.constant 0 : i32
      %swap3A_215 = arith.index_cast %swap3A_214 : i32 to index
      %swap3A_216 = arith.constant 96 : index
      %swap3A_217 = tpu.vector_load %arg6[%swap3A_215, %swap3A_216] {strides = array<i32>} : memref<4x128xi32, #tpu.memory_space<vmem>>, vector<1x16xi32>,
      %swap3A_218 = vector.shape_cast %swap3A_217 : vector<1x16xi32> to vector<16xi32>
      %swap3A_219 = vector.shape_cast %add3A_213 : vector<16xi32> to vector<1x16xi32>
      tpu.vector_store %arg6[%swap3A_215, %swap3A_216], %swap3A_219 {strides = array<i32>} : memref<4x128xi32, #tpu.memory_space<vmem>>, vector<1x16xi32>,
      %get3A_220 = arith.constant 0 : i32
      %get3A_221 = arith.constant 0 : i32
      %get3A_222 = arith.index_cast %get3A_220 : i32 to index
      %get3A_223 = arith.index_cast %get3A_221 : i32 to index
      %get3A_224 = arith.constant 112 : index
      %get3A_225 = tpu.vector_load %arg5[%get3A_222, %get3A_223, %get3A_224] {strides = array<i32>} : memref<4x2x128xi32, #tpu.memory_space<vmem>>, vector<1x1x16xi32>,
      %get3A_226 = vector.shape_cast %get3A_225 : vector<1x1x16xi32> to vector<16xi32>
      %add3A_227 = vector.broadcast %mul3A_14 : i32 to vector<16xi32>
      %add3A_228 = arith.addi %get3A_226, %add3A_227 : vector<16xi32>
      %swap3A_229 = arith.constant 0 : i32
      %swap3A_230 = arith.index_cast %swap3A_229 : i32 to index
      %swap3A_231 = arith.constant 112 : index
      %swap3A_232 = tpu.vector_load %arg6[%swap3A_230, %swap3A_231] {strides = array<i32>} : memref<4x128xi32, #tpu.memory_space<vmem>>, vector<1x16xi32>,
      %swap3A_233 = vector.shape_cast %swap3A_232 : vector<1x16xi32> to vector<16xi32>
      %swap3A_234 = vector.shape_cast %add3A_228 : vector<16xi32> to vector<1x16xi32>
      tpu.vector_store %arg6[%swap3A_230, %swap3A_231], %swap3A_234 {strides = array<i32>} : memref<4x128xi32, #tpu.memory_space<vmem>>, vector<1x16xi32>,
      %dma_start3A_235 = arith.constant 0 : i32
      %dma_start3A_236 = arith.constant 0 : i32
      %dma_start3A_237 = arith.constant 0 : i32
      %dma_start3A_238 = arith.constant 0 : i32
      %dma_start3A_239 = arith.constant 0 : i32
      %dma_start3A_240 = tpu.memref_slice %arg7[%dma_start3A_236, %dma_start3A_237, %dma_start3A_238, %dma_start3A_239] : memref<2x128x2x128xbf16, #tpu.memory_space<vmem>> -> memref<1x128x2x128xbf16, #tpu.memory_space<vmem>>
      %dma_start3A_241 = tpu.memref_squeeze %dma_start3A_240 : memref<1x128x2x128xbf16, #tpu.memory_space<vmem>> -> memref<128x2x128xbf16, #tpu.memory_space<vmem>>
      %dma_start3A_242 = arith.constant 0 : i32
      %dma_start3A_243 = tpu.memref_slice %arg6[%dma_start3A_235, %dma_start3A_242] : memref<4x128xi32, #tpu.memory_space<vmem>> -> memref<1x128xi32, #tpu.memory_space<vmem>>
      %dma_start3A_244 = tpu.memref_squeeze %dma_start3A_243 : memref<1x128xi32, #tpu.memory_space<vmem>> -> memref<128xi32, #tpu.memory_space<vmem>>
      %dma_start3A_245 = arith.constant 0 : i32
      %dma_start3A_246 = arith.constant 0 : i32
      %dma_start3A_247 = arith.constant 0 : i32
      %dma_start3A_248 = tpu.memref_slice %arg3[%dma_start3A_245, %dma_start3A_246, %dma_start3A_247] : memref<61440x2x128xbf16, #tpu.memory_space<hbm>> -> memref<61440x2x128xbf16, #tpu.memory_space<hbm>>
      tpu.enqueue_indirect_dma source(%dma_start3A_248 : memref<61440x2x128xbf16, #tpu.memory_space<hbm>>) target(%dma_start3A_241 : memref<128x2x128xbf16, #tpu.memory_space<vmem>>) offsets(%dma_start3A_244 : memref<128xi32, #tpu.memory_space<vmem>>) semaphore(%arg14 : memref<!tpu.dma_semaphore, #tpu.memory_space<semaphore_mem>>)
      %mul3A_249 = arith.constant 160 : i32
      %mul3A_250 = arith.muli %arg1, %mul3A_249 : i32
      %add3A_251 = arith.constant 3 : i32
      %add3A_252 = arith.addi %mul3A_250, %add3A_251 : i32
      %dma_start3A_253 = arith.constant 3 : i32
      %dma_start3A_254 = arith.constant 0 : i32
      %dma_start3A_255 = arith.constant 0 : i32
      %dma_start3A_256 = tpu.memref_slice %arg5[%dma_start3A_253, %dma_start3A_254, %dma_start3A_255] : memref<4x2x128xi32, #tpu.memory_space<vmem>> -> memref<1x2x128xi32, #tpu.memory_space<vmem>>
      %dma_start3A_257 = arith.constant 0 : i32
      %dma_start3A_258 = arith.constant 0 : i32
      %dma_start3A_259 = tpu.memref_slice %arg2[%add3A_252, %dma_start3A_257, %dma_start3A_258] : memref<2562x2x128xi32, #tpu.memory_space<hbm>> -> memref<1x2x128xi32, #tpu.memory_space<hbm>>
      %dma_start3A_260 = arith.constant 3 : i32
      %dma_start3A_261 = arith.constant 0 : i32
      %dma_start3A_262 = arith.constant 0 : i32
      %dma_start3A_263 = tpu.memref_slice %arg5[%dma_start3A_260, %dma_start3A_261, %dma_start3A_262] : memref<4x2x128xi32, #tpu.memory_space<vmem>> -> memref<1x2x128xi32, #tpu.memory_space<vmem>>
      %dma_start3A_264 = arith.constant 0 : i32
      %dma_start3A_265 = arith.constant 0 : i32
      %dma_start3A_266 = tpu.memref_slice %arg2[%add3A_252, %dma_start3A_264, %dma_start3A_265] : memref<2562x2x128xi32, #tpu.memory_space<hbm>> -> memref<1x2x128xi32, #tpu.memory_space<hbm>>
      tpu.enqueue_dma source(%dma_start3A_266 : memref<1x2x128xi32, #tpu.memory_space<hbm>>) target(%dma_start3A_263 : memref<1x2x128xi32, #tpu.memory_space<vmem>>) target_semaphore(%arg13 : memref<!tpu.dma_semaphore, #tpu.memory_space<semaphore_mem>>)
      %mul3A_267 = arith.constant 160 : i32
      %mul3A_268 = arith.muli %arg1, %mul3A_267 : i32
      %add3A_269 = arith.constant 1 : i32
      %add3A_270 = arith.addi %mul3A_268, %add3A_269 : i32
      %dma_wait3A_271 = arith.constant 1 : i32
      %dma_wait3A_272 = arith.constant 0 : i32
      %dma_wait3A_273 = arith.constant 0 : i32
      %dma_wait3A_274 = tpu.memref_slice %arg5[%dma_wait3A_271, %dma_wait3A_272, %dma_wait3A_273] : memref<4x2x128xi32, #tpu.memory_space<vmem>> -> memref<1x2x128xi32, #tpu.memory_space<vmem>>
      %dma_wait3A_275 = arith.constant 0 : i32
      %dma_wait3A_276 = arith.constant 0 : i32
      %dma_wait3A_277 = tpu.memref_slice %arg2[%add3A_270, %dma_wait3A_275, %dma_wait3A_276] : memref<2562x2x128xi32, #tpu.memory_space<hbm>> -> memref<1x2x128xi32, #tpu.memory_space<hbm>>
      %dma_wait3A_278 = arith.constant 1 : i32
      %dma_wait3A_279 = arith.constant 0 : i32
      %dma_wait3A_280 = arith.constant 0 : i32
      %dma_wait3A_281 = tpu.memref_slice %arg5[%dma_wait3A_278, %dma_wait3A_279, %dma_wait3A_280] : memref<4x2x128xi32, #tpu.memory_space<vmem>> -> memref<1x2x128xi32, #tpu.memory_space<vmem>>
      %dma_wait3A_282 = arith.constant 0 : i32
      %dma_wait3A_283 = arith.constant 0 : i32
      %dma_wait3A_284 = tpu.memref_slice %arg2[%add3A_270, %dma_wait3A_282, %dma_wait3A_283] : memref<2562x2x128xi32, #tpu.memory_space<hbm>> -> memref<1x2x128xi32, #tpu.memory_space<hbm>>
      tpu.wait_dma2 semaphore(%arg11 : memref<!tpu.dma_semaphore, #tpu.memory_space<semaphore_mem>>) src(%dma_wait3A_284 : memref<1x2x128xi32, #tpu.memory_space<hbm>>) dst(%dma_wait3A_281 : memref<1x2x128xi32, #tpu.memory_space<vmem>>)
      %get3A_285 = arith.constant 1 : i32
      %get3A_286 = arith.constant 0 : i32
      %get3A_287 = arith.index_cast %get3A_285 : i32 to index
      %get3A_288 = arith.index_cast %get3A_286 : i32 to index
      %get3A_289 = arith.constant 0 : index
      %get3A_290 = tpu.vector_load %arg5[%get3A_287, %get3A_288, %get3A_289] {strides = array<i32>} : memref<4x2x128xi32, #tpu.memory_space<vmem>>, vector<1x1x16xi32>,
      %get3A_291 = vector.shape_cast %get3A_290 : vector<1x1x16xi32> to vector<16xi32>
      %add3A_292 = vector.broadcast %mul3A_14 : i32 to vector<16xi32>
      %add3A_293 = arith.addi %get3A_291, %add3A_292 : vector<16xi32>
      %swap3A_294 = arith.constant 1 : i32
      %swap3A_295 = arith.index_cast %swap3A_294 : i32 to index
      %swap3A_296 = arith.constant 0 : index
      %swap3A_297 = tpu.vector_load %arg6[%swap3A_295, %swap3A_296] {strides = array<i32>} : memref<4x128xi32, #tpu.memory_space<vmem>>, vector<1x16xi32>,
      %swap3A_298 = vector.shape_cast %swap3A_297 : vector<1x16xi32> to vector<16xi32>
      %swap3A_299 = vector.shape_cast %add3A_293 : vector<16xi32> to vector<1x16xi32>
      tpu.vector_store %arg6[%swap3A_295, %swap3A_296], %swap3A_299 {strides = array<i32>} : memref<4x128xi32, #tpu.memory_space<vmem>>, vector<1x16xi32>,
      %get3A_300 = arith.constant 1 : i32
      %get3A_301 = arith.constant 0 : i32
      %get3A_302 = arith.index_cast %get3A_300 : i32 to index
      %get3A_303 = arith.index_cast %get3A_301 : i32 to index
      %get3A_304 = arith.constant 16 : index
      %get3A_305 = tpu.vector_load %arg5[%get3A_302, %get3A_303, %get3A_304] {strides = array<i32>} : memref<4x2x128xi32, #tpu.memory_space<vmem>>, vector<1x1x16xi32>,
      %get3A_306 = vector.shape_cast %get3A_305 : vector<1x1x16xi32> to vector<16xi32>
      %add3A_307 = vector.broadcast %mul3A_14 : i32 to vector<16xi32>
      %add3A_308 = arith.addi %get3A_306, %add3A_307 : vector<16xi32>
      %swap3A_309 = arith.constant 1 : i32
      %swap3A_310 = arith.index_cast %swap3A_309 : i32 to index
      %swap3A_311 = arith.constant 16 : index
      %swap3A_312 = tpu.vector_load %arg6[%swap3A_310, %swap3A_311] {strides = array<i32>} : memref<4x128xi32, #tpu.memory_space<vmem>>, vector<1x16xi32>,
      %swap3A_313 = vector.shape_cast %swap3A_312 : vector<1x16xi32> to vector<16xi32>
      %swap3A_314 = vector.shape_cast %add3A_308 : vector<16xi32> to vector<1x16xi32>
      tpu.vector_store %arg6[%swap3A_310, %swap3A_311], %swap3A_314 {strides = array<i32>} : memref<4x128xi32, #tpu.memory_space<vmem>>, vector<1x16xi32>,
      %get3A_315 = arith.constant 1 : i32
      %get3A_316 = arith.constant 0 : i32
      %get3A_317 = arith.index_cast %get3A_315 : i32 to index
      %get3A_318 = arith.index_cast %get3A_316 : i32 to index
      %get3A_319 = arith.constant 32 : index
      %get3A_320 = tpu.vector_load %arg5[%get3A_317, %get3A_318, %get3A_319] {strides = array<i32>} : memref<4x2x128xi32, #tpu.memory_space<vmem>>, vector<1x1x16xi32>,
      %get3A_321 = vector.shape_cast %get3A_320 : vector<1x1x16xi32> to vector<16xi32>
      %add3A_322 = vector.broadcast %mul3A_14 : i32 to vector<16xi32>
      %add3A_323 = arith.addi %get3A_321, %add3A_322 : vector<16xi32>
      %swap3A_324 = arith.constant 1 : i32
      %swap3A_325 = arith.index_cast %swap3A_324 : i32 to index
      %swap3A_326 = arith.constant 32 : index
      %swap3A_327 = tpu.vector_load %arg6[%swap3A_325, %swap3A_326] {strides = array<i32>} : memref<4x128xi32, #tpu.memory_space<vmem>>, vector<1x16xi32>,
      %swap3A_328 = vector.shape_cast %swap3A_327 : vector<1x16xi32> to vector<16xi32>
      %swap3A_329 = vector.shape_cast %add3A_323 : vector<16xi32> to vector<1x16xi32>
      tpu.vector_store %arg6[%swap3A_325, %swap3A_326], %swap3A_329 {strides = array<i32>} : memref<4x128xi32, #tpu.memory_space<vmem>>, vector<1x16xi32>,
      %get3A_330 = arith.constant 1 : i32
      %get3A_331 = arith.constant 0 : i32
      %get3A_332 = arith.index_cast %get3A_330 : i32 to index
      %get3A_333 = arith.index_cast %get3A_331 : i32 to index
      %get3A_334 = arith.constant 48 : index
      %get3A_335 = tpu.vector_load %arg5[%get3A_332, %get3A_333, %get3A_334] {strides = array<i32>} : memref<4x2x128xi32, #tpu.memory_space<vmem>>, vector<1x1x16xi32>,
      %get3A_336 = vector.shape_cast %get3A_335 : vector<1x1x16xi32> to vector<16xi32>
      %add3A_337 = vector.broadcast %mul3A_14 : i32 to vector<16xi32>
      %add3A_338 = arith.addi %get3A_336, %add3A_337 : vector<16xi32>
      %swap3A_339 = arith.constant 1 : i32
      %swap3A_340 = arith.index_cast %swap3A_339 : i32 to index
      %swap3A_341 = arith.constant 48 : index
      %swap3A_342 = tpu.vector_load %arg6[%swap3A_340, %swap3A_341] {strides = array<i32>} : memref<4x128xi32, #tpu.memory_space<vmem>>, vector<1x16xi32>,
      %swap3A_343 = vector.shape_cast %swap3A_342 : vector<1x16xi32> to vector<16xi32>
      %swap3A_344 = vector.shape_cast %add3A_338 : vector<16xi32> to vector<1x16xi32>
      tpu.vector_store %arg6[%swap3A_340, %swap3A_341], %swap3A_344 {strides = array<i32>} : memref<4x128xi32, #tpu.memory_space<vmem>>, vector<1x16xi32>,
      %get3A_345 = arith.constant 1 : i32
      %get3A_346 = arith.constant 0 : i32
      %get3A_347 = arith.index_cast %get3A_345 : i32 to index
      %get3A_348 = arith.index_cast %get3A_346 : i32 to index
      %get3A_349 = arith.constant 64 : index
      %get3A_350 = tpu.vector_load %arg5[%get3A_347, %get3A_348, %get3A_349] {strides = array<i32>} : memref<4x2x128xi32, #tpu.memory_space<vmem>>, vector<1x1x16xi32>,
      %get3A_351 = vector.shape_cast %get3A_350 : vector<1x1x16xi32> to vector<16xi32>
      %add3A_352 = vector.broadcast %mul3A_14 : i32 to vector<16xi32>
      %add3A_353 = arith.addi %get3A_351, %add3A_352 : vector<16xi32>
      %swap3A_354 = arith.constant 1 : i32
      %swap3A_355 = arith.index_cast %swap3A_354 : i32 to index
      %swap3A_356 = arith.constant 64 : index
      %swap3A_357 = tpu.vector_load %arg6[%swap3A_355, %swap3A_356] {strides = array<i32>} : memref<4x128xi32, #tpu.memory_space<vmem>>, vector<1x16xi32>,
      %swap3A_358 = vector.shape_cast %swap3A_357 : vector<1x16xi32> to vector<16xi32>
      %swap3A_359 = vector.shape_cast %add3A_353 : vector<16xi32> to vector<1x16xi32>
      tpu.vector_store %arg6[%swap3A_355, %swap3A_356], %swap3A_359 {strides = array<i32>} : memref<4x128xi32, #tpu.memory_space<vmem>>, vector<1x16xi32>,
      %get3A_360 = arith.constant 1 : i32
      %get3A_361 = arith.constant 0 : i32
      %get3A_362 = arith.index_cast %get3A_360 : i32 to index
      %get3A_363 = arith.index_cast %get3A_361 : i32 to index
      %get3A_364 = arith.constant 80 : index
      %get3A_365 = tpu.vector_load %arg5[%get3A_362, %get3A_363, %get3A_364] {strides = array<i32>} : memref<4x2x128xi32, #tpu.memory_space<vmem>>, vector<1x1x16xi32>,
      %get3A_366 = vector.shape_cast %get3A_365 : vector<1x1x16xi32> to vector<16xi32>
      %add3A_367 = vector.broadcast %mul3A_14 : i32 to vector<16xi32>
      %add3A_368 = arith.addi %get3A_366, %add3A_367 : vector<16xi32>
      %swap3A_369 = arith.constant 1 : i32
      %swap3A_370 = arith.index_cast %swap3A_369 : i32 to index
      %swap3A_371 = arith.constant 80 : index
      %swap3A_372 = tpu.vector_load %arg6[%swap3A_370, %swap3A_371] {strides = array<i32>} : memref<4x128xi32, #tpu.memory_space<vmem>>, vector<1x16xi32>,
      %swap3A_373 = vector.shape_cast %swap3A_372 : vector<1x16xi32> to vector<16xi32>
      %swap3A_374 = vector.shape_cast %add3A_368 : vector<16xi32> to vector<1x16xi32>
      tpu.vector_store %arg6[%swap3A_370, %swap3A_371], %swap3A_374 {strides = array<i32>} : memref<4x128xi32, #tpu.memory_space<vmem>>, vector<1x16xi32>,
      %get3A_375 = arith.constant 1 : i32
      %get3A_376 = arith.constant 0 : i32
      %get3A_377 = arith.index_cast %get3A_375 : i32 to index
      %get3A_378 = arith.index_cast %get3A_376 : i32 to index
      %get3A_379 = arith.constant 96 : index
      %get3A_380 = tpu.vector_load %arg5[%get3A_377, %get3A_378, %get3A_379] {strides = array<i32>} : memref<4x2x128xi32, #tpu.memory_space<vmem>>, vector<1x1x16xi32>,
      %get3A_381 = vector.shape_cast %get3A_380 : vector<1x1x16xi32> to vector<16xi32>
      %add3A_382 = vector.broadcast %mul3A_14 : i32 to vector<16xi32>
      %add3A_383 = arith.addi %get3A_381, %add3A_382 : vector<16xi32>
      %swap3A_384 = arith.constant 1 : i32
      %swap3A_385 = arith.index_cast %swap3A_384 : i32 to index
      %swap3A_386 = arith.constant 96 : index
      %swap3A_387 = tpu.vector_load %arg6[%swap3A_385, %swap3A_386] {strides = array<i32>} : memref<4x128xi32, #tpu.memory_space<vmem>>, vector<1x16xi32>,
      %swap3A_388 = vector.shape_cast %swap3A_387 : vector<1x16xi32> to vector<16xi32>
      %swap3A_389 = vector.shape_cast %add3A_383 : vector<16xi32> to vector<1x16xi32>
      tpu.vector_store %arg6[%swap3A_385, %swap3A_386], %swap3A_389 {strides = array<i32>} : memref<4x128xi32, #tpu.memory_space<vmem>>, vector<1x16xi32>,
      %get3A_390 = arith.constant 1 : i32
      %get3A_391 = arith.constant 0 : i32
      %get3A_392 = arith.index_cast %get3A_390 : i32 to index
      %get3A_393 = arith.index_cast %get3A_391 : i32 to index
      %get3A_394 = arith.constant 112 : index
      %get3A_395 = tpu.vector_load %arg5[%get3A_392, %get3A_393, %get3A_394] {strides = array<i32>} : memref<4x2x128xi32, #tpu.memory_space<vmem>>, vector<1x1x16xi32>,
      %get3A_396 = vector.shape_cast %get3A_395 : vector<1x1x16xi32> to vector<16xi32>
      %add3A_397 = vector.broadcast %mul3A_14 : i32 to vector<16xi32>
      %add3A_398 = arith.addi %get3A_396, %add3A_397 : vector<16xi32>
      %swap3A_399 = arith.constant 1 : i32
      %swap3A_400 = arith.index_cast %swap3A_399 : i32 to index
      %swap3A_401 = arith.constant 112 : index
      %swap3A_402 = tpu.vector_load %arg6[%swap3A_400, %swap3A_401] {strides = array<i32>} : memref<4x128xi32, #tpu.memory_space<vmem>>, vector<1x16xi32>,
      %swap3A_403 = vector.shape_cast %swap3A_402 : vector<1x16xi32> to vector<16xi32>
      %swap3A_404 = vector.shape_cast %add3A_398 : vector<16xi32> to vector<1x16xi32>
      tpu.vector_store %arg6[%swap3A_400, %swap3A_401], %swap3A_404 {strides = array<i32>} : memref<4x128xi32, #tpu.memory_space<vmem>>, vector<1x16xi32>,
      %dma_start3A_405 = arith.constant 1 : i32
      %dma_start3A_406 = arith.constant 1 : i32
      %dma_start3A_407 = arith.constant 0 : i32
      %dma_start3A_408 = arith.constant 0 : i32
      %dma_start3A_409 = arith.constant 0 : i32
      %dma_start3A_410 = tpu.memref_slice %arg7[%dma_start3A_406, %dma_start3A_407, %dma_start3A_408, %dma_start3A_409] : memref<2x128x2x128xbf16, #tpu.memory_space<vmem>> -> memref<1x128x2x128xbf16, #tpu.memory_space<vmem>>
      %dma_start3A_411 = tpu.memref_squeeze %dma_start3A_410 : memref<1x128x2x128xbf16, #tpu.memory_space<vmem>> -> memref<128x2x128xbf16, #tpu.memory_space<vmem>>
      %dma_start3A_412 = arith.constant 0 : i32
      %dma_start3A_413 = tpu.memref_slice %arg6[%dma_start3A_405, %dma_start3A_412] : memref<4x128xi32, #tpu.memory_space<vmem>> -> memref<1x128xi32, #tpu.memory_space<vmem>>
      %dma_start3A_414 = tpu.memref_squeeze %dma_start3A_413 : memref<1x128xi32, #tpu.memory_space<vmem>> -> memref<128xi32, #tpu.memory_space<vmem>>
      %dma_start3A_415 = arith.constant 0 : i32
      %dma_start3A_416 = arith.constant 0 : i32
      %dma_start3A_417 = arith.constant 0 : i32
      %dma_start3A_418 = tpu.memref_slice %arg3[%dma_start3A_415, %dma_start3A_416, %dma_start3A_417] : memref<61440x2x128xbf16, #tpu.memory_space<hbm>> -> memref<61440x2x128xbf16, #tpu.memory_space<hbm>>
      tpu.enqueue_indirect_dma source(%dma_start3A_418 : memref<61440x2x128xbf16, #tpu.memory_space<hbm>>) target(%dma_start3A_411 : memref<128x2x128xbf16, #tpu.memory_space<vmem>>) offsets(%dma_start3A_414 : memref<128xi32, #tpu.memory_space<vmem>>) semaphore(%arg15 : memref<!tpu.dma_semaphore, #tpu.memory_space<semaphore_mem>>)
      %dma_wait3A_419 = arith.constant 0 : i32
      %dma_wait3A_420 = arith.constant 0 : i32
      %dma_wait3A_421 = arith.constant 0 : i32
      %dma_wait3A_422 = arith.constant 0 : i32
      %dma_wait3A_423 = arith.constant 0 : i32
      %dma_wait3A_424 = tpu.memref_slice %arg7[%dma_wait3A_420, %dma_wait3A_421, %dma_wait3A_422, %dma_wait3A_423] : memref<2x128x2x128xbf16, #tpu.memory_space<vmem>> -> memref<1x128x2x128xbf16, #tpu.memory_space<vmem>>
      %dma_wait3A_425 = tpu.memref_squeeze %dma_wait3A_424 : memref<1x128x2x128xbf16, #tpu.memory_space<vmem>> -> memref<128x2x128xbf16, #tpu.memory_space<vmem>>
      %dma_wait3A_426 = arith.constant 0 : i32
      %dma_wait3A_427 = tpu.memref_slice %arg6[%dma_wait3A_419, %dma_wait3A_426] : memref<4x128xi32, #tpu.memory_space<vmem>> -> memref<1x128xi32, #tpu.memory_space<vmem>>
      %dma_wait3A_428 = tpu.memref_squeeze %dma_wait3A_427 : memref<1x128xi32, #tpu.memory_space<vmem>> -> memref<128xi32, #tpu.memory_space<vmem>>
      %dma_wait3A_429 = arith.constant 0 : i32
      %dma_wait3A_430 = arith.constant 0 : i32
      %dma_wait3A_431 = arith.constant 0 : i32
      %dma_wait3A_432 = tpu.memref_slice %arg3[%dma_wait3A_429, %dma_wait3A_430, %dma_wait3A_431] : memref<61440x2x128xbf16, #tpu.memory_space<hbm>> -> memref<61440x2x128xbf16, #tpu.memory_space<hbm>>
      tpu.wait_indirect_dma semaphore(%arg14 : memref<!tpu.dma_semaphore, #tpu.memory_space<semaphore_mem>>) src(%dma_wait3A_432 : memref<61440x2x128xbf16, #tpu.memory_space<hbm>>) dst(%dma_wait3A_425 : memref<128x2x128xbf16, #tpu.memory_space<vmem>>)
      %dma_start3A_433 = arith.constant 0 : i32
      %dma_start3A_434 = arith.constant 0 : i32
      %dma_start3A_435 = arith.constant 1 : i32
      %dma_start3A_436 = arith.constant 0 : i32
      %dma_start3A_437 = arith.constant 0 : i32
      %dma_start3A_438 = arith.constant 0 : i32
      %dma_start3A_439 = tpu.memref_slice %arg7[%dma_start3A_433, %dma_start3A_436, %dma_start3A_437, %dma_start3A_438] : memref<2x128x2x128xbf16, #tpu.memory_space<vmem>> -> memref<1x128x2x128xbf16, #tpu.memory_space<vmem>>
      %dma_start3A_440 = tpu.memref_squeeze %dma_start3A_439 : memref<1x128x2x128xbf16, #tpu.memory_space<vmem>> -> memref<128x2x128xbf16, #tpu.memory_space<vmem>>
      %dma_start3A_441 = arith.constant 0 : i32
      %dma_start3A_442 = tpu.memref_slice %arg5[%dma_start3A_434, %dma_start3A_435, %dma_start3A_441] : memref<4x2x128xi32, #tpu.memory_space<vmem>> -> memref<1x1x128xi32, #tpu.memory_space<vmem>>
      %dma_start3A_443 = tpu.memref_squeeze %dma_start3A_442 : memref<1x1x128xi32, #tpu.memory_space<vmem>> -> memref<128xi32, #tpu.memory_space<vmem>>
      %dma_start3A_444 = arith.constant 0 : i32
      %dma_start3A_445 = arith.constant 0 : i32
      %dma_start3A_446 = arith.constant 0 : i32
      %dma_start3A_447 = tpu.memref_slice %arg9[%dma_start3A_444, %dma_start3A_445, %dma_start3A_446] : memref<10240x2x128xbf16, #tpu.memory_space<vmem_shared>> -> memref<10240x2x128xbf16, #tpu.memory_space<vmem_shared>>
      tpu.enqueue_indirect_dma source(%dma_start3A_440 : memref<128x2x128xbf16, #tpu.memory_space<vmem>>) target(%dma_start3A_447 : memref<10240x2x128xbf16, #tpu.memory_space<vmem_shared>>) offsets(%dma_start3A_443 : memref<128xi32, #tpu.memory_space<vmem>>) semaphore(%arg16 : memref<!tpu.dma_semaphore, #tpu.memory_space<semaphore_mem>>) {add = true}
      %dma_wait3A_448 = arith.constant 0 : i32
      %dma_wait3A_449 = arith.constant 0 : i32
      %dma_wait3A_450 = arith.constant 1 : i32
      %dma_wait3A_451 = arith.constant 0 : i32
      %dma_wait3A_452 = arith.constant 0 : i32
      %dma_wait3A_453 = arith.constant 0 : i32
      %dma_wait3A_454 = tpu.memref_slice %arg7[%dma_wait3A_448, %dma_wait3A_451, %dma_wait3A_452, %dma_wait3A_453] : memref<2x128x2x128xbf16, #tpu.memory_space<vmem>> -> memref<1x128x2x128xbf16, #tpu.memory_space<vmem>>
      %dma_wait3A_455 = tpu.memref_squeeze %dma_wait3A_454 : memref<1x128x2x128xbf16, #tpu.memory_space<vmem>> -> memref<128x2x128xbf16, #tpu.memory_space<vmem>>
      %dma_wait3A_456 = arith.constant 0 : i32
      %dma_wait3A_457 = tpu.memref_slice %arg5[%dma_wait3A_449, %dma_wait3A_450, %dma_wait3A_456] : memref<4x2x128xi32, #tpu.memory_space<vmem>> -> memref<1x1x128xi32, #tpu.memory_space<vmem>>
      %dma_wait3A_458 = tpu.memref_squeeze %dma_wait3A_457 : memref<1x1x128xi32, #tpu.memory_space<vmem>> -> memref<128xi32, #tpu.memory_space<vmem>>
      %dma_wait3A_459 = arith.constant 0 : i32
      %dma_wait3A_460 = arith.constant 0 : i32
      %dma_wait3A_461 = arith.constant 0 : i32
      %dma_wait3A_462 = tpu.memref_slice %arg9[%dma_wait3A_459, %dma_wait3A_460, %dma_wait3A_461] : memref<10240x2x128xbf16, #tpu.memory_space<vmem_shared>> -> memref<10240x2x128xbf16, #tpu.memory_space<vmem_shared>>
      tpu.wait_indirect_dma semaphore(%arg16 : memref<!tpu.dma_semaphore, #tpu.memory_space<semaphore_mem>>) src(%dma_wait3A_455 : memref<128x2x128xbf16, #tpu.memory_space<vmem>>) dst(%dma_wait3A_462 : memref<10240x2x128xbf16, #tpu.memory_space<vmem_shared>>)
      %mul3A_463 = arith.constant 160 : i32
      %mul3A_464 = arith.muli %arg1, %mul3A_463 : i32
      %add3A_465 = arith.constant 4 : i32
      %add3A_466 = arith.addi %mul3A_464, %add3A_465 : i32
      %dma_start3A_467 = arith.constant 0 : i32
      %dma_start3A_468 = arith.constant 0 : i32
      %dma_start3A_469 = arith.constant 0 : i32
      %dma_start3A_470 = tpu.memref_slice %arg5[%dma_start3A_467, %dma_start3A_468, %dma_start3A_469] : memref<4x2x128xi32, #tpu.memory_space<vmem>> -> memref<1x2x128xi32, #tpu.memory_space<vmem>>
      %dma_start3A_471 = arith.constant 0 : i32
      %dma_start3A_472 = arith.constant 0 : i32
      %dma_start3A_473 = tpu.memref_slice %arg2[%add3A_466, %dma_start3A_471, %dma_start3A_472] : memref<2562x2x128xi32, #tpu.memory_space<hbm>> -> memref<1x2x128xi32, #tpu.memory_space<hbm>>
      %dma_start3A_474 = arith.constant 0 : i32
      %dma_start3A_475 = arith.constant 0 : i32
      %dma_start3A_476 = arith.constant 0 : i32
      %dma_start3A_477 = tpu.memref_slice %arg5[%dma_start3A_474, %dma_start3A_475, %dma_start3A_476] : memref<4x2x128xi32, #tpu.memory_space<vmem>> -> memref<1x2x128xi32, #tpu.memory_space<vmem>>
      %dma_start3A_478 = arith.constant 0 : i32
      %dma_start3A_479 = arith.constant 0 : i32
      %dma_start3A_480 = tpu.memref_slice %arg2[%add3A_466, %dma_start3A_478, %dma_start3A_479] : memref<2562x2x128xi32, #tpu.memory_space<hbm>> -> memref<1x2x128xi32, #tpu.memory_space<hbm>>
      tpu.enqueue_dma source(%dma_start3A_480 : memref<1x2x128xi32, #tpu.memory_space<hbm>>) target(%dma_start3A_477 : memref<1x2x128xi32, #tpu.memory_space<vmem>>) target_semaphore(%arg10 : memref<!tpu.dma_semaphore, #tpu.memory_space<semaphore_mem>>)
      %mul3A_481 = arith.constant 160 : i32
      %mul3A_482 = arith.muli %arg1, %mul3A_481 : i32
      %add3A_483 = arith.constant 2 : i32
      %add3A_484 = arith.addi %mul3A_482, %add3A_483 : i32
      %dma_wait3A_485 = arith.constant 2 : i32
      %dma_wait3A_486 = arith.constant 0 : i32
      %dma_wait3A_487 = arith.constant 0 : i32
      %dma_wait3A_488 = tpu.memref_slice %arg5[%dma_wait3A_485, %dma_wait3A_486, %dma_wait3A_487] : memref<4x2x128xi32, #tpu.memory_space<vmem>> -> memref<1x2x128xi32, #tpu.memory_space<vmem>>
      %dma_wait3A_489 = arith.constant 0 : i32
      %dma_wait3A_490 = arith.constant 0 : i32
      %dma_wait3A_491 = tpu.memref_slice %arg2[%add3A_484, %dma_wait3A_489, %dma_wait3A_490] : memref<2562x2x128xi32, #tpu.memory_space<hbm>> -> memref<1x2x128xi32, #tpu.memory_space<hbm>>
      %dma_wait3A_492 = arith.constant 2 : i32
      %dma_wait3A_493 = arith.constant 0 : i32
      %dma_wait3A_494 = arith.constant 0 : i32
      %dma_wait3A_495 = tpu.memref_slice %arg5[%dma_wait3A_492, %dma_wait3A_493, %dma_wait3A_494] : memref<4x2x128xi32, #tpu.memory_space<vmem>> -> memref<1x2x128xi32, #tpu.memory_space<vmem>>
      %dma_wait3A_496 = arith.constant 0 : i32
      %dma_wait3A_497 = arith.constant 0 : i32
      %dma_wait3A_498 = tpu.memref_slice %arg2[%add3A_484, %dma_wait3A_496, %dma_wait3A_497] : memref<2562x2x128xi32, #tpu.memory_space<hbm>> -> memref<1x2x128xi32, #tpu.memory_space<hbm>>
      tpu.wait_dma2 semaphore(%arg12 : memref<!tpu.dma_semaphore, #tpu.memory_space<semaphore_mem>>) src(%dma_wait3A_498 : memref<1x2x128xi32, #tpu.memory_space<hbm>>) dst(%dma_wait3A_495 : memref<1x2x128xi32, #tpu.memory_space<vmem>>)
      %get3A_499 = arith.constant 2 : i32
      %get3A_500 = arith.constant 0 : i32
      %get3A_501 = arith.index_cast %get3A_499 : i32 to index
      %get3A_502 = arith.index_cast %get3A_500 : i32 to index
      %get3A_503 = arith.constant 0 : index
      %get3A_504 = tpu.vector_load %arg5[%get3A_501, %get3A_502, %get3A_503] {strides = array<i32>} : memref<4x2x128xi32, #tpu.memory_space<vmem>>, vector<1x1x16xi32>,
      %get3A_505 = vector.shape_cast %get3A_504 : vector<1x1x16xi32> to vector<16xi32>
      %add3A_506 = vector.broadcast %mul3A_14 : i32 to vector<16xi32>
      %add3A_507 = arith.addi %get3A_505, %add3A_506 : vector<16xi32>
      %swap3A_508 = arith.constant 2 : i32
      %swap3A_509 = arith.index_cast %swap3A_508 : i32 to index
      %swap3A_510 = arith.constant 0 : index
      %swap3A_511 = tpu.vector_load %arg6[%swap3A_509, %swap3A_510] {strides = array<i32>} : memref<4x128xi32, #tpu.memory_space<vmem>>, vector<1x16xi32>,
      %swap3A_512 = vector.shape_cast %swap3A_511 : vector<1x16xi32> to vector<16xi32>
      %swap3A_513 = vector.shape_cast %add3A_507 : vector<16xi32> to vector<1x16xi32>
      tpu.vector_store %arg6[%swap3A_509, %swap3A_510], %swap3A_513 {strides = array<i32>} : memref<4x128xi32, #tpu.memory_space<vmem>>, vector<1x16xi32>,
      %get3A_514 = arith.constant 2 : i32
      %get3A_515 = arith.constant 0 : i32
      %get3A_516 = arith.index_cast %get3A_514 : i32 to index
      %get3A_517 = arith.index_cast %get3A_515 : i32 to index
      %get3A_518 = arith.constant 16 : index
      %get3A_519 = tpu.vector_load %arg5[%get3A_516, %get3A_517, %get3A_518] {strides = array<i32>} : memref<4x2x128xi32, #tpu.memory_space<vmem>>, vector<1x1x16xi32>,
      %get3A_520 = vector.shape_cast %get3A_519 : vector<1x1x16xi32> to vector<16xi32>
      %add3A_521 = vector.broadcast %mul3A_14 : i32 to vector<16xi32>
      %add3A_522 = arith.addi %get3A_520, %add3A_521 : vector<16xi32>
      %swap3A_523 = arith.constant 2 : i32
      %swap3A_524 = arith.index_cast %swap3A_523 : i32 to index
      %swap3A_525 = arith.constant 16 : index
      %swap3A_526 = tpu.vector_load %arg6[%swap3A_524, %swap3A_525] {strides = array<i32>} : memref<4x128xi32, #tpu.memory_space<vmem>>, vector<1x16xi32>,
      %swap3A_527 = vector.shape_cast %swap3A_526 : vector<1x16xi32> to vector<16xi32>
      %swap3A_528 = vector.shape_cast %add3A_522 : vector<16xi32> to vector<1x16xi32>
      tpu.vector_store %arg6[%swap3A_524, %swap3A_525], %swap3A_528 {strides = array<i32>} : memref<4x128xi32, #tpu.memory_space<vmem>>, vector<1x16xi32>,
      %get3A_529 = arith.constant 2 : i32
      %get3A_530 = arith.constant 0 : i32
      %get3A_531 = arith.index_cast %get3A_529 : i32 to index
      %get3A_532 = arith.index_cast %get3A_530 : i32 to index
      %get3A_533 = arith.constant 32 : index
      %get3A_534 = tpu.vector_load %arg5[%get3A_531, %get3A_532, %get3A_533] {strides = array<i32>} : memref<4x2x128xi32, #tpu.memory_space<vmem>>, vector<1x1x16xi32>,
      %get3A_535 = vector.shape_cast %get3A_534 : vector<1x1x16xi32> to vector<16xi32>
      %add3A_536 = vector.broadcast %mul3A_14 : i32 to vector<16xi32>
      %add3A_537 = arith.addi %get3A_535, %add3A_536 : vector<16xi32>
      %swap3A_538 = arith.constant 2 : i32
      %swap3A_539 = arith.index_cast %swap3A_538 : i32 to index
      %swap3A_540 = arith.constant 32 : index
      %swap3A_541 = tpu.vector_load %arg6[%swap3A_539, %swap3A_540] {strides = array<i32>} : memref<4x128xi32, #tpu.memory_space<vmem>>, vector<1x16xi32>,
      %swap3A_542 = vector.shape_cast %swap3A_541 : vector<1x16xi32> to vector<16xi32>
      %swap3A_543 = vector.shape_cast %add3A_537 : vector<16xi32> to vector<1x16xi32>
      tpu.vector_store %arg6[%swap3A_539, %swap3A_540], %swap3A_543 {strides = array<i32>} : memref<4x128xi32, #tpu.memory_space<vmem>>, vector<1x16xi32>,
      %get3A_544 = arith.constant 2 : i32
      %get3A_545 = arith.constant 0 : i32
      %get3A_546 = arith.index_cast %get3A_544 : i32 to index
      %get3A_547 = arith.index_cast %get3A_545 : i32 to index
      %get3A_548 = arith.constant 48 : index
      %get3A_549 = tpu.vector_load %arg5[%get3A_546, %get3A_547, %get3A_548] {strides = array<i32>} : memref<4x2x128xi32, #tpu.memory_space<vmem>>, vector<1x1x16xi32>,
      %get3A_550 = vector.shape_cast %get3A_549 : vector<1x1x16xi32> to vector<16xi32>
      %add3A_551 = vector.broadcast %mul3A_14 : i32 to vector<16xi32>
      %add3A_552 = arith.addi %get3A_550, %add3A_551 : vector<16xi32>
      %swap3A_553 = arith.constant 2 : i32
      %swap3A_554 = arith.index_cast %swap3A_553 : i32 to index
      %swap3A_555 = arith.constant 48 : index
      %swap3A_556 = tpu.vector_load %arg6[%swap3A_554, %swap3A_555] {strides = array<i32>} : memref<4x128xi32, #tpu.memory_space<vmem>>, vector<1x16xi32>,
      %swap3A_557 = vector.shape_cast %swap3A_556 : vector<1x16xi32> to vector<16xi32>
      %swap3A_558 = vector.shape_cast %add3A_552 : vector<16xi32> to vector<1x16xi32>
      tpu.vector_store %arg6[%swap3A_554, %swap3A_555], %swap3A_558 {strides = array<i32>} : memref<4x128xi32, #tpu.memory_space<vmem>>, vector<1x16xi32>,
      %get3A_559 = arith.constant 2 : i32
      %get3A_560 = arith.constant 0 : i32
      %get3A_561 = arith.index_cast %get3A_559 : i32 to index
      %get3A_562 = arith.index_cast %get3A_560 : i32 to index
      %get3A_563 = arith.constant 64 : index
      %get3A_564 = tpu.vector_load %arg5[%get3A_561, %get3A_562, %get3A_563] {strides = array<i32>} : memref<4x2x128xi32, #tpu.memory_space<vmem>>, vector<1x1x16xi32>,
      %get3A_565 = vector.shape_cast %get3A_564 : vector<1x1x16xi32> to vector<16xi32>
      %add3A_566 = vector.broadcast %mul3A_14 : i32 to vector<16xi32>
      %add3A_567 = arith.addi %get3A_565, %add3A_566 : vector<16xi32>
      %swap3A_568 = arith.constant 2 : i32
      %swap3A_569 = arith.index_cast %swap3A_568 : i32 to index
      %swap3A_570 = arith.constant 64 : index
      %swap3A_571 = tpu.vector_load %arg6[%swap3A_569, %swap3A_570] {strides = array<i32>} : memref<4x128xi32, #tpu.memory_space<vmem>>, vector<1x16xi32>,
      %swap3A_572 = vector.shape_cast %swap3A_571 : vector<1x16xi32> to vector<16xi32>
      %swap3A_573 = vector.shape_cast %add3A_567 : vector<16xi32> to vector<1x16xi32>
      tpu.vector_store %arg6[%swap3A_569, %swap3A_570], %swap3A_573 {strides = array<i32>} : memref<4x128xi32, #tpu.memory_space<vmem>>, vector<1x16xi32>,
      %get3A_574 = arith.constant 2 : i32
      %get3A_575 = arith.constant 0 : i32
      %get3A_576 = arith.index_cast %get3A_574 : i32 to index
      %get3A_577 = arith.index_cast %get3A_575 : i32 to index
      %get3A_578 = arith.constant 80 : index
      %get3A_579 = tpu.vector_load %arg5[%get3A_576, %get3A_577, %get3A_578] {strides = array<i32>} : memref<4x2x128xi32, #tpu.memory_space<vmem>>, vector<1x1x16xi32>,
      %get3A_580 = vector.shape_cast %get3A_579 : vector<1x1x16xi32> to vector<16xi32>
      %add3A_581 = vector.broadcast %mul3A_14 : i32 to vector<16xi32>
      %add3A_582 = arith.addi %get3A_580, %add3A_581 : vector<16xi32>
      %swap3A_583 = arith.constant 2 : i32
      %swap3A_584 = arith.index_cast %swap3A_583 : i32 to index
      %swap3A_585 = arith.constant 80 : index
      %swap3A_586 = tpu.vector_load %arg6[%swap3A_584, %swap3A_585] {strides = array<i32>} : memref<4x128xi32, #tpu.memory_space<vmem>>, vector<1x16xi32>,
      %swap3A_587 = vector.shape_cast %swap3A_586 : vector<1x16xi32> to vector<16xi32>
      %swap3A_588 = vector.shape_cast %add3A_582 : vector<16xi32> to vector<1x16xi32>
      tpu.vector_store %arg6[%swap3A_584, %swap3A_585], %swap3A_588 {strides = array<i32>} : memref<4x128xi32, #tpu.memory_space<vmem>>, vector<1x16xi32>,
      %get3A_589 = arith.constant 2 : i32
      %get3A_590 = arith.constant 0 : i32
      %get3A_591 = arith.index_cast %get3A_589 : i32 to index
      %get3A_592 = arith.index_cast %get3A_590 : i32 to index
      %get3A_593 = arith.constant 96 : index
      %get3A_594 = tpu.vector_load %arg5[%get3A_591, %get3A_592, %get3A_593] {strides = array<i32>} : memref<4x2x128xi32, #tpu.memory_space<vmem>>, vector<1x1x16xi32>,
      %get3A_595 = vector.shape_cast %get3A_594 : vector<1x1x16xi32> to vector<16xi32>
      %add3A_596 = vector.broadcast %mul3A_14 : i32 to vector<16xi32>
      %add3A_597 = arith.addi %get3A_595, %add3A_596 : vector<16xi32>
      %swap3A_598 = arith.constant 2 : i32
      %swap3A_599 = arith.index_cast %swap3A_598 : i32 to index
      %swap3A_600 = arith.constant 96 : index
      %swap3A_601 = tpu.vector_load %arg6[%swap3A_599, %swap3A_600] {strides = array<i32>} : memref<4x128xi32, #tpu.memory_space<vmem>>, vector<1x16xi32>,
      %swap3A_602 = vector.shape_cast %swap3A_601 : vector<1x16xi32> to vector<16xi32>
      %swap3A_603 = vector.shape_cast %add3A_597 : vector<16xi32> to vector<1x16xi32>
      tpu.vector_store %arg6[%swap3A_599, %swap3A_600], %swap3A_603 {strides = array<i32>} : memref<4x128xi32, #tpu.memory_space<vmem>>, vector<1x16xi32>,
      %get3A_604 = arith.constant 2 : i32
      %get3A_605 = arith.constant 0 : i32
      %get3A_606 = arith.index_cast %get3A_604 : i32 to index
      %get3A_607 = arith.index_cast %get3A_605 : i32 to index
      %get3A_608 = arith.constant 112 : index
      %get3A_609 = tpu.vector_load %arg5[%get3A_606, %get3A_607, %get3A_608] {strides = array<i32>} : memref<4x2x128xi32, #tpu.memory_space<vmem>>, vector<1x1x16xi32>,
      %get3A_610 = vector.shape_cast %get3A_609 : vector<1x1x16xi32> to vector<16xi32>
      %add3A_611 = vector.broadcast %mul3A_14 : i32 to vector<16xi32>
      %add3A_612 = arith.addi %get3A_610, %add3A_611 : vector<16xi32>
      %swap3A_613 = arith.constant 2 : i32
      %swap3A_614 = arith.index_cast %swap3A_613 : i32 to index
      %swap3A_615 = arith.constant 112 : index
      %swap3A_616 = tpu.vector_load %arg6[%swap3A_614, %swap3A_615] {strides = array<i32>} : memref<4x128xi32, #tpu.memory_space<vmem>>, vector<1x16xi32>,
      %swap3A_617 = vector.shape_cast %swap3A_616 : vector<1x16xi32> to vector<16xi32>
      %swap3A_618 = vector.shape_cast %add3A_612 : vector<16xi32> to vector<1x16xi32>
      tpu.vector_store %arg6[%swap3A_614, %swap3A_615], %swap3A_618 {strides = array<i32>} : memref<4x128xi32, #tpu.memory_space<vmem>>, vector<1x16xi32>,
      %dma_start3A_619 = arith.constant 2 : i32
      %dma_start3A_620 = arith.constant 0 : i32
      %dma_start3A_621 = arith.constant 0 : i32
      %dma_start3A_622 = arith.constant 0 : i32
      %dma_start3A_623 = arith.constant 0 : i32
      %dma_start3A_624 = tpu.memref_slice %arg7[%dma_start3A_620, %dma_start3A_621, %dma_start3A_622, %dma_start3A_623] : memref<2x128x2x128xbf16, #tpu.memory_space<vmem>> -> memref<1x128x2x128xbf16, #tpu.memory_space<vmem>>
      %dma_start3A_625 = tpu.memref_squeeze %dma_start3A_624 : memref<1x128x2x128xbf16, #tpu.memory_space<vmem>> -> memref<128x2x128xbf16, #tpu.memory_space<vmem>>
      %dma_start3A_626 = arith.constant 0 : i32
      %dma_start3A_627 = tpu.memref_slice %arg6[%dma_start3A_619, %dma_start3A_626] : memref<4x128xi32, #tpu.memory_space<vmem>> -> memref<1x128xi32, #tpu.memory_space<vmem>>
      %dma_start3A_628 = tpu.memref_squeeze %dma_start3A_627 : memref<1x128xi32, #tpu.memory_space<vmem>> -> memref<128xi32, #tpu.memory_space<vmem>>
      %dma_start3A_629 = arith.constant 0 : i32
      %dma_start3A_630 = arith.constant 0 : i32
      %dma_start3A_631 = arith.constant 0 : i32
      %dma_start3A_632 = tpu.memref_slice %arg3[%dma_start3A_629, %dma_start3A_630, %dma_start3A_631] : memref<61440x2x128xbf16, #tpu.memory_space<hbm>> -> memref<61440x2x128xbf16, #tpu.memory_space<hbm>>
      tpu.enqueue_indirect_dma source(%dma_start3A_632 : memref<61440x2x128xbf16, #tpu.memory_space<hbm>>) target(%dma_start3A_625 : memref<128x2x128xbf16, #tpu.memory_space<vmem>>) offsets(%dma_start3A_628 : memref<128xi32, #tpu.memory_space<vmem>>) semaphore(%arg14 : memref<!tpu.dma_semaphore, #tpu.memory_space<semaphore_mem>>)
      %dma_wait3A_633 = arith.constant 1 : i32
      %dma_wait3A_634 = arith.constant 1 : i32
      %dma_wait3A_635 = arith.constant 0 : i32
      %dma_wait3A_636 = arith.constant 0 : i32
      %dma_wait3A_637 = arith.constant 0 : i32
      %dma_wait3A_638 = tpu.memref_slice %arg7[%dma_wait3A_634, %dma_wait3A_635, %dma_wait3A_636, %dma_wait3A_637] : memref<2x128x2x128xbf16, #tpu.memory_space<vmem>> -> memref<1x128x2x128xbf16, #tpu.memory_space<vmem>>
      %dma_wait3A_639 = tpu.memref_squeeze %dma_wait3A_638 : memref<1x128x2x128xbf16, #tpu.memory_space<vmem>> -> memref<128x2x128xbf16, #tpu.memory_space<vmem>>
      %dma_wait3A_640 = arith.constant 0 : i32
      %dma_wait3A_641 = tpu.memref_slice %arg6[%dma_wait3A_633, %dma_wait3A_640] : memref<4x128xi32, #tpu.memory_space<vmem>> -> memref<1x128xi32, #tpu.memory_space<vmem>>
      %dma_wait3A_642 = tpu.memref_squeeze %dma_wait3A_641 : memref<1x128xi32, #tpu.memory_space<vmem>> -> memref<128xi32, #tpu.memory_space<vmem>>
      %dma_wait3A_643 = arith.constant 0 : i32
      %dma_wait3A_644 = arith.constant 0 : i32
      %dma_wait3A_645 = arith.constant 0 : i32
      %dma_wait3A_646 = tpu.memref_slice %arg3[%dma_wait3A_643, %dma_wait3A_644, %dma_wait3A_645] : memref<61440x2x128xbf16, #tpu.memory_space<hbm>> -> memref<61440x2x128xbf16, #tpu.memory_space<hbm>>
      tpu.wait_indirect_dma semaphore(%arg15 : memref<!tpu.dma_semaphore, #tpu.memory_space<semaphore_mem>>) src(%dma_wait3A_646 : memref<61440x2x128xbf16, #tpu.memory_space<hbm>>) dst(%dma_wait3A_639 : memref<128x2x128xbf16, #tpu.memory_space<vmem>>)
      %dma_start3A_647 = arith.constant 1 : i32
      %dma_start3A_648 = arith.constant 1 : i32
      %dma_start3A_649 = arith.constant 1 : i32
      %dma_start3A_650 = arith.constant 0 : i32
      %dma_start3A_651 = arith.constant 0 : i32
      %dma_start3A_652 = arith.constant 0 : i32
      %dma_start3A_653 = tpu.memref_slice %arg7[%dma_start3A_647, %dma_start3A_650, %dma_start3A_651, %dma_start3A_652] : memref<2x128x2x128xbf16, #tpu.memory_space<vmem>> -> memref<1x128x2x128xbf16, #tpu.memory_space<vmem>>
      %dma_start3A_654 = tpu.memref_squeeze %dma_start3A_653 : memref<1x128x2x128xbf16, #tpu.memory_space<vmem>> -> memref<128x2x128xbf16, #tpu.memory_space<vmem>>
      %dma_start3A_655 = arith.constant 0 : i32
      %dma_start3A_656 = tpu.memref_slice %arg5[%dma_start3A_648, %dma_start3A_649, %dma_start3A_655] : memref<4x2x128xi32, #tpu.memory_space<vmem>> -> memref<1x1x128xi32, #tpu.memory_space<vmem>>
      %dma_start3A_657 = tpu.memref_squeeze %dma_start3A_656 : memref<1x1x128xi32, #tpu.memory_space<vmem>> -> memref<128xi32, #tpu.memory_space<vmem>>
      %dma_start3A_658 = arith.constant 0 : i32
      %dma_start3A_659 = arith.constant 0 : i32
      %dma_start3A_660 = arith.constant 0 : i32
      %dma_start3A_661 = tpu.memref_slice %arg9[%dma_start3A_658, %dma_start3A_659, %dma_start3A_660] : memref<10240x2x128xbf16, #tpu.memory_space<vmem_shared>> -> memref<10240x2x128xbf16, #tpu.memory_space<vmem_shared>>
      tpu.enqueue_indirect_dma source(%dma_start3A_654 : memref<128x2x128xbf16, #tpu.memory_space<vmem>>) target(%dma_start3A_661 : memref<10240x2x128xbf16, #tpu.memory_space<vmem_shared>>) offsets(%dma_start3A_657 : memref<128xi32, #tpu.memory_space<vmem>>) semaphore(%arg17 : memref<!tpu.dma_semaphore, #tpu.memory_space<semaphore_mem>>) {add = true}
      %dma_wait3A_662 = arith.constant 1 : i32
      %dma_wait3A_663 = arith.constant 1 : i32
      %dma_wait3A_664 = arith.constant 1 : i32
      %dma_wait3A_665 = arith.constant 0 : i32
      %dma_wait3A_666 = arith.constant 0 : i32
      %dma_wait3A_667 = arith.constant 0 : i32
      %dma_wait3A_668 = tpu.memref_slice %arg7[%dma_wait3A_662, %dma_wait3A_665, %dma_wait3A_666, %dma_wait3A_667] : memref<2x128x2x128xbf16, #tpu.memory_space<vmem>> -> memref<1x128x2x128xbf16, #tpu.memory_space<vmem>>
      %dma_wait3A_669 = tpu.memref_squeeze %dma_wait3A_668 : memref<1x128x2x128xbf16, #tpu.memory_space<vmem>> -> memref<128x2x128xbf16, #tpu.memory_space<vmem>>
      %dma_wait3A_670 = arith.constant 0 : i32
      %dma_wait3A_671 = tpu.memref_slice %arg5[%dma_wait3A_663, %dma_wait3A_664, %dma_wait3A_670] : memref<4x2x128xi32, #tpu.memory_space<vmem>> -> memref<1x1x128xi32, #tpu.memory_space<vmem>>
      %dma_wait3A_672 = tpu.memref_squeeze %dma_wait3A_671 : memref<1x1x128xi32, #tpu.memory_space<vmem>> -> memref<128xi32, #tpu.memory_space<vmem>>
      %dma_wait3A_673 = arith.constant 0 : i32
      %dma_wait3A_674 = arith.constant 0 : i32
      %dma_wait3A_675 = arith.constant 0 : i32
      %dma_wait3A_676 = tpu.memref_slice %arg9[%dma_wait3A_673, %dma_wait3A_674, %dma_wait3A_675] : memref<10240x2x128xbf16, #tpu.memory_space<vmem_shared>> -> memref<10240x2x128xbf16, #tpu.memory_space<vmem_shared>>
      tpu.wait_indirect_dma semaphore(%arg17 : memref<!tpu.dma_semaphore, #tpu.memory_space<semaphore_mem>>) src(%dma_wait3A_669 : memref<128x2x128xbf16, #tpu.memory_space<vmem>>) dst(%dma_wait3A_676 : memref<10240x2x128xbf16, #tpu.memory_space<vmem_shared>>)
      %mul3A_677 = arith.constant 160 : i32
      %mul3A_678 = arith.muli %arg1, %mul3A_677 : i32
      %add3A_679 = arith.constant 5 : i32
      %add3A_680 = arith.addi %mul3A_678, %add3A_679 : i32
      %dma_start3A_681 = arith.constant 1 : i32
      %dma_start3A_682 = arith.constant 0 : i32
      %dma_start3A_683 = arith.constant 0 : i32
      %dma_start3A_684 = tpu.memref_slice %arg5[%dma_start3A_681, %dma_start3A_682, %dma_start3A_683] : memref<4x2x128xi32, #tpu.memory_space<vmem>> -> memref<1x2x128xi32, #tpu.memory_space<vmem>>
      %dma_start3A_685 = arith.constant 0 : i32
      %dma_start3A_686 = arith.constant 0 : i32
      %dma_start3A_687 = tpu.memref_slice %arg2[%add3A_680, %dma_start3A_685, %dma_start3A_686] : memref<2562x2x128xi32, #tpu.memory_space<hbm>> -> memref<1x2x128xi32, #tpu.memory_space<hbm>>
      %dma_start3A_688 = arith.constant 1 : i32
      %dma_start3A_689 = arith.constant 0 : i32
      %dma_start3A_690 = arith.constant 0 : i32
      %dma_start3A_691 = tpu.memref_slice %arg5[%dma_start3A_688, %dma_start3A_689, %dma_start3A_690] : memref<4x2x128xi32, #tpu.memory_space<vmem>> -> memref<1x2x128xi32, #tpu.memory_space<vmem>>
      %dma_start3A_692 = arith.constant 0 : i32
      %dma_start3A_693 = arith.constant 0 : i32
      %dma_start3A_694 = tpu.memref_slice %arg2[%add3A_680, %dma_start3A_692, %dma_start3A_693] : memref<2562x2x128xi32, #tpu.memory_space<hbm>> -> memref<1x2x128xi32, #tpu.memory_space<hbm>>
      tpu.enqueue_dma source(%dma_start3A_694 : memref<1x2x128xi32, #tpu.memory_space<hbm>>) target(%dma_start3A_691 : memref<1x2x128xi32, #tpu.memory_space<vmem>>) target_semaphore(%arg11 : memref<!tpu.dma_semaphore, #tpu.memory_space<semaphore_mem>>)
      %mul3A_695 = arith.constant 160 : i32
      %mul3A_696 = arith.muli %arg1, %mul3A_695 : i32
      %add3A_697 = arith.constant 3 : i32
      %add3A_698 = arith.addi %mul3A_696, %add3A_697 : i32
      %dma_wait3A_699 = arith.constant 3 : i32
      %dma_wait3A_700 = arith.constant 0 : i32
      %dma_wait3A_701 = arith.constant 0 : i32
      %dma_wait3A_702 = tpu.memref_slice %arg5[%dma_wait3A_699, %dma_wait3A_700, %dma_wait3A_701] : memref<4x2x128xi32, #tpu.memory_space<vmem>> -> memref<1x2x128xi32, #tpu.memory_space<vmem>>
      %dma_wait3A_703 = arith.constant 0 : i32
      %dma_wait3A_704 = arith.constant 0 : i32
      %dma_wait3A_705 = tpu.memref_slice %arg2[%add3A_698, %dma_wait3A_703, %dma_wait3A_704] : memref<2562x2x128xi32, #tpu.memory_space<hbm>> -> memref<1x2x128xi32, #tpu.memory_space<hbm>>
      %dma_wait3A_706 = arith.constant 3 : i32
      %dma_wait3A_707 = arith.constant 0 : i32
      %dma_wait3A_708 = arith.constant 0 : i32
      %dma_wait3A_709 = tpu.memref_slice %arg5[%dma_wait3A_706, %dma_wait3A_707, %dma_wait3A_708] : memref<4x2x128xi32, #tpu.memory_space<vmem>> -> memref<1x2x128xi32, #tpu.memory_space<vmem>>
      %dma_wait3A_710 = arith.constant 0 : i32
      %dma_wait3A_711 = arith.constant 0 : i32
      %dma_wait3A_712 = tpu.memref_slice %arg2[%add3A_698, %dma_wait3A_710, %dma_wait3A_711] : memref<2562x2x128xi32, #tpu.memory_space<hbm>> -> memref<1x2x128xi32, #tpu.memory_space<hbm>>
      tpu.wait_dma2 semaphore(%arg13 : memref<!tpu.dma_semaphore, #tpu.memory_space<semaphore_mem>>) src(%dma_wait3A_712 : memref<1x2x128xi32, #tpu.memory_space<hbm>>) dst(%dma_wait3A_709 : memref<1x2x128xi32, #tpu.memory_space<vmem>>)
      %get3A_713 = arith.constant 3 : i32
      %get3A_714 = arith.constant 0 : i32
      %get3A_715 = arith.index_cast %get3A_713 : i32 to index
      %get3A_716 = arith.index_cast %get3A_714 : i32 to index
      %get3A_717 = arith.constant 0 : index
      %get3A_718 = tpu.vector_load %arg5[%get3A_715, %get3A_716, %get3A_717] {strides = array<i32>} : memref<4x2x128xi32, #tpu.memory_space<vmem>>, vector<1x1x16xi32>,
      %get3A_719 = vector.shape_cast %get3A_718 : vector<1x1x16xi32> to vector<16xi32>
      %add3A_720 = vector.broadcast %mul3A_14 : i32 to vector<16xi32>
      %add3A_721 = arith.addi %get3A_719, %add3A_720 : vector<16xi32>
      %swap3A_722 = arith.constant 3 : i32
      %swap3A_723 = arith.index_cast %swap3A_722 : i32 to index
      %swap3A_724 = arith.constant 0 : index
      %swap3A_725 = tpu.vector_load %arg6[%swap3A_723, %swap3A_724] {strides = array<i32>} : memref<4x128xi32, #tpu.memory_space<vmem>>, vector<1x16xi32>,
      %swap3A_726 = vector.shape_cast %swap3A_725 : vector<1x16xi32> to vector<16xi32>
      %swap3A_727 = vector.shape_cast %add3A_721 : vector<16xi32> to vector<1x16xi32>
      tpu.vector_store %arg6[%swap3A_723, %swap3A_724], %swap3A_727 {strides = array<i32>} : memref<4x128xi32, #tpu.memory_space<vmem>>, vector<1x16xi32>,
      %get3A_728 = arith.constant 3 : i32
      %get3A_729 = arith.constant 0 : i32
      %get3A_730 = arith.index_cast %get3A_728 : i32 to index
      %get3A_731 = arith.index_cast %get3A_729 : i32 to index
      %get3A_732 = arith.constant 16 : index
      %get3A_733 = tpu.vector_load %arg5[%get3A_730, %get3A_731, %get3A_732] {strides = array<i32>} : memref<4x2x128xi32, #tpu.memory_space<vmem>>, vector<1x1x16xi32>,
      %get3A_734 = vector.shape_cast %get3A_733 : vector<1x1x16xi32> to vector<16xi32>
      %add3A_735 = vector.broadcast %mul3A_14 : i32 to vector<16xi32>
      %add3A_736 = arith.addi %get3A_734, %add3A_735 : vector<16xi32>
      %swap3A_737 = arith.constant 3 : i32
      %swap3A_738 = arith.index_cast %swap3A_737 : i32 to index
      %swap3A_739 = arith.constant 16 : index
      %swap3A_740 = tpu.vector_load %arg6[%swap3A_738, %swap3A_739] {strides = array<i32>} : memref<4x128xi32, #tpu.memory_space<vmem>>, vector<1x16xi32>,
      %swap3A_741 = vector.shape_cast %swap3A_740 : vector<1x16xi32> to vector<16xi32>
      %swap3A_742 = vector.shape_cast %add3A_736 : vector<16xi32> to vector<1x16xi32>
      tpu.vector_store %arg6[%swap3A_738, %swap3A_739], %swap3A_742 {strides = array<i32>} : memref<4x128xi32, #tpu.memory_space<vmem>>, vector<1x16xi32>,
      %get3A_743 = arith.constant 3 : i32
      %get3A_744 = arith.constant 0 : i32
      %get3A_745 = arith.index_cast %get3A_743 : i32 to index
      %get3A_746 = arith.index_cast %get3A_744 : i32 to index
      %get3A_747 = arith.constant 32 : index
      %get3A_748 = tpu.vector_load %arg5[%get3A_745, %get3A_746, %get3A_747] {strides = array<i32>} : memref<4x2x128xi32, #tpu.memory_space<vmem>>, vector<1x1x16xi32>,
      %get3A_749 = vector.shape_cast %get3A_748 : vector<1x1x16xi32> to vector<16xi32>
      %add3A_750 = vector.broadcast %mul3A_14 : i32 to vector<16xi32>
      %add3A_751 = arith.addi %get3A_749, %add3A_750 : vector<16xi32>
      %swap3A_752 = arith.constant 3 : i32
      %swap3A_753 = arith.index_cast %swap3A_752 : i32 to index
      %swap3A_754 = arith.constant 32 : index
      %swap3A_755 = tpu.vector_load %arg6[%swap3A_753, %swap3A_754] {strides = array<i32>} : memref<4x128xi32, #tpu.memory_space<vmem>>, vector<1x16xi32>,
      %swap3A_756 = vector.shape_cast %swap3A_755 : vector<1x16xi32> to vector<16xi32>
      %swap3A_757 = vector.shape_cast %add3A_751 : vector<16xi32> to vector<1x16xi32>
      tpu.vector_store %arg6[%swap3A_753, %swap3A_754], %swap3A_757 {strides = array<i32>} : memref<4x128xi32, #tpu.memory_space<vmem>>, vector<1x16xi32>,
      %get3A_758 = arith.constant 3 : i32
      %get3A_759 = arith.constant 0 : i32
      %get3A_760 = arith.index_cast %get3A_758 : i32 to index
      %get3A_761 = arith.index_cast %get3A_759 : i32 to index
      %get3A_762 = arith.constant 48 : index
      %get3A_763 = tpu.vector_load %arg5[%get3A_760, %get3A_761, %get3A_762] {strides = array<i32>} : memref<4x2x128xi32, #tpu.memory_space<vmem>>, vector<1x1x16xi32>,
      %get3A_764 = vector.shape_cast %get3A_763 : vector<1x1x16xi32> to vector<16xi32>
      %add3A_765 = vector.broadcast %mul3A_14 : i32 to vector<16xi32>
      %add3A_766 = arith.addi %get3A_764, %add3A_765 : vector<16xi32>
      %swap3A_767 = arith.constant 3 : i32
      %swap3A_768 = arith.index_cast %swap3A_767 : i32 to index
      %swap3A_769 = arith.constant 48 : index
      %swap3A_770 = tpu.vector_load %arg6[%swap3A_768, %swap3A_769] {strides = array<i32>} : memref<4x128xi32, #tpu.memory_space<vmem>>, vector<1x16xi32>,
      %swap3A_771 = vector.shape_cast %swap3A_770 : vector<1x16xi32> to vector<16xi32>
      %swap3A_772 = vector.shape_cast %add3A_766 : vector<16xi32> to vector<1x16xi32>
      tpu.vector_store %arg6[%swap3A_768, %swap3A_769], %swap3A_772 {strides = array<i32>} : memref<4x128xi32, #tpu.memory_space<vmem>>, vector<1x16xi32>,
      %get3A_773 = arith.constant 3 : i32
      %get3A_774 = arith.constant 0 : i32
      %get3A_775 = arith.index_cast %get3A_773 : i32 to index
      %get3A_776 = arith.index_cast %get3A_774 : i32 to index
      %get3A_777 = arith.constant 64 : index
      %get3A_778 = tpu.vector_load %arg5[%get3A_775, %get3A_776, %get3A_777] {strides = array<i32>} : memref<4x2x128xi32, #tpu.memory_space<vmem>>, vector<1x1x16xi32>,
      %get3A_779 = vector.shape_cast %get3A_778 : vector<1x1x16xi32> to vector<16xi32>
      %add3A_780 = vector.broadcast %mul3A_14 : i32 to vector<16xi32>
      %add3A_781 = arith.addi %get3A_779, %add3A_780 : vector<16xi32>
      %swap3A_782 = arith.constant 3 : i32
      %swap3A_783 = arith.index_cast %swap3A_782 : i32 to index
      %swap3A_784 = arith.constant 64 : index
      %swap3A_785 = tpu.vector_load %arg6[%swap3A_783, %swap3A_784] {strides = array<i32>} : memref<4x128xi32, #tpu.memory_space<vmem>>, vector<1x16xi32>,
      %swap3A_786 = vector.shape_cast %swap3A_785 : vector<1x16xi32> to vector<16xi32>
      %swap3A_787 = vector.shape_cast %add3A_781 : vector<16xi32> to vector<1x16xi32>
      tpu.vector_store %arg6[%swap3A_783, %swap3A_784], %swap3A_787 {strides = array<i32>} : memref<4x128xi32, #tpu.memory_space<vmem>>, vector<1x16xi32>,
      %get3A_788 = arith.constant 3 : i32
      %get3A_789 = arith.constant 0 : i32
      %get3A_790 = arith.index_cast %get3A_788 : i32 to index
      %get3A_791 = arith.index_cast %get3A_789 : i32 to index
      %get3A_792 = arith.constant 80 : index
      %get3A_793 = tpu.vector_load %arg5[%get3A_790, %get3A_791, %get3A_792] {strides = array<i32>} : memref<4x2x128xi32, #tpu.memory_space<vmem>>, vector<1x1x16xi32>,
      %get3A_794 = vector.shape_cast %get3A_793 : vector<1x1x16xi32> to vector<16xi32>
      %add3A_795 = vector.broadcast %mul3A_14 : i32 to vector<16xi32>
      %add3A_796 = arith.addi %get3A_794, %add3A_795 : vector<16xi32>
      %swap3A_797 = arith.constant 3 : i32
      %swap3A_798 = arith.index_cast %swap3A_797 : i32 to index
      %swap3A_799 = arith.constant 80 : index
      %swap3A_800 = tpu.vector_load %arg6[%swap3A_798, %swap3A_799] {strides = array<i32>} : memref<4x128xi32, #tpu.memory_space<vmem>>, vector<1x16xi32>,
      %swap3A_801 = vector.shape_cast %swap3A_800 : vector<1x16xi32> to vector<16xi32>
      %swap3A_802 = vector.shape_cast %add3A_796 : vector<16xi32> to vector<1x16xi32>
      tpu.vector_store %arg6[%swap3A_798, %swap3A_799], %swap3A_802 {strides = array<i32>} : memref<4x128xi32, #tpu.memory_space<vmem>>, vector<1x16xi32>,
      %get3A_803 = arith.constant 3 : i32
      %get3A_804 = arith.constant 0 : i32
      %get3A_805 = arith.index_cast %get3A_803 : i32 to index
      %get3A_806 = arith.index_cast %get3A_804 : i32 to index
      %get3A_807 = arith.constant 96 : index
      %get3A_808 = tpu.vector_load %arg5[%get3A_805, %get3A_806, %get3A_807] {strides = array<i32>} : memref<4x2x128xi32, #tpu.memory_space<vmem>>, vector<1x1x16xi32>,
      %get3A_809 = vector.shape_cast %get3A_808 : vector<1x1x16xi32> to vector<16xi32>
      %add3A_810 = vector.broadcast %mul3A_14 : i32 to vector<16xi32>
      %add3A_811 = arith.addi %get3A_809, %add3A_810 : vector<16xi32>
      %swap3A_812 = arith.constant 3 : i32
      %swap3A_813 = arith.index_cast %swap3A_812 : i32 to index
      %swap3A_814 = arith.constant 96 : index
      %swap3A_815 = tpu.vector_load %arg6[%swap3A_813, %swap3A_814] {strides = array<i32>} : memref<4x128xi32, #tpu.memory_space<vmem>>, vector<1x16xi32>,
      %swap3A_816 = vector.shape_cast %swap3A_815 : vector<1x16xi32> to vector<16xi32>
      %swap3A_817 = vector.shape_cast %add3A_811 : vector<16xi32> to vector<1x16xi32>
      tpu.vector_store %arg6[%swap3A_813, %swap3A_814], %swap3A_817 {strides = array<i32>} : memref<4x128xi32, #tpu.memory_space<vmem>>, vector<1x16xi32>,
      %get3A_818 = arith.constant 3 : i32
      %get3A_819 = arith.constant 0 : i32
      %get3A_820 = arith.index_cast %get3A_818 : i32 to index
      %get3A_821 = arith.index_cast %get3A_819 : i32 to index
      %get3A_822 = arith.constant 112 : index
      %get3A_823 = tpu.vector_load %arg5[%get3A_820, %get3A_821, %get3A_822] {strides = array<i32>} : memref<4x2x128xi32, #tpu.memory_space<vmem>>, vector<1x1x16xi32>,
      %get3A_824 = vector.shape_cast %get3A_823 : vector<1x1x16xi32> to vector<16xi32>
      %add3A_825 = vector.broadcast %mul3A_14 : i32 to vector<16xi32>
      %add3A_826 = arith.addi %get3A_824, %add3A_825 : vector<16xi32>
      %swap3A_827 = arith.constant 3 : i32
      %swap3A_828 = arith.index_cast %swap3A_827 : i32 to index
      %swap3A_829 = arith.constant 112 : index
      %swap3A_830 = tpu.vector_load %arg6[%swap3A_828, %swap3A_829] {strides = array<i32>} : memref<4x128xi32, #tpu.memory_space<vmem>>, vector<1x16xi32>,
      %swap3A_831 = vector.shape_cast %swap3A_830 : vector<1x16xi32> to vector<16xi32>
      %swap3A_832 = vector.shape_cast %add3A_826 : vector<16xi32> to vector<1x16xi32>
      tpu.vector_store %arg6[%swap3A_828, %swap3A_829], %swap3A_832 {strides = array<i32>} : memref<4x128xi32, #tpu.memory_space<vmem>>, vector<1x16xi32>,
      %dma_start3A_833 = arith.constant 3 : i32
      %dma_start3A_834 = arith.constant 1 : i32
      %dma_start3A_835 = arith.constant 0 : i32
      %dma_start3A_836 = arith.constant 0 : i32
      %dma_start3A_837 = arith.constant 0 : i32
      %dma_start3A_838 = tpu.memref_slice %arg7[%dma_start3A_834, %dma_start3A_835, %dma_start3A_836, %dma_start3A_837] : memref<2x128x2x128xbf16, #tpu.memory_space<vmem>> -> memref<1x128x2x128xbf16, #tpu.memory_space<vmem>>
      %dma_start3A_839 = tpu.memref_squeeze %dma_start3A_838 : memref<1x128x2x128xbf16, #tpu.memory_space<vmem>> -> memref<128x2x128xbf16, #tpu.memory_space<vmem>>
      %dma_start3A_840 = arith.constant 0 : i32
      %dma_start3A_841 = tpu.memref_slice %arg6[%dma_start3A_833, %dma_start3A_840] : memref<4x128xi32, #tpu.memory_space<vmem>> -> memref<1x128xi32, #tpu.memory_space<vmem>>
      %dma_start3A_842 = tpu.memref_squeeze %dma_start3A_841 : memref<1x128xi32, #tpu.memory_space<vmem>> -> memref<128xi32, #tpu.memory_space<vmem>>
      %dma_start3A_843 = arith.constant 0 : i32
      %dma_start3A_844 = arith.constant 0 : i32
      %dma_start3A_845 = arith.constant 0 : i32
      %dma_start3A_846 = tpu.memref_slice %arg3[%dma_start3A_843, %dma_start3A_844, %dma_start3A_845] : memref<61440x2x128xbf16, #tpu.memory_space<hbm>> -> memref<61440x2x128xbf16, #tpu.memory_space<hbm>>
      tpu.enqueue_indirect_dma source(%dma_start3A_846 : memref<61440x2x128xbf16, #tpu.memory_space<hbm>>) target(%dma_start3A_839 : memref<128x2x128xbf16, #tpu.memory_space<vmem>>) offsets(%dma_start3A_842 : memref<128xi32, #tpu.memory_space<vmem>>) semaphore(%arg15 : memref<!tpu.dma_semaphore, #tpu.memory_space<semaphore_mem>>)
      %dma_wait3A_847 = arith.constant 2 : i32
      %dma_wait3A_848 = arith.constant 0 : i32
      %dma_wait3A_849 = arith.constant 0 : i32
      %dma_wait3A_850 = arith.constant 0 : i32
      %dma_wait3A_851 = arith.constant 0 : i32
      %dma_wait3A_852 = tpu.memref_slice %arg7[%dma_wait3A_848, %dma_wait3A_849, %dma_wait3A_850, %dma_wait3A_851] : memref<2x128x2x128xbf16, #tpu.memory_space<vmem>> -> memref<1x128x2x128xbf16, #tpu.memory_space<vmem>>
      %dma_wait3A_853 = tpu.memref_squeeze %dma_wait3A_852 : memref<1x128x2x128xbf16, #tpu.memory_space<vmem>> -> memref<128x2x128xbf16, #tpu.memory_space<vmem>>
      %dma_wait3A_854 = arith.constant 0 : i32
      %dma_wait3A_855 = tpu.memref_slice %arg6[%dma_wait3A_847, %dma_wait3A_854] : memref<4x128xi32, #tpu.memory_space<vmem>> -> memref<1x128xi32, #tpu.memory_space<vmem>>
      %dma_wait3A_856 = tpu.memref_squeeze %dma_wait3A_855 : memref<1x128xi32, #tpu.memory_space<vmem>> -> memref<128xi32, #tpu.memory_space<vmem>>
      %dma_wait3A_857 = arith.constant 0 : i32
      %dma_wait3A_858 = arith.constant 0 : i32
      %dma_wait3A_859 = arith.constant 0 : i32
      %dma_wait3A_860 = tpu.memref_slice %arg3[%dma_wait3A_857, %dma_wait3A_858, %dma_wait3A_859] : memref<61440x2x128xbf16, #tpu.memory_space<hbm>> -> memref<61440x2x128xbf16, #tpu.memory_space<hbm>>
      tpu.wait_indirect_dma semaphore(%arg14 : memref<!tpu.dma_semaphore, #tpu.memory_space<semaphore_mem>>) src(%dma_wait3A_860 : memref<61440x2x128xbf16, #tpu.memory_space<hbm>>) dst(%dma_wait3A_853 : memref<128x2x128xbf16, #tpu.memory_space<vmem>>)
      %dma_start3A_861 = arith.constant 0 : i32
      %dma_start3A_862 = arith.constant 2 : i32
      %dma_start3A_863 = arith.constant 1 : i32
      %dma_start3A_864 = arith.constant 0 : i32
      %dma_start3A_865 = arith.constant 0 : i32
      %dma_start3A_866 = arith.constant 0 : i32
      %dma_start3A_867 = tpu.memref_slice %arg7[%dma_start3A_861, %dma_start3A_864, %dma_start3A_865, %dma_start3A_866] : memref<2x128x2x128xbf16, #tpu.memory_space<vmem>> -> memref<1x128x2x128xbf16, #tpu.memory_space<vmem>>
      %dma_start3A_868 = tpu.memref_squeeze %dma_start3A_867 : memref<1x128x2x128xbf16, #tpu.memory_space<vmem>> -> memref<128x2x128xbf16, #tpu.memory_space<vmem>>
      %dma_start3A_869 = arith.constant 0 : i32
      %dma_start3A_870 = tpu.memref_slice %arg5[%dma_start3A_862, %dma_start3A_863, %dma_start3A_869] : memref<4x2x128xi32, #tpu.memory_space<vmem>> -> memref<1x1x128xi32, #tpu.memory_space<vmem>>
      %dma_start3A_871 = tpu.memref_squeeze %dma_start3A_870 : memref<1x1x128xi32, #tpu.memory_space<vmem>> -> memref<128xi32, #tpu.memory_space<vmem>>
      %dma_start3A_872 = arith.constant 0 : i32
      %dma_start3A_873 = arith.constant 0 : i32
      %dma_start3A_874 = arith.constant 0 : i32
      %dma_start3A_875 = tpu.memref_slice %arg9[%dma_start3A_872, %dma_start3A_873, %dma_start3A_874] : memref<10240x2x128xbf16, #tpu.memory_space<vmem_shared>> -> memref<10240x2x128xbf16, #tpu.memory_space<vmem_shared>>
      tpu.enqueue_indirect_dma source(%dma_start3A_868 : memref<128x2x128xbf16, #tpu.memory_space<vmem>>) target(%dma_start3A_875 : memref<10240x2x128xbf16, #tpu.memory_space<vmem_shared>>) offsets(%dma_start3A_871 : memref<128xi32, #tpu.memory_space<vmem>>) semaphore(%arg16 : memref<!tpu.dma_semaphore, #tpu.memory_space<semaphore_mem>>) {add = true}
      %scan3A_876 = arith.constant 0 : i32
      %scan3A_877 = arith.constant 1 : i32
      %scan3A_878 = arith.constant 38 : i32
      %scan3A_879 = arith.addi %scan3A_877, %scan3A_878 : i32
      %scan3A_880 = arith.constant 1 : i32
      scf.for %scan3A_1766 = %scan3A_877 to %scan3A_879 step %scan3A_880  : i32 {
        %mul3A_1767 = arith.constant 4 : i32
        %mul3A_1768 = arith.muli %scan3A_1766, %mul3A_1767 : i32
        %add3A_1769 = arith.constant 0 : i32
        %add3A_1770 = arith.addi %mul3A_1768, %add3A_1769 : i32
        %dma_wait3A_1771 = arith.constant 0 : i32
        %dma_wait3A_1772 = arith.constant 2 : i32
        %dma_wait3A_1773 = arith.constant 1 : i32
        %dma_wait3A_1774 = arith.constant 0 : i32
        %dma_wait3A_1775 = arith.constant 0 : i32
        %dma_wait3A_1776 = arith.constant 0 : i32
        %dma_wait3A_1777 = tpu.memref_slice %arg7[%dma_wait3A_1771, %dma_wait3A_1774, %dma_wait3A_1775, %dma_wait3A_1776] : memref<2x128x2x128xbf16, #tpu.memory_space<vmem>> -> memref<1x128x2x128xbf16, #tpu.memory_space<vmem>>
        %dma_wait3A_1778 = tpu.memref_squeeze %dma_wait3A_1777 : memref<1x128x2x128xbf16, #tpu.memory_space<vmem>> -> memref<128x2x128xbf16, #tpu.memory_space<vmem>>
        %dma_wait3A_1779 = arith.constant 0 : i32
        %dma_wait3A_1780 = tpu.memref_slice %arg5[%dma_wait3A_1772, %dma_wait3A_1773, %dma_wait3A_1779] : memref<4x2x128xi32, #tpu.memory_space<vmem>> -> memref<1x1x128xi32, #tpu.memory_space<vmem>>
        %dma_wait3A_1781 = tpu.memref_squeeze %dma_wait3A_1780 : memref<1x1x128xi32, #tpu.memory_space<vmem>> -> memref<128xi32, #tpu.memory_space<vmem>>
        %dma_wait3A_1782 = arith.constant 0 : i32
        %dma_wait3A_1783 = arith.constant 0 : i32
        %dma_wait3A_1784 = arith.constant 0 : i32
        %dma_wait3A_1785 = tpu.memref_slice %arg9[%dma_wait3A_1782, %dma_wait3A_1783, %dma_wait3A_1784] : memref<10240x2x128xbf16, #tpu.memory_space<vmem_shared>> -> memref<10240x2x128xbf16, #tpu.memory_space<vmem_shared>>
        tpu.wait_indirect_dma semaphore(%arg16 : memref<!tpu.dma_semaphore, #tpu.memory_space<semaphore_mem>>) src(%dma_wait3A_1778 : memref<128x2x128xbf16, #tpu.memory_space<vmem>>) dst(%dma_wait3A_1785 : memref<10240x2x128xbf16, #tpu.memory_space<vmem_shared>>)
        %add3A_1786 = arith.constant 2 : i32
        %add3A_1787 = arith.addi %add3A_1770, %add3A_1786 : i32
        %mul3A_1788 = arith.constant 160 : i32
        %mul3A_1789 = arith.muli %arg1, %mul3A_1788 : i32
        %add3A_1790 = arith.addi %mul3A_1789, %add3A_1787 : i32
        %dma_start3A_1791 = arith.constant 2 : i32
        %dma_start3A_1792 = arith.constant 0 : i32
        %dma_start3A_1793 = arith.constant 0 : i32
        %dma_start3A_1794 = tpu.memref_slice %arg5[%dma_start3A_1791, %dma_start3A_1792, %dma_start3A_1793] : memref<4x2x128xi32, #tpu.memory_space<vmem>> -> memref<1x2x128xi32, #tpu.memory_space<vmem>>
        %dma_start3A_1795 = arith.constant 0 : i32
        %dma_start3A_1796 = arith.constant 0 : i32
        %dma_start3A_1797 = tpu.memref_slice %arg2[%add3A_1790, %dma_start3A_1795, %dma_start3A_1796] : memref<2562x2x128xi32, #tpu.memory_space<hbm>> -> memref<1x2x128xi32, #tpu.memory_space<hbm>>
        %dma_start3A_1798 = arith.constant 2 : i32
        %dma_start3A_1799 = arith.constant 0 : i32
        %dma_start3A_1800 = arith.constant 0 : i32
        %dma_start3A_1801 = tpu.memref_slice %arg5[%dma_start3A_1798, %dma_start3A_1799, %dma_start3A_1800] : memref<4x2x128xi32, #tpu.memory_space<vmem>> -> memref<1x2x128xi32, #tpu.memory_space<vmem>>
        %dma_start3A_1802 = arith.constant 0 : i32
        %dma_start3A_1803 = arith.constant 0 : i32
        %dma_start3A_1804 = tpu.memref_slice %arg2[%add3A_1790, %dma_start3A_1802, %dma_start3A_1803] : memref<2562x2x128xi32, #tpu.memory_space<hbm>> -> memref<1x2x128xi32, #tpu.memory_space<hbm>>
        tpu.enqueue_dma source(%dma_start3A_1804 : memref<1x2x128xi32, #tpu.memory_space<hbm>>) target(%dma_start3A_1801 : memref<1x2x128xi32, #tpu.memory_space<vmem>>) target_semaphore(%arg12 : memref<!tpu.dma_semaphore, #tpu.memory_space<semaphore_mem>>)
        %mul3A_1805 = arith.constant 160 : i32
        %mul3A_1806 = arith.muli %arg1, %mul3A_1805 : i32
        %add3A_1807 = arith.addi %mul3A_1806, %add3A_1770 : i32
        %dma_wait3A_1808 = arith.constant 0 : i32
        %dma_wait3A_1809 = arith.constant 0 : i32
        %dma_wait3A_1810 = arith.constant 0 : i32
        %dma_wait3A_1811 = tpu.memref_slice %arg5[%dma_wait3A_1808, %dma_wait3A_1809, %dma_wait3A_1810] : memref<4x2x128xi32, #tpu.memory_space<vmem>> -> memref<1x2x128xi32, #tpu.memory_space<vmem>>
        %dma_wait3A_1812 = arith.constant 0 : i32
        %dma_wait3A_1813 = arith.constant 0 : i32
        %dma_wait3A_1814 = tpu.memref_slice %arg2[%add3A_1807, %dma_wait3A_1812, %dma_wait3A_1813] : memref<2562x2x128xi32, #tpu.memory_space<hbm>> -> memref<1x2x128xi32, #tpu.memory_space<hbm>>
        %dma_wait3A_1815 = arith.constant 0 : i32
        %dma_wait3A_1816 = arith.constant 0 : i32
        %dma_wait3A_1817 = arith.constant 0 : i32
        %dma_wait3A_1818 = tpu.memref_slice %arg5[%dma_wait3A_1815, %dma_wait3A_1816, %dma_wait3A_1817] : memref<4x2x128xi32, #tpu.memory_space<vmem>> -> memref<1x2x128xi32, #tpu.memory_space<vmem>>
        %dma_wait3A_1819 = arith.constant 0 : i32
        %dma_wait3A_1820 = arith.constant 0 : i32
        %dma_wait3A_1821 = tpu.memref_slice %arg2[%add3A_1807, %dma_wait3A_1819, %dma_wait3A_1820] : memref<2562x2x128xi32, #tpu.memory_space<hbm>> -> memref<1x2x128xi32, #tpu.memory_space<hbm>>
        tpu.wait_dma2 semaphore(%arg10 : memref<!tpu.dma_semaphore, #tpu.memory_space<semaphore_mem>>) src(%dma_wait3A_1821 : memref<1x2x128xi32, #tpu.memory_space<hbm>>) dst(%dma_wait3A_1818 : memref<1x2x128xi32, #tpu.memory_space<vmem>>)
        %get3A_1822 = arith.constant 0 : i32
        %get3A_1823 = arith.constant 0 : i32
        %get3A_1824 = arith.index_cast %get3A_1822 : i32 to index
        %get3A_1825 = arith.index_cast %get3A_1823 : i32 to index
        %get3A_1826 = arith.constant 0 : index
        %get3A_1827 = tpu.vector_load %arg5[%get3A_1824, %get3A_1825, %get3A_1826] {strides = array<i32>} : memref<4x2x128xi32, #tpu.memory_space<vmem>>, vector<1x1x16xi32>,
        %get3A_1828 = vector.shape_cast %get3A_1827 : vector<1x1x16xi32> to vector<16xi32>
        %add3A_1829 = vector.broadcast %mul3A_14 : i32 to vector<16xi32>
        %add3A_1830 = arith.addi %get3A_1828, %add3A_1829 : vector<16xi32>
        %swap3A_1831 = arith.constant 0 : i32
        %swap3A_1832 = arith.index_cast %swap3A_1831 : i32 to index
        %swap3A_1833 = arith.constant 0 : index
        %swap3A_1834 = tpu.vector_load %arg6[%swap3A_1832, %swap3A_1833] {strides = array<i32>} : memref<4x128xi32, #tpu.memory_space<vmem>>, vector<1x16xi32>,
        %swap3A_1835 = vector.shape_cast %swap3A_1834 : vector<1x16xi32> to vector<16xi32>
        %swap3A_1836 = vector.shape_cast %add3A_1830 : vector<16xi32> to vector<1x16xi32>
        tpu.vector_store %arg6[%swap3A_1832, %swap3A_1833], %swap3A_1836 {strides = array<i32>} : memref<4x128xi32, #tpu.memory_space<vmem>>, vector<1x16xi32>,
        %get3A_1837 = arith.constant 0 : i32
        %get3A_1838 = arith.constant 0 : i32
        %get3A_1839 = arith.index_cast %get3A_1837 : i32 to index
        %get3A_1840 = arith.index_cast %get3A_1838 : i32 to index
        %get3A_1841 = arith.constant 16 : index
        %get3A_1842 = tpu.vector_load %arg5[%get3A_1839, %get3A_1840, %get3A_1841] {strides = array<i32>} : memref<4x2x128xi32, #tpu.memory_space<vmem>>, vector<1x1x16xi32>,
        %get3A_1843 = vector.shape_cast %get3A_1842 : vector<1x1x16xi32> to vector<16xi32>
        %add3A_1844 = vector.broadcast %mul3A_14 : i32 to vector<16xi32>
        %add3A_1845 = arith.addi %get3A_1843, %add3A_1844 : vector<16xi32>
        %swap3A_1846 = arith.constant 0 : i32
        %swap3A_1847 = arith.index_cast %swap3A_1846 : i32 to index
        %swap3A_1848 = arith.constant 16 : index
        %swap3A_1849 = tpu.vector_load %arg6[%swap3A_1847, %swap3A_1848] {strides = array<i32>} : memref<4x128xi32, #tpu.memory_space<vmem>>, vector<1x16xi32>,
        %swap3A_1850 = vector.shape_cast %swap3A_1849 : vector<1x16xi32> to vector<16xi32>
        %swap3A_1851 = vector.shape_cast %add3A_1845 : vector<16xi32> to vector<1x16xi32>
        tpu.vector_store %arg6[%swap3A_1847, %swap3A_1848], %swap3A_1851 {strides = array<i32>} : memref<4x128xi32, #tpu.memory_space<vmem>>, vector<1x16xi32>,
        %get3A_1852 = arith.constant 0 : i32
        %get3A_1853 = arith.constant 0 : i32
        %get3A_1854 = arith.index_cast %get3A_1852 : i32 to index
        %get3A_1855 = arith.index_cast %get3A_1853 : i32 to index
        %get3A_1856 = arith.constant 32 : index
        %get3A_1857 = tpu.vector_load %arg5[%get3A_1854, %get3A_1855, %get3A_1856] {strides = array<i32>} : memref<4x2x128xi32, #tpu.memory_space<vmem>>, vector<1x1x16xi32>,
        %get3A_1858 = vector.shape_cast %get3A_1857 : vector<1x1x16xi32> to vector<16xi32>
        %add3A_1859 = vector.broadcast %mul3A_14 : i32 to vector<16xi32>
        %add3A_1860 = arith.addi %get3A_1858, %add3A_1859 : vector<16xi32>
        %swap3A_1861 = arith.constant 0 : i32
        %swap3A_1862 = arith.index_cast %swap3A_1861 : i32 to index
        %swap3A_1863 = arith.constant 32 : index
        %swap3A_1864 = tpu.vector_load %arg6[%swap3A_1862, %swap3A_1863] {strides = array<i32>} : memref<4x128xi32, #tpu.memory_space<vmem>>, vector<1x16xi32>,
        %swap3A_1865 = vector.shape_cast %swap3A_1864 : vector<1x16xi32> to vector<16xi32>
        %swap3A_1866 = vector.shape_cast %add3A_1860 : vector<16xi32> to vector<1x16xi32>
        tpu.vector_store %arg6[%swap3A_1862, %swap3A_1863], %swap3A_1866 {strides = array<i32>} : memref<4x128xi32, #tpu.memory_space<vmem>>, vector<1x16xi32>,
        %get3A_1867 = arith.constant 0 : i32
        %get3A_1868 = arith.constant 0 : i32
        %get3A_1869 = arith.index_cast %get3A_1867 : i32 to index
        %get3A_1870 = arith.index_cast %get3A_1868 : i32 to index
        %get3A_1871 = arith.constant 48 : index
        %get3A_1872 = tpu.vector_load %arg5[%get3A_1869, %get3A_1870, %get3A_1871] {strides = array<i32>} : memref<4x2x128xi32, #tpu.memory_space<vmem>>, vector<1x1x16xi32>,
        %get3A_1873 = vector.shape_cast %get3A_1872 : vector<1x1x16xi32> to vector<16xi32>
        %add3A_1874 = vector.broadcast %mul3A_14 : i32 to vector<16xi32>
        %add3A_1875 = arith.addi %get3A_1873, %add3A_1874 : vector<16xi32>
        %swap3A_1876 = arith.constant 0 : i32
        %swap3A_1877 = arith.index_cast %swap3A_1876 : i32 to index
        %swap3A_1878 = arith.constant 48 : index
        %swap3A_1879 = tpu.vector_load %arg6[%swap3A_1877, %swap3A_1878] {strides = array<i32>} : memref<4x128xi32, #tpu.memory_space<vmem>>, vector<1x16xi32>,
        %swap3A_1880 = vector.shape_cast %swap3A_1879 : vector<1x16xi32> to vector<16xi32>
        %swap3A_1881 = vector.shape_cast %add3A_1875 : vector<16xi32> to vector<1x16xi32>
        tpu.vector_store %arg6[%swap3A_1877, %swap3A_1878], %swap3A_1881 {strides = array<i32>} : memref<4x128xi32, #tpu.memory_space<vmem>>, vector<1x16xi32>,
        %get3A_1882 = arith.constant 0 : i32
        %get3A_1883 = arith.constant 0 : i32
        %get3A_1884 = arith.index_cast %get3A_1882 : i32 to index
        %get3A_1885 = arith.index_cast %get3A_1883 : i32 to index
        %get3A_1886 = arith.constant 64 : index
        %get3A_1887 = tpu.vector_load %arg5[%get3A_1884, %get3A_1885, %get3A_1886] {strides = array<i32>} : memref<4x2x128xi32, #tpu.memory_space<vmem>>, vector<1x1x16xi32>,
        %get3A_1888 = vector.shape_cast %get3A_1887 : vector<1x1x16xi32> to vector<16xi32>
        %add3A_1889 = vector.broadcast %mul3A_14 : i32 to vector<16xi32>
        %add3A_1890 = arith.addi %get3A_1888, %add3A_1889 : vector<16xi32>
        %swap3A_1891 = arith.constant 0 : i32
        %swap3A_1892 = arith.index_cast %swap3A_1891 : i32 to index
        %swap3A_1893 = arith.constant 64 : index
        %swap3A_1894 = tpu.vector_load %arg6[%swap3A_1892, %swap3A_1893] {strides = array<i32>} : memref<4x128xi32, #tpu.memory_space<vmem>>, vector<1x16xi32>,
        %swap3A_1895 = vector.shape_cast %swap3A_1894 : vector<1x16xi32> to vector<16xi32>
        %swap3A_1896 = vector.shape_cast %add3A_1890 : vector<16xi32> to vector<1x16xi32>
        tpu.vector_store %arg6[%swap3A_1892, %swap3A_1893], %swap3A_1896 {strides = array<i32>} : memref<4x128xi32, #tpu.memory_space<vmem>>, vector<1x16xi32>,
        %get3A_1897 = arith.constant 0 : i32
        %get3A_1898 = arith.constant 0 : i32
        %get3A_1899 = arith.index_cast %get3A_1897 : i32 to index
        %get3A_1900 = arith.index_cast %get3A_1898 : i32 to index
        %get3A_1901 = arith.constant 80 : index
        %get3A_1902 = tpu.vector_load %arg5[%get3A_1899, %get3A_1900, %get3A_1901] {strides = array<i32>} : memref<4x2x128xi32, #tpu.memory_space<vmem>>, vector<1x1x16xi32>,
        %get3A_1903 = vector.shape_cast %get3A_1902 : vector<1x1x16xi32> to vector<16xi32>
        %add3A_1904 = vector.broadcast %mul3A_14 : i32 to vector<16xi32>
        %add3A_1905 = arith.addi %get3A_1903, %add3A_1904 : vector<16xi32>
        %swap3A_1906 = arith.constant 0 : i32
        %swap3A_1907 = arith.index_cast %swap3A_1906 : i32 to index
        %swap3A_1908 = arith.constant 80 : index
        %swap3A_1909 = tpu.vector_load %arg6[%swap3A_1907, %swap3A_1908] {strides = array<i32>} : memref<4x128xi32, #tpu.memory_space<vmem>>, vector<1x16xi32>,
        %swap3A_1910 = vector.shape_cast %swap3A_1909 : vector<1x16xi32> to vector<16xi32>
        %swap3A_1911 = vector.shape_cast %add3A_1905 : vector<16xi32> to vector<1x16xi32>
        tpu.vector_store %arg6[%swap3A_1907, %swap3A_1908], %swap3A_1911 {strides = array<i32>} : memref<4x128xi32, #tpu.memory_space<vmem>>, vector<1x16xi32>,
        %get3A_1912 = arith.constant 0 : i32
        %get3A_1913 = arith.constant 0 : i32
        %get3A_1914 = arith.index_cast %get3A_1912 : i32 to index
        %get3A_1915 = arith.index_cast %get3A_1913 : i32 to index
        %get3A_1916 = arith.constant 96 : index
        %get3A_1917 = tpu.vector_load %arg5[%get3A_1914, %get3A_1915, %get3A_1916] {strides = array<i32>} : memref<4x2x128xi32, #tpu.memory_space<vmem>>, vector<1x1x16xi32>,
        %get3A_1918 = vector.shape_cast %get3A_1917 : vector<1x1x16xi32> to vector<16xi32>
        %add3A_1919 = vector.broadcast %mul3A_14 : i32 to vector<16xi32>
        %add3A_1920 = arith.addi %get3A_1918, %add3A_1919 : vector<16xi32>
        %swap3A_1921 = arith.constant 0 : i32
        %swap3A_1922 = arith.index_cast %swap3A_1921 : i32 to index
        %swap3A_1923 = arith.constant 96 : index
        %swap3A_1924 = tpu.vector_load %arg6[%swap3A_1922, %swap3A_1923] {strides = array<i32>} : memref<4x128xi32, #tpu.memory_space<vmem>>, vector<1x16xi32>,
        %swap3A_1925 = vector.shape_cast %swap3A_1924 : vector<1x16xi32> to vector<16xi32>
        %swap3A_1926 = vector.shape_cast %add3A_1920 : vector<16xi32> to vector<1x16xi32>
        tpu.vector_store %arg6[%swap3A_1922, %swap3A_1923], %swap3A_1926 {strides = array<i32>} : memref<4x128xi32, #tpu.memory_space<vmem>>, vector<1x16xi32>,
        %get3A_1927 = arith.constant 0 : i32
        %get3A_1928 = arith.constant 0 : i32
        %get3A_1929 = arith.index_cast %get3A_1927 : i32 to index
        %get3A_1930 = arith.index_cast %get3A_1928 : i32 to index
        %get3A_1931 = arith.constant 112 : index
        %get3A_1932 = tpu.vector_load %arg5[%get3A_1929, %get3A_1930, %get3A_1931] {strides = array<i32>} : memref<4x2x128xi32, #tpu.memory_space<vmem>>, vector<1x1x16xi32>,
        %get3A_1933 = vector.shape_cast %get3A_1932 : vector<1x1x16xi32> to vector<16xi32>
        %add3A_1934 = vector.broadcast %mul3A_14 : i32 to vector<16xi32>
        %add3A_1935 = arith.addi %get3A_1933, %add3A_1934 : vector<16xi32>
        %swap3A_1936 = arith.constant 0 : i32
        %swap3A_1937 = arith.index_cast %swap3A_1936 : i32 to index
        %swap3A_1938 = arith.constant 112 : index
        %swap3A_1939 = tpu.vector_load %arg6[%swap3A_1937, %swap3A_1938] {strides = array<i32>} : memref<4x128xi32, #tpu.memory_space<vmem>>, vector<1x16xi32>,
        %swap3A_1940 = vector.shape_cast %swap3A_1939 : vector<1x16xi32> to vector<16xi32>
        %swap3A_1941 = vector.shape_cast %add3A_1935 : vector<16xi32> to vector<1x16xi32>
        tpu.vector_store %arg6[%swap3A_1937, %swap3A_1938], %swap3A_1941 {strides = array<i32>} : memref<4x128xi32, #tpu.memory_space<vmem>>, vector<1x16xi32>,
        %dma_start3A_1942 = arith.constant 0 : i32
        %dma_start3A_1943 = arith.constant 0 : i32
        %dma_start3A_1944 = arith.constant 0 : i32
        %dma_start3A_1945 = arith.constant 0 : i32
        %dma_start3A_1946 = arith.constant 0 : i32
        %dma_start3A_1947 = tpu.memref_slice %arg7[%dma_start3A_1943, %dma_start3A_1944, %dma_start3A_1945, %dma_start3A_1946] : memref<2x128x2x128xbf16, #tpu.memory_space<vmem>> -> memref<1x128x2x128xbf16, #tpu.memory_space<vmem>>
        %dma_start3A_1948 = tpu.memref_squeeze %dma_start3A_1947 : memref<1x128x2x128xbf16, #tpu.memory_space<vmem>> -> memref<128x2x128xbf16, #tpu.memory_space<vmem>>
        %dma_start3A_1949 = arith.constant 0 : i32
        %dma_start3A_1950 = tpu.memref_slice %arg6[%dma_start3A_1942, %dma_start3A_1949] : memref<4x128xi32, #tpu.memory_space<vmem>> -> memref<1x128xi32, #tpu.memory_space<vmem>>
        %dma_start3A_1951 = tpu.memref_squeeze %dma_start3A_1950 : memref<1x128xi32, #tpu.memory_space<vmem>> -> memref<128xi32, #tpu.memory_space<vmem>>
        %dma_start3A_1952 = arith.constant 0 : i32
        %dma_start3A_1953 = arith.constant 0 : i32
        %dma_start3A_1954 = arith.constant 0 : i32
        %dma_start3A_1955 = tpu.memref_slice %arg3[%dma_start3A_1952, %dma_start3A_1953, %dma_start3A_1954] : memref<61440x2x128xbf16, #tpu.memory_space<hbm>> -> memref<61440x2x128xbf16, #tpu.memory_space<hbm>>
        tpu.enqueue_indirect_dma source(%dma_start3A_1955 : memref<61440x2x128xbf16, #tpu.memory_space<hbm>>) target(%dma_start3A_1948 : memref<128x2x128xbf16, #tpu.memory_space<vmem>>) offsets(%dma_start3A_1951 : memref<128xi32, #tpu.memory_space<vmem>>) semaphore(%arg14 : memref<!tpu.dma_semaphore, #tpu.memory_space<semaphore_mem>>)
        %dma_wait3A_1956 = arith.constant 3 : i32
        %dma_wait3A_1957 = arith.constant 1 : i32
        %dma_wait3A_1958 = arith.constant 0 : i32
        %dma_wait3A_1959 = arith.constant 0 : i32
        %dma_wait3A_1960 = arith.constant 0 : i32
        %dma_wait3A_1961 = tpu.memref_slice %arg7[%dma_wait3A_1957, %dma_wait3A_1958, %dma_wait3A_1959, %dma_wait3A_1960] : memref<2x128x2x128xbf16, #tpu.memory_space<vmem>> -> memref<1x128x2x128xbf16, #tpu.memory_space<vmem>>
        %dma_wait3A_1962 = tpu.memref_squeeze %dma_wait3A_1961 : memref<1x128x2x128xbf16, #tpu.memory_space<vmem>> -> memref<128x2x128xbf16, #tpu.memory_space<vmem>>
        %dma_wait3A_1963 = arith.constant 0 : i32
        %dma_wait3A_1964 = tpu.memref_slice %arg6[%dma_wait3A_1956, %dma_wait3A_1963] : memref<4x128xi32, #tpu.memory_space<vmem>> -> memref<1x128xi32, #tpu.memory_space<vmem>>
        %dma_wait3A_1965 = tpu.memref_squeeze %dma_wait3A_1964 : memref<1x128xi32, #tpu.memory_space<vmem>> -> memref<128xi32, #tpu.memory_space<vmem>>
        %dma_wait3A_1966 = arith.constant 0 : i32
        %dma_wait3A_1967 = arith.constant 0 : i32
        %dma_wait3A_1968 = arith.constant 0 : i32
        %dma_wait3A_1969 = tpu.memref_slice %arg3[%dma_wait3A_1966, %dma_wait3A_1967, %dma_wait3A_1968] : memref<61440x2x128xbf16, #tpu.memory_space<hbm>> -> memref<61440x2x128xbf16, #tpu.memory_space<hbm>>
        tpu.wait_indirect_dma semaphore(%arg15 : memref<!tpu.dma_semaphore, #tpu.memory_space<semaphore_mem>>) src(%dma_wait3A_1969 : memref<61440x2x128xbf16, #tpu.memory_space<hbm>>) dst(%dma_wait3A_1962 : memref<128x2x128xbf16, #tpu.memory_space<vmem>>)
        %dma_start3A_1970 = arith.constant 1 : i32
        %dma_start3A_1971 = arith.constant 3 : i32
        %dma_start3A_1972 = arith.constant 1 : i32
        %dma_start3A_1973 = arith.constant 0 : i32
        %dma_start3A_1974 = arith.constant 0 : i32
        %dma_start3A_1975 = arith.constant 0 : i32
        %dma_start3A_1976 = tpu.memref_slice %arg7[%dma_start3A_1970, %dma_start3A_1973, %dma_start3A_1974, %dma_start3A_1975] : memref<2x128x2x128xbf16, #tpu.memory_space<vmem>> -> memref<1x128x2x128xbf16, #tpu.memory_space<vmem>>
        %dma_start3A_1977 = tpu.memref_squeeze %dma_start3A_1976 : memref<1x128x2x128xbf16, #tpu.memory_space<vmem>> -> memref<128x2x128xbf16, #tpu.memory_space<vmem>>
        %dma_start3A_1978 = arith.constant 0 : i32
        %dma_start3A_1979 = tpu.memref_slice %arg5[%dma_start3A_1971, %dma_start3A_1972, %dma_start3A_1978] : memref<4x2x128xi32, #tpu.memory_space<vmem>> -> memref<1x1x128xi32, #tpu.memory_space<vmem>>
        %dma_start3A_1980 = tpu.memref_squeeze %dma_start3A_1979 : memref<1x1x128xi32, #tpu.memory_space<vmem>> -> memref<128xi32, #tpu.memory_space<vmem>>
        %dma_start3A_1981 = arith.constant 0 : i32
        %dma_start3A_1982 = arith.constant 0 : i32
        %dma_start3A_1983 = arith.constant 0 : i32
        %dma_start3A_1984 = tpu.memref_slice %arg9[%dma_start3A_1981, %dma_start3A_1982, %dma_start3A_1983] : memref<10240x2x128xbf16, #tpu.memory_space<vmem_shared>> -> memref<10240x2x128xbf16, #tpu.memory_space<vmem_shared>>
        tpu.enqueue_indirect_dma source(%dma_start3A_1977 : memref<128x2x128xbf16, #tpu.memory_space<vmem>>) target(%dma_start3A_1984 : memref<10240x2x128xbf16, #tpu.memory_space<vmem_shared>>) offsets(%dma_start3A_1980 : memref<128xi32, #tpu.memory_space<vmem>>) semaphore(%arg17 : memref<!tpu.dma_semaphore, #tpu.memory_space<semaphore_mem>>) {add = true}
        %mul3A_1985 = arith.constant 4 : i32
        %mul3A_1986 = arith.muli %scan3A_1766, %mul3A_1985 : i32
        %add3A_1987 = arith.constant 1 : i32
        %add3A_1988 = arith.addi %mul3A_1986, %add3A_1987 : i32
        %dma_wait3A_1989 = arith.constant 1 : i32
        %dma_wait3A_1990 = arith.constant 3 : i32
        %dma_wait3A_1991 = arith.constant 1 : i32
        %dma_wait3A_1992 = arith.constant 0 : i32
        %dma_wait3A_1993 = arith.constant 0 : i32
        %dma_wait3A_1994 = arith.constant 0 : i32
        %dma_wait3A_1995 = tpu.memref_slice %arg7[%dma_wait3A_1989, %dma_wait3A_1992, %dma_wait3A_1993, %dma_wait3A_1994] : memref<2x128x2x128xbf16, #tpu.memory_space<vmem>> -> memref<1x128x2x128xbf16, #tpu.memory_space<vmem>>
        %dma_wait3A_1996 = tpu.memref_squeeze %dma_wait3A_1995 : memref<1x128x2x128xbf16, #tpu.memory_space<vmem>> -> memref<128x2x128xbf16, #tpu.memory_space<vmem>>
        %dma_wait3A_1997 = arith.constant 0 : i32
        %dma_wait3A_1998 = tpu.memref_slice %arg5[%dma_wait3A_1990, %dma_wait3A_1991, %dma_wait3A_1997] : memref<4x2x128xi32, #tpu.memory_space<vmem>> -> memref<1x1x128xi32, #tpu.memory_space<vmem>>
        %dma_wait3A_1999 = tpu.memref_squeeze %dma_wait3A_1998 : memref<1x1x128xi32, #tpu.memory_space<vmem>> -> memref<128xi32, #tpu.memory_space<vmem>>
        %dma_wait3A_2000 = arith.constant 0 : i32
        %dma_wait3A_2001 = arith.constant 0 : i32
        %dma_wait3A_2002 = arith.constant 0 : i32
        %dma_wait3A_2003 = tpu.memref_slice %arg9[%dma_wait3A_2000, %dma_wait3A_2001, %dma_wait3A_2002] : memref<10240x2x128xbf16, #tpu.memory_space<vmem_shared>> -> memref<10240x2x128xbf16, #tpu.memory_space<vmem_shared>>
        tpu.wait_indirect_dma semaphore(%arg17 : memref<!tpu.dma_semaphore, #tpu.memory_space<semaphore_mem>>) src(%dma_wait3A_1996 : memref<128x2x128xbf16, #tpu.memory_space<vmem>>) dst(%dma_wait3A_2003 : memref<10240x2x128xbf16, #tpu.memory_space<vmem_shared>>)
        %add3A_2004 = arith.constant 2 : i32
        %add3A_2005 = arith.addi %add3A_1988, %add3A_2004 : i32
        %mul3A_2006 = arith.constant 160 : i32
        %mul3A_2007 = arith.muli %arg1, %mul3A_2006 : i32
        %add3A_2008 = arith.addi %mul3A_2007, %add3A_2005 : i32
        %dma_start3A_2009 = arith.constant 3 : i32
        %dma_start3A_2010 = arith.constant 0 : i32
        %dma_start3A_2011 = arith.constant 0 : i32
        %dma_start3A_2012 = tpu.memref_slice %arg5[%dma_start3A_2009, %dma_start3A_2010, %dma_start3A_2011] : memref<4x2x128xi32, #tpu.memory_space<vmem>> -> memref<1x2x128xi32, #tpu.memory_space<vmem>>
        %dma_start3A_2013 = arith.constant 0 : i32
        %dma_start3A_2014 = arith.constant 0 : i32
        %dma_start3A_2015 = tpu.memref_slice %arg2[%add3A_2008, %dma_start3A_2013, %dma_start3A_2014] : memref<2562x2x128xi32, #tpu.memory_space<hbm>> -> memref<1x2x128xi32, #tpu.memory_space<hbm>>
        %dma_start3A_2016 = arith.constant 3 : i32
        %dma_start3A_2017 = arith.constant 0 : i32
        %dma_start3A_2018 = arith.constant 0 : i32
        %dma_start3A_2019 = tpu.memref_slice %arg5[%dma_start3A_2016, %dma_start3A_2017, %dma_start3A_2018] : memref<4x2x128xi32, #tpu.memory_space<vmem>> -> memref<1x2x128xi32, #tpu.memory_space<vmem>>
        %dma_start3A_2020 = arith.constant 0 : i32
        %dma_start3A_2021 = arith.constant 0 : i32
        %dma_start3A_2022 = tpu.memref_slice %arg2[%add3A_2008, %dma_start3A_2020, %dma_start3A_2021] : memref<2562x2x128xi32, #tpu.memory_space<hbm>> -> memref<1x2x128xi32, #tpu.memory_space<hbm>>
        tpu.enqueue_dma source(%dma_start3A_2022 : memref<1x2x128xi32, #tpu.memory_space<hbm>>) target(%dma_start3A_2019 : memref<1x2x128xi32, #tpu.memory_space<vmem>>) target_semaphore(%arg13 : memref<!tpu.dma_semaphore, #tpu.memory_space<semaphore_mem>>)
        %mul3A_2023 = arith.constant 160 : i32
        %mul3A_2024 = arith.muli %arg1, %mul3A_2023 : i32
        %add3A_2025 = arith.addi %mul3A_2024, %add3A_1988 : i32
        %dma_wait3A_2026 = arith.constant 1 : i32
        %dma_wait3A_2027 = arith.constant 0 : i32
        %dma_wait3A_2028 = arith.constant 0 : i32
        %dma_wait3A_2029 = tpu.memref_slice %arg5[%dma_wait3A_2026, %dma_wait3A_2027, %dma_wait3A_2028] : memref<4x2x128xi32, #tpu.memory_space<vmem>> -> memref<1x2x128xi32, #tpu.memory_space<vmem>>
        %dma_wait3A_2030 = arith.constant 0 : i32
        %dma_wait3A_2031 = arith.constant 0 : i32
        %dma_wait3A_2032 = tpu.memref_slice %arg2[%add3A_2025, %dma_wait3A_2030, %dma_wait3A_2031] : memref<2562x2x128xi32, #tpu.memory_space<hbm>> -> memref<1x2x128xi32, #tpu.memory_space<hbm>>
        %dma_wait3A_2033 = arith.constant 1 : i32
        %dma_wait3A_2034 = arith.constant 0 : i32
        %dma_wait3A_2035 = arith.constant 0 : i32
        %dma_wait3A_2036 = tpu.memref_slice %arg5[%dma_wait3A_2033, %dma_wait3A_2034, %dma_wait3A_2035] : memref<4x2x128xi32, #tpu.memory_space<vmem>> -> memref<1x2x128xi32, #tpu.memory_space<vmem>>
        %dma_wait3A_2037 = arith.constant 0 : i32
        %dma_wait3A_2038 = arith.constant 0 : i32
        %dma_wait3A_2039 = tpu.memref_slice %arg2[%add3A_2025, %dma_wait3A_2037, %dma_wait3A_2038] : memref<2562x2x128xi32, #tpu.memory_space<hbm>> -> memref<1x2x128xi32, #tpu.memory_space<hbm>>
        tpu.wait_dma2 semaphore(%arg11 : memref<!tpu.dma_semaphore, #tpu.memory_space<semaphore_mem>>) src(%dma_wait3A_2039 : memref<1x2x128xi32, #tpu.memory_space<hbm>>) dst(%dma_wait3A_2036 : memref<1x2x128xi32, #tpu.memory_space<vmem>>)
        %get3A_2040 = arith.constant 1 : i32
        %get3A_2041 = arith.constant 0 : i32
        %get3A_2042 = arith.index_cast %get3A_2040 : i32 to index
        %get3A_2043 = arith.index_cast %get3A_2041 : i32 to index
        %get3A_2044 = arith.constant 0 : index
        %get3A_2045 = tpu.vector_load %arg5[%get3A_2042, %get3A_2043, %get3A_2044] {strides = array<i32>} : memref<4x2x128xi32, #tpu.memory_space<vmem>>, vector<1x1x16xi32>,
        %get3A_2046 = vector.shape_cast %get3A_2045 : vector<1x1x16xi32> to vector<16xi32>
        %add3A_2047 = vector.broadcast %mul3A_14 : i32 to vector<16xi32>
        %add3A_2048 = arith.addi %get3A_2046, %add3A_2047 : vector<16xi32>
        %swap3A_2049 = arith.constant 1 : i32
        %swap3A_2050 = arith.index_cast %swap3A_2049 : i32 to index
        %swap3A_2051 = arith.constant 0 : index
        %swap3A_2052 = tpu.vector_load %arg6[%swap3A_2050, %swap3A_2051] {strides = array<i32>} : memref<4x128xi32, #tpu.memory_space<vmem>>, vector<1x16xi32>,
        %swap3A_2053 = vector.shape_cast %swap3A_2052 : vector<1x16xi32> to vector<16xi32>
        %swap3A_2054 = vector.shape_cast %add3A_2048 : vector<16xi32> to vector<1x16xi32>
        tpu.vector_store %arg6[%swap3A_2050, %swap3A_2051], %swap3A_2054 {strides = array<i32>} : memref<4x128xi32, #tpu.memory_space<vmem>>, vector<1x16xi32>,
        %get3A_2055 = arith.constant 1 : i32
        %get3A_2056 = arith.constant 0 : i32
        %get3A_2057 = arith.index_cast %get3A_2055 : i32 to index
        %get3A_2058 = arith.index_cast %get3A_2056 : i32 to index
        %get3A_2059 = arith.constant 16 : index
        %get3A_2060 = tpu.vector_load %arg5[%get3A_2057, %get3A_2058, %get3A_2059] {strides = array<i32>} : memref<4x2x128xi32, #tpu.memory_space<vmem>>, vector<1x1x16xi32>,
        %get3A_2061 = vector.shape_cast %get3A_2060 : vector<1x1x16xi32> to vector<16xi32>
        %add3A_2062 = vector.broadcast %mul3A_14 : i32 to vector<16xi32>
        %add3A_2063 = arith.addi %get3A_2061, %add3A_2062 : vector<16xi32>
        %swap3A_2064 = arith.constant 1 : i32
        %swap3A_2065 = arith.index_cast %swap3A_2064 : i32 to index
        %swap3A_2066 = arith.constant 16 : index
        %swap3A_2067 = tpu.vector_load %arg6[%swap3A_2065, %swap3A_2066] {strides = array<i32>} : memref<4x128xi32, #tpu.memory_space<vmem>>, vector<1x16xi32>,
        %swap3A_2068 = vector.shape_cast %swap3A_2067 : vector<1x16xi32> to vector<16xi32>
        %swap3A_2069 = vector.shape_cast %add3A_2063 : vector<16xi32> to vector<1x16xi32>
        tpu.vector_store %arg6[%swap3A_2065, %swap3A_2066], %swap3A_2069 {strides = array<i32>} : memref<4x128xi32, #tpu.memory_space<vmem>>, vector<1x16xi32>,
        %get3A_2070 = arith.constant 1 : i32
        %get3A_2071 = arith.constant 0 : i32
        %get3A_2072 = arith.index_cast %get3A_2070 : i32 to index
        %get3A_2073 = arith.index_cast %get3A_2071 : i32 to index
        %get3A_2074 = arith.constant 32 : index
        %get3A_2075 = tpu.vector_load %arg5[%get3A_2072, %get3A_2073, %get3A_2074] {strides = array<i32>} : memref<4x2x128xi32, #tpu.memory_space<vmem>>, vector<1x1x16xi32>,
        %get3A_2076 = vector.shape_cast %get3A_2075 : vector<1x1x16xi32> to vector<16xi32>
        %add3A_2077 = vector.broadcast %mul3A_14 : i32 to vector<16xi32>
        %add3A_2078 = arith.addi %get3A_2076, %add3A_2077 : vector<16xi32>
        %swap3A_2079 = arith.constant 1 : i32
        %swap3A_2080 = arith.index_cast %swap3A_2079 : i32 to index
        %swap3A_2081 = arith.constant 32 : index
        %swap3A_2082 = tpu.vector_load %arg6[%swap3A_2080, %swap3A_2081] {strides = array<i32>} : memref<4x128xi32, #tpu.memory_space<vmem>>, vector<1x16xi32>,
        %swap3A_2083 = vector.shape_cast %swap3A_2082 : vector<1x16xi32> to vector<16xi32>
        %swap3A_2084 = vector.shape_cast %add3A_2078 : vector<16xi32> to vector<1x16xi32>
        tpu.vector_store %arg6[%swap3A_2080, %swap3A_2081], %swap3A_2084 {strides = array<i32>} : memref<4x128xi32, #tpu.memory_space<vmem>>, vector<1x16xi32>,
        %get3A_2085 = arith.constant 1 : i32
        %get3A_2086 = arith.constant 0 : i32
        %get3A_2087 = arith.index_cast %get3A_2085 : i32 to index
        %get3A_2088 = arith.index_cast %get3A_2086 : i32 to index
        %get3A_2089 = arith.constant 48 : index
        %get3A_2090 = tpu.vector_load %arg5[%get3A_2087, %get3A_2088, %get3A_2089] {strides = array<i32>} : memref<4x2x128xi32, #tpu.memory_space<vmem>>, vector<1x1x16xi32>,
        %get3A_2091 = vector.shape_cast %get3A_2090 : vector<1x1x16xi32> to vector<16xi32>
        %add3A_2092 = vector.broadcast %mul3A_14 : i32 to vector<16xi32>
        %add3A_2093 = arith.addi %get3A_2091, %add3A_2092 : vector<16xi32>
        %swap3A_2094 = arith.constant 1 : i32
        %swap3A_2095 = arith.index_cast %swap3A_2094 : i32 to index
        %swap3A_2096 = arith.constant 48 : index
        %swap3A_2097 = tpu.vector_load %arg6[%swap3A_2095, %swap3A_2096] {strides = array<i32>} : memref<4x128xi32, #tpu.memory_space<vmem>>, vector<1x16xi32>,
        %swap3A_2098 = vector.shape_cast %swap3A_2097 : vector<1x16xi32> to vector<16xi32>
        %swap3A_2099 = vector.shape_cast %add3A_2093 : vector<16xi32> to vector<1x16xi32>
        tpu.vector_store %arg6[%swap3A_2095, %swap3A_2096], %swap3A_2099 {strides = array<i32>} : memref<4x128xi32, #tpu.memory_space<vmem>>, vector<1x16xi32>,
        %get3A_2100 = arith.constant 1 : i32
        %get3A_2101 = arith.constant 0 : i32
        %get3A_2102 = arith.index_cast %get3A_2100 : i32 to index
        %get3A_2103 = arith.index_cast %get3A_2101 : i32 to index
        %get3A_2104 = arith.constant 64 : index
        %get3A_2105 = tpu.vector_load %arg5[%get3A_2102, %get3A_2103, %get3A_2104] {strides = array<i32>} : memref<4x2x128xi32, #tpu.memory_space<vmem>>, vector<1x1x16xi32>,
        %get3A_2106 = vector.shape_cast %get3A_2105 : vector<1x1x16xi32> to vector<16xi32>
        %add3A_2107 = vector.broadcast %mul3A_14 : i32 to vector<16xi32>
        %add3A_2108 = arith.addi %get3A_2106, %add3A_2107 : vector<16xi32>
        %swap3A_2109 = arith.constant 1 : i32
        %swap3A_2110 = arith.index_cast %swap3A_2109 : i32 to index
        %swap3A_2111 = arith.constant 64 : index
        %swap3A_2112 = tpu.vector_load %arg6[%swap3A_2110, %swap3A_2111] {strides = array<i32>} : memref<4x128xi32, #tpu.memory_space<vmem>>, vector<1x16xi32>,
        %swap3A_2113 = vector.shape_cast %swap3A_2112 : vector<1x16xi32> to vector<16xi32>
        %swap3A_2114 = vector.shape_cast %add3A_2108 : vector<16xi32> to vector<1x16xi32>
        tpu.vector_store %arg6[%swap3A_2110, %swap3A_2111], %swap3A_2114 {strides = array<i32>} : memref<4x128xi32, #tpu.memory_space<vmem>>, vector<1x16xi32>,
        %get3A_2115 = arith.constant 1 : i32
        %get3A_2116 = arith.constant 0 : i32
        %get3A_2117 = arith.index_cast %get3A_2115 : i32 to index
        %get3A_2118 = arith.index_cast %get3A_2116 : i32 to index
        %get3A_2119 = arith.constant 80 : index
        %get3A_2120 = tpu.vector_load %arg5[%get3A_2117, %get3A_2118, %get3A_2119] {strides = array<i32>} : memref<4x2x128xi32, #tpu.memory_space<vmem>>, vector<1x1x16xi32>,
        %get3A_2121 = vector.shape_cast %get3A_2120 : vector<1x1x16xi32> to vector<16xi32>
        %add3A_2122 = vector.broadcast %mul3A_14 : i32 to vector<16xi32>
        %add3A_2123 = arith.addi %get3A_2121, %add3A_2122 : vector<16xi32>
        %swap3A_2124 = arith.constant 1 : i32
        %swap3A_2125 = arith.index_cast %swap3A_2124 : i32 to index
        %swap3A_2126 = arith.constant 80 : index
        %swap3A_2127 = tpu.vector_load %arg6[%swap3A_2125, %swap3A_2126] {strides = array<i32>} : memref<4x128xi32, #tpu.memory_space<vmem>>, vector<1x16xi32>,
        %swap3A_2128 = vector.shape_cast %swap3A_2127 : vector<1x16xi32> to vector<16xi32>
        %swap3A_2129 = vector.shape_cast %add3A_2123 : vector<16xi32> to vector<1x16xi32>
        tpu.vector_store %arg6[%swap3A_2125, %swap3A_2126], %swap3A_2129 {strides = array<i32>} : memref<4x128xi32, #tpu.memory_space<vmem>>, vector<1x16xi32>,
        %get3A_2130 = arith.constant 1 : i32
        %get3A_2131 = arith.constant 0 : i32
        %get3A_2132 = arith.index_cast %get3A_2130 : i32 to index
        %get3A_2133 = arith.index_cast %get3A_2131 : i32 to index
        %get3A_2134 = arith.constant 96 : index
        %get3A_2135 = tpu.vector_load %arg5[%get3A_2132, %get3A_2133, %get3A_2134] {strides = array<i32>} : memref<4x2x128xi32, #tpu.memory_space<vmem>>, vector<1x1x16xi32>,
        %get3A_2136 = vector.shape_cast %get3A_2135 : vector<1x1x16xi32> to vector<16xi32>
        %add3A_2137 = vector.broadcast %mul3A_14 : i32 to vector<16xi32>
        %add3A_2138 = arith.addi %get3A_2136, %add3A_2137 : vector<16xi32>
        %swap3A_2139 = arith.constant 1 : i32
        %swap3A_2140 = arith.index_cast %swap3A_2139 : i32 to index
        %swap3A_2141 = arith.constant 96 : index
        %swap3A_2142 = tpu.vector_load %arg6[%swap3A_2140, %swap3A_2141] {strides = array<i32>} : memref<4x128xi32, #tpu.memory_space<vmem>>, vector<1x16xi32>,
        %swap3A_2143 = vector.shape_cast %swap3A_2142 : vector<1x16xi32> to vector<16xi32>
        %swap3A_2144 = vector.shape_cast %add3A_2138 : vector<16xi32> to vector<1x16xi32>
        tpu.vector_store %arg6[%swap3A_2140, %swap3A_2141], %swap3A_2144 {strides = array<i32>} : memref<4x128xi32, #tpu.memory_space<vmem>>, vector<1x16xi32>,
        %get3A_2145 = arith.constant 1 : i32
        %get3A_2146 = arith.constant 0 : i32
        %get3A_2147 = arith.index_cast %get3A_2145 : i32 to index
        %get3A_2148 = arith.index_cast %get3A_2146 : i32 to index
        %get3A_2149 = arith.constant 112 : index
        %get3A_2150 = tpu.vector_load %arg5[%get3A_2147, %get3A_2148, %get3A_2149] {strides = array<i32>} : memref<4x2x128xi32, #tpu.memory_space<vmem>>, vector<1x1x16xi32>,
        %get3A_2151 = vector.shape_cast %get3A_2150 : vector<1x1x16xi32> to vector<16xi32>
        %add3A_2152 = vector.broadcast %mul3A_14 : i32 to vector<16xi32>
        %add3A_2153 = arith.addi %get3A_2151, %add3A_2152 : vector<16xi32>
        %swap3A_2154 = arith.constant 1 : i32
        %swap3A_2155 = arith.index_cast %swap3A_2154 : i32 to index
        %swap3A_2156 = arith.constant 112 : index
        %swap3A_2157 = tpu.vector_load %arg6[%swap3A_2155, %swap3A_2156] {strides = array<i32>} : memref<4x128xi32, #tpu.memory_space<vmem>>, vector<1x16xi32>,
        %swap3A_2158 = vector.shape_cast %swap3A_2157 : vector<1x16xi32> to vector<16xi32>
        %swap3A_2159 = vector.shape_cast %add3A_2153 : vector<16xi32> to vector<1x16xi32>
        tpu.vector_store %arg6[%swap3A_2155, %swap3A_2156], %swap3A_2159 {strides = array<i32>} : memref<4x128xi32, #tpu.memory_space<vmem>>, vector<1x16xi32>,
        %dma_start3A_2160 = arith.constant 1 : i32
        %dma_start3A_2161 = arith.constant 1 : i32
        %dma_start3A_2162 = arith.constant 0 : i32
        %dma_start3A_2163 = arith.constant 0 : i32
        %dma_start3A_2164 = arith.constant 0 : i32
        %dma_start3A_2165 = tpu.memref_slice %arg7[%dma_start3A_2161, %dma_start3A_2162, %dma_start3A_2163, %dma_start3A_2164] : memref<2x128x2x128xbf16, #tpu.memory_space<vmem>> -> memref<1x128x2x128xbf16, #tpu.memory_space<vmem>>
        %dma_start3A_2166 = tpu.memref_squeeze %dma_start3A_2165 : memref<1x128x2x128xbf16, #tpu.memory_space<vmem>> -> memref<128x2x128xbf16, #tpu.memory_space<vmem>>
        %dma_start3A_2167 = arith.constant 0 : i32
        %dma_start3A_2168 = tpu.memref_slice %arg6[%dma_start3A_2160, %dma_start3A_2167] : memref<4x128xi32, #tpu.memory_space<vmem>> -> memref<1x128xi32, #tpu.memory_space<vmem>>
        %dma_start3A_2169 = tpu.memref_squeeze %dma_start3A_2168 : memref<1x128xi32, #tpu.memory_space<vmem>> -> memref<128xi32, #tpu.memory_space<vmem>>
        %dma_start3A_2170 = arith.constant 0 : i32
        %dma_start3A_2171 = arith.constant 0 : i32
        %dma_start3A_2172 = arith.constant 0 : i32
        %dma_start3A_2173 = tpu.memref_slice %arg3[%dma_start3A_2170, %dma_start3A_2171, %dma_start3A_2172] : memref<61440x2x128xbf16, #tpu.memory_space<hbm>> -> memref<61440x2x128xbf16, #tpu.memory_space<hbm>>
        tpu.enqueue_indirect_dma source(%dma_start3A_2173 : memref<61440x2x128xbf16, #tpu.memory_space<hbm>>) target(%dma_start3A_2166 : memref<128x2x128xbf16, #tpu.memory_space<vmem>>) offsets(%dma_start3A_2169 : memref<128xi32, #tpu.memory_space<vmem>>) semaphore(%arg15 : memref<!tpu.dma_semaphore, #tpu.memory_space<semaphore_mem>>)
        %dma_wait3A_2174 = arith.constant 0 : i32
        %dma_wait3A_2175 = arith.constant 0 : i32
        %dma_wait3A_2176 = arith.constant 0 : i32
        %dma_wait3A_2177 = arith.constant 0 : i32
        %dma_wait3A_2178 = arith.constant 0 : i32
        %dma_wait3A_2179 = tpu.memref_slice %arg7[%dma_wait3A_2175, %dma_wait3A_2176, %dma_wait3A_2177, %dma_wait3A_2178] : memref<2x128x2x128xbf16, #tpu.memory_space<vmem>> -> memref<1x128x2x128xbf16, #tpu.memory_space<vmem>>
        %dma_wait3A_2180 = tpu.memref_squeeze %dma_wait3A_2179 : memref<1x128x2x128xbf16, #tpu.memory_space<vmem>> -> memref<128x2x128xbf16, #tpu.memory_space<vmem>>
        %dma_wait3A_2181 = arith.constant 0 : i32
        %dma_wait3A_2182 = tpu.memref_slice %arg6[%dma_wait3A_2174, %dma_wait3A_2181] : memref<4x128xi32, #tpu.memory_space<vmem>> -> memref<1x128xi32, #tpu.memory_space<vmem>>
        %dma_wait3A_2183 = tpu.memref_squeeze %dma_wait3A_2182 : memref<1x128xi32, #tpu.memory_space<vmem>> -> memref<128xi32, #tpu.memory_space<vmem>>
        %dma_wait3A_2184 = arith.constant 0 : i32
        %dma_wait3A_2185 = arith.constant 0 : i32
        %dma_wait3A_2186 = arith.constant 0 : i32
        %dma_wait3A_2187 = tpu.memref_slice %arg3[%dma_wait3A_2184, %dma_wait3A_2185, %dma_wait3A_2186] : memref<61440x2x128xbf16, #tpu.memory_space<hbm>> -> memref<61440x2x128xbf16, #tpu.memory_space<hbm>>
        tpu.wait_indirect_dma semaphore(%arg14 : memref<!tpu.dma_semaphore, #tpu.memory_space<semaphore_mem>>) src(%dma_wait3A_2187 : memref<61440x2x128xbf16, #tpu.memory_space<hbm>>) dst(%dma_wait3A_2180 : memref<128x2x128xbf16, #tpu.memory_space<vmem>>)
        %dma_start3A_2188 = arith.constant 0 : i32
        %dma_start3A_2189 = arith.constant 0 : i32
        %dma_start3A_2190 = arith.constant 1 : i32
        %dma_start3A_2191 = arith.constant 0 : i32
        %dma_start3A_2192 = arith.constant 0 : i32
        %dma_start3A_2193 = arith.constant 0 : i32
        %dma_start3A_2194 = tpu.memref_slice %arg7[%dma_start3A_2188, %dma_start3A_2191, %dma_start3A_2192, %dma_start3A_2193] : memref<2x128x2x128xbf16, #tpu.memory_space<vmem>> -> memref<1x128x2x128xbf16, #tpu.memory_space<vmem>>
        %dma_start3A_2195 = tpu.memref_squeeze %dma_start3A_2194 : memref<1x128x2x128xbf16, #tpu.memory_space<vmem>> -> memref<128x2x128xbf16, #tpu.memory_space<vmem>>
        %dma_start3A_2196 = arith.constant 0 : i32
        %dma_start3A_2197 = tpu.memref_slice %arg5[%dma_start3A_2189, %dma_start3A_2190, %dma_start3A_2196] : memref<4x2x128xi32, #tpu.memory_space<vmem>> -> memref<1x1x128xi32, #tpu.memory_space<vmem>>
        %dma_start3A_2198 = tpu.memref_squeeze %dma_start3A_2197 : memref<1x1x128xi32, #tpu.memory_space<vmem>> -> memref<128xi32, #tpu.memory_space<vmem>>
        %dma_start3A_2199 = arith.constant 0 : i32
        %dma_start3A_2200 = arith.constant 0 : i32
        %dma_start3A_2201 = arith.constant 0 : i32
        %dma_start3A_2202 = tpu.memref_slice %arg9[%dma_start3A_2199, %dma_start3A_2200, %dma_start3A_2201] : memref<10240x2x128xbf16, #tpu.memory_space<vmem_shared>> -> memref<10240x2x128xbf16, #tpu.memory_space<vmem_shared>>
        tpu.enqueue_indirect_dma source(%dma_start3A_2195 : memref<128x2x128xbf16, #tpu.memory_space<vmem>>) target(%dma_start3A_2202 : memref<10240x2x128xbf16, #tpu.memory_space<vmem_shared>>) offsets(%dma_start3A_2198 : memref<128xi32, #tpu.memory_space<vmem>>) semaphore(%arg16 : memref<!tpu.dma_semaphore, #tpu.memory_space<semaphore_mem>>) {add = true}
        %mul3A_2203 = arith.constant 4 : i32
        %mul3A_2204 = arith.muli %scan3A_1766, %mul3A_2203 : i32
        %add3A_2205 = arith.constant 2 : i32
        %add3A_2206 = arith.addi %mul3A_2204, %add3A_2205 : i32
        %dma_wait3A_2207 = arith.constant 0 : i32
        %dma_wait3A_2208 = arith.constant 0 : i32
        %dma_wait3A_2209 = arith.constant 1 : i32
        %dma_wait3A_2210 = arith.constant 0 : i32
        %dma_wait3A_2211 = arith.constant 0 : i32
        %dma_wait3A_2212 = arith.constant 0 : i32
        %dma_wait3A_2213 = tpu.memref_slice %arg7[%dma_wait3A_2207, %dma_wait3A_2210, %dma_wait3A_2211, %dma_wait3A_2212] : memref<2x128x2x128xbf16, #tpu.memory_space<vmem>> -> memref<1x128x2x128xbf16, #tpu.memory_space<vmem>>
        %dma_wait3A_2214 = tpu.memref_squeeze %dma_wait3A_2213 : memref<1x128x2x128xbf16, #tpu.memory_space<vmem>> -> memref<128x2x128xbf16, #tpu.memory_space<vmem>>
        %dma_wait3A_2215 = arith.constant 0 : i32
        %dma_wait3A_2216 = tpu.memref_slice %arg5[%dma_wait3A_2208, %dma_wait3A_2209, %dma_wait3A_2215] : memref<4x2x128xi32, #tpu.memory_space<vmem>> -> memref<1x1x128xi32, #tpu.memory_space<vmem>>
        %dma_wait3A_2217 = tpu.memref_squeeze %dma_wait3A_2216 : memref<1x1x128xi32, #tpu.memory_space<vmem>> -> memref<128xi32, #tpu.memory_space<vmem>>
        %dma_wait3A_2218 = arith.constant 0 : i32
        %dma_wait3A_2219 = arith.constant 0 : i32
        %dma_wait3A_2220 = arith.constant 0 : i32
        %dma_wait3A_2221 = tpu.memref_slice %arg9[%dma_wait3A_2218, %dma_wait3A_2219, %dma_wait3A_2220] : memref<10240x2x128xbf16, #tpu.memory_space<vmem_shared>> -> memref<10240x2x128xbf16, #tpu.memory_space<vmem_shared>>
        tpu.wait_indirect_dma semaphore(%arg16 : memref<!tpu.dma_semaphore, #tpu.memory_space<semaphore_mem>>) src(%dma_wait3A_2214 : memref<128x2x128xbf16, #tpu.memory_space<vmem>>) dst(%dma_wait3A_2221 : memref<10240x2x128xbf16, #tpu.memory_space<vmem_shared>>)
        %add3A_2222 = arith.constant 2 : i32
        %add3A_2223 = arith.addi %add3A_2206, %add3A_2222 : i32
        %mul3A_2224 = arith.constant 160 : i32
        %mul3A_2225 = arith.muli %arg1, %mul3A_2224 : i32
        %add3A_2226 = arith.addi %mul3A_2225, %add3A_2223 : i32
        %dma_start3A_2227 = arith.constant 0 : i32
        %dma_start3A_2228 = arith.constant 0 : i32
        %dma_start3A_2229 = arith.constant 0 : i32
        %dma_start3A_2230 = tpu.memref_slice %arg5[%dma_start3A_2227, %dma_start3A_2228, %dma_start3A_2229] : memref<4x2x128xi32, #tpu.memory_space<vmem>> -> memref<1x2x128xi32, #tpu.memory_space<vmem>>
        %dma_start3A_2231 = arith.constant 0 : i32
        %dma_start3A_2232 = arith.constant 0 : i32
        %dma_start3A_2233 = tpu.memref_slice %arg2[%add3A_2226, %dma_start3A_2231, %dma_start3A_2232] : memref<2562x2x128xi32, #tpu.memory_space<hbm>> -> memref<1x2x128xi32, #tpu.memory_space<hbm>>
        %dma_start3A_2234 = arith.constant 0 : i32
        %dma_start3A_2235 = arith.constant 0 : i32
        %dma_start3A_2236 = arith.constant 0 : i32
        %dma_start3A_2237 = tpu.memref_slice %arg5[%dma_start3A_2234, %dma_start3A_2235, %dma_start3A_2236] : memref<4x2x128xi32, #tpu.memory_space<vmem>> -> memref<1x2x128xi32, #tpu.memory_space<vmem>>
        %dma_start3A_2238 = arith.constant 0 : i32
        %dma_start3A_2239 = arith.constant 0 : i32
        %dma_start3A_2240 = tpu.memref_slice %arg2[%add3A_2226, %dma_start3A_2238, %dma_start3A_2239] : memref<2562x2x128xi32, #tpu.memory_space<hbm>> -> memref<1x2x128xi32, #tpu.memory_space<hbm>>
        tpu.enqueue_dma source(%dma_start3A_2240 : memref<1x2x128xi32, #tpu.memory_space<hbm>>) target(%dma_start3A_2237 : memref<1x2x128xi32, #tpu.memory_space<vmem>>) target_semaphore(%arg10 : memref<!tpu.dma_semaphore, #tpu.memory_space<semaphore_mem>>)
        %mul3A_2241 = arith.constant 160 : i32
        %mul3A_2242 = arith.muli %arg1, %mul3A_2241 : i32
        %add3A_2243 = arith.addi %mul3A_2242, %add3A_2206 : i32
        %dma_wait3A_2244 = arith.constant 2 : i32
        %dma_wait3A_2245 = arith.constant 0 : i32
        %dma_wait3A_2246 = arith.constant 0 : i32
        %dma_wait3A_2247 = tpu.memref_slice %arg5[%dma_wait3A_2244, %dma_wait3A_2245, %dma_wait3A_2246] : memref<4x2x128xi32, #tpu.memory_space<vmem>> -> memref<1x2x128xi32, #tpu.memory_space<vmem>>
        %dma_wait3A_2248 = arith.constant 0 : i32
        %dma_wait3A_2249 = arith.constant 0 : i32
        %dma_wait3A_2250 = tpu.memref_slice %arg2[%add3A_2243, %dma_wait3A_2248, %dma_wait3A_2249] : memref<2562x2x128xi32, #tpu.memory_space<hbm>> -> memref<1x2x128xi32, #tpu.memory_space<hbm>>
        %dma_wait3A_2251 = arith.constant 2 : i32
        %dma_wait3A_2252 = arith.constant 0 : i32
        %dma_wait3A_2253 = arith.constant 0 : i32
        %dma_wait3A_2254 = tpu.memref_slice %arg5[%dma_wait3A_2251, %dma_wait3A_2252, %dma_wait3A_2253] : memref<4x2x128xi32, #tpu.memory_space<vmem>> -> memref<1x2x128xi32, #tpu.memory_space<vmem>>
        %dma_wait3A_2255 = arith.constant 0 : i32
        %dma_wait3A_2256 = arith.constant 0 : i32
        %dma_wait3A_2257 = tpu.memref_slice %arg2[%add3A_2243, %dma_wait3A_2255, %dma_wait3A_2256] : memref<2562x2x128xi32, #tpu.memory_space<hbm>> -> memref<1x2x128xi32, #tpu.memory_space<hbm>>
        tpu.wait_dma2 semaphore(%arg12 : memref<!tpu.dma_semaphore, #tpu.memory_space<semaphore_mem>>) src(%dma_wait3A_2257 : memref<1x2x128xi32, #tpu.memory_space<hbm>>) dst(%dma_wait3A_2254 : memref<1x2x128xi32, #tpu.memory_space<vmem>>)
        %get3A_2258 = arith.constant 2 : i32
        %get3A_2259 = arith.constant 0 : i32
        %get3A_2260 = arith.index_cast %get3A_2258 : i32 to index
        %get3A_2261 = arith.index_cast %get3A_2259 : i32 to index
        %get3A_2262 = arith.constant 0 : index
        %get3A_2263 = tpu.vector_load %arg5[%get3A_2260, %get3A_2261, %get3A_2262] {strides = array<i32>} : memref<4x2x128xi32, #tpu.memory_space<vmem>>, vector<1x1x16xi32>,
        %get3A_2264 = vector.shape_cast %get3A_2263 : vector<1x1x16xi32> to vector<16xi32>
        %add3A_2265 = vector.broadcast %mul3A_14 : i32 to vector<16xi32>
        %add3A_2266 = arith.addi %get3A_2264, %add3A_2265 : vector<16xi32>
        %swap3A_2267 = arith.constant 2 : i32
        %swap3A_2268 = arith.index_cast %swap3A_2267 : i32 to index
        %swap3A_2269 = arith.constant 0 : index
        %swap3A_2270 = tpu.vector_load %arg6[%swap3A_2268, %swap3A_2269] {strides = array<i32>} : memref<4x128xi32, #tpu.memory_space<vmem>>, vector<1x16xi32>,
        %swap3A_2271 = vector.shape_cast %swap3A_2270 : vector<1x16xi32> to vector<16xi32>
        %swap3A_2272 = vector.shape_cast %add3A_2266 : vector<16xi32> to vector<1x16xi32>
        tpu.vector_store %arg6[%swap3A_2268, %swap3A_2269], %swap3A_2272 {strides = array<i32>} : memref<4x128xi32, #tpu.memory_space<vmem>>, vector<1x16xi32>,
        %get3A_2273 = arith.constant 2 : i32
        %get3A_2274 = arith.constant 0 : i32
        %get3A_2275 = arith.index_cast %get3A_2273 : i32 to index
        %get3A_2276 = arith.index_cast %get3A_2274 : i32 to index
        %get3A_2277 = arith.constant 16 : index
        %get3A_2278 = tpu.vector_load %arg5[%get3A_2275, %get3A_2276, %get3A_2277] {strides = array<i32>} : memref<4x2x128xi32, #tpu.memory_space<vmem>>, vector<1x1x16xi32>,
        %get3A_2279 = vector.shape_cast %get3A_2278 : vector<1x1x16xi32> to vector<16xi32>
        %add3A_2280 = vector.broadcast %mul3A_14 : i32 to vector<16xi32>
        %add3A_2281 = arith.addi %get3A_2279, %add3A_2280 : vector<16xi32>
        %swap3A_2282 = arith.constant 2 : i32
        %swap3A_2283 = arith.index_cast %swap3A_2282 : i32 to index
        %swap3A_2284 = arith.constant 16 : index
        %swap3A_2285 = tpu.vector_load %arg6[%swap3A_2283, %swap3A_2284] {strides = array<i32>} : memref<4x128xi32, #tpu.memory_space<vmem>>, vector<1x16xi32>,
        %swap3A_2286 = vector.shape_cast %swap3A_2285 : vector<1x16xi32> to vector<16xi32>
        %swap3A_2287 = vector.shape_cast %add3A_2281 : vector<16xi32> to vector<1x16xi32>
        tpu.vector_store %arg6[%swap3A_2283, %swap3A_2284], %swap3A_2287 {strides = array<i32>} : memref<4x128xi32, #tpu.memory_space<vmem>>, vector<1x16xi32>,
        %get3A_2288 = arith.constant 2 : i32
        %get3A_2289 = arith.constant 0 : i32
        %get3A_2290 = arith.index_cast %get3A_2288 : i32 to index
        %get3A_2291 = arith.index_cast %get3A_2289 : i32 to index
        %get3A_2292 = arith.constant 32 : index
        %get3A_2293 = tpu.vector_load %arg5[%get3A_2290, %get3A_2291, %get3A_2292] {strides = array<i32>} : memref<4x2x128xi32, #tpu.memory_space<vmem>>, vector<1x1x16xi32>,
        %get3A_2294 = vector.shape_cast %get3A_2293 : vector<1x1x16xi32> to vector<16xi32>
        %add3A_2295 = vector.broadcast %mul3A_14 : i32 to vector<16xi32>
        %add3A_2296 = arith.addi %get3A_2294, %add3A_2295 : vector<16xi32>
        %swap3A_2297 = arith.constant 2 : i32
        %swap3A_2298 = arith.index_cast %swap3A_2297 : i32 to index
        %swap3A_2299 = arith.constant 32 : index
        %swap3A_2300 = tpu.vector_load %arg6[%swap3A_2298, %swap3A_2299] {strides = array<i32>} : memref<4x128xi32, #tpu.memory_space<vmem>>, vector<1x16xi32>,
        %swap3A_2301 = vector.shape_cast %swap3A_2300 : vector<1x16xi32> to vector<16xi32>
        %swap3A_2302 = vector.shape_cast %add3A_2296 : vector<16xi32> to vector<1x16xi32>
        tpu.vector_store %arg6[%swap3A_2298, %swap3A_2299], %swap3A_2302 {strides = array<i32>} : memref<4x128xi32, #tpu.memory_space<vmem>>, vector<1x16xi32>,
        %get3A_2303 = arith.constant 2 : i32
        %get3A_2304 = arith.constant 0 : i32
        %get3A_2305 = arith.index_cast %get3A_2303 : i32 to index
        %get3A_2306 = arith.index_cast %get3A_2304 : i32 to index
        %get3A_2307 = arith.constant 48 : index
        %get3A_2308 = tpu.vector_load %arg5[%get3A_2305, %get3A_2306, %get3A_2307] {strides = array<i32>} : memref<4x2x128xi32, #tpu.memory_space<vmem>>, vector<1x1x16xi32>,
        %get3A_2309 = vector.shape_cast %get3A_2308 : vector<1x1x16xi32> to vector<16xi32>
        %add3A_2310 = vector.broadcast %mul3A_14 : i32 to vector<16xi32>
        %add3A_2311 = arith.addi %get3A_2309, %add3A_2310 : vector<16xi32>
        %swap3A_2312 = arith.constant 2 : i32
        %swap3A_2313 = arith.index_cast %swap3A_2312 : i32 to index
        %swap3A_2314 = arith.constant 48 : index
        %swap3A_2315 = tpu.vector_load %arg6[%swap3A_2313, %swap3A_2314] {strides = array<i32>} : memref<4x128xi32, #tpu.memory_space<vmem>>, vector<1x16xi32>,
        %swap3A_2316 = vector.shape_cast %swap3A_2315 : vector<1x16xi32> to vector<16xi32>
        %swap3A_2317 = vector.shape_cast %add3A_2311 : vector<16xi32> to vector<1x16xi32>
        tpu.vector_store %arg6[%swap3A_2313, %swap3A_2314], %swap3A_2317 {strides = array<i32>} : memref<4x128xi32, #tpu.memory_space<vmem>>, vector<1x16xi32>,
        %get3A_2318 = arith.constant 2 : i32
        %get3A_2319 = arith.constant 0 : i32
        %get3A_2320 = arith.index_cast %get3A_2318 : i32 to index
        %get3A_2321 = arith.index_cast %get3A_2319 : i32 to index
        %get3A_2322 = arith.constant 64 : index
        %get3A_2323 = tpu.vector_load %arg5[%get3A_2320, %get3A_2321, %get3A_2322] {strides = array<i32>} : memref<4x2x128xi32, #tpu.memory_space<vmem>>, vector<1x1x16xi32>,
        %get3A_2324 = vector.shape_cast %get3A_2323 : vector<1x1x16xi32> to vector<16xi32>
        %add3A_2325 = vector.broadcast %mul3A_14 : i32 to vector<16xi32>
        %add3A_2326 = arith.addi %get3A_2324, %add3A_2325 : vector<16xi32>
        %swap3A_2327 = arith.constant 2 : i32
        %swap3A_2328 = arith.index_cast %swap3A_2327 : i32 to index
        %swap3A_2329 = arith.constant 64 : index
        %swap3A_2330 = tpu.vector_load %arg6[%swap3A_2328, %swap3A_2329] {strides = array<i32>} : memref<4x128xi32, #tpu.memory_space<vmem>>, vector<1x16xi32>,
        %swap3A_2331 = vector.shape_cast %swap3A_2330 : vector<1x16xi32> to vector<16xi32>
        %swap3A_2332 = vector.shape_cast %add3A_2326 : vector<16xi32> to vector<1x16xi32>
        tpu.vector_store %arg6[%swap3A_2328, %swap3A_2329], %swap3A_2332 {strides = array<i32>} : memref<4x128xi32, #tpu.memory_space<vmem>>, vector<1x16xi32>,
        %get3A_2333 = arith.constant 2 : i32
        %get3A_2334 = arith.constant 0 : i32
        %get3A_2335 = arith.index_cast %get3A_2333 : i32 to index
        %get3A_2336 = arith.index_cast %get3A_2334 : i32 to index
        %get3A_2337 = arith.constant 80 : index
        %get3A_2338 = tpu.vector_load %arg5[%get3A_2335, %get3A_2336, %get3A_2337] {strides = array<i32>} : memref<4x2x128xi32, #tpu.memory_space<vmem>>, vector<1x1x16xi32>,
        %get3A_2339 = vector.shape_cast %get3A_2338 : vector<1x1x16xi32> to vector<16xi32>
        %add3A_2340 = vector.broadcast %mul3A_14 : i32 to vector<16xi32>
        %add3A_2341 = arith.addi %get3A_2339, %add3A_2340 : vector<16xi32>
        %swap3A_2342 = arith.constant 2 : i32
        %swap3A_2343 = arith.index_cast %swap3A_2342 : i32 to index
        %swap3A_2344 = arith.constant 80 : index
        %swap3A_2345 = tpu.vector_load %arg6[%swap3A_2343, %swap3A_2344] {strides = array<i32>} : memref<4x128xi32, #tpu.memory_space<vmem>>, vector<1x16xi32>,
        %swap3A_2346 = vector.shape_cast %swap3A_2345 : vector<1x16xi32> to vector<16xi32>
        %swap3A_2347 = vector.shape_cast %add3A_2341 : vector<16xi32> to vector<1x16xi32>
        tpu.vector_store %arg6[%swap3A_2343, %swap3A_2344], %swap3A_2347 {strides = array<i32>} : memref<4x128xi32, #tpu.memory_space<vmem>>, vector<1x16xi32>,
        %get3A_2348 = arith.constant 2 : i32
        %get3A_2349 = arith.constant 0 : i32
        %get3A_2350 = arith.index_cast %get3A_2348 : i32 to index
        %get3A_2351 = arith.index_cast %get3A_2349 : i32 to index
        %get3A_2352 = arith.constant 96 : index
        %get3A_2353 = tpu.vector_load %arg5[%get3A_2350, %get3A_2351, %get3A_2352] {strides = array<i32>} : memref<4x2x128xi32, #tpu.memory_space<vmem>>, vector<1x1x16xi32>,
        %get3A_2354 = vector.shape_cast %get3A_2353 : vector<1x1x16xi32> to vector<16xi32>
        %add3A_2355 = vector.broadcast %mul3A_14 : i32 to vector<16xi32>
        %add3A_2356 = arith.addi %get3A_2354, %add3A_2355 : vector<16xi32>
        %swap3A_2357 = arith.constant 2 : i32
        %swap3A_2358 = arith.index_cast %swap3A_2357 : i32 to index
        %swap3A_2359 = arith.constant 96 : index
        %swap3A_2360 = tpu.vector_load %arg6[%swap3A_2358, %swap3A_2359] {strides = array<i32>} : memref<4x128xi32, #tpu.memory_space<vmem>>, vector<1x16xi32>,
        %swap3A_2361 = vector.shape_cast %swap3A_2360 : vector<1x16xi32> to vector<16xi32>
        %swap3A_2362 = vector.shape_cast %add3A_2356 : vector<16xi32> to vector<1x16xi32>
        tpu.vector_store %arg6[%swap3A_2358, %swap3A_2359], %swap3A_2362 {strides = array<i32>} : memref<4x128xi32, #tpu.memory_space<vmem>>, vector<1x16xi32>,
        %get3A_2363 = arith.constant 2 : i32
        %get3A_2364 = arith.constant 0 : i32
        %get3A_2365 = arith.index_cast %get3A_2363 : i32 to index
        %get3A_2366 = arith.index_cast %get3A_2364 : i32 to index
        %get3A_2367 = arith.constant 112 : index
        %get3A_2368 = tpu.vector_load %arg5[%get3A_2365, %get3A_2366, %get3A_2367] {strides = array<i32>} : memref<4x2x128xi32, #tpu.memory_space<vmem>>, vector<1x1x16xi32>,
        %get3A_2369 = vector.shape_cast %get3A_2368 : vector<1x1x16xi32> to vector<16xi32>
        %add3A_2370 = vector.broadcast %mul3A_14 : i32 to vector<16xi32>
        %add3A_2371 = arith.addi %get3A_2369, %add3A_2370 : vector<16xi32>
        %swap3A_2372 = arith.constant 2 : i32
        %swap3A_2373 = arith.index_cast %swap3A_2372 : i32 to index
        %swap3A_2374 = arith.constant 112 : index
        %swap3A_2375 = tpu.vector_load %arg6[%swap3A_2373, %swap3A_2374] {strides = array<i32>} : memref<4x128xi32, #tpu.memory_space<vmem>>, vector<1x16xi32>,
        %swap3A_2376 = vector.shape_cast %swap3A_2375 : vector<1x16xi32> to vector<16xi32>
        %swap3A_2377 = vector.shape_cast %add3A_2371 : vector<16xi32> to vector<1x16xi32>
        tpu.vector_store %arg6[%swap3A_2373, %swap3A_2374], %swap3A_2377 {strides = array<i32>} : memref<4x128xi32, #tpu.memory_space<vmem>>, vector<1x16xi32>,
        %dma_start3A_2378 = arith.constant 2 : i32
        %dma_start3A_2379 = arith.constant 0 : i32
        %dma_start3A_2380 = arith.constant 0 : i32
        %dma_start3A_2381 = arith.constant 0 : i32
        %dma_start3A_2382 = arith.constant 0 : i32
        %dma_start3A_2383 = tpu.memref_slice %arg7[%dma_start3A_2379, %dma_start3A_2380, %dma_start3A_2381, %dma_start3A_2382] : memref<2x128x2x128xbf16, #tpu.memory_space<vmem>> -> memref<1x128x2x128xbf16, #tpu.memory_space<vmem>>
        %dma_start3A_2384 = tpu.memref_squeeze %dma_start3A_2383 : memref<1x128x2x128xbf16, #tpu.memory_space<vmem>> -> memref<128x2x128xbf16, #tpu.memory_space<vmem>>
        %dma_start3A_2385 = arith.constant 0 : i32
        %dma_start3A_2386 = tpu.memref_slice %arg6[%dma_start3A_2378, %dma_start3A_2385] : memref<4x128xi32, #tpu.memory_space<vmem>> -> memref<1x128xi32, #tpu.memory_space<vmem>>
        %dma_start3A_2387 = tpu.memref_squeeze %dma_start3A_2386 : memref<1x128xi32, #tpu.memory_space<vmem>> -> memref<128xi32, #tpu.memory_space<vmem>>
        %dma_start3A_2388 = arith.constant 0 : i32
        %dma_start3A_2389 = arith.constant 0 : i32
        %dma_start3A_2390 = arith.constant 0 : i32
        %dma_start3A_2391 = tpu.memref_slice %arg3[%dma_start3A_2388, %dma_start3A_2389, %dma_start3A_2390] : memref<61440x2x128xbf16, #tpu.memory_space<hbm>> -> memref<61440x2x128xbf16, #tpu.memory_space<hbm>>
        tpu.enqueue_indirect_dma source(%dma_start3A_2391 : memref<61440x2x128xbf16, #tpu.memory_space<hbm>>) target(%dma_start3A_2384 : memref<128x2x128xbf16, #tpu.memory_space<vmem>>) offsets(%dma_start3A_2387 : memref<128xi32, #tpu.memory_space<vmem>>) semaphore(%arg14 : memref<!tpu.dma_semaphore, #tpu.memory_space<semaphore_mem>>)
        %dma_wait3A_2392 = arith.constant 1 : i32
        %dma_wait3A_2393 = arith.constant 1 : i32
        %dma_wait3A_2394 = arith.constant 0 : i32
        %dma_wait3A_2395 = arith.constant 0 : i32
        %dma_wait3A_2396 = arith.constant 0 : i32
        %dma_wait3A_2397 = tpu.memref_slice %arg7[%dma_wait3A_2393, %dma_wait3A_2394, %dma_wait3A_2395, %dma_wait3A_2396] : memref<2x128x2x128xbf16, #tpu.memory_space<vmem>> -> memref<1x128x2x128xbf16, #tpu.memory_space<vmem>>
        %dma_wait3A_2398 = tpu.memref_squeeze %dma_wait3A_2397 : memref<1x128x2x128xbf16, #tpu.memory_space<vmem>> -> memref<128x2x128xbf16, #tpu.memory_space<vmem>>
        %dma_wait3A_2399 = arith.constant 0 : i32
        %dma_wait3A_2400 = tpu.memref_slice %arg6[%dma_wait3A_2392, %dma_wait3A_2399] : memref<4x128xi32, #tpu.memory_space<vmem>> -> memref<1x128xi32, #tpu.memory_space<vmem>>
        %dma_wait3A_2401 = tpu.memref_squeeze %dma_wait3A_2400 : memref<1x128xi32, #tpu.memory_space<vmem>> -> memref<128xi32, #tpu.memory_space<vmem>>
        %dma_wait3A_2402 = arith.constant 0 : i32
        %dma_wait3A_2403 = arith.constant 0 : i32
        %dma_wait3A_2404 = arith.constant 0 : i32
        %dma_wait3A_2405 = tpu.memref_slice %arg3[%dma_wait3A_2402, %dma_wait3A_2403, %dma_wait3A_2404] : memref<61440x2x128xbf16, #tpu.memory_space<hbm>> -> memref<61440x2x128xbf16, #tpu.memory_space<hbm>>
        tpu.wait_indirect_dma semaphore(%arg15 : memref<!tpu.dma_semaphore, #tpu.memory_space<semaphore_mem>>) src(%dma_wait3A_2405 : memref<61440x2x128xbf16, #tpu.memory_space<hbm>>) dst(%dma_wait3A_2398 : memref<128x2x128xbf16, #tpu.memory_space<vmem>>)
        %dma_start3A_2406 = arith.constant 1 : i32
        %dma_start3A_2407 = arith.constant 1 : i32
        %dma_start3A_2408 = arith.constant 1 : i32
        %dma_start3A_2409 = arith.constant 0 : i32
        %dma_start3A_2410 = arith.constant 0 : i32
        %dma_start3A_2411 = arith.constant 0 : i32
        %dma_start3A_2412 = tpu.memref_slice %arg7[%dma_start3A_2406, %dma_start3A_2409, %dma_start3A_2410, %dma_start3A_2411] : memref<2x128x2x128xbf16, #tpu.memory_space<vmem>> -> memref<1x128x2x128xbf16, #tpu.memory_space<vmem>>
        %dma_start3A_2413 = tpu.memref_squeeze %dma_start3A_2412 : memref<1x128x2x128xbf16, #tpu.memory_space<vmem>> -> memref<128x2x128xbf16, #tpu.memory_space<vmem>>
        %dma_start3A_2414 = arith.constant 0 : i32
        %dma_start3A_2415 = tpu.memref_slice %arg5[%dma_start3A_2407, %dma_start3A_2408, %dma_start3A_2414] : memref<4x2x128xi32, #tpu.memory_space<vmem>> -> memref<1x1x128xi32, #tpu.memory_space<vmem>>
        %dma_start3A_2416 = tpu.memref_squeeze %dma_start3A_2415 : memref<1x1x128xi32, #tpu.memory_space<vmem>> -> memref<128xi32, #tpu.memory_space<vmem>>
        %dma_start3A_2417 = arith.constant 0 : i32
        %dma_start3A_2418 = arith.constant 0 : i32
        %dma_start3A_2419 = arith.constant 0 : i32
        %dma_start3A_2420 = tpu.memref_slice %arg9[%dma_start3A_2417, %dma_start3A_2418, %dma_start3A_2419] : memref<10240x2x128xbf16, #tpu.memory_space<vmem_shared>> -> memref<10240x2x128xbf16, #tpu.memory_space<vmem_shared>>
        tpu.enqueue_indirect_dma source(%dma_start3A_2413 : memref<128x2x128xbf16, #tpu.memory_space<vmem>>) target(%dma_start3A_2420 : memref<10240x2x128xbf16, #tpu.memory_space<vmem_shared>>) offsets(%dma_start3A_2416 : memref<128xi32, #tpu.memory_space<vmem>>) semaphore(%arg17 : memref<!tpu.dma_semaphore, #tpu.memory_space<semaphore_mem>>) {add = true}
        %mul3A_2421 = arith.constant 4 : i32
        %mul3A_2422 = arith.muli %scan3A_1766, %mul3A_2421 : i32
        %add3A_2423 = arith.constant 3 : i32
        %add3A_2424 = arith.addi %mul3A_2422, %add3A_2423 : i32
        %dma_wait3A_2425 = arith.constant 1 : i32
        %dma_wait3A_2426 = arith.constant 1 : i32
        %dma_wait3A_2427 = arith.constant 1 : i32
        %dma_wait3A_2428 = arith.constant 0 : i32
        %dma_wait3A_2429 = arith.constant 0 : i32
        %dma_wait3A_2430 = arith.constant 0 : i32
        %dma_wait3A_2431 = tpu.memref_slice %arg7[%dma_wait3A_2425, %dma_wait3A_2428, %dma_wait3A_2429, %dma_wait3A_2430] : memref<2x128x2x128xbf16, #tpu.memory_space<vmem>> -> memref<1x128x2x128xbf16, #tpu.memory_space<vmem>>
        %dma_wait3A_2432 = tpu.memref_squeeze %dma_wait3A_2431 : memref<1x128x2x128xbf16, #tpu.memory_space<vmem>> -> memref<128x2x128xbf16, #tpu.memory_space<vmem>>
        %dma_wait3A_2433 = arith.constant 0 : i32
        %dma_wait3A_2434 = tpu.memref_slice %arg5[%dma_wait3A_2426, %dma_wait3A_2427, %dma_wait3A_2433] : memref<4x2x128xi32, #tpu.memory_space<vmem>> -> memref<1x1x128xi32, #tpu.memory_space<vmem>>
        %dma_wait3A_2435 = tpu.memref_squeeze %dma_wait3A_2434 : memref<1x1x128xi32, #tpu.memory_space<vmem>> -> memref<128xi32, #tpu.memory_space<vmem>>
        %dma_wait3A_2436 = arith.constant 0 : i32
        %dma_wait3A_2437 = arith.constant 0 : i32
        %dma_wait3A_2438 = arith.constant 0 : i32
        %dma_wait3A_2439 = tpu.memref_slice %arg9[%dma_wait3A_2436, %dma_wait3A_2437, %dma_wait3A_2438] : memref<10240x2x128xbf16, #tpu.memory_space<vmem_shared>> -> memref<10240x2x128xbf16, #tpu.memory_space<vmem_shared>>
        tpu.wait_indirect_dma semaphore(%arg17 : memref<!tpu.dma_semaphore, #tpu.memory_space<semaphore_mem>>) src(%dma_wait3A_2432 : memref<128x2x128xbf16, #tpu.memory_space<vmem>>) dst(%dma_wait3A_2439 : memref<10240x2x128xbf16, #tpu.memory_space<vmem_shared>>)
        %add3A_2440 = arith.constant 2 : i32
        %add3A_2441 = arith.addi %add3A_2424, %add3A_2440 : i32
        %mul3A_2442 = arith.constant 160 : i32
        %mul3A_2443 = arith.muli %arg1, %mul3A_2442 : i32
        %add3A_2444 = arith.addi %mul3A_2443, %add3A_2441 : i32
        %dma_start3A_2445 = arith.constant 1 : i32
        %dma_start3A_2446 = arith.constant 0 : i32
        %dma_start3A_2447 = arith.constant 0 : i32
        %dma_start3A_2448 = tpu.memref_slice %arg5[%dma_start3A_2445, %dma_start3A_2446, %dma_start3A_2447] : memref<4x2x128xi32, #tpu.memory_space<vmem>> -> memref<1x2x128xi32, #tpu.memory_space<vmem>>
        %dma_start3A_2449 = arith.constant 0 : i32
        %dma_start3A_2450 = arith.constant 0 : i32
        %dma_start3A_2451 = tpu.memref_slice %arg2[%add3A_2444, %dma_start3A_2449, %dma_start3A_2450] : memref<2562x2x128xi32, #tpu.memory_space<hbm>> -> memref<1x2x128xi32, #tpu.memory_space<hbm>>
        %dma_start3A_2452 = arith.constant 1 : i32
        %dma_start3A_2453 = arith.constant 0 : i32
        %dma_start3A_2454 = arith.constant 0 : i32
        %dma_start3A_2455 = tpu.memref_slice %arg5[%dma_start3A_2452, %dma_start3A_2453, %dma_start3A_2454] : memref<4x2x128xi32, #tpu.memory_space<vmem>> -> memref<1x2x128xi32, #tpu.memory_space<vmem>>
        %dma_start3A_2456 = arith.constant 0 : i32
        %dma_start3A_2457 = arith.constant 0 : i32
        %dma_start3A_2458 = tpu.memref_slice %arg2[%add3A_2444, %dma_start3A_2456, %dma_start3A_2457] : memref<2562x2x128xi32, #tpu.memory_space<hbm>> -> memref<1x2x128xi32, #tpu.memory_space<hbm>>
        tpu.enqueue_dma source(%dma_start3A_2458 : memref<1x2x128xi32, #tpu.memory_space<hbm>>) target(%dma_start3A_2455 : memref<1x2x128xi32, #tpu.memory_space<vmem>>) target_semaphore(%arg11 : memref<!tpu.dma_semaphore, #tpu.memory_space<semaphore_mem>>)
        %mul3A_2459 = arith.constant 160 : i32
        %mul3A_2460 = arith.muli %arg1, %mul3A_2459 : i32
        %add3A_2461 = arith.addi %mul3A_2460, %add3A_2424 : i32
        %dma_wait3A_2462 = arith.constant 3 : i32
        %dma_wait3A_2463 = arith.constant 0 : i32
        %dma_wait3A_2464 = arith.constant 0 : i32
        %dma_wait3A_2465 = tpu.memref_slice %arg5[%dma_wait3A_2462, %dma_wait3A_2463, %dma_wait3A_2464] : memref<4x2x128xi32, #tpu.memory_space<vmem>> -> memref<1x2x128xi32, #tpu.memory_space<vmem>>
        %dma_wait3A_2466 = arith.constant 0 : i32
        %dma_wait3A_2467 = arith.constant 0 : i32
        %dma_wait3A_2468 = tpu.memref_slice %arg2[%add3A_2461, %dma_wait3A_2466, %dma_wait3A_2467] : memref<2562x2x128xi32, #tpu.memory_space<hbm>> -> memref<1x2x128xi32, #tpu.memory_space<hbm>>
        %dma_wait3A_2469 = arith.constant 3 : i32
        %dma_wait3A_2470 = arith.constant 0 : i32
        %dma_wait3A_2471 = arith.constant 0 : i32
        %dma_wait3A_2472 = tpu.memref_slice %arg5[%dma_wait3A_2469, %dma_wait3A_2470, %dma_wait3A_2471] : memref<4x2x128xi32, #tpu.memory_space<vmem>> -> memref<1x2x128xi32, #tpu.memory_space<vmem>>
        %dma_wait3A_2473 = arith.constant 0 : i32
        %dma_wait3A_2474 = arith.constant 0 : i32
        %dma_wait3A_2475 = tpu.memref_slice %arg2[%add3A_2461, %dma_wait3A_2473, %dma_wait3A_2474] : memref<2562x2x128xi32, #tpu.memory_space<hbm>> -> memref<1x2x128xi32, #tpu.memory_space<hbm>>
        tpu.wait_dma2 semaphore(%arg13 : memref<!tpu.dma_semaphore, #tpu.memory_space<semaphore_mem>>) src(%dma_wait3A_2475 : memref<1x2x128xi32, #tpu.memory_space<hbm>>) dst(%dma_wait3A_2472 : memref<1x2x128xi32, #tpu.memory_space<vmem>>)
        %get3A_2476 = arith.constant 3 : i32
        %get3A_2477 = arith.constant 0 : i32
        %get3A_2478 = arith.index_cast %get3A_2476 : i32 to index
        %get3A_2479 = arith.index_cast %get3A_2477 : i32 to index
        %get3A_2480 = arith.constant 0 : index
        %get3A_2481 = tpu.vector_load %arg5[%get3A_2478, %get3A_2479, %get3A_2480] {strides = array<i32>} : memref<4x2x128xi32, #tpu.memory_space<vmem>>, vector<1x1x16xi32>,
        %get3A_2482 = vector.shape_cast %get3A_2481 : vector<1x1x16xi32> to vector<16xi32>
        %add3A_2483 = vector.broadcast %mul3A_14 : i32 to vector<16xi32>
        %add3A_2484 = arith.addi %get3A_2482, %add3A_2483 : vector<16xi32>
        %swap3A_2485 = arith.constant 3 : i32
        %swap3A_2486 = arith.index_cast %swap3A_2485 : i32 to index
        %swap3A_2487 = arith.constant 0 : index
        %swap3A_2488 = tpu.vector_load %arg6[%swap3A_2486, %swap3A_2487] {strides = array<i32>} : memref<4x128xi32, #tpu.memory_space<vmem>>, vector<1x16xi32>,
        %swap3A_2489 = vector.shape_cast %swap3A_2488 : vector<1x16xi32> to vector<16xi32>
        %swap3A_2490 = vector.shape_cast %add3A_2484 : vector<16xi32> to vector<1x16xi32>
        tpu.vector_store %arg6[%swap3A_2486, %swap3A_2487], %swap3A_2490 {strides = array<i32>} : memref<4x128xi32, #tpu.memory_space<vmem>>, vector<1x16xi32>,
        %get3A_2491 = arith.constant 3 : i32
        %get3A_2492 = arith.constant 0 : i32
        %get3A_2493 = arith.index_cast %get3A_2491 : i32 to index
        %get3A_2494 = arith.index_cast %get3A_2492 : i32 to index
        %get3A_2495 = arith.constant 16 : index
        %get3A_2496 = tpu.vector_load %arg5[%get3A_2493, %get3A_2494, %get3A_2495] {strides = array<i32>} : memref<4x2x128xi32, #tpu.memory_space<vmem>>, vector<1x1x16xi32>,
        %get3A_2497 = vector.shape_cast %get3A_2496 : vector<1x1x16xi32> to vector<16xi32>
        %add3A_2498 = vector.broadcast %mul3A_14 : i32 to vector<16xi32>
        %add3A_2499 = arith.addi %get3A_2497, %add3A_2498 : vector<16xi32>
        %swap3A_2500 = arith.constant 3 : i32
        %swap3A_2501 = arith.index_cast %swap3A_2500 : i32 to index
        %swap3A_2502 = arith.constant 16 : index
        %swap3A_2503 = tpu.vector_load %arg6[%swap3A_2501, %swap3A_2502] {strides = array<i32>} : memref<4x128xi32, #tpu.memory_space<vmem>>, vector<1x16xi32>,
        %swap3A_2504 = vector.shape_cast %swap3A_2503 : vector<1x16xi32> to vector<16xi32>
        %swap3A_2505 = vector.shape_cast %add3A_2499 : vector<16xi32> to vector<1x16xi32>
        tpu.vector_store %arg6[%swap3A_2501, %swap3A_2502], %swap3A_2505 {strides = array<i32>} : memref<4x128xi32, #tpu.memory_space<vmem>>, vector<1x16xi32>,
        %get3A_2506 = arith.constant 3 : i32
        %get3A_2507 = arith.constant 0 : i32
        %get3A_2508 = arith.index_cast %get3A_2506 : i32 to index
        %get3A_2509 = arith.index_cast %get3A_2507 : i32 to index
        %get3A_2510 = arith.constant 32 : index
        %get3A_2511 = tpu.vector_load %arg5[%get3A_2508, %get3A_2509, %get3A_2510] {strides = array<i32>} : memref<4x2x128xi32, #tpu.memory_space<vmem>>, vector<1x1x16xi32>,
        %get3A_2512 = vector.shape_cast %get3A_2511 : vector<1x1x16xi32> to vector<16xi32>
        %add3A_2513 = vector.broadcast %mul3A_14 : i32 to vector<16xi32>
        %add3A_2514 = arith.addi %get3A_2512, %add3A_2513 : vector<16xi32>
        %swap3A_2515 = arith.constant 3 : i32
        %swap3A_2516 = arith.index_cast %swap3A_2515 : i32 to index
        %swap3A_2517 = arith.constant 32 : index
        %swap3A_2518 = tpu.vector_load %arg6[%swap3A_2516, %swap3A_2517] {strides = array<i32>} : memref<4x128xi32, #tpu.memory_space<vmem>>, vector<1x16xi32>,
        %swap3A_2519 = vector.shape_cast %swap3A_2518 : vector<1x16xi32> to vector<16xi32>
        %swap3A_2520 = vector.shape_cast %add3A_2514 : vector<16xi32> to vector<1x16xi32>
        tpu.vector_store %arg6[%swap3A_2516, %swap3A_2517], %swap3A_2520 {strides = array<i32>} : memref<4x128xi32, #tpu.memory_space<vmem>>, vector<1x16xi32>,
        %get3A_2521 = arith.constant 3 : i32
        %get3A_2522 = arith.constant 0 : i32
        %get3A_2523 = arith.index_cast %get3A_2521 : i32 to index
        %get3A_2524 = arith.index_cast %get3A_2522 : i32 to index
        %get3A_2525 = arith.constant 48 : index
        %get3A_2526 = tpu.vector_load %arg5[%get3A_2523, %get3A_2524, %get3A_2525] {strides = array<i32>} : memref<4x2x128xi32, #tpu.memory_space<vmem>>, vector<1x1x16xi32>,
        %get3A_2527 = vector.shape_cast %get3A_2526 : vector<1x1x16xi32> to vector<16xi32>
        %add3A_2528 = vector.broadcast %mul3A_14 : i32 to vector<16xi32>
        %add3A_2529 = arith.addi %get3A_2527, %add3A_2528 : vector<16xi32>
        %swap3A_2530 = arith.constant 3 : i32
        %swap3A_2531 = arith.index_cast %swap3A_2530 : i32 to index
        %swap3A_2532 = arith.constant 48 : index
        %swap3A_2533 = tpu.vector_load %arg6[%swap3A_2531, %swap3A_2532] {strides = array<i32>} : memref<4x128xi32, #tpu.memory_space<vmem>>, vector<1x16xi32>,
        %swap3A_2534 = vector.shape_cast %swap3A_2533 : vector<1x16xi32> to vector<16xi32>
        %swap3A_2535 = vector.shape_cast %add3A_2529 : vector<16xi32> to vector<1x16xi32>
        tpu.vector_store %arg6[%swap3A_2531, %swap3A_2532], %swap3A_2535 {strides = array<i32>} : memref<4x128xi32, #tpu.memory_space<vmem>>, vector<1x16xi32>,
        %get3A_2536 = arith.constant 3 : i32
        %get3A_2537 = arith.constant 0 : i32
        %get3A_2538 = arith.index_cast %get3A_2536 : i32 to index
        %get3A_2539 = arith.index_cast %get3A_2537 : i32 to index
        %get3A_2540 = arith.constant 64 : index
        %get3A_2541 = tpu.vector_load %arg5[%get3A_2538, %get3A_2539, %get3A_2540] {strides = array<i32>} : memref<4x2x128xi32, #tpu.memory_space<vmem>>, vector<1x1x16xi32>,
        %get3A_2542 = vector.shape_cast %get3A_2541 : vector<1x1x16xi32> to vector<16xi32>
        %add3A_2543 = vector.broadcast %mul3A_14 : i32 to vector<16xi32>
        %add3A_2544 = arith.addi %get3A_2542, %add3A_2543 : vector<16xi32>
        %swap3A_2545 = arith.constant 3 : i32
        %swap3A_2546 = arith.index_cast %swap3A_2545 : i32 to index
        %swap3A_2547 = arith.constant 64 : index
        %swap3A_2548 = tpu.vector_load %arg6[%swap3A_2546, %swap3A_2547] {strides = array<i32>} : memref<4x128xi32, #tpu.memory_space<vmem>>, vector<1x16xi32>,
        %swap3A_2549 = vector.shape_cast %swap3A_2548 : vector<1x16xi32> to vector<16xi32>
        %swap3A_2550 = vector.shape_cast %add3A_2544 : vector<16xi32> to vector<1x16xi32>
        tpu.vector_store %arg6[%swap3A_2546, %swap3A_2547], %swap3A_2550 {strides = array<i32>} : memref<4x128xi32, #tpu.memory_space<vmem>>, vector<1x16xi32>,
        %get3A_2551 = arith.constant 3 : i32
        %get3A_2552 = arith.constant 0 : i32
        %get3A_2553 = arith.index_cast %get3A_2551 : i32 to index
        %get3A_2554 = arith.index_cast %get3A_2552 : i32 to index
        %get3A_2555 = arith.constant 80 : index
        %get3A_2556 = tpu.vector_load %arg5[%get3A_2553, %get3A_2554, %get3A_2555] {strides = array<i32>} : memref<4x2x128xi32, #tpu.memory_space<vmem>>, vector<1x1x16xi32>,
        %get3A_2557 = vector.shape_cast %get3A_2556 : vector<1x1x16xi32> to vector<16xi32>
        %add3A_2558 = vector.broadcast %mul3A_14 : i32 to vector<16xi32>
        %add3A_2559 = arith.addi %get3A_2557, %add3A_2558 : vector<16xi32>
        %swap3A_2560 = arith.constant 3 : i32
        %swap3A_2561 = arith.index_cast %swap3A_2560 : i32 to index
        %swap3A_2562 = arith.constant 80 : index
        %swap3A_2563 = tpu.vector_load %arg6[%swap3A_2561, %swap3A_2562] {strides = array<i32>} : memref<4x128xi32, #tpu.memory_space<vmem>>, vector<1x16xi32>,
        %swap3A_2564 = vector.shape_cast %swap3A_2563 : vector<1x16xi32> to vector<16xi32>
        %swap3A_2565 = vector.shape_cast %add3A_2559 : vector<16xi32> to vector<1x16xi32>
        tpu.vector_store %arg6[%swap3A_2561, %swap3A_2562], %swap3A_2565 {strides = array<i32>} : memref<4x128xi32, #tpu.memory_space<vmem>>, vector<1x16xi32>,
        %get3A_2566 = arith.constant 3 : i32
        %get3A_2567 = arith.constant 0 : i32
        %get3A_2568 = arith.index_cast %get3A_2566 : i32 to index
        %get3A_2569 = arith.index_cast %get3A_2567 : i32 to index
        %get3A_2570 = arith.constant 96 : index
        %get3A_2571 = tpu.vector_load %arg5[%get3A_2568, %get3A_2569, %get3A_2570] {strides = array<i32>} : memref<4x2x128xi32, #tpu.memory_space<vmem>>, vector<1x1x16xi32>,
        %get3A_2572 = vector.shape_cast %get3A_2571 : vector<1x1x16xi32> to vector<16xi32>
        %add3A_2573 = vector.broadcast %mul3A_14 : i32 to vector<16xi32>
        %add3A_2574 = arith.addi %get3A_2572, %add3A_2573 : vector<16xi32>
        %swap3A_2575 = arith.constant 3 : i32
        %swap3A_2576 = arith.index_cast %swap3A_2575 : i32 to index
        %swap3A_2577 = arith.constant 96 : index
        %swap3A_2578 = tpu.vector_load %arg6[%swap3A_2576, %swap3A_2577] {strides = array<i32>} : memref<4x128xi32, #tpu.memory_space<vmem>>, vector<1x16xi32>,
        %swap3A_2579 = vector.shape_cast %swap3A_2578 : vector<1x16xi32> to vector<16xi32>
        %swap3A_2580 = vector.shape_cast %add3A_2574 : vector<16xi32> to vector<1x16xi32>
        tpu.vector_store %arg6[%swap3A_2576, %swap3A_2577], %swap3A_2580 {strides = array<i32>} : memref<4x128xi32, #tpu.memory_space<vmem>>, vector<1x16xi32>,
        %get3A_2581 = arith.constant 3 : i32
        %get3A_2582 = arith.constant 0 : i32
        %get3A_2583 = arith.index_cast %get3A_2581 : i32 to index
        %get3A_2584 = arith.index_cast %get3A_2582 : i32 to index
        %get3A_2585 = arith.constant 112 : index
        %get3A_2586 = tpu.vector_load %arg5[%get3A_2583, %get3A_2584, %get3A_2585] {strides = array<i32>} : memref<4x2x128xi32, #tpu.memory_space<vmem>>, vector<1x1x16xi32>,
        %get3A_2587 = vector.shape_cast %get3A_2586 : vector<1x1x16xi32> to vector<16xi32>
        %add3A_2588 = vector.broadcast %mul3A_14 : i32 to vector<16xi32>
        %add3A_2589 = arith.addi %get3A_2587, %add3A_2588 : vector<16xi32>
        %swap3A_2590 = arith.constant 3 : i32
        %swap3A_2591 = arith.index_cast %swap3A_2590 : i32 to index
        %swap3A_2592 = arith.constant 112 : index
        %swap3A_2593 = tpu.vector_load %arg6[%swap3A_2591, %swap3A_2592] {strides = array<i32>} : memref<4x128xi32, #tpu.memory_space<vmem>>, vector<1x16xi32>,
        %swap3A_2594 = vector.shape_cast %swap3A_2593 : vector<1x16xi32> to vector<16xi32>
        %swap3A_2595 = vector.shape_cast %add3A_2589 : vector<16xi32> to vector<1x16xi32>
        tpu.vector_store %arg6[%swap3A_2591, %swap3A_2592], %swap3A_2595 {strides = array<i32>} : memref<4x128xi32, #tpu.memory_space<vmem>>, vector<1x16xi32>,
        %dma_start3A_2596 = arith.constant 3 : i32
        %dma_start3A_2597 = arith.constant 1 : i32
        %dma_start3A_2598 = arith.constant 0 : i32
        %dma_start3A_2599 = arith.constant 0 : i32
        %dma_start3A_2600 = arith.constant 0 : i32
        %dma_start3A_2601 = tpu.memref_slice %arg7[%dma_start3A_2597, %dma_start3A_2598, %dma_start3A_2599, %dma_start3A_2600] : memref<2x128x2x128xbf16, #tpu.memory_space<vmem>> -> memref<1x128x2x128xbf16, #tpu.memory_space<vmem>>
        %dma_start3A_2602 = tpu.memref_squeeze %dma_start3A_2601 : memref<1x128x2x128xbf16, #tpu.memory_space<vmem>> -> memref<128x2x128xbf16, #tpu.memory_space<vmem>>
        %dma_start3A_2603 = arith.constant 0 : i32
        %dma_start3A_2604 = tpu.memref_slice %arg6[%dma_start3A_2596, %dma_start3A_2603] : memref<4x128xi32, #tpu.memory_space<vmem>> -> memref<1x128xi32, #tpu.memory_space<vmem>>
        %dma_start3A_2605 = tpu.memref_squeeze %dma_start3A_2604 : memref<1x128xi32, #tpu.memory_space<vmem>> -> memref<128xi32, #tpu.memory_space<vmem>>
        %dma_start3A_2606 = arith.constant 0 : i32
        %dma_start3A_2607 = arith.constant 0 : i32
        %dma_start3A_2608 = arith.constant 0 : i32
        %dma_start3A_2609 = tpu.memref_slice %arg3[%dma_start3A_2606, %dma_start3A_2607, %dma_start3A_2608] : memref<61440x2x128xbf16, #tpu.memory_space<hbm>> -> memref<61440x2x128xbf16, #tpu.memory_space<hbm>>
        tpu.enqueue_indirect_dma source(%dma_start3A_2609 : memref<61440x2x128xbf16, #tpu.memory_space<hbm>>) target(%dma_start3A_2602 : memref<128x2x128xbf16, #tpu.memory_space<vmem>>) offsets(%dma_start3A_2605 : memref<128xi32, #tpu.memory_space<vmem>>) semaphore(%arg15 : memref<!tpu.dma_semaphore, #tpu.memory_space<semaphore_mem>>)
        %dma_wait3A_2610 = arith.constant 2 : i32
        %dma_wait3A_2611 = arith.constant 0 : i32
        %dma_wait3A_2612 = arith.constant 0 : i32
        %dma_wait3A_2613 = arith.constant 0 : i32
        %dma_wait3A_2614 = arith.constant 0 : i32
        %dma_wait3A_2615 = tpu.memref_slice %arg7[%dma_wait3A_2611, %dma_wait3A_2612, %dma_wait3A_2613, %dma_wait3A_2614] : memref<2x128x2x128xbf16, #tpu.memory_space<vmem>> -> memref<1x128x2x128xbf16, #tpu.memory_space<vmem>>
        %dma_wait3A_2616 = tpu.memref_squeeze %dma_wait3A_2615 : memref<1x128x2x128xbf16, #tpu.memory_space<vmem>> -> memref<128x2x128xbf16, #tpu.memory_space<vmem>>
        %dma_wait3A_2617 = arith.constant 0 : i32
        %dma_wait3A_2618 = tpu.memref_slice %arg6[%dma_wait3A_2610, %dma_wait3A_2617] : memref<4x128xi32, #tpu.memory_space<vmem>> -> memref<1x128xi32, #tpu.memory_space<vmem>>
        %dma_wait3A_2619 = tpu.memref_squeeze %dma_wait3A_2618 : memref<1x128xi32, #tpu.memory_space<vmem>> -> memref<128xi32, #tpu.memory_space<vmem>>
        %dma_wait3A_2620 = arith.constant 0 : i32
        %dma_wait3A_2621 = arith.constant 0 : i32
        %dma_wait3A_2622 = arith.constant 0 : i32
        %dma_wait3A_2623 = tpu.memref_slice %arg3[%dma_wait3A_2620, %dma_wait3A_2621, %dma_wait3A_2622] : memref<61440x2x128xbf16, #tpu.memory_space<hbm>> -> memref<61440x2x128xbf16, #tpu.memory_space<hbm>>
        tpu.wait_indirect_dma semaphore(%arg14 : memref<!tpu.dma_semaphore, #tpu.memory_space<semaphore_mem>>) src(%dma_wait3A_2623 : memref<61440x2x128xbf16, #tpu.memory_space<hbm>>) dst(%dma_wait3A_2616 : memref<128x2x128xbf16, #tpu.memory_space<vmem>>)
        %dma_start3A_2624 = arith.constant 0 : i32
        %dma_start3A_2625 = arith.constant 2 : i32
        %dma_start3A_2626 = arith.constant 1 : i32
        %dma_start3A_2627 = arith.constant 0 : i32
        %dma_start3A_2628 = arith.constant 0 : i32
        %dma_start3A_2629 = arith.constant 0 : i32
        %dma_start3A_2630 = tpu.memref_slice %arg7[%dma_start3A_2624, %dma_start3A_2627, %dma_start3A_2628, %dma_start3A_2629] : memref<2x128x2x128xbf16, #tpu.memory_space<vmem>> -> memref<1x128x2x128xbf16, #tpu.memory_space<vmem>>
        %dma_start3A_2631 = tpu.memref_squeeze %dma_start3A_2630 : memref<1x128x2x128xbf16, #tpu.memory_space<vmem>> -> memref<128x2x128xbf16, #tpu.memory_space<vmem>>
        %dma_start3A_2632 = arith.constant 0 : i32
        %dma_start3A_2633 = tpu.memref_slice %arg5[%dma_start3A_2625, %dma_start3A_2626, %dma_start3A_2632] : memref<4x2x128xi32, #tpu.memory_space<vmem>> -> memref<1x1x128xi32, #tpu.memory_space<vmem>>
        %dma_start3A_2634 = tpu.memref_squeeze %dma_start3A_2633 : memref<1x1x128xi32, #tpu.memory_space<vmem>> -> memref<128xi32, #tpu.memory_space<vmem>>
        %dma_start3A_2635 = arith.constant 0 : i32
        %dma_start3A_2636 = arith.constant 0 : i32
        %dma_start3A_2637 = arith.constant 0 : i32
        %dma_start3A_2638 = tpu.memref_slice %arg9[%dma_start3A_2635, %dma_start3A_2636, %dma_start3A_2637] : memref<10240x2x128xbf16, #tpu.memory_space<vmem_shared>> -> memref<10240x2x128xbf16, #tpu.memory_space<vmem_shared>>
        tpu.enqueue_indirect_dma source(%dma_start3A_2631 : memref<128x2x128xbf16, #tpu.memory_space<vmem>>) target(%dma_start3A_2638 : memref<10240x2x128xbf16, #tpu.memory_space<vmem_shared>>) offsets(%dma_start3A_2634 : memref<128xi32, #tpu.memory_space<vmem>>) semaphore(%arg16 : memref<!tpu.dma_semaphore, #tpu.memory_space<semaphore_mem>>) {add = true}
      }
      %scan3A_881 = arith.constant 38 : i32
      %dma_wait3A_882 = arith.constant 0 : i32
      %dma_wait3A_883 = arith.constant 2 : i32
      %dma_wait3A_884 = arith.constant 1 : i32
      %dma_wait3A_885 = arith.constant 0 : i32
      %dma_wait3A_886 = arith.constant 0 : i32
      %dma_wait3A_887 = arith.constant 0 : i32
      %dma_wait3A_888 = tpu.memref_slice %arg7[%dma_wait3A_882, %dma_wait3A_885, %dma_wait3A_886, %dma_wait3A_887] : memref<2x128x2x128xbf16, #tpu.memory_space<vmem>> -> memref<1x128x2x128xbf16, #tpu.memory_space<vmem>>
      %dma_wait3A_889 = tpu.memref_squeeze %dma_wait3A_888 : memref<1x128x2x128xbf16, #tpu.memory_space<vmem>> -> memref<128x2x128xbf16, #tpu.memory_space<vmem>>
      %dma_wait3A_890 = arith.constant 0 : i32
      %dma_wait3A_891 = tpu.memref_slice %arg5[%dma_wait3A_883, %dma_wait3A_884, %dma_wait3A_890] : memref<4x2x128xi32, #tpu.memory_space<vmem>> -> memref<1x1x128xi32, #tpu.memory_space<vmem>>
      %dma_wait3A_892 = tpu.memref_squeeze %dma_wait3A_891 : memref<1x1x128xi32, #tpu.memory_space<vmem>> -> memref<128xi32, #tpu.memory_space<vmem>>
      %dma_wait3A_893 = arith.constant 0 : i32
      %dma_wait3A_894 = arith.constant 0 : i32
      %dma_wait3A_895 = arith.constant 0 : i32
      %dma_wait3A_896 = tpu.memref_slice %arg9[%dma_wait3A_893, %dma_wait3A_894, %dma_wait3A_895] : memref<10240x2x128xbf16, #tpu.memory_space<vmem_shared>> -> memref<10240x2x128xbf16, #tpu.memory_space<vmem_shared>>
      tpu.wait_indirect_dma semaphore(%arg16 : memref<!tpu.dma_semaphore, #tpu.memory_space<semaphore_mem>>) src(%dma_wait3A_889 : memref<128x2x128xbf16, #tpu.memory_space<vmem>>) dst(%dma_wait3A_896 : memref<10240x2x128xbf16, #tpu.memory_space<vmem_shared>>)
      %mul3A_897 = arith.constant 160 : i32
      %mul3A_898 = arith.muli %arg1, %mul3A_897 : i32
      %add3A_899 = arith.constant 158 : i32
      %add3A_900 = arith.addi %mul3A_898, %add3A_899 : i32
      %dma_start3A_901 = arith.constant 2 : i32
      %dma_start3A_902 = arith.constant 0 : i32
      %dma_start3A_903 = arith.constant 0 : i32
      %dma_start3A_904 = tpu.memref_slice %arg5[%dma_start3A_901, %dma_start3A_902, %dma_start3A_903] : memref<4x2x128xi32, #tpu.memory_space<vmem>> -> memref<1x2x128xi32, #tpu.memory_space<vmem>>
      %dma_start3A_905 = arith.constant 0 : i32
      %dma_start3A_906 = arith.constant 0 : i32
      %dma_start3A_907 = tpu.memref_slice %arg2[%add3A_900, %dma_start3A_905, %dma_start3A_906] : memref<2562x2x128xi32, #tpu.memory_space<hbm>> -> memref<1x2x128xi32, #tpu.memory_space<hbm>>
      %dma_start3A_908 = arith.constant 2 : i32
      %dma_start3A_909 = arith.constant 0 : i32
      %dma_start3A_910 = arith.constant 0 : i32
      %dma_start3A_911 = tpu.memref_slice %arg5[%dma_start3A_908, %dma_start3A_909, %dma_start3A_910] : memref<4x2x128xi32, #tpu.memory_space<vmem>> -> memref<1x2x128xi32, #tpu.memory_space<vmem>>
      %dma_start3A_912 = arith.constant 0 : i32
      %dma_start3A_913 = arith.constant 0 : i32
      %dma_start3A_914 = tpu.memref_slice %arg2[%add3A_900, %dma_start3A_912, %dma_start3A_913] : memref<2562x2x128xi32, #tpu.memory_space<hbm>> -> memref<1x2x128xi32, #tpu.memory_space<hbm>>
      tpu.enqueue_dma source(%dma_start3A_914 : memref<1x2x128xi32, #tpu.memory_space<hbm>>) target(%dma_start3A_911 : memref<1x2x128xi32, #tpu.memory_space<vmem>>) target_semaphore(%arg12 : memref<!tpu.dma_semaphore, #tpu.memory_space<semaphore_mem>>)
      %mul3A_915 = arith.constant 160 : i32
      %mul3A_916 = arith.muli %arg1, %mul3A_915 : i32
      %add3A_917 = arith.constant 156 : i32
      %add3A_918 = arith.addi %mul3A_916, %add3A_917 : i32
      %dma_wait3A_919 = arith.constant 0 : i32
      %dma_wait3A_920 = arith.constant 0 : i32
      %dma_wait3A_921 = arith.constant 0 : i32
      %dma_wait3A_922 = tpu.memref_slice %arg5[%dma_wait3A_919, %dma_wait3A_920, %dma_wait3A_921] : memref<4x2x128xi32, #tpu.memory_space<vmem>> -> memref<1x2x128xi32, #tpu.memory_space<vmem>>
      %dma_wait3A_923 = arith.constant 0 : i32
      %dma_wait3A_924 = arith.constant 0 : i32
      %dma_wait3A_925 = tpu.memref_slice %arg2[%add3A_918, %dma_wait3A_923, %dma_wait3A_924] : memref<2562x2x128xi32, #tpu.memory_space<hbm>> -> memref<1x2x128xi32, #tpu.memory_space<hbm>>
      %dma_wait3A_926 = arith.constant 0 : i32
      %dma_wait3A_927 = arith.constant 0 : i32
      %dma_wait3A_928 = arith.constant 0 : i32
      %dma_wait3A_929 = tpu.memref_slice %arg5[%dma_wait3A_926, %dma_wait3A_927, %dma_wait3A_928] : memref<4x2x128xi32, #tpu.memory_space<vmem>> -> memref<1x2x128xi32, #tpu.memory_space<vmem>>
      %dma_wait3A_930 = arith.constant 0 : i32
      %dma_wait3A_931 = arith.constant 0 : i32
      %dma_wait3A_932 = tpu.memref_slice %arg2[%add3A_918, %dma_wait3A_930, %dma_wait3A_931] : memref<2562x2x128xi32, #tpu.memory_space<hbm>> -> memref<1x2x128xi32, #tpu.memory_space<hbm>>
      tpu.wait_dma2 semaphore(%arg10 : memref<!tpu.dma_semaphore, #tpu.memory_space<semaphore_mem>>) src(%dma_wait3A_932 : memref<1x2x128xi32, #tpu.memory_space<hbm>>) dst(%dma_wait3A_929 : memref<1x2x128xi32, #tpu.memory_space<vmem>>)
      %get3A_933 = arith.constant 0 : i32
      %get3A_934 = arith.constant 0 : i32
      %get3A_935 = arith.index_cast %get3A_933 : i32 to index
      %get3A_936 = arith.index_cast %get3A_934 : i32 to index
      %get3A_937 = arith.constant 0 : index
      %get3A_938 = tpu.vector_load %arg5[%get3A_935, %get3A_936, %get3A_937] {strides = array<i32>} : memref<4x2x128xi32, #tpu.memory_space<vmem>>, vector<1x1x16xi32>,
      %get3A_939 = vector.shape_cast %get3A_938 : vector<1x1x16xi32> to vector<16xi32>
      %add3A_940 = vector.broadcast %mul3A_14 : i32 to vector<16xi32>
      %add3A_941 = arith.addi %get3A_939, %add3A_940 : vector<16xi32>
      %swap3A_942 = arith.constant 0 : i32
      %swap3A_943 = arith.index_cast %swap3A_942 : i32 to index
      %swap3A_944 = arith.constant 0 : index
      %swap3A_945 = tpu.vector_load %arg6[%swap3A_943, %swap3A_944] {strides = array<i32>} : memref<4x128xi32, #tpu.memory_space<vmem>>, vector<1x16xi32>,
      %swap3A_946 = vector.shape_cast %swap3A_945 : vector<1x16xi32> to vector<16xi32>
      %swap3A_947 = vector.shape_cast %add3A_941 : vector<16xi32> to vector<1x16xi32>
      tpu.vector_store %arg6[%swap3A_943, %swap3A_944], %swap3A_947 {strides = array<i32>} : memref<4x128xi32, #tpu.memory_space<vmem>>, vector<1x16xi32>,
      %get3A_948 = arith.constant 0 : i32
      %get3A_949 = arith.constant 0 : i32
      %get3A_950 = arith.index_cast %get3A_948 : i32 to index
      %get3A_951 = arith.index_cast %get3A_949 : i32 to index
      %get3A_952 = arith.constant 16 : index
      %get3A_953 = tpu.vector_load %arg5[%get3A_950, %get3A_951, %get3A_952] {strides = array<i32>} : memref<4x2x128xi32, #tpu.memory_space<vmem>>, vector<1x1x16xi32>,
      %get3A_954 = vector.shape_cast %get3A_953 : vector<1x1x16xi32> to vector<16xi32>
      %add3A_955 = vector.broadcast %mul3A_14 : i32 to vector<16xi32>
      %add3A_956 = arith.addi %get3A_954, %add3A_955 : vector<16xi32>
      %swap3A_957 = arith.constant 0 : i32
      %swap3A_958 = arith.index_cast %swap3A_957 : i32 to index
      %swap3A_959 = arith.constant 16 : index
      %swap3A_960 = tpu.vector_load %arg6[%swap3A_958, %swap3A_959] {strides = array<i32>} : memref<4x128xi32, #tpu.memory_space<vmem>>, vector<1x16xi32>,
      %swap3A_961 = vector.shape_cast %swap3A_960 : vector<1x16xi32> to vector<16xi32>
      %swap3A_962 = vector.shape_cast %add3A_956 : vector<16xi32> to vector<1x16xi32>
      tpu.vector_store %arg6[%swap3A_958, %swap3A_959], %swap3A_962 {strides = array<i32>} : memref<4x128xi32, #tpu.memory_space<vmem>>, vector<1x16xi32>,
      %get3A_963 = arith.constant 0 : i32
      %get3A_964 = arith.constant 0 : i32
      %get3A_965 = arith.index_cast %get3A_963 : i32 to index
      %get3A_966 = arith.index_cast %get3A_964 : i32 to index
      %get3A_967 = arith.constant 32 : index
      %get3A_968 = tpu.vector_load %arg5[%get3A_965, %get3A_966, %get3A_967] {strides = array<i32>} : memref<4x2x128xi32, #tpu.memory_space<vmem>>, vector<1x1x16xi32>,
      %get3A_969 = vector.shape_cast %get3A_968 : vector<1x1x16xi32> to vector<16xi32>
      %add3A_970 = vector.broadcast %mul3A_14 : i32 to vector<16xi32>
      %add3A_971 = arith.addi %get3A_969, %add3A_970 : vector<16xi32>
      %swap3A_972 = arith.constant 0 : i32
      %swap3A_973 = arith.index_cast %swap3A_972 : i32 to index
      %swap3A_974 = arith.constant 32 : index
      %swap3A_975 = tpu.vector_load %arg6[%swap3A_973, %swap3A_974] {strides = array<i32>} : memref<4x128xi32, #tpu.memory_space<vmem>>, vector<1x16xi32>,
      %swap3A_976 = vector.shape_cast %swap3A_975 : vector<1x16xi32> to vector<16xi32>
      %swap3A_977 = vector.shape_cast %add3A_971 : vector<16xi32> to vector<1x16xi32>
      tpu.vector_store %arg6[%swap3A_973, %swap3A_974], %swap3A_977 {strides = array<i32>} : memref<4x128xi32, #tpu.memory_space<vmem>>, vector<1x16xi32>,
      %get3A_978 = arith.constant 0 : i32
      %get3A_979 = arith.constant 0 : i32
      %get3A_980 = arith.index_cast %get3A_978 : i32 to index
      %get3A_981 = arith.index_cast %get3A_979 : i32 to index
      %get3A_982 = arith.constant 48 : index
      %get3A_983 = tpu.vector_load %arg5[%get3A_980, %get3A_981, %get3A_982] {strides = array<i32>} : memref<4x2x128xi32, #tpu.memory_space<vmem>>, vector<1x1x16xi32>,
      %get3A_984 = vector.shape_cast %get3A_983 : vector<1x1x16xi32> to vector<16xi32>
      %add3A_985 = vector.broadcast %mul3A_14 : i32 to vector<16xi32>
      %add3A_986 = arith.addi %get3A_984, %add3A_985 : vector<16xi32>
      %swap3A_987 = arith.constant 0 : i32
      %swap3A_988 = arith.index_cast %swap3A_987 : i32 to index
      %swap3A_989 = arith.constant 48 : index
      %swap3A_990 = tpu.vector_load %arg6[%swap3A_988, %swap3A_989] {strides = array<i32>} : memref<4x128xi32, #tpu.memory_space<vmem>>, vector<1x16xi32>,
      %swap3A_991 = vector.shape_cast %swap3A_990 : vector<1x16xi32> to vector<16xi32>
      %swap3A_992 = vector.shape_cast %add3A_986 : vector<16xi32> to vector<1x16xi32>
      tpu.vector_store %arg6[%swap3A_988, %swap3A_989], %swap3A_992 {strides = array<i32>} : memref<4x128xi32, #tpu.memory_space<vmem>>, vector<1x16xi32>,
      %get3A_993 = arith.constant 0 : i32
      %get3A_994 = arith.constant 0 : i32
      %get3A_995 = arith.index_cast %get3A_993 : i32 to index
      %get3A_996 = arith.index_cast %get3A_994 : i32 to index
      %get3A_997 = arith.constant 64 : index
      %get3A_998 = tpu.vector_load %arg5[%get3A_995, %get3A_996, %get3A_997] {strides = array<i32>} : memref<4x2x128xi32, #tpu.memory_space<vmem>>, vector<1x1x16xi32>,
      %get3A_999 = vector.shape_cast %get3A_998 : vector<1x1x16xi32> to vector<16xi32>
      %add3A_1000 = vector.broadcast %mul3A_14 : i32 to vector<16xi32>
      %add3A_1001 = arith.addi %get3A_999, %add3A_1000 : vector<16xi32>
      %swap3A_1002 = arith.constant 0 : i32
      %swap3A_1003 = arith.index_cast %swap3A_1002 : i32 to index
      %swap3A_1004 = arith.constant 64 : index
      %swap3A_1005 = tpu.vector_load %arg6[%swap3A_1003, %swap3A_1004] {strides = array<i32>} : memref<4x128xi32, #tpu.memory_space<vmem>>, vector<1x16xi32>,
      %swap3A_1006 = vector.shape_cast %swap3A_1005 : vector<1x16xi32> to vector<16xi32>
      %swap3A_1007 = vector.shape_cast %add3A_1001 : vector<16xi32> to vector<1x16xi32>
      tpu.vector_store %arg6[%swap3A_1003, %swap3A_1004], %swap3A_1007 {strides = array<i32>} : memref<4x128xi32, #tpu.memory_space<vmem>>, vector<1x16xi32>,
      %get3A_1008 = arith.constant 0 : i32
      %get3A_1009 = arith.constant 0 : i32
      %get3A_1010 = arith.index_cast %get3A_1008 : i32 to index
      %get3A_1011 = arith.index_cast %get3A_1009 : i32 to index
      %get3A_1012 = arith.constant 80 : index
      %get3A_1013 = tpu.vector_load %arg5[%get3A_1010, %get3A_1011, %get3A_1012] {strides = array<i32>} : memref<4x2x128xi32, #tpu.memory_space<vmem>>, vector<1x1x16xi32>,
      %get3A_1014 = vector.shape_cast %get3A_1013 : vector<1x1x16xi32> to vector<16xi32>
      %add3A_1015 = vector.broadcast %mul3A_14 : i32 to vector<16xi32>
      %add3A_1016 = arith.addi %get3A_1014, %add3A_1015 : vector<16xi32>
      %swap3A_1017 = arith.constant 0 : i32
      %swap3A_1018 = arith.index_cast %swap3A_1017 : i32 to index
      %swap3A_1019 = arith.constant 80 : index
      %swap3A_1020 = tpu.vector_load %arg6[%swap3A_1018, %swap3A_1019] {strides = array<i32>} : memref<4x128xi32, #tpu.memory_space<vmem>>, vector<1x16xi32>,
      %swap3A_1021 = vector.shape_cast %swap3A_1020 : vector<1x16xi32> to vector<16xi32>
      %swap3A_1022 = vector.shape_cast %add3A_1016 : vector<16xi32> to vector<1x16xi32>
      tpu.vector_store %arg6[%swap3A_1018, %swap3A_1019], %swap3A_1022 {strides = array<i32>} : memref<4x128xi32, #tpu.memory_space<vmem>>, vector<1x16xi32>,
      %get3A_1023 = arith.constant 0 : i32
      %get3A_1024 = arith.constant 0 : i32
      %get3A_1025 = arith.index_cast %get3A_1023 : i32 to index
      %get3A_1026 = arith.index_cast %get3A_1024 : i32 to index
      %get3A_1027 = arith.constant 96 : index
      %get3A_1028 = tpu.vector_load %arg5[%get3A_1025, %get3A_1026, %get3A_1027] {strides = array<i32>} : memref<4x2x128xi32, #tpu.memory_space<vmem>>, vector<1x1x16xi32>,
      %get3A_1029 = vector.shape_cast %get3A_1028 : vector<1x1x16xi32> to vector<16xi32>
      %add3A_1030 = vector.broadcast %mul3A_14 : i32 to vector<16xi32>
      %add3A_1031 = arith.addi %get3A_1029, %add3A_1030 : vector<16xi32>
      %swap3A_1032 = arith.constant 0 : i32
      %swap3A_1033 = arith.index_cast %swap3A_1032 : i32 to index
      %swap3A_1034 = arith.constant 96 : index
      %swap3A_1035 = tpu.vector_load %arg6[%swap3A_1033, %swap3A_1034] {strides = array<i32>} : memref<4x128xi32, #tpu.memory_space<vmem>>, vector<1x16xi32>,
      %swap3A_1036 = vector.shape_cast %swap3A_1035 : vector<1x16xi32> to vector<16xi32>
      %swap3A_1037 = vector.shape_cast %add3A_1031 : vector<16xi32> to vector<1x16xi32>
      tpu.vector_store %arg6[%swap3A_1033, %swap3A_1034], %swap3A_1037 {strides = array<i32>} : memref<4x128xi32, #tpu.memory_space<vmem>>, vector<1x16xi32>,
      %get3A_1038 = arith.constant 0 : i32
      %get3A_1039 = arith.constant 0 : i32
      %get3A_1040 = arith.index_cast %get3A_1038 : i32 to index
      %get3A_1041 = arith.index_cast %get3A_1039 : i32 to index
      %get3A_1042 = arith.constant 112 : index
      %get3A_1043 = tpu.vector_load %arg5[%get3A_1040, %get3A_1041, %get3A_1042] {strides = array<i32>} : memref<4x2x128xi32, #tpu.memory_space<vmem>>, vector<1x1x16xi32>,
      %get3A_1044 = vector.shape_cast %get3A_1043 : vector<1x1x16xi32> to vector<16xi32>
      %add3A_1045 = vector.broadcast %mul3A_14 : i32 to vector<16xi32>
      %add3A_1046 = arith.addi %get3A_1044, %add3A_1045 : vector<16xi32>
      %swap3A_1047 = arith.constant 0 : i32
      %swap3A_1048 = arith.index_cast %swap3A_1047 : i32 to index
      %swap3A_1049 = arith.constant 112 : index
      %swap3A_1050 = tpu.vector_load %arg6[%swap3A_1048, %swap3A_1049] {strides = array<i32>} : memref<4x128xi32, #tpu.memory_space<vmem>>, vector<1x16xi32>,
      %swap3A_1051 = vector.shape_cast %swap3A_1050 : vector<1x16xi32> to vector<16xi32>
      %swap3A_1052 = vector.shape_cast %add3A_1046 : vector<16xi32> to vector<1x16xi32>
      tpu.vector_store %arg6[%swap3A_1048, %swap3A_1049], %swap3A_1052 {strides = array<i32>} : memref<4x128xi32, #tpu.memory_space<vmem>>, vector<1x16xi32>,
      %dma_start3A_1053 = arith.constant 0 : i32
      %dma_start3A_1054 = arith.constant 0 : i32
      %dma_start3A_1055 = arith.constant 0 : i32
      %dma_start3A_1056 = arith.constant 0 : i32
      %dma_start3A_1057 = arith.constant 0 : i32
      %dma_start3A_1058 = tpu.memref_slice %arg7[%dma_start3A_1054, %dma_start3A_1055, %dma_start3A_1056, %dma_start3A_1057] : memref<2x128x2x128xbf16, #tpu.memory_space<vmem>> -> memref<1x128x2x128xbf16, #tpu.memory_space<vmem>>
      %dma_start3A_1059 = tpu.memref_squeeze %dma_start3A_1058 : memref<1x128x2x128xbf16, #tpu.memory_space<vmem>> -> memref<128x2x128xbf16, #tpu.memory_space<vmem>>
      %dma_start3A_1060 = arith.constant 0 : i32
      %dma_start3A_1061 = tpu.memref_slice %arg6[%dma_start3A_1053, %dma_start3A_1060] : memref<4x128xi32, #tpu.memory_space<vmem>> -> memref<1x128xi32, #tpu.memory_space<vmem>>
      %dma_start3A_1062 = tpu.memref_squeeze %dma_start3A_1061 : memref<1x128xi32, #tpu.memory_space<vmem>> -> memref<128xi32, #tpu.memory_space<vmem>>
      %dma_start3A_1063 = arith.constant 0 : i32
      %dma_start3A_1064 = arith.constant 0 : i32
      %dma_start3A_1065 = arith.constant 0 : i32
      %dma_start3A_1066 = tpu.memref_slice %arg3[%dma_start3A_1063, %dma_start3A_1064, %dma_start3A_1065] : memref<61440x2x128xbf16, #tpu.memory_space<hbm>> -> memref<61440x2x128xbf16, #tpu.memory_space<hbm>>
      tpu.enqueue_indirect_dma source(%dma_start3A_1066 : memref<61440x2x128xbf16, #tpu.memory_space<hbm>>) target(%dma_start3A_1059 : memref<128x2x128xbf16, #tpu.memory_space<vmem>>) offsets(%dma_start3A_1062 : memref<128xi32, #tpu.memory_space<vmem>>) semaphore(%arg14 : memref<!tpu.dma_semaphore, #tpu.memory_space<semaphore_mem>>)
      %dma_wait3A_1067 = arith.constant 3 : i32
      %dma_wait3A_1068 = arith.constant 1 : i32
      %dma_wait3A_1069 = arith.constant 0 : i32
      %dma_wait3A_1070 = arith.constant 0 : i32
      %dma_wait3A_1071 = arith.constant 0 : i32
      %dma_wait3A_1072 = tpu.memref_slice %arg7[%dma_wait3A_1068, %dma_wait3A_1069, %dma_wait3A_1070, %dma_wait3A_1071] : memref<2x128x2x128xbf16, #tpu.memory_space<vmem>> -> memref<1x128x2x128xbf16, #tpu.memory_space<vmem>>
      %dma_wait3A_1073 = tpu.memref_squeeze %dma_wait3A_1072 : memref<1x128x2x128xbf16, #tpu.memory_space<vmem>> -> memref<128x2x128xbf16, #tpu.memory_space<vmem>>
      %dma_wait3A_1074 = arith.constant 0 : i32
      %dma_wait3A_1075 = tpu.memref_slice %arg6[%dma_wait3A_1067, %dma_wait3A_1074] : memref<4x128xi32, #tpu.memory_space<vmem>> -> memref<1x128xi32, #tpu.memory_space<vmem>>
      %dma_wait3A_1076 = tpu.memref_squeeze %dma_wait3A_1075 : memref<1x128xi32, #tpu.memory_space<vmem>> -> memref<128xi32, #tpu.memory_space<vmem>>
      %dma_wait3A_1077 = arith.constant 0 : i32
      %dma_wait3A_1078 = arith.constant 0 : i32
      %dma_wait3A_1079 = arith.constant 0 : i32
      %dma_wait3A_1080 = tpu.memref_slice %arg3[%dma_wait3A_1077, %dma_wait3A_1078, %dma_wait3A_1079] : memref<61440x2x128xbf16, #tpu.memory_space<hbm>> -> memref<61440x2x128xbf16, #tpu.memory_space<hbm>>
      tpu.wait_indirect_dma semaphore(%arg15 : memref<!tpu.dma_semaphore, #tpu.memory_space<semaphore_mem>>) src(%dma_wait3A_1080 : memref<61440x2x128xbf16, #tpu.memory_space<hbm>>) dst(%dma_wait3A_1073 : memref<128x2x128xbf16, #tpu.memory_space<vmem>>)
      %dma_start3A_1081 = arith.constant 1 : i32
      %dma_start3A_1082 = arith.constant 3 : i32
      %dma_start3A_1083 = arith.constant 1 : i32
      %dma_start3A_1084 = arith.constant 0 : i32
      %dma_start3A_1085 = arith.constant 0 : i32
      %dma_start3A_1086 = arith.constant 0 : i32
      %dma_start3A_1087 = tpu.memref_slice %arg7[%dma_start3A_1081, %dma_start3A_1084, %dma_start3A_1085, %dma_start3A_1086] : memref<2x128x2x128xbf16, #tpu.memory_space<vmem>> -> memref<1x128x2x128xbf16, #tpu.memory_space<vmem>>
      %dma_start3A_1088 = tpu.memref_squeeze %dma_start3A_1087 : memref<1x128x2x128xbf16, #tpu.memory_space<vmem>> -> memref<128x2x128xbf16, #tpu.memory_space<vmem>>
      %dma_start3A_1089 = arith.constant 0 : i32
      %dma_start3A_1090 = tpu.memref_slice %arg5[%dma_start3A_1082, %dma_start3A_1083, %dma_start3A_1089] : memref<4x2x128xi32, #tpu.memory_space<vmem>> -> memref<1x1x128xi32, #tpu.memory_space<vmem>>
      %dma_start3A_1091 = tpu.memref_squeeze %dma_start3A_1090 : memref<1x1x128xi32, #tpu.memory_space<vmem>> -> memref<128xi32, #tpu.memory_space<vmem>>
      %dma_start3A_1092 = arith.constant 0 : i32
      %dma_start3A_1093 = arith.constant 0 : i32
      %dma_start3A_1094 = arith.constant 0 : i32
      %dma_start3A_1095 = tpu.memref_slice %arg9[%dma_start3A_1092, %dma_start3A_1093, %dma_start3A_1094] : memref<10240x2x128xbf16, #tpu.memory_space<vmem_shared>> -> memref<10240x2x128xbf16, #tpu.memory_space<vmem_shared>>
      tpu.enqueue_indirect_dma source(%dma_start3A_1088 : memref<128x2x128xbf16, #tpu.memory_space<vmem>>) target(%dma_start3A_1095 : memref<10240x2x128xbf16, #tpu.memory_space<vmem_shared>>) offsets(%dma_start3A_1091 : memref<128xi32, #tpu.memory_space<vmem>>) semaphore(%arg17 : memref<!tpu.dma_semaphore, #tpu.memory_space<semaphore_mem>>) {add = true}
      %dma_wait3A_1096 = arith.constant 1 : i32
      %dma_wait3A_1097 = arith.constant 3 : i32
      %dma_wait3A_1098 = arith.constant 1 : i32
      %dma_wait3A_1099 = arith.constant 0 : i32
      %dma_wait3A_1100 = arith.constant 0 : i32
      %dma_wait3A_1101 = arith.constant 0 : i32
      %dma_wait3A_1102 = tpu.memref_slice %arg7[%dma_wait3A_1096, %dma_wait3A_1099, %dma_wait3A_1100, %dma_wait3A_1101] : memref<2x128x2x128xbf16, #tpu.memory_space<vmem>> -> memref<1x128x2x128xbf16, #tpu.memory_space<vmem>>
      %dma_wait3A_1103 = tpu.memref_squeeze %dma_wait3A_1102 : memref<1x128x2x128xbf16, #tpu.memory_space<vmem>> -> memref<128x2x128xbf16, #tpu.memory_space<vmem>>
      %dma_wait3A_1104 = arith.constant 0 : i32
      %dma_wait3A_1105 = tpu.memref_slice %arg5[%dma_wait3A_1097, %dma_wait3A_1098, %dma_wait3A_1104] : memref<4x2x128xi32, #tpu.memory_space<vmem>> -> memref<1x1x128xi32, #tpu.memory_space<vmem>>
      %dma_wait3A_1106 = tpu.memref_squeeze %dma_wait3A_1105 : memref<1x1x128xi32, #tpu.memory_space<vmem>> -> memref<128xi32, #tpu.memory_space<vmem>>
      %dma_wait3A_1107 = arith.constant 0 : i32
      %dma_wait3A_1108 = arith.constant 0 : i32
      %dma_wait3A_1109 = arith.constant 0 : i32
      %dma_wait3A_1110 = tpu.memref_slice %arg9[%dma_wait3A_1107, %dma_wait3A_1108, %dma_wait3A_1109] : memref<10240x2x128xbf16, #tpu.memory_space<vmem_shared>> -> memref<10240x2x128xbf16, #tpu.memory_space<vmem_shared>>
      tpu.wait_indirect_dma semaphore(%arg17 : memref<!tpu.dma_semaphore, #tpu.memory_space<semaphore_mem>>) src(%dma_wait3A_1103 : memref<128x2x128xbf16, #tpu.memory_space<vmem>>) dst(%dma_wait3A_1110 : memref<10240x2x128xbf16, #tpu.memory_space<vmem_shared>>)
      %mul3A_1111 = arith.constant 160 : i32
      %mul3A_1112 = arith.muli %arg1, %mul3A_1111 : i32
      %add3A_1113 = arith.constant 159 : i32
      %add3A_1114 = arith.addi %mul3A_1112, %add3A_1113 : i32
      %dma_start3A_1115 = arith.constant 3 : i32
      %dma_start3A_1116 = arith.constant 0 : i32
      %dma_start3A_1117 = arith.constant 0 : i32
      %dma_start3A_1118 = tpu.memref_slice %arg5[%dma_start3A_1115, %dma_start3A_1116, %dma_start3A_1117] : memref<4x2x128xi32, #tpu.memory_space<vmem>> -> memref<1x2x128xi32, #tpu.memory_space<vmem>>
      %dma_start3A_1119 = arith.constant 0 : i32
      %dma_start3A_1120 = arith.constant 0 : i32
      %dma_start3A_1121 = tpu.memref_slice %arg2[%add3A_1114, %dma_start3A_1119, %dma_start3A_1120] : memref<2562x2x128xi32, #tpu.memory_space<hbm>> -> memref<1x2x128xi32, #tpu.memory_space<hbm>>
      %dma_start3A_1122 = arith.constant 3 : i32
      %dma_start3A_1123 = arith.constant 0 : i32
      %dma_start3A_1124 = arith.constant 0 : i32
      %dma_start3A_1125 = tpu.memref_slice %arg5[%dma_start3A_1122, %dma_start3A_1123, %dma_start3A_1124] : memref<4x2x128xi32, #tpu.memory_space<vmem>> -> memref<1x2x128xi32, #tpu.memory_space<vmem>>
      %dma_start3A_1126 = arith.constant 0 : i32
      %dma_start3A_1127 = arith.constant 0 : i32
      %dma_start3A_1128 = tpu.memref_slice %arg2[%add3A_1114, %dma_start3A_1126, %dma_start3A_1127] : memref<2562x2x128xi32, #tpu.memory_space<hbm>> -> memref<1x2x128xi32, #tpu.memory_space<hbm>>
      tpu.enqueue_dma source(%dma_start3A_1128 : memref<1x2x128xi32, #tpu.memory_space<hbm>>) target(%dma_start3A_1125 : memref<1x2x128xi32, #tpu.memory_space<vmem>>) target_semaphore(%arg13 : memref<!tpu.dma_semaphore, #tpu.memory_space<semaphore_mem>>)
      %mul3A_1129 = arith.constant 160 : i32
      %mul3A_1130 = arith.muli %arg1, %mul3A_1129 : i32
      %add3A_1131 = arith.constant 157 : i32
      %add3A_1132 = arith.addi %mul3A_1130, %add3A_1131 : i32
      %dma_wait3A_1133 = arith.constant 1 : i32
      %dma_wait3A_1134 = arith.constant 0 : i32
      %dma_wait3A_1135 = arith.constant 0 : i32
      %dma_wait3A_1136 = tpu.memref_slice %arg5[%dma_wait3A_1133, %dma_wait3A_1134, %dma_wait3A_1135] : memref<4x2x128xi32, #tpu.memory_space<vmem>> -> memref<1x2x128xi32, #tpu.memory_space<vmem>>
      %dma_wait3A_1137 = arith.constant 0 : i32
      %dma_wait3A_1138 = arith.constant 0 : i32
      %dma_wait3A_1139 = tpu.memref_slice %arg2[%add3A_1132, %dma_wait3A_1137, %dma_wait3A_1138] : memref<2562x2x128xi32, #tpu.memory_space<hbm>> -> memref<1x2x128xi32, #tpu.memory_space<hbm>>
      %dma_wait3A_1140 = arith.constant 1 : i32
      %dma_wait3A_1141 = arith.constant 0 : i32
      %dma_wait3A_1142 = arith.constant 0 : i32
      %dma_wait3A_1143 = tpu.memref_slice %arg5[%dma_wait3A_1140, %dma_wait3A_1141, %dma_wait3A_1142] : memref<4x2x128xi32, #tpu.memory_space<vmem>> -> memref<1x2x128xi32, #tpu.memory_space<vmem>>
      %dma_wait3A_1144 = arith.constant 0 : i32
      %dma_wait3A_1145 = arith.constant 0 : i32
      %dma_wait3A_1146 = tpu.memref_slice %arg2[%add3A_1132, %dma_wait3A_1144, %dma_wait3A_1145] : memref<2562x2x128xi32, #tpu.memory_space<hbm>> -> memref<1x2x128xi32, #tpu.memory_space<hbm>>
      tpu.wait_dma2 semaphore(%arg11 : memref<!tpu.dma_semaphore, #tpu.memory_space<semaphore_mem>>) src(%dma_wait3A_1146 : memref<1x2x128xi32, #tpu.memory_space<hbm>>) dst(%dma_wait3A_1143 : memref<1x2x128xi32, #tpu.memory_space<vmem>>)
      %get3A_1147 = arith.constant 1 : i32
      %get3A_1148 = arith.constant 0 : i32
      %get3A_1149 = arith.index_cast %get3A_1147 : i32 to index
      %get3A_1150 = arith.index_cast %get3A_1148 : i32 to index
      %get3A_1151 = arith.constant 0 : index
      %get3A_1152 = tpu.vector_load %arg5[%get3A_1149, %get3A_1150, %get3A_1151] {strides = array<i32>} : memref<4x2x128xi32, #tpu.memory_space<vmem>>, vector<1x1x16xi32>,
      %get3A_1153 = vector.shape_cast %get3A_1152 : vector<1x1x16xi32> to vector<16xi32>
      %add3A_1154 = vector.broadcast %mul3A_14 : i32 to vector<16xi32>
      %add3A_1155 = arith.addi %get3A_1153, %add3A_1154 : vector<16xi32>
      %swap3A_1156 = arith.constant 1 : i32
      %swap3A_1157 = arith.index_cast %swap3A_1156 : i32 to index
      %swap3A_1158 = arith.constant 0 : index
      %swap3A_1159 = tpu.vector_load %arg6[%swap3A_1157, %swap3A_1158] {strides = array<i32>} : memref<4x128xi32, #tpu.memory_space<vmem>>, vector<1x16xi32>,
      %swap3A_1160 = vector.shape_cast %swap3A_1159 : vector<1x16xi32> to vector<16xi32>
      %swap3A_1161 = vector.shape_cast %add3A_1155 : vector<16xi32> to vector<1x16xi32>
      tpu.vector_store %arg6[%swap3A_1157, %swap3A_1158], %swap3A_1161 {strides = array<i32>} : memref<4x128xi32, #tpu.memory_space<vmem>>, vector<1x16xi32>,
      %get3A_1162 = arith.constant 1 : i32
      %get3A_1163 = arith.constant 0 : i32
      %get3A_1164 = arith.index_cast %get3A_1162 : i32 to index
      %get3A_1165 = arith.index_cast %get3A_1163 : i32 to index
      %get3A_1166 = arith.constant 16 : index
      %get3A_1167 = tpu.vector_load %arg5[%get3A_1164, %get3A_1165, %get3A_1166] {strides = array<i32>} : memref<4x2x128xi32, #tpu.memory_space<vmem>>, vector<1x1x16xi32>,
      %get3A_1168 = vector.shape_cast %get3A_1167 : vector<1x1x16xi32> to vector<16xi32>
      %add3A_1169 = vector.broadcast %mul3A_14 : i32 to vector<16xi32>
      %add3A_1170 = arith.addi %get3A_1168, %add3A_1169 : vector<16xi32>
      %swap3A_1171 = arith.constant 1 : i32
      %swap3A_1172 = arith.index_cast %swap3A_1171 : i32 to index
      %swap3A_1173 = arith.constant 16 : index
      %swap3A_1174 = tpu.vector_load %arg6[%swap3A_1172, %swap3A_1173] {strides = array<i32>} : memref<4x128xi32, #tpu.memory_space<vmem>>, vector<1x16xi32>,
      %swap3A_1175 = vector.shape_cast %swap3A_1174 : vector<1x16xi32> to vector<16xi32>
      %swap3A_1176 = vector.shape_cast %add3A_1170 : vector<16xi32> to vector<1x16xi32>
      tpu.vector_store %arg6[%swap3A_1172, %swap3A_1173], %swap3A_1176 {strides = array<i32>} : memref<4x128xi32, #tpu.memory_space<vmem>>, vector<1x16xi32>,
      %get3A_1177 = arith.constant 1 : i32
      %get3A_1178 = arith.constant 0 : i32
      %get3A_1179 = arith.index_cast %get3A_1177 : i32 to index
      %get3A_1180 = arith.index_cast %get3A_1178 : i32 to index
      %get3A_1181 = arith.constant 32 : index
      %get3A_1182 = tpu.vector_load %arg5[%get3A_1179, %get3A_1180, %get3A_1181] {strides = array<i32>} : memref<4x2x128xi32, #tpu.memory_space<vmem>>, vector<1x1x16xi32>,
      %get3A_1183 = vector.shape_cast %get3A_1182 : vector<1x1x16xi32> to vector<16xi32>
      %add3A_1184 = vector.broadcast %mul3A_14 : i32 to vector<16xi32>
      %add3A_1185 = arith.addi %get3A_1183, %add3A_1184 : vector<16xi32>
      %swap3A_1186 = arith.constant 1 : i32
      %swap3A_1187 = arith.index_cast %swap3A_1186 : i32 to index
      %swap3A_1188 = arith.constant 32 : index
      %swap3A_1189 = tpu.vector_load %arg6[%swap3A_1187, %swap3A_1188] {strides = array<i32>} : memref<4x128xi32, #tpu.memory_space<vmem>>, vector<1x16xi32>,
      %swap3A_1190 = vector.shape_cast %swap3A_1189 : vector<1x16xi32> to vector<16xi32>
      %swap3A_1191 = vector.shape_cast %add3A_1185 : vector<16xi32> to vector<1x16xi32>
      tpu.vector_store %arg6[%swap3A_1187, %swap3A_1188], %swap3A_1191 {strides = array<i32>} : memref<4x128xi32, #tpu.memory_space<vmem>>, vector<1x16xi32>,
      %get3A_1192 = arith.constant 1 : i32
      %get3A_1193 = arith.constant 0 : i32
      %get3A_1194 = arith.index_cast %get3A_1192 : i32 to index
      %get3A_1195 = arith.index_cast %get3A_1193 : i32 to index
      %get3A_1196 = arith.constant 48 : index
      %get3A_1197 = tpu.vector_load %arg5[%get3A_1194, %get3A_1195, %get3A_1196] {strides = array<i32>} : memref<4x2x128xi32, #tpu.memory_space<vmem>>, vector<1x1x16xi32>,
      %get3A_1198 = vector.shape_cast %get3A_1197 : vector<1x1x16xi32> to vector<16xi32>
      %add3A_1199 = vector.broadcast %mul3A_14 : i32 to vector<16xi32>
      %add3A_1200 = arith.addi %get3A_1198, %add3A_1199 : vector<16xi32>
      %swap3A_1201 = arith.constant 1 : i32
      %swap3A_1202 = arith.index_cast %swap3A_1201 : i32 to index
      %swap3A_1203 = arith.constant 48 : index
      %swap3A_1204 = tpu.vector_load %arg6[%swap3A_1202, %swap3A_1203] {strides = array<i32>} : memref<4x128xi32, #tpu.memory_space<vmem>>, vector<1x16xi32>,
      %swap3A_1205 = vector.shape_cast %swap3A_1204 : vector<1x16xi32> to vector<16xi32>
      %swap3A_1206 = vector.shape_cast %add3A_1200 : vector<16xi32> to vector<1x16xi32>
      tpu.vector_store %arg6[%swap3A_1202, %swap3A_1203], %swap3A_1206 {strides = array<i32>} : memref<4x128xi32, #tpu.memory_space<vmem>>, vector<1x16xi32>,
      %get3A_1207 = arith.constant 1 : i32
      %get3A_1208 = arith.constant 0 : i32
      %get3A_1209 = arith.index_cast %get3A_1207 : i32 to index
      %get3A_1210 = arith.index_cast %get3A_1208 : i32 to index
      %get3A_1211 = arith.constant 64 : index
      %get3A_1212 = tpu.vector_load %arg5[%get3A_1209, %get3A_1210, %get3A_1211] {strides = array<i32>} : memref<4x2x128xi32, #tpu.memory_space<vmem>>, vector<1x1x16xi32>,
      %get3A_1213 = vector.shape_cast %get3A_1212 : vector<1x1x16xi32> to vector<16xi32>
      %add3A_1214 = vector.broadcast %mul3A_14 : i32 to vector<16xi32>
      %add3A_1215 = arith.addi %get3A_1213, %add3A_1214 : vector<16xi32>
      %swap3A_1216 = arith.constant 1 : i32
      %swap3A_1217 = arith.index_cast %swap3A_1216 : i32 to index
      %swap3A_1218 = arith.constant 64 : index
      %swap3A_1219 = tpu.vector_load %arg6[%swap3A_1217, %swap3A_1218] {strides = array<i32>} : memref<4x128xi32, #tpu.memory_space<vmem>>, vector<1x16xi32>,
      %swap3A_1220 = vector.shape_cast %swap3A_1219 : vector<1x16xi32> to vector<16xi32>
      %swap3A_1221 = vector.shape_cast %add3A_1215 : vector<16xi32> to vector<1x16xi32>
      tpu.vector_store %arg6[%swap3A_1217, %swap3A_1218], %swap3A_1221 {strides = array<i32>} : memref<4x128xi32, #tpu.memory_space<vmem>>, vector<1x16xi32>,
      %get3A_1222 = arith.constant 1 : i32
      %get3A_1223 = arith.constant 0 : i32
      %get3A_1224 = arith.index_cast %get3A_1222 : i32 to index
      %get3A_1225 = arith.index_cast %get3A_1223 : i32 to index
      %get3A_1226 = arith.constant 80 : index
      %get3A_1227 = tpu.vector_load %arg5[%get3A_1224, %get3A_1225, %get3A_1226] {strides = array<i32>} : memref<4x2x128xi32, #tpu.memory_space<vmem>>, vector<1x1x16xi32>,
      %get3A_1228 = vector.shape_cast %get3A_1227 : vector<1x1x16xi32> to vector<16xi32>
      %add3A_1229 = vector.broadcast %mul3A_14 : i32 to vector<16xi32>
      %add3A_1230 = arith.addi %get3A_1228, %add3A_1229 : vector<16xi32>
      %swap3A_1231 = arith.constant 1 : i32
      %swap3A_1232 = arith.index_cast %swap3A_1231 : i32 to index
      %swap3A_1233 = arith.constant 80 : index
      %swap3A_1234 = tpu.vector_load %arg6[%swap3A_1232, %swap3A_1233] {strides = array<i32>} : memref<4x128xi32, #tpu.memory_space<vmem>>, vector<1x16xi32>,
      %swap3A_1235 = vector.shape_cast %swap3A_1234 : vector<1x16xi32> to vector<16xi32>
      %swap3A_1236 = vector.shape_cast %add3A_1230 : vector<16xi32> to vector<1x16xi32>
      tpu.vector_store %arg6[%swap3A_1232, %swap3A_1233], %swap3A_1236 {strides = array<i32>} : memref<4x128xi32, #tpu.memory_space<vmem>>, vector<1x16xi32>,
      %get3A_1237 = arith.constant 1 : i32
      %get3A_1238 = arith.constant 0 : i32
      %get3A_1239 = arith.index_cast %get3A_1237 : i32 to index
      %get3A_1240 = arith.index_cast %get3A_1238 : i32 to index
      %get3A_1241 = arith.constant 96 : index
      %get3A_1242 = tpu.vector_load %arg5[%get3A_1239, %get3A_1240, %get3A_1241] {strides = array<i32>} : memref<4x2x128xi32, #tpu.memory_space<vmem>>, vector<1x1x16xi32>,
      %get3A_1243 = vector.shape_cast %get3A_1242 : vector<1x1x16xi32> to vector<16xi32>
      %add3A_1244 = vector.broadcast %mul3A_14 : i32 to vector<16xi32>
      %add3A_1245 = arith.addi %get3A_1243, %add3A_1244 : vector<16xi32>
      %swap3A_1246 = arith.constant 1 : i32
      %swap3A_1247 = arith.index_cast %swap3A_1246 : i32 to index
      %swap3A_1248 = arith.constant 96 : index
      %swap3A_1249 = tpu.vector_load %arg6[%swap3A_1247, %swap3A_1248] {strides = array<i32>} : memref<4x128xi32, #tpu.memory_space<vmem>>, vector<1x16xi32>,
      %swap3A_1250 = vector.shape_cast %swap3A_1249 : vector<1x16xi32> to vector<16xi32>
      %swap3A_1251 = vector.shape_cast %add3A_1245 : vector<16xi32> to vector<1x16xi32>
      tpu.vector_store %arg6[%swap3A_1247, %swap3A_1248], %swap3A_1251 {strides = array<i32>} : memref<4x128xi32, #tpu.memory_space<vmem>>, vector<1x16xi32>,
      %get3A_1252 = arith.constant 1 : i32
      %get3A_1253 = arith.constant 0 : i32
      %get3A_1254 = arith.index_cast %get3A_1252 : i32 to index
      %get3A_1255 = arith.index_cast %get3A_1253 : i32 to index
      %get3A_1256 = arith.constant 112 : index
      %get3A_1257 = tpu.vector_load %arg5[%get3A_1254, %get3A_1255, %get3A_1256] {strides = array<i32>} : memref<4x2x128xi32, #tpu.memory_space<vmem>>, vector<1x1x16xi32>,
      %get3A_1258 = vector.shape_cast %get3A_1257 : vector<1x1x16xi32> to vector<16xi32>
      %add3A_1259 = vector.broadcast %mul3A_14 : i32 to vector<16xi32>
      %add3A_1260 = arith.addi %get3A_1258, %add3A_1259 : vector<16xi32>
      %swap3A_1261 = arith.constant 1 : i32
      %swap3A_1262 = arith.index_cast %swap3A_1261 : i32 to index
      %swap3A_1263 = arith.constant 112 : index
      %swap3A_1264 = tpu.vector_load %arg6[%swap3A_1262, %swap3A_1263] {strides = array<i32>} : memref<4x128xi32, #tpu.memory_space<vmem>>, vector<1x16xi32>,
      %swap3A_1265 = vector.shape_cast %swap3A_1264 : vector<1x16xi32> to vector<16xi32>
      %swap3A_1266 = vector.shape_cast %add3A_1260 : vector<16xi32> to vector<1x16xi32>
      tpu.vector_store %arg6[%swap3A_1262, %swap3A_1263], %swap3A_1266 {strides = array<i32>} : memref<4x128xi32, #tpu.memory_space<vmem>>, vector<1x16xi32>,
      %dma_start3A_1267 = arith.constant 1 : i32
      %dma_start3A_1268 = arith.constant 1 : i32
      %dma_start3A_1269 = arith.constant 0 : i32
      %dma_start3A_1270 = arith.constant 0 : i32
      %dma_start3A_1271 = arith.constant 0 : i32
      %dma_start3A_1272 = tpu.memref_slice %arg7[%dma_start3A_1268, %dma_start3A_1269, %dma_start3A_1270, %dma_start3A_1271] : memref<2x128x2x128xbf16, #tpu.memory_space<vmem>> -> memref<1x128x2x128xbf16, #tpu.memory_space<vmem>>
      %dma_start3A_1273 = tpu.memref_squeeze %dma_start3A_1272 : memref<1x128x2x128xbf16, #tpu.memory_space<vmem>> -> memref<128x2x128xbf16, #tpu.memory_space<vmem>>
      %dma_start3A_1274 = arith.constant 0 : i32
      %dma_start3A_1275 = tpu.memref_slice %arg6[%dma_start3A_1267, %dma_start3A_1274] : memref<4x128xi32, #tpu.memory_space<vmem>> -> memref<1x128xi32, #tpu.memory_space<vmem>>
      %dma_start3A_1276 = tpu.memref_squeeze %dma_start3A_1275 : memref<1x128xi32, #tpu.memory_space<vmem>> -> memref<128xi32, #tpu.memory_space<vmem>>
      %dma_start3A_1277 = arith.constant 0 : i32
      %dma_start3A_1278 = arith.constant 0 : i32
      %dma_start3A_1279 = arith.constant 0 : i32
      %dma_start3A_1280 = tpu.memref_slice %arg3[%dma_start3A_1277, %dma_start3A_1278, %dma_start3A_1279] : memref<61440x2x128xbf16, #tpu.memory_space<hbm>> -> memref<61440x2x128xbf16, #tpu.memory_space<hbm>>
      tpu.enqueue_indirect_dma source(%dma_start3A_1280 : memref<61440x2x128xbf16, #tpu.memory_space<hbm>>) target(%dma_start3A_1273 : memref<128x2x128xbf16, #tpu.memory_space<vmem>>) offsets(%dma_start3A_1276 : memref<128xi32, #tpu.memory_space<vmem>>) semaphore(%arg15 : memref<!tpu.dma_semaphore, #tpu.memory_space<semaphore_mem>>)
      %dma_wait3A_1281 = arith.constant 0 : i32
      %dma_wait3A_1282 = arith.constant 0 : i32
      %dma_wait3A_1283 = arith.constant 0 : i32
      %dma_wait3A_1284 = arith.constant 0 : i32
      %dma_wait3A_1285 = arith.constant 0 : i32
      %dma_wait3A_1286 = tpu.memref_slice %arg7[%dma_wait3A_1282, %dma_wait3A_1283, %dma_wait3A_1284, %dma_wait3A_1285] : memref<2x128x2x128xbf16, #tpu.memory_space<vmem>> -> memref<1x128x2x128xbf16, #tpu.memory_space<vmem>>
      %dma_wait3A_1287 = tpu.memref_squeeze %dma_wait3A_1286 : memref<1x128x2x128xbf16, #tpu.memory_space<vmem>> -> memref<128x2x128xbf16, #tpu.memory_space<vmem>>
      %dma_wait3A_1288 = arith.constant 0 : i32
      %dma_wait3A_1289 = tpu.memref_slice %arg6[%dma_wait3A_1281, %dma_wait3A_1288] : memref<4x128xi32, #tpu.memory_space<vmem>> -> memref<1x128xi32, #tpu.memory_space<vmem>>
      %dma_wait3A_1290 = tpu.memref_squeeze %dma_wait3A_1289 : memref<1x128xi32, #tpu.memory_space<vmem>> -> memref<128xi32, #tpu.memory_space<vmem>>
      %dma_wait3A_1291 = arith.constant 0 : i32
      %dma_wait3A_1292 = arith.constant 0 : i32
      %dma_wait3A_1293 = arith.constant 0 : i32
      %dma_wait3A_1294 = tpu.memref_slice %arg3[%dma_wait3A_1291, %dma_wait3A_1292, %dma_wait3A_1293] : memref<61440x2x128xbf16, #tpu.memory_space<hbm>> -> memref<61440x2x128xbf16, #tpu.memory_space<hbm>>
      tpu.wait_indirect_dma semaphore(%arg14 : memref<!tpu.dma_semaphore, #tpu.memory_space<semaphore_mem>>) src(%dma_wait3A_1294 : memref<61440x2x128xbf16, #tpu.memory_space<hbm>>) dst(%dma_wait3A_1287 : memref<128x2x128xbf16, #tpu.memory_space<vmem>>)
      %dma_start3A_1295 = arith.constant 0 : i32
      %dma_start3A_1296 = arith.constant 0 : i32
      %dma_start3A_1297 = arith.constant 1 : i32
      %dma_start3A_1298 = arith.constant 0 : i32
      %dma_start3A_1299 = arith.constant 0 : i32
      %dma_start3A_1300 = arith.constant 0 : i32
      %dma_start3A_1301 = tpu.memref_slice %arg7[%dma_start3A_1295, %dma_start3A_1298, %dma_start3A_1299, %dma_start3A_1300] : memref<2x128x2x128xbf16, #tpu.memory_space<vmem>> -> memref<1x128x2x128xbf16, #tpu.memory_space<vmem>>
      %dma_start3A_1302 = tpu.memref_squeeze %dma_start3A_1301 : memref<1x128x2x128xbf16, #tpu.memory_space<vmem>> -> memref<128x2x128xbf16, #tpu.memory_space<vmem>>
      %dma_start3A_1303 = arith.constant 0 : i32
      %dma_start3A_1304 = tpu.memref_slice %arg5[%dma_start3A_1296, %dma_start3A_1297, %dma_start3A_1303] : memref<4x2x128xi32, #tpu.memory_space<vmem>> -> memref<1x1x128xi32, #tpu.memory_space<vmem>>
      %dma_start3A_1305 = tpu.memref_squeeze %dma_start3A_1304 : memref<1x1x128xi32, #tpu.memory_space<vmem>> -> memref<128xi32, #tpu.memory_space<vmem>>
      %dma_start3A_1306 = arith.constant 0 : i32
      %dma_start3A_1307 = arith.constant 0 : i32
      %dma_start3A_1308 = arith.constant 0 : i32
      %dma_start3A_1309 = tpu.memref_slice %arg9[%dma_start3A_1306, %dma_start3A_1307, %dma_start3A_1308] : memref<10240x2x128xbf16, #tpu.memory_space<vmem_shared>> -> memref<10240x2x128xbf16, #tpu.memory_space<vmem_shared>>
      tpu.enqueue_indirect_dma source(%dma_start3A_1302 : memref<128x2x128xbf16, #tpu.memory_space<vmem>>) target(%dma_start3A_1309 : memref<10240x2x128xbf16, #tpu.memory_space<vmem_shared>>) offsets(%dma_start3A_1305 : memref<128xi32, #tpu.memory_space<vmem>>) semaphore(%arg16 : memref<!tpu.dma_semaphore, #tpu.memory_space<semaphore_mem>>) {add = true}
      %dma_wait3A_1310 = arith.constant 0 : i32
      %dma_wait3A_1311 = arith.constant 0 : i32
      %dma_wait3A_1312 = arith.constant 1 : i32
      %dma_wait3A_1313 = arith.constant 0 : i32
      %dma_wait3A_1314 = arith.constant 0 : i32
      %dma_wait3A_1315 = arith.constant 0 : i32
      %dma_wait3A_1316 = tpu.memref_slice %arg7[%dma_wait3A_1310, %dma_wait3A_1313, %dma_wait3A_1314, %dma_wait3A_1315] : memref<2x128x2x128xbf16, #tpu.memory_space<vmem>> -> memref<1x128x2x128xbf16, #tpu.memory_space<vmem>>
      %dma_wait3A_1317 = tpu.memref_squeeze %dma_wait3A_1316 : memref<1x128x2x128xbf16, #tpu.memory_space<vmem>> -> memref<128x2x128xbf16, #tpu.memory_space<vmem>>
      %dma_wait3A_1318 = arith.constant 0 : i32
      %dma_wait3A_1319 = tpu.memref_slice %arg5[%dma_wait3A_1311, %dma_wait3A_1312, %dma_wait3A_1318] : memref<4x2x128xi32, #tpu.memory_space<vmem>> -> memref<1x1x128xi32, #tpu.memory_space<vmem>>
      %dma_wait3A_1320 = tpu.memref_squeeze %dma_wait3A_1319 : memref<1x1x128xi32, #tpu.memory_space<vmem>> -> memref<128xi32, #tpu.memory_space<vmem>>
      %dma_wait3A_1321 = arith.constant 0 : i32
      %dma_wait3A_1322 = arith.constant 0 : i32
      %dma_wait3A_1323 = arith.constant 0 : i32
      %dma_wait3A_1324 = tpu.memref_slice %arg9[%dma_wait3A_1321, %dma_wait3A_1322, %dma_wait3A_1323] : memref<10240x2x128xbf16, #tpu.memory_space<vmem_shared>> -> memref<10240x2x128xbf16, #tpu.memory_space<vmem_shared>>
      tpu.wait_indirect_dma semaphore(%arg16 : memref<!tpu.dma_semaphore, #tpu.memory_space<semaphore_mem>>) src(%dma_wait3A_1317 : memref<128x2x128xbf16, #tpu.memory_space<vmem>>) dst(%dma_wait3A_1324 : memref<10240x2x128xbf16, #tpu.memory_space<vmem_shared>>)
      %mul3A_1325 = arith.constant 160 : i32
      %mul3A_1326 = arith.muli %arg1, %mul3A_1325 : i32
      %add3A_1327 = arith.constant 158 : i32
      %add3A_1328 = arith.addi %mul3A_1326, %add3A_1327 : i32
      %dma_wait3A_1329 = arith.constant 2 : i32
      %dma_wait3A_1330 = arith.constant 0 : i32
      %dma_wait3A_1331 = arith.constant 0 : i32
      %dma_wait3A_1332 = tpu.memref_slice %arg5[%dma_wait3A_1329, %dma_wait3A_1330, %dma_wait3A_1331] : memref<4x2x128xi32, #tpu.memory_space<vmem>> -> memref<1x2x128xi32, #tpu.memory_space<vmem>>
      %dma_wait3A_1333 = arith.constant 0 : i32
      %dma_wait3A_1334 = arith.constant 0 : i32
      %dma_wait3A_1335 = tpu.memref_slice %arg2[%add3A_1328, %dma_wait3A_1333, %dma_wait3A_1334] : memref<2562x2x128xi32, #tpu.memory_space<hbm>> -> memref<1x2x128xi32, #tpu.memory_space<hbm>>
      %dma_wait3A_1336 = arith.constant 2 : i32
      %dma_wait3A_1337 = arith.constant 0 : i32
      %dma_wait3A_1338 = arith.constant 0 : i32
      %dma_wait3A_1339 = tpu.memref_slice %arg5[%dma_wait3A_1336, %dma_wait3A_1337, %dma_wait3A_1338] : memref<4x2x128xi32, #tpu.memory_space<vmem>> -> memref<1x2x128xi32, #tpu.memory_space<vmem>>
      %dma_wait3A_1340 = arith.constant 0 : i32
      %dma_wait3A_1341 = arith.constant 0 : i32
      %dma_wait3A_1342 = tpu.memref_slice %arg2[%add3A_1328, %dma_wait3A_1340, %dma_wait3A_1341] : memref<2562x2x128xi32, #tpu.memory_space<hbm>> -> memref<1x2x128xi32, #tpu.memory_space<hbm>>
      tpu.wait_dma2 semaphore(%arg12 : memref<!tpu.dma_semaphore, #tpu.memory_space<semaphore_mem>>) src(%dma_wait3A_1342 : memref<1x2x128xi32, #tpu.memory_space<hbm>>) dst(%dma_wait3A_1339 : memref<1x2x128xi32, #tpu.memory_space<vmem>>)
      %get3A_1343 = arith.constant 2 : i32
      %get3A_1344 = arith.constant 0 : i32
      %get3A_1345 = arith.index_cast %get3A_1343 : i32 to index
      %get3A_1346 = arith.index_cast %get3A_1344 : i32 to index
      %get3A_1347 = arith.constant 0 : index
      %get3A_1348 = tpu.vector_load %arg5[%get3A_1345, %get3A_1346, %get3A_1347] {strides = array<i32>} : memref<4x2x128xi32, #tpu.memory_space<vmem>>, vector<1x1x16xi32>,
      %get3A_1349 = vector.shape_cast %get3A_1348 : vector<1x1x16xi32> to vector<16xi32>
      %add3A_1350 = vector.broadcast %mul3A_14 : i32 to vector<16xi32>
      %add3A_1351 = arith.addi %get3A_1349, %add3A_1350 : vector<16xi32>
      %swap3A_1352 = arith.constant 2 : i32
      %swap3A_1353 = arith.index_cast %swap3A_1352 : i32 to index
      %swap3A_1354 = arith.constant 0 : index
      %swap3A_1355 = tpu.vector_load %arg6[%swap3A_1353, %swap3A_1354] {strides = array<i32>} : memref<4x128xi32, #tpu.memory_space<vmem>>, vector<1x16xi32>,
      %swap3A_1356 = vector.shape_cast %swap3A_1355 : vector<1x16xi32> to vector<16xi32>
      %swap3A_1357 = vector.shape_cast %add3A_1351 : vector<16xi32> to vector<1x16xi32>
      tpu.vector_store %arg6[%swap3A_1353, %swap3A_1354], %swap3A_1357 {strides = array<i32>} : memref<4x128xi32, #tpu.memory_space<vmem>>, vector<1x16xi32>,
      %get3A_1358 = arith.constant 2 : i32
      %get3A_1359 = arith.constant 0 : i32
      %get3A_1360 = arith.index_cast %get3A_1358 : i32 to index
      %get3A_1361 = arith.index_cast %get3A_1359 : i32 to index
      %get3A_1362 = arith.constant 16 : index
      %get3A_1363 = tpu.vector_load %arg5[%get3A_1360, %get3A_1361, %get3A_1362] {strides = array<i32>} : memref<4x2x128xi32, #tpu.memory_space<vmem>>, vector<1x1x16xi32>,
      %get3A_1364 = vector.shape_cast %get3A_1363 : vector<1x1x16xi32> to vector<16xi32>
      %add3A_1365 = vector.broadcast %mul3A_14 : i32 to vector<16xi32>
      %add3A_1366 = arith.addi %get3A_1364, %add3A_1365 : vector<16xi32>
      %swap3A_1367 = arith.constant 2 : i32
      %swap3A_1368 = arith.index_cast %swap3A_1367 : i32 to index
      %swap3A_1369 = arith.constant 16 : index
      %swap3A_1370 = tpu.vector_load %arg6[%swap3A_1368, %swap3A_1369] {strides = array<i32>} : memref<4x128xi32, #tpu.memory_space<vmem>>, vector<1x16xi32>,
      %swap3A_1371 = vector.shape_cast %swap3A_1370 : vector<1x16xi32> to vector<16xi32>
      %swap3A_1372 = vector.shape_cast %add3A_1366 : vector<16xi32> to vector<1x16xi32>
      tpu.vector_store %arg6[%swap3A_1368, %swap3A_1369], %swap3A_1372 {strides = array<i32>} : memref<4x128xi32, #tpu.memory_space<vmem>>, vector<1x16xi32>,
      %get3A_1373 = arith.constant 2 : i32
      %get3A_1374 = arith.constant 0 : i32
      %get3A_1375 = arith.index_cast %get3A_1373 : i32 to index
      %get3A_1376 = arith.index_cast %get3A_1374 : i32 to index
      %get3A_1377 = arith.constant 32 : index
      %get3A_1378 = tpu.vector_load %arg5[%get3A_1375, %get3A_1376, %get3A_1377] {strides = array<i32>} : memref<4x2x128xi32, #tpu.memory_space<vmem>>, vector<1x1x16xi32>,
      %get3A_1379 = vector.shape_cast %get3A_1378 : vector<1x1x16xi32> to vector<16xi32>
      %add3A_1380 = vector.broadcast %mul3A_14 : i32 to vector<16xi32>
      %add3A_1381 = arith.addi %get3A_1379, %add3A_1380 : vector<16xi32>
      %swap3A_1382 = arith.constant 2 : i32
      %swap3A_1383 = arith.index_cast %swap3A_1382 : i32 to index
      %swap3A_1384 = arith.constant 32 : index
      %swap3A_1385 = tpu.vector_load %arg6[%swap3A_1383, %swap3A_1384] {strides = array<i32>} : memref<4x128xi32, #tpu.memory_space<vmem>>, vector<1x16xi32>,
      %swap3A_1386 = vector.shape_cast %swap3A_1385 : vector<1x16xi32> to vector<16xi32>
      %swap3A_1387 = vector.shape_cast %add3A_1381 : vector<16xi32> to vector<1x16xi32>
      tpu.vector_store %arg6[%swap3A_1383, %swap3A_1384], %swap3A_1387 {strides = array<i32>} : memref<4x128xi32, #tpu.memory_space<vmem>>, vector<1x16xi32>,
      %get3A_1388 = arith.constant 2 : i32
      %get3A_1389 = arith.constant 0 : i32
      %get3A_1390 = arith.index_cast %get3A_1388 : i32 to index
      %get3A_1391 = arith.index_cast %get3A_1389 : i32 to index
      %get3A_1392 = arith.constant 48 : index
      %get3A_1393 = tpu.vector_load %arg5[%get3A_1390, %get3A_1391, %get3A_1392] {strides = array<i32>} : memref<4x2x128xi32, #tpu.memory_space<vmem>>, vector<1x1x16xi32>,
      %get3A_1394 = vector.shape_cast %get3A_1393 : vector<1x1x16xi32> to vector<16xi32>
      %add3A_1395 = vector.broadcast %mul3A_14 : i32 to vector<16xi32>
      %add3A_1396 = arith.addi %get3A_1394, %add3A_1395 : vector<16xi32>
      %swap3A_1397 = arith.constant 2 : i32
      %swap3A_1398 = arith.index_cast %swap3A_1397 : i32 to index
      %swap3A_1399 = arith.constant 48 : index
      %swap3A_1400 = tpu.vector_load %arg6[%swap3A_1398, %swap3A_1399] {strides = array<i32>} : memref<4x128xi32, #tpu.memory_space<vmem>>, vector<1x16xi32>,
      %swap3A_1401 = vector.shape_cast %swap3A_1400 : vector<1x16xi32> to vector<16xi32>
      %swap3A_1402 = vector.shape_cast %add3A_1396 : vector<16xi32> to vector<1x16xi32>
      tpu.vector_store %arg6[%swap3A_1398, %swap3A_1399], %swap3A_1402 {strides = array<i32>} : memref<4x128xi32, #tpu.memory_space<vmem>>, vector<1x16xi32>,
      %get3A_1403 = arith.constant 2 : i32
      %get3A_1404 = arith.constant 0 : i32
      %get3A_1405 = arith.index_cast %get3A_1403 : i32 to index
      %get3A_1406 = arith.index_cast %get3A_1404 : i32 to index
      %get3A_1407 = arith.constant 64 : index
      %get3A_1408 = tpu.vector_load %arg5[%get3A_1405, %get3A_1406, %get3A_1407] {strides = array<i32>} : memref<4x2x128xi32, #tpu.memory_space<vmem>>, vector<1x1x16xi32>,
      %get3A_1409 = vector.shape_cast %get3A_1408 : vector<1x1x16xi32> to vector<16xi32>
      %add3A_1410 = vector.broadcast %mul3A_14 : i32 to vector<16xi32>
      %add3A_1411 = arith.addi %get3A_1409, %add3A_1410 : vector<16xi32>
      %swap3A_1412 = arith.constant 2 : i32
      %swap3A_1413 = arith.index_cast %swap3A_1412 : i32 to index
      %swap3A_1414 = arith.constant 64 : index
      %swap3A_1415 = tpu.vector_load %arg6[%swap3A_1413, %swap3A_1414] {strides = array<i32>} : memref<4x128xi32, #tpu.memory_space<vmem>>, vector<1x16xi32>,
      %swap3A_1416 = vector.shape_cast %swap3A_1415 : vector<1x16xi32> to vector<16xi32>
      %swap3A_1417 = vector.shape_cast %add3A_1411 : vector<16xi32> to vector<1x16xi32>
      tpu.vector_store %arg6[%swap3A_1413, %swap3A_1414], %swap3A_1417 {strides = array<i32>} : memref<4x128xi32, #tpu.memory_space<vmem>>, vector<1x16xi32>,
      %get3A_1418 = arith.constant 2 : i32
      %get3A_1419 = arith.constant 0 : i32
      %get3A_1420 = arith.index_cast %get3A_1418 : i32 to index
      %get3A_1421 = arith.index_cast %get3A_1419 : i32 to index
      %get3A_1422 = arith.constant 80 : index
      %get3A_1423 = tpu.vector_load %arg5[%get3A_1420, %get3A_1421, %get3A_1422] {strides = array<i32>} : memref<4x2x128xi32, #tpu.memory_space<vmem>>, vector<1x1x16xi32>,
      %get3A_1424 = vector.shape_cast %get3A_1423 : vector<1x1x16xi32> to vector<16xi32>
      %add3A_1425 = vector.broadcast %mul3A_14 : i32 to vector<16xi32>
      %add3A_1426 = arith.addi %get3A_1424, %add3A_1425 : vector<16xi32>
      %swap3A_1427 = arith.constant 2 : i32
      %swap3A_1428 = arith.index_cast %swap3A_1427 : i32 to index
      %swap3A_1429 = arith.constant 80 : index
      %swap3A_1430 = tpu.vector_load %arg6[%swap3A_1428, %swap3A_1429] {strides = array<i32>} : memref<4x128xi32, #tpu.memory_space<vmem>>, vector<1x16xi32>,
      %swap3A_1431 = vector.shape_cast %swap3A_1430 : vector<1x16xi32> to vector<16xi32>
      %swap3A_1432 = vector.shape_cast %add3A_1426 : vector<16xi32> to vector<1x16xi32>
      tpu.vector_store %arg6[%swap3A_1428, %swap3A_1429], %swap3A_1432 {strides = array<i32>} : memref<4x128xi32, #tpu.memory_space<vmem>>, vector<1x16xi32>,
      %get3A_1433 = arith.constant 2 : i32
      %get3A_1434 = arith.constant 0 : i32
      %get3A_1435 = arith.index_cast %get3A_1433 : i32 to index
      %get3A_1436 = arith.index_cast %get3A_1434 : i32 to index
      %get3A_1437 = arith.constant 96 : index
      %get3A_1438 = tpu.vector_load %arg5[%get3A_1435, %get3A_1436, %get3A_1437] {strides = array<i32>} : memref<4x2x128xi32, #tpu.memory_space<vmem>>, vector<1x1x16xi32>,
      %get3A_1439 = vector.shape_cast %get3A_1438 : vector<1x1x16xi32> to vector<16xi32>
      %add3A_1440 = vector.broadcast %mul3A_14 : i32 to vector<16xi32>
      %add3A_1441 = arith.addi %get3A_1439, %add3A_1440 : vector<16xi32>
      %swap3A_1442 = arith.constant 2 : i32
      %swap3A_1443 = arith.index_cast %swap3A_1442 : i32 to index
      %swap3A_1444 = arith.constant 96 : index
      %swap3A_1445 = tpu.vector_load %arg6[%swap3A_1443, %swap3A_1444] {strides = array<i32>} : memref<4x128xi32, #tpu.memory_space<vmem>>, vector<1x16xi32>,
      %swap3A_1446 = vector.shape_cast %swap3A_1445 : vector<1x16xi32> to vector<16xi32>
      %swap3A_1447 = vector.shape_cast %add3A_1441 : vector<16xi32> to vector<1x16xi32>
      tpu.vector_store %arg6[%swap3A_1443, %swap3A_1444], %swap3A_1447 {strides = array<i32>} : memref<4x128xi32, #tpu.memory_space<vmem>>, vector<1x16xi32>,
      %get3A_1448 = arith.constant 2 : i32
      %get3A_1449 = arith.constant 0 : i32
      %get3A_1450 = arith.index_cast %get3A_1448 : i32 to index
      %get3A_1451 = arith.index_cast %get3A_1449 : i32 to index
      %get3A_1452 = arith.constant 112 : index
      %get3A_1453 = tpu.vector_load %arg5[%get3A_1450, %get3A_1451, %get3A_1452] {strides = array<i32>} : memref<4x2x128xi32, #tpu.memory_space<vmem>>, vector<1x1x16xi32>,
      %get3A_1454 = vector.shape_cast %get3A_1453 : vector<1x1x16xi32> to vector<16xi32>
      %add3A_1455 = vector.broadcast %mul3A_14 : i32 to vector<16xi32>
      %add3A_1456 = arith.addi %get3A_1454, %add3A_1455 : vector<16xi32>
      %swap3A_1457 = arith.constant 2 : i32
      %swap3A_1458 = arith.index_cast %swap3A_1457 : i32 to index
      %swap3A_1459 = arith.constant 112 : index
      %swap3A_1460 = tpu.vector_load %arg6[%swap3A_1458, %swap3A_1459] {strides = array<i32>} : memref<4x128xi32, #tpu.memory_space<vmem>>, vector<1x16xi32>,
      %swap3A_1461 = vector.shape_cast %swap3A_1460 : vector<1x16xi32> to vector<16xi32>
      %swap3A_1462 = vector.shape_cast %add3A_1456 : vector<16xi32> to vector<1x16xi32>
      tpu.vector_store %arg6[%swap3A_1458, %swap3A_1459], %swap3A_1462 {strides = array<i32>} : memref<4x128xi32, #tpu.memory_space<vmem>>, vector<1x16xi32>,
      %dma_start3A_1463 = arith.constant 2 : i32
      %dma_start3A_1464 = arith.constant 0 : i32
      %dma_start3A_1465 = arith.constant 0 : i32
      %dma_start3A_1466 = arith.constant 0 : i32
      %dma_start3A_1467 = arith.constant 0 : i32
      %dma_start3A_1468 = tpu.memref_slice %arg7[%dma_start3A_1464, %dma_start3A_1465, %dma_start3A_1466, %dma_start3A_1467] : memref<2x128x2x128xbf16, #tpu.memory_space<vmem>> -> memref<1x128x2x128xbf16, #tpu.memory_space<vmem>>
      %dma_start3A_1469 = tpu.memref_squeeze %dma_start3A_1468 : memref<1x128x2x128xbf16, #tpu.memory_space<vmem>> -> memref<128x2x128xbf16, #tpu.memory_space<vmem>>
      %dma_start3A_1470 = arith.constant 0 : i32
      %dma_start3A_1471 = tpu.memref_slice %arg6[%dma_start3A_1463, %dma_start3A_1470] : memref<4x128xi32, #tpu.memory_space<vmem>> -> memref<1x128xi32, #tpu.memory_space<vmem>>
      %dma_start3A_1472 = tpu.memref_squeeze %dma_start3A_1471 : memref<1x128xi32, #tpu.memory_space<vmem>> -> memref<128xi32, #tpu.memory_space<vmem>>
      %dma_start3A_1473 = arith.constant 0 : i32
      %dma_start3A_1474 = arith.constant 0 : i32
      %dma_start3A_1475 = arith.constant 0 : i32
      %dma_start3A_1476 = tpu.memref_slice %arg3[%dma_start3A_1473, %dma_start3A_1474, %dma_start3A_1475] : memref<61440x2x128xbf16, #tpu.memory_space<hbm>> -> memref<61440x2x128xbf16, #tpu.memory_space<hbm>>
      tpu.enqueue_indirect_dma source(%dma_start3A_1476 : memref<61440x2x128xbf16, #tpu.memory_space<hbm>>) target(%dma_start3A_1469 : memref<128x2x128xbf16, #tpu.memory_space<vmem>>) offsets(%dma_start3A_1472 : memref<128xi32, #tpu.memory_space<vmem>>) semaphore(%arg14 : memref<!tpu.dma_semaphore, #tpu.memory_space<semaphore_mem>>)
      %dma_wait3A_1477 = arith.constant 1 : i32
      %dma_wait3A_1478 = arith.constant 1 : i32
      %dma_wait3A_1479 = arith.constant 0 : i32
      %dma_wait3A_1480 = arith.constant 0 : i32
      %dma_wait3A_1481 = arith.constant 0 : i32
      %dma_wait3A_1482 = tpu.memref_slice %arg7[%dma_wait3A_1478, %dma_wait3A_1479, %dma_wait3A_1480, %dma_wait3A_1481] : memref<2x128x2x128xbf16, #tpu.memory_space<vmem>> -> memref<1x128x2x128xbf16, #tpu.memory_space<vmem>>
      %dma_wait3A_1483 = tpu.memref_squeeze %dma_wait3A_1482 : memref<1x128x2x128xbf16, #tpu.memory_space<vmem>> -> memref<128x2x128xbf16, #tpu.memory_space<vmem>>
      %dma_wait3A_1484 = arith.constant 0 : i32
      %dma_wait3A_1485 = tpu.memref_slice %arg6[%dma_wait3A_1477, %dma_wait3A_1484] : memref<4x128xi32, #tpu.memory_space<vmem>> -> memref<1x128xi32, #tpu.memory_space<vmem>>
      %dma_wait3A_1486 = tpu.memref_squeeze %dma_wait3A_1485 : memref<1x128xi32, #tpu.memory_space<vmem>> -> memref<128xi32, #tpu.memory_space<vmem>>
      %dma_wait3A_1487 = arith.constant 0 : i32
      %dma_wait3A_1488 = arith.constant 0 : i32
      %dma_wait3A_1489 = arith.constant 0 : i32
      %dma_wait3A_1490 = tpu.memref_slice %arg3[%dma_wait3A_1487, %dma_wait3A_1488, %dma_wait3A_1489] : memref<61440x2x128xbf16, #tpu.memory_space<hbm>> -> memref<61440x2x128xbf16, #tpu.memory_space<hbm>>
      tpu.wait_indirect_dma semaphore(%arg15 : memref<!tpu.dma_semaphore, #tpu.memory_space<semaphore_mem>>) src(%dma_wait3A_1490 : memref<61440x2x128xbf16, #tpu.memory_space<hbm>>) dst(%dma_wait3A_1483 : memref<128x2x128xbf16, #tpu.memory_space<vmem>>)
      %dma_start3A_1491 = arith.constant 1 : i32
      %dma_start3A_1492 = arith.constant 1 : i32
      %dma_start3A_1493 = arith.constant 1 : i32
      %dma_start3A_1494 = arith.constant 0 : i32
      %dma_start3A_1495 = arith.constant 0 : i32
      %dma_start3A_1496 = arith.constant 0 : i32
      %dma_start3A_1497 = tpu.memref_slice %arg7[%dma_start3A_1491, %dma_start3A_1494, %dma_start3A_1495, %dma_start3A_1496] : memref<2x128x2x128xbf16, #tpu.memory_space<vmem>> -> memref<1x128x2x128xbf16, #tpu.memory_space<vmem>>
      %dma_start3A_1498 = tpu.memref_squeeze %dma_start3A_1497 : memref<1x128x2x128xbf16, #tpu.memory_space<vmem>> -> memref<128x2x128xbf16, #tpu.memory_space<vmem>>
      %dma_start3A_1499 = arith.constant 0 : i32
      %dma_start3A_1500 = tpu.memref_slice %arg5[%dma_start3A_1492, %dma_start3A_1493, %dma_start3A_1499] : memref<4x2x128xi32, #tpu.memory_space<vmem>> -> memref<1x1x128xi32, #tpu.memory_space<vmem>>
      %dma_start3A_1501 = tpu.memref_squeeze %dma_start3A_1500 : memref<1x1x128xi32, #tpu.memory_space<vmem>> -> memref<128xi32, #tpu.memory_space<vmem>>
      %dma_start3A_1502 = arith.constant 0 : i32
      %dma_start3A_1503 = arith.constant 0 : i32
      %dma_start3A_1504 = arith.constant 0 : i32
      %dma_start3A_1505 = tpu.memref_slice %arg9[%dma_start3A_1502, %dma_start3A_1503, %dma_start3A_1504] : memref<10240x2x128xbf16, #tpu.memory_space<vmem_shared>> -> memref<10240x2x128xbf16, #tpu.memory_space<vmem_shared>>
      tpu.enqueue_indirect_dma source(%dma_start3A_1498 : memref<128x2x128xbf16, #tpu.memory_space<vmem>>) target(%dma_start3A_1505 : memref<10240x2x128xbf16, #tpu.memory_space<vmem_shared>>) offsets(%dma_start3A_1501 : memref<128xi32, #tpu.memory_space<vmem>>) semaphore(%arg17 : memref<!tpu.dma_semaphore, #tpu.memory_space<semaphore_mem>>) {add = true}
      %dma_wait3A_1506 = arith.constant 1 : i32
      %dma_wait3A_1507 = arith.constant 1 : i32
      %dma_wait3A_1508 = arith.constant 1 : i32
      %dma_wait3A_1509 = arith.constant 0 : i32
      %dma_wait3A_1510 = arith.constant 0 : i32
      %dma_wait3A_1511 = arith.constant 0 : i32
      %dma_wait3A_1512 = tpu.memref_slice %arg7[%dma_wait3A_1506, %dma_wait3A_1509, %dma_wait3A_1510, %dma_wait3A_1511] : memref<2x128x2x128xbf16, #tpu.memory_space<vmem>> -> memref<1x128x2x128xbf16, #tpu.memory_space<vmem>>
      %dma_wait3A_1513 = tpu.memref_squeeze %dma_wait3A_1512 : memref<1x128x2x128xbf16, #tpu.memory_space<vmem>> -> memref<128x2x128xbf16, #tpu.memory_space<vmem>>
      %dma_wait3A_1514 = arith.constant 0 : i32
      %dma_wait3A_1515 = tpu.memref_slice %arg5[%dma_wait3A_1507, %dma_wait3A_1508, %dma_wait3A_1514] : memref<4x2x128xi32, #tpu.memory_space<vmem>> -> memref<1x1x128xi32, #tpu.memory_space<vmem>>
      %dma_wait3A_1516 = tpu.memref_squeeze %dma_wait3A_1515 : memref<1x1x128xi32, #tpu.memory_space<vmem>> -> memref<128xi32, #tpu.memory_space<vmem>>
      %dma_wait3A_1517 = arith.constant 0 : i32
      %dma_wait3A_1518 = arith.constant 0 : i32
      %dma_wait3A_1519 = arith.constant 0 : i32
      %dma_wait3A_1520 = tpu.memref_slice %arg9[%dma_wait3A_1517, %dma_wait3A_1518, %dma_wait3A_1519] : memref<10240x2x128xbf16, #tpu.memory_space<vmem_shared>> -> memref<10240x2x128xbf16, #tpu.memory_space<vmem_shared>>
      tpu.wait_indirect_dma semaphore(%arg17 : memref<!tpu.dma_semaphore, #tpu.memory_space<semaphore_mem>>) src(%dma_wait3A_1513 : memref<128x2x128xbf16, #tpu.memory_space<vmem>>) dst(%dma_wait3A_1520 : memref<10240x2x128xbf16, #tpu.memory_space<vmem_shared>>)
      %mul3A_1521 = arith.constant 160 : i32
      %mul3A_1522 = arith.muli %arg1, %mul3A_1521 : i32
      %add3A_1523 = arith.constant 159 : i32
      %add3A_1524 = arith.addi %mul3A_1522, %add3A_1523 : i32
      %dma_wait3A_1525 = arith.constant 3 : i32
      %dma_wait3A_1526 = arith.constant 0 : i32
      %dma_wait3A_1527 = arith.constant 0 : i32
      %dma_wait3A_1528 = tpu.memref_slice %arg5[%dma_wait3A_1525, %dma_wait3A_1526, %dma_wait3A_1527] : memref<4x2x128xi32, #tpu.memory_space<vmem>> -> memref<1x2x128xi32, #tpu.memory_space<vmem>>
      %dma_wait3A_1529 = arith.constant 0 : i32
      %dma_wait3A_1530 = arith.constant 0 : i32
      %dma_wait3A_1531 = tpu.memref_slice %arg2[%add3A_1524, %dma_wait3A_1529, %dma_wait3A_1530] : memref<2562x2x128xi32, #tpu.memory_space<hbm>> -> memref<1x2x128xi32, #tpu.memory_space<hbm>>
      %dma_wait3A_1532 = arith.constant 3 : i32
      %dma_wait3A_1533 = arith.constant 0 : i32
      %dma_wait3A_1534 = arith.constant 0 : i32
      %dma_wait3A_1535 = tpu.memref_slice %arg5[%dma_wait3A_1532, %dma_wait3A_1533, %dma_wait3A_1534] : memref<4x2x128xi32, #tpu.memory_space<vmem>> -> memref<1x2x128xi32, #tpu.memory_space<vmem>>
      %dma_wait3A_1536 = arith.constant 0 : i32
      %dma_wait3A_1537 = arith.constant 0 : i32
      %dma_wait3A_1538 = tpu.memref_slice %arg2[%add3A_1524, %dma_wait3A_1536, %dma_wait3A_1537] : memref<2562x2x128xi32, #tpu.memory_space<hbm>> -> memref<1x2x128xi32, #tpu.memory_space<hbm>>
      tpu.wait_dma2 semaphore(%arg13 : memref<!tpu.dma_semaphore, #tpu.memory_space<semaphore_mem>>) src(%dma_wait3A_1538 : memref<1x2x128xi32, #tpu.memory_space<hbm>>) dst(%dma_wait3A_1535 : memref<1x2x128xi32, #tpu.memory_space<vmem>>)
      %get3A_1539 = arith.constant 3 : i32
      %get3A_1540 = arith.constant 0 : i32
      %get3A_1541 = arith.index_cast %get3A_1539 : i32 to index
      %get3A_1542 = arith.index_cast %get3A_1540 : i32 to index
      %get3A_1543 = arith.constant 0 : index
      %get3A_1544 = tpu.vector_load %arg5[%get3A_1541, %get3A_1542, %get3A_1543] {strides = array<i32>} : memref<4x2x128xi32, #tpu.memory_space<vmem>>, vector<1x1x16xi32>,
      %get3A_1545 = vector.shape_cast %get3A_1544 : vector<1x1x16xi32> to vector<16xi32>
      %add3A_1546 = vector.broadcast %mul3A_14 : i32 to vector<16xi32>
      %add3A_1547 = arith.addi %get3A_1545, %add3A_1546 : vector<16xi32>
      %swap3A_1548 = arith.constant 3 : i32
      %swap3A_1549 = arith.index_cast %swap3A_1548 : i32 to index
      %swap3A_1550 = arith.constant 0 : index
      %swap3A_1551 = tpu.vector_load %arg6[%swap3A_1549, %swap3A_1550] {strides = array<i32>} : memref<4x128xi32, #tpu.memory_space<vmem>>, vector<1x16xi32>,
      %swap3A_1552 = vector.shape_cast %swap3A_1551 : vector<1x16xi32> to vector<16xi32>
      %swap3A_1553 = vector.shape_cast %add3A_1547 : vector<16xi32> to vector<1x16xi32>
      tpu.vector_store %arg6[%swap3A_1549, %swap3A_1550], %swap3A_1553 {strides = array<i32>} : memref<4x128xi32, #tpu.memory_space<vmem>>, vector<1x16xi32>,
      %get3A_1554 = arith.constant 3 : i32
      %get3A_1555 = arith.constant 0 : i32
      %get3A_1556 = arith.index_cast %get3A_1554 : i32 to index
      %get3A_1557 = arith.index_cast %get3A_1555 : i32 to index
      %get3A_1558 = arith.constant 16 : index
      %get3A_1559 = tpu.vector_load %arg5[%get3A_1556, %get3A_1557, %get3A_1558] {strides = array<i32>} : memref<4x2x128xi32, #tpu.memory_space<vmem>>, vector<1x1x16xi32>,
      %get3A_1560 = vector.shape_cast %get3A_1559 : vector<1x1x16xi32> to vector<16xi32>
      %add3A_1561 = vector.broadcast %mul3A_14 : i32 to vector<16xi32>
      %add3A_1562 = arith.addi %get3A_1560, %add3A_1561 : vector<16xi32>
      %swap3A_1563 = arith.constant 3 : i32
      %swap3A_1564 = arith.index_cast %swap3A_1563 : i32 to index
      %swap3A_1565 = arith.constant 16 : index
      %swap3A_1566 = tpu.vector_load %arg6[%swap3A_1564, %swap3A_1565] {strides = array<i32>} : memref<4x128xi32, #tpu.memory_space<vmem>>, vector<1x16xi32>,
      %swap3A_1567 = vector.shape_cast %swap3A_1566 : vector<1x16xi32> to vector<16xi32>
      %swap3A_1568 = vector.shape_cast %add3A_1562 : vector<16xi32> to vector<1x16xi32>
      tpu.vector_store %arg6[%swap3A_1564, %swap3A_1565], %swap3A_1568 {strides = array<i32>} : memref<4x128xi32, #tpu.memory_space<vmem>>, vector<1x16xi32>,
      %get3A_1569 = arith.constant 3 : i32
      %get3A_1570 = arith.constant 0 : i32
      %get3A_1571 = arith.index_cast %get3A_1569 : i32 to index
      %get3A_1572 = arith.index_cast %get3A_1570 : i32 to index
      %get3A_1573 = arith.constant 32 : index
      %get3A_1574 = tpu.vector_load %arg5[%get3A_1571, %get3A_1572, %get3A_1573] {strides = array<i32>} : memref<4x2x128xi32, #tpu.memory_space<vmem>>, vector<1x1x16xi32>,
      %get3A_1575 = vector.shape_cast %get3A_1574 : vector<1x1x16xi32> to vector<16xi32>
      %add3A_1576 = vector.broadcast %mul3A_14 : i32 to vector<16xi32>
      %add3A_1577 = arith.addi %get3A_1575, %add3A_1576 : vector<16xi32>
      %swap3A_1578 = arith.constant 3 : i32
      %swap3A_1579 = arith.index_cast %swap3A_1578 : i32 to index
      %swap3A_1580 = arith.constant 32 : index
      %swap3A_1581 = tpu.vector_load %arg6[%swap3A_1579, %swap3A_1580] {strides = array<i32>} : memref<4x128xi32, #tpu.memory_space<vmem>>, vector<1x16xi32>,
      %swap3A_1582 = vector.shape_cast %swap3A_1581 : vector<1x16xi32> to vector<16xi32>
      %swap3A_1583 = vector.shape_cast %add3A_1577 : vector<16xi32> to vector<1x16xi32>
      tpu.vector_store %arg6[%swap3A_1579, %swap3A_1580], %swap3A_1583 {strides = array<i32>} : memref<4x128xi32, #tpu.memory_space<vmem>>, vector<1x16xi32>,
      %get3A_1584 = arith.constant 3 : i32
      %get3A_1585 = arith.constant 0 : i32
      %get3A_1586 = arith.index_cast %get3A_1584 : i32 to index
      %get3A_1587 = arith.index_cast %get3A_1585 : i32 to index
      %get3A_1588 = arith.constant 48 : index
      %get3A_1589 = tpu.vector_load %arg5[%get3A_1586, %get3A_1587, %get3A_1588] {strides = array<i32>} : memref<4x2x128xi32, #tpu.memory_space<vmem>>, vector<1x1x16xi32>,
      %get3A_1590 = vector.shape_cast %get3A_1589 : vector<1x1x16xi32> to vector<16xi32>
      %add3A_1591 = vector.broadcast %mul3A_14 : i32 to vector<16xi32>
      %add3A_1592 = arith.addi %get3A_1590, %add3A_1591 : vector<16xi32>
      %swap3A_1593 = arith.constant 3 : i32
      %swap3A_1594 = arith.index_cast %swap3A_1593 : i32 to index
      %swap3A_1595 = arith.constant 48 : index
      %swap3A_1596 = tpu.vector_load %arg6[%swap3A_1594, %swap3A_1595] {strides = array<i32>} : memref<4x128xi32, #tpu.memory_space<vmem>>, vector<1x16xi32>,
      %swap3A_1597 = vector.shape_cast %swap3A_1596 : vector<1x16xi32> to vector<16xi32>
      %swap3A_1598 = vector.shape_cast %add3A_1592 : vector<16xi32> to vector<1x16xi32>
      tpu.vector_store %arg6[%swap3A_1594, %swap3A_1595], %swap3A_1598 {strides = array<i32>} : memref<4x128xi32, #tpu.memory_space<vmem>>, vector<1x16xi32>,
      %get3A_1599 = arith.constant 3 : i32
      %get3A_1600 = arith.constant 0 : i32
      %get3A_1601 = arith.index_cast %get3A_1599 : i32 to index
      %get3A_1602 = arith.index_cast %get3A_1600 : i32 to index
      %get3A_1603 = arith.constant 64 : index
      %get3A_1604 = tpu.vector_load %arg5[%get3A_1601, %get3A_1602, %get3A_1603] {strides = array<i32>} : memref<4x2x128xi32, #tpu.memory_space<vmem>>, vector<1x1x16xi32>,
      %get3A_1605 = vector.shape_cast %get3A_1604 : vector<1x1x16xi32> to vector<16xi32>
      %add3A_1606 = vector.broadcast %mul3A_14 : i32 to vector<16xi32>
      %add3A_1607 = arith.addi %get3A_1605, %add3A_1606 : vector<16xi32>
      %swap3A_1608 = arith.constant 3 : i32
      %swap3A_1609 = arith.index_cast %swap3A_1608 : i32 to index
      %swap3A_1610 = arith.constant 64 : index
      %swap3A_1611 = tpu.vector_load %arg6[%swap3A_1609, %swap3A_1610] {strides = array<i32>} : memref<4x128xi32, #tpu.memory_space<vmem>>, vector<1x16xi32>,
      %swap3A_1612 = vector.shape_cast %swap3A_1611 : vector<1x16xi32> to vector<16xi32>
      %swap3A_1613 = vector.shape_cast %add3A_1607 : vector<16xi32> to vector<1x16xi32>
      tpu.vector_store %arg6[%swap3A_1609, %swap3A_1610], %swap3A_1613 {strides = array<i32>} : memref<4x128xi32, #tpu.memory_space<vmem>>, vector<1x16xi32>,
      %get3A_1614 = arith.constant 3 : i32
      %get3A_1615 = arith.constant 0 : i32
      %get3A_1616 = arith.index_cast %get3A_1614 : i32 to index
      %get3A_1617 = arith.index_cast %get3A_1615 : i32 to index
      %get3A_1618 = arith.constant 80 : index
      %get3A_1619 = tpu.vector_load %arg5[%get3A_1616, %get3A_1617, %get3A_1618] {strides = array<i32>} : memref<4x2x128xi32, #tpu.memory_space<vmem>>, vector<1x1x16xi32>,
      %get3A_1620 = vector.shape_cast %get3A_1619 : vector<1x1x16xi32> to vector<16xi32>
      %add3A_1621 = vector.broadcast %mul3A_14 : i32 to vector<16xi32>
      %add3A_1622 = arith.addi %get3A_1620, %add3A_1621 : vector<16xi32>
      %swap3A_1623 = arith.constant 3 : i32
      %swap3A_1624 = arith.index_cast %swap3A_1623 : i32 to index
      %swap3A_1625 = arith.constant 80 : index
      %swap3A_1626 = tpu.vector_load %arg6[%swap3A_1624, %swap3A_1625] {strides = array<i32>} : memref<4x128xi32, #tpu.memory_space<vmem>>, vector<1x16xi32>,
      %swap3A_1627 = vector.shape_cast %swap3A_1626 : vector<1x16xi32> to vector<16xi32>
      %swap3A_1628 = vector.shape_cast %add3A_1622 : vector<16xi32> to vector<1x16xi32>
      tpu.vector_store %arg6[%swap3A_1624, %swap3A_1625], %swap3A_1628 {strides = array<i32>} : memref<4x128xi32, #tpu.memory_space<vmem>>, vector<1x16xi32>,
      %get3A_1629 = arith.constant 3 : i32
      %get3A_1630 = arith.constant 0 : i32
      %get3A_1631 = arith.index_cast %get3A_1629 : i32 to index
      %get3A_1632 = arith.index_cast %get3A_1630 : i32 to index
      %get3A_1633 = arith.constant 96 : index
      %get3A_1634 = tpu.vector_load %arg5[%get3A_1631, %get3A_1632, %get3A_1633] {strides = array<i32>} : memref<4x2x128xi32, #tpu.memory_space<vmem>>, vector<1x1x16xi32>,
      %get3A_1635 = vector.shape_cast %get3A_1634 : vector<1x1x16xi32> to vector<16xi32>
      %add3A_1636 = vector.broadcast %mul3A_14 : i32 to vector<16xi32>
      %add3A_1637 = arith.addi %get3A_1635, %add3A_1636 : vector<16xi32>
      %swap3A_1638 = arith.constant 3 : i32
      %swap3A_1639 = arith.index_cast %swap3A_1638 : i32 to index
      %swap3A_1640 = arith.constant 96 : index
      %swap3A_1641 = tpu.vector_load %arg6[%swap3A_1639, %swap3A_1640] {strides = array<i32>} : memref<4x128xi32, #tpu.memory_space<vmem>>, vector<1x16xi32>,
      %swap3A_1642 = vector.shape_cast %swap3A_1641 : vector<1x16xi32> to vector<16xi32>
      %swap3A_1643 = vector.shape_cast %add3A_1637 : vector<16xi32> to vector<1x16xi32>
      tpu.vector_store %arg6[%swap3A_1639, %swap3A_1640], %swap3A_1643 {strides = array<i32>} : memref<4x128xi32, #tpu.memory_space<vmem>>, vector<1x16xi32>,
      %get3A_1644 = arith.constant 3 : i32
      %get3A_1645 = arith.constant 0 : i32
      %get3A_1646 = arith.index_cast %get3A_1644 : i32 to index
      %get3A_1647 = arith.index_cast %get3A_1645 : i32 to index
      %get3A_1648 = arith.constant 112 : index
      %get3A_1649 = tpu.vector_load %arg5[%get3A_1646, %get3A_1647, %get3A_1648] {strides = array<i32>} : memref<4x2x128xi32, #tpu.memory_space<vmem>>, vector<1x1x16xi32>,
      %get3A_1650 = vector.shape_cast %get3A_1649 : vector<1x1x16xi32> to vector<16xi32>
      %add3A_1651 = vector.broadcast %mul3A_14 : i32 to vector<16xi32>
      %add3A_1652 = arith.addi %get3A_1650, %add3A_1651 : vector<16xi32>
      %swap3A_1653 = arith.constant 3 : i32
      %swap3A_1654 = arith.index_cast %swap3A_1653 : i32 to index
      %swap3A_1655 = arith.constant 112 : index
      %swap3A_1656 = tpu.vector_load %arg6[%swap3A_1654, %swap3A_1655] {strides = array<i32>} : memref<4x128xi32, #tpu.memory_space<vmem>>, vector<1x16xi32>,
      %swap3A_1657 = vector.shape_cast %swap3A_1656 : vector<1x16xi32> to vector<16xi32>
      %swap3A_1658 = vector.shape_cast %add3A_1652 : vector<16xi32> to vector<1x16xi32>
      tpu.vector_store %arg6[%swap3A_1654, %swap3A_1655], %swap3A_1658 {strides = array<i32>} : memref<4x128xi32, #tpu.memory_space<vmem>>, vector<1x16xi32>,
      %dma_start3A_1659 = arith.constant 3 : i32
      %dma_start3A_1660 = arith.constant 1 : i32
      %dma_start3A_1661 = arith.constant 0 : i32
      %dma_start3A_1662 = arith.constant 0 : i32
      %dma_start3A_1663 = arith.constant 0 : i32
      %dma_start3A_1664 = tpu.memref_slice %arg7[%dma_start3A_1660, %dma_start3A_1661, %dma_start3A_1662, %dma_start3A_1663] : memref<2x128x2x128xbf16, #tpu.memory_space<vmem>> -> memref<1x128x2x128xbf16, #tpu.memory_space<vmem>>
      %dma_start3A_1665 = tpu.memref_squeeze %dma_start3A_1664 : memref<1x128x2x128xbf16, #tpu.memory_space<vmem>> -> memref<128x2x128xbf16, #tpu.memory_space<vmem>>
      %dma_start3A_1666 = arith.constant 0 : i32
      %dma_start3A_1667 = tpu.memref_slice %arg6[%dma_start3A_1659, %dma_start3A_1666] : memref<4x128xi32, #tpu.memory_space<vmem>> -> memref<1x128xi32, #tpu.memory_space<vmem>>
      %dma_start3A_1668 = tpu.memref_squeeze %dma_start3A_1667 : memref<1x128xi32, #tpu.memory_space<vmem>> -> memref<128xi32, #tpu.memory_space<vmem>>
      %dma_start3A_1669 = arith.constant 0 : i32
      %dma_start3A_1670 = arith.constant 0 : i32
      %dma_start3A_1671 = arith.constant 0 : i32
      %dma_start3A_1672 = tpu.memref_slice %arg3[%dma_start3A_1669, %dma_start3A_1670, %dma_start3A_1671] : memref<61440x2x128xbf16, #tpu.memory_space<hbm>> -> memref<61440x2x128xbf16, #tpu.memory_space<hbm>>
      tpu.enqueue_indirect_dma source(%dma_start3A_1672 : memref<61440x2x128xbf16, #tpu.memory_space<hbm>>) target(%dma_start3A_1665 : memref<128x2x128xbf16, #tpu.memory_space<vmem>>) offsets(%dma_start3A_1668 : memref<128xi32, #tpu.memory_space<vmem>>) semaphore(%arg15 : memref<!tpu.dma_semaphore, #tpu.memory_space<semaphore_mem>>)
      %dma_wait3A_1673 = arith.constant 2 : i32
      %dma_wait3A_1674 = arith.constant 0 : i32
      %dma_wait3A_1675 = arith.constant 0 : i32
      %dma_wait3A_1676 = arith.constant 0 : i32
      %dma_wait3A_1677 = arith.constant 0 : i32
      %dma_wait3A_1678 = tpu.memref_slice %arg7[%dma_wait3A_1674, %dma_wait3A_1675, %dma_wait3A_1676, %dma_wait3A_1677] : memref<2x128x2x128xbf16, #tpu.memory_space<vmem>> -> memref<1x128x2x128xbf16, #tpu.memory_space<vmem>>
      %dma_wait3A_1679 = tpu.memref_squeeze %dma_wait3A_1678 : memref<1x128x2x128xbf16, #tpu.memory_space<vmem>> -> memref<128x2x128xbf16, #tpu.memory_space<vmem>>
      %dma_wait3A_1680 = arith.constant 0 : i32
      %dma_wait3A_1681 = tpu.memref_slice %arg6[%dma_wait3A_1673, %dma_wait3A_1680] : memref<4x128xi32, #tpu.memory_space<vmem>> -> memref<1x128xi32, #tpu.memory_space<vmem>>
      %dma_wait3A_1682 = tpu.memref_squeeze %dma_wait3A_1681 : memref<1x128xi32, #tpu.memory_space<vmem>> -> memref<128xi32, #tpu.memory_space<vmem>>
      %dma_wait3A_1683 = arith.constant 0 : i32
      %dma_wait3A_1684 = arith.constant 0 : i32
      %dma_wait3A_1685 = arith.constant 0 : i32
      %dma_wait3A_1686 = tpu.memref_slice %arg3[%dma_wait3A_1683, %dma_wait3A_1684, %dma_wait3A_1685] : memref<61440x2x128xbf16, #tpu.memory_space<hbm>> -> memref<61440x2x128xbf16, #tpu.memory_space<hbm>>
      tpu.wait_indirect_dma semaphore(%arg14 : memref<!tpu.dma_semaphore, #tpu.memory_space<semaphore_mem>>) src(%dma_wait3A_1686 : memref<61440x2x128xbf16, #tpu.memory_space<hbm>>) dst(%dma_wait3A_1679 : memref<128x2x128xbf16, #tpu.memory_space<vmem>>)
      %dma_start3A_1687 = arith.constant 0 : i32
      %dma_start3A_1688 = arith.constant 2 : i32
      %dma_start3A_1689 = arith.constant 1 : i32
      %dma_start3A_1690 = arith.constant 0 : i32
      %dma_start3A_1691 = arith.constant 0 : i32
      %dma_start3A_1692 = arith.constant 0 : i32
      %dma_start3A_1693 = tpu.memref_slice %arg7[%dma_start3A_1687, %dma_start3A_1690, %dma_start3A_1691, %dma_start3A_1692] : memref<2x128x2x128xbf16, #tpu.memory_space<vmem>> -> memref<1x128x2x128xbf16, #tpu.memory_space<vmem>>
      %dma_start3A_1694 = tpu.memref_squeeze %dma_start3A_1693 : memref<1x128x2x128xbf16, #tpu.memory_space<vmem>> -> memref<128x2x128xbf16, #tpu.memory_space<vmem>>
      %dma_start3A_1695 = arith.constant 0 : i32
      %dma_start3A_1696 = tpu.memref_slice %arg5[%dma_start3A_1688, %dma_start3A_1689, %dma_start3A_1695] : memref<4x2x128xi32, #tpu.memory_space<vmem>> -> memref<1x1x128xi32, #tpu.memory_space<vmem>>
      %dma_start3A_1697 = tpu.memref_squeeze %dma_start3A_1696 : memref<1x1x128xi32, #tpu.memory_space<vmem>> -> memref<128xi32, #tpu.memory_space<vmem>>
      %dma_start3A_1698 = arith.constant 0 : i32
      %dma_start3A_1699 = arith.constant 0 : i32
      %dma_start3A_1700 = arith.constant 0 : i32
      %dma_start3A_1701 = tpu.memref_slice %arg9[%dma_start3A_1698, %dma_start3A_1699, %dma_start3A_1700] : memref<10240x2x128xbf16, #tpu.memory_space<vmem_shared>> -> memref<10240x2x128xbf16, #tpu.memory_space<vmem_shared>>
      tpu.enqueue_indirect_dma source(%dma_start3A_1694 : memref<128x2x128xbf16, #tpu.memory_space<vmem>>) target(%dma_start3A_1701 : memref<10240x2x128xbf16, #tpu.memory_space<vmem_shared>>) offsets(%dma_start3A_1697 : memref<128xi32, #tpu.memory_space<vmem>>) semaphore(%arg16 : memref<!tpu.dma_semaphore, #tpu.memory_space<semaphore_mem>>) {add = true}
      %dma_wait3A_1702 = arith.constant 3 : i32
      %dma_wait3A_1703 = arith.constant 1 : i32
      %dma_wait3A_1704 = arith.constant 0 : i32
      %dma_wait3A_1705 = arith.constant 0 : i32
      %dma_wait3A_1706 = arith.constant 0 : i32
      %dma_wait3A_1707 = tpu.memref_slice %arg7[%dma_wait3A_1703, %dma_wait3A_1704, %dma_wait3A_1705, %dma_wait3A_1706] : memref<2x128x2x128xbf16, #tpu.memory_space<vmem>> -> memref<1x128x2x128xbf16, #tpu.memory_space<vmem>>
      %dma_wait3A_1708 = tpu.memref_squeeze %dma_wait3A_1707 : memref<1x128x2x128xbf16, #tpu.memory_space<vmem>> -> memref<128x2x128xbf16, #tpu.memory_space<vmem>>
      %dma_wait3A_1709 = arith.constant 0 : i32
      %dma_wait3A_1710 = tpu.memref_slice %arg6[%dma_wait3A_1702, %dma_wait3A_1709] : memref<4x128xi32, #tpu.memory_space<vmem>> -> memref<1x128xi32, #tpu.memory_space<vmem>>
      %dma_wait3A_1711 = tpu.memref_squeeze %dma_wait3A_1710 : memref<1x128xi32, #tpu.memory_space<vmem>> -> memref<128xi32, #tpu.memory_space<vmem>>
      %dma_wait3A_1712 = arith.constant 0 : i32
      %dma_wait3A_1713 = arith.constant 0 : i32
      %dma_wait3A_1714 = arith.constant 0 : i32
      %dma_wait3A_1715 = tpu.memref_slice %arg3[%dma_wait3A_1712, %dma_wait3A_1713, %dma_wait3A_1714] : memref<61440x2x128xbf16, #tpu.memory_space<hbm>> -> memref<61440x2x128xbf16, #tpu.memory_space<hbm>>
      tpu.wait_indirect_dma semaphore(%arg15 : memref<!tpu.dma_semaphore, #tpu.memory_space<semaphore_mem>>) src(%dma_wait3A_1715 : memref<61440x2x128xbf16, #tpu.memory_space<hbm>>) dst(%dma_wait3A_1708 : memref<128x2x128xbf16, #tpu.memory_space<vmem>>)
      %dma_start3A_1716 = arith.constant 1 : i32
      %dma_start3A_1717 = arith.constant 3 : i32
      %dma_start3A_1718 = arith.constant 1 : i32
      %dma_start3A_1719 = arith.constant 0 : i32
      %dma_start3A_1720 = arith.constant 0 : i32
      %dma_start3A_1721 = arith.constant 0 : i32
      %dma_start3A_1722 = tpu.memref_slice %arg7[%dma_start3A_1716, %dma_start3A_1719, %dma_start3A_1720, %dma_start3A_1721] : memref<2x128x2x128xbf16, #tpu.memory_space<vmem>> -> memref<1x128x2x128xbf16, #tpu.memory_space<vmem>>
      %dma_start3A_1723 = tpu.memref_squeeze %dma_start3A_1722 : memref<1x128x2x128xbf16, #tpu.memory_space<vmem>> -> memref<128x2x128xbf16, #tpu.memory_space<vmem>>
      %dma_start3A_1724 = arith.constant 0 : i32
      %dma_start3A_1725 = tpu.memref_slice %arg5[%dma_start3A_1717, %dma_start3A_1718, %dma_start3A_1724] : memref<4x2x128xi32, #tpu.memory_space<vmem>> -> memref<1x1x128xi32, #tpu.memory_space<vmem>>
      %dma_start3A_1726 = tpu.memref_squeeze %dma_start3A_1725 : memref<1x1x128xi32, #tpu.memory_space<vmem>> -> memref<128xi32, #tpu.memory_space<vmem>>
      %dma_start3A_1727 = arith.constant 0 : i32
      %dma_start3A_1728 = arith.constant 0 : i32
      %dma_start3A_1729 = arith.constant 0 : i32
      %dma_start3A_1730 = tpu.memref_slice %arg9[%dma_start3A_1727, %dma_start3A_1728, %dma_start3A_1729] : memref<10240x2x128xbf16, #tpu.memory_space<vmem_shared>> -> memref<10240x2x128xbf16, #tpu.memory_space<vmem_shared>>
      tpu.enqueue_indirect_dma source(%dma_start3A_1723 : memref<128x2x128xbf16, #tpu.memory_space<vmem>>) target(%dma_start3A_1730 : memref<10240x2x128xbf16, #tpu.memory_space<vmem_shared>>) offsets(%dma_start3A_1726 : memref<128xi32, #tpu.memory_space<vmem>>) semaphore(%arg17 : memref<!tpu.dma_semaphore, #tpu.memory_space<semaphore_mem>>) {add = true}
      %dma_wait3A_1731 = arith.constant 0 : i32
      %dma_wait3A_1732 = arith.constant 2 : i32
      %dma_wait3A_1733 = arith.constant 1 : i32
      %dma_wait3A_1734 = arith.constant 0 : i32
      %dma_wait3A_1735 = arith.constant 0 : i32
      %dma_wait3A_1736 = arith.constant 0 : i32
      %dma_wait3A_1737 = tpu.memref_slice %arg7[%dma_wait3A_1731, %dma_wait3A_1734, %dma_wait3A_1735, %dma_wait3A_1736] : memref<2x128x2x128xbf16, #tpu.memory_space<vmem>> -> memref<1x128x2x128xbf16, #tpu.memory_space<vmem>>
      %dma_wait3A_1738 = tpu.memref_squeeze %dma_wait3A_1737 : memref<1x128x2x128xbf16, #tpu.memory_space<vmem>> -> memref<128x2x128xbf16, #tpu.memory_space<vmem>>
      %dma_wait3A_1739 = arith.constant 0 : i32
      %dma_wait3A_1740 = tpu.memref_slice %arg5[%dma_wait3A_1732, %dma_wait3A_1733, %dma_wait3A_1739] : memref<4x2x128xi32, #tpu.memory_space<vmem>> -> memref<1x1x128xi32, #tpu.memory_space<vmem>>
      %dma_wait3A_1741 = tpu.memref_squeeze %dma_wait3A_1740 : memref<1x1x128xi32, #tpu.memory_space<vmem>> -> memref<128xi32, #tpu.memory_space<vmem>>
      %dma_wait3A_1742 = arith.constant 0 : i32
      %dma_wait3A_1743 = arith.constant 0 : i32
      %dma_wait3A_1744 = arith.constant 0 : i32
      %dma_wait3A_1745 = tpu.memref_slice %arg9[%dma_wait3A_1742, %dma_wait3A_1743, %dma_wait3A_1744] : memref<10240x2x128xbf16, #tpu.memory_space<vmem_shared>> -> memref<10240x2x128xbf16, #tpu.memory_space<vmem_shared>>
      tpu.wait_indirect_dma semaphore(%arg16 : memref<!tpu.dma_semaphore, #tpu.memory_space<semaphore_mem>>) src(%dma_wait3A_1738 : memref<128x2x128xbf16, #tpu.memory_space<vmem>>) dst(%dma_wait3A_1745 : memref<10240x2x128xbf16, #tpu.memory_space<vmem_shared>>)
      %dma_wait3A_1746 = arith.constant 1 : i32
      %dma_wait3A_1747 = arith.constant 3 : i32
      %dma_wait3A_1748 = arith.constant 1 : i32
      %dma_wait3A_1749 = arith.constant 0 : i32
      %dma_wait3A_1750 = arith.constant 0 : i32
      %dma_wait3A_1751 = arith.constant 0 : i32
      %dma_wait3A_1752 = tpu.memref_slice %arg7[%dma_wait3A_1746, %dma_wait3A_1749, %dma_wait3A_1750, %dma_wait3A_1751] : memref<2x128x2x128xbf16, #tpu.memory_space<vmem>> -> memref<1x128x2x128xbf16, #tpu.memory_space<vmem>>
      %dma_wait3A_1753 = tpu.memref_squeeze %dma_wait3A_1752 : memref<1x128x2x128xbf16, #tpu.memory_space<vmem>> -> memref<128x2x128xbf16, #tpu.memory_space<vmem>>
      %dma_wait3A_1754 = arith.constant 0 : i32
      %dma_wait3A_1755 = tpu.memref_slice %arg5[%dma_wait3A_1747, %dma_wait3A_1748, %dma_wait3A_1754] : memref<4x2x128xi32, #tpu.memory_space<vmem>> -> memref<1x1x128xi32, #tpu.memory_space<vmem>>
      %dma_wait3A_1756 = tpu.memref_squeeze %dma_wait3A_1755 : memref<1x1x128xi32, #tpu.memory_space<vmem>> -> memref<128xi32, #tpu.memory_space<vmem>>
      %dma_wait3A_1757 = arith.constant 0 : i32
      %dma_wait3A_1758 = arith.constant 0 : i32
      %dma_wait3A_1759 = arith.constant 0 : i32
      %dma_wait3A_1760 = tpu.memref_slice %arg9[%dma_wait3A_1757, %dma_wait3A_1758, %dma_wait3A_1759] : memref<10240x2x128xbf16, #tpu.memory_space<vmem_shared>> -> memref<10240x2x128xbf16, #tpu.memory_space<vmem_shared>>
      tpu.wait_indirect_dma semaphore(%arg17 : memref<!tpu.dma_semaphore, #tpu.memory_space<semaphore_mem>>) src(%dma_wait3A_1753 : memref<128x2x128xbf16, #tpu.memory_space<vmem>>) dst(%dma_wait3A_1760 : memref<10240x2x128xbf16, #tpu.memory_space<vmem_shared>>)
      %barrier3A_1761 = arith.constant 0 : index
      tpu.barrier barrier_id(%barrier3A_1761)
      %mul3A_1762 = arith.constant 640 : i32
      %mul3A_1763 = arith.muli %arg1, %mul3A_1762 : i32
      %mul3A_1764 = arith.constant 640 : i32
      %mul3A_1765 = arith.muli %arg1, %mul3A_1764 : i32
      "tpu.region"() ({
        %run_scoped3A = tpu.sem_alloc : memref<!tpu.dma_semaphore, #tpu.memory_space<semaphore_mem>>
        %dma_start3A_1766 = arith.constant 0 : i32
        %dma_start3A_1767 = arith.constant 0 : i32
        %dma_start3A_1768 = tpu.memref_slice %arg4[%add3A, %mul3A_1765, %dma_start3A_1766, %dma_start3A_1767] : memref<6x10240x2x128xbf16, #tpu.memory_space<hbm>> -> memref<1x640x2x128xbf16, #tpu.memory_space<hbm>>
        %dma_start3A_1769 = tpu.memref_squeeze %dma_start3A_1768 : memref<1x640x2x128xbf16, #tpu.memory_space<hbm>> -> memref<640x2x128xbf16, #tpu.memory_space<hbm>>
        %dma_start3A_1770 = arith.constant 0 : i32
        %dma_start3A_1771 = arith.constant 0 : i32
        %dma_start3A_1772 = tpu.memref_slice %arg9[%mul3A_1763, %dma_start3A_1770, %dma_start3A_1771] : memref<10240x2x128xbf16, #tpu.memory_space<vmem_shared>> -> memref<640x2x128xbf16, #tpu.memory_space<vmem_shared>>
        tpu.enqueue_dma source(%dma_start3A_1772 : memref<640x2x128xbf16, #tpu.memory_space<vmem_shared>>) target(%dma_start3A_1769 : memref<640x2x128xbf16, #tpu.memory_space<hbm>>) target_semaphore(%run_scoped3A : memref<!tpu.dma_semaphore, #tpu.memory_space<semaphore_mem>>)
        %dma_wait3A_1773 = arith.constant 0 : i32
        %dma_wait3A_1774 = arith.constant 0 : i32
        %dma_wait3A_1775 = tpu.memref_slice %arg4[%add3A, %mul3A_1765, %dma_wait3A_1773, %dma_wait3A_1774] : memref<6x10240x2x128xbf16, #tpu.memory_space<hbm>> -> memref<1x640x2x128xbf16, #tpu.memory_space<hbm>>
        %dma_wait3A_1776 = tpu.memref_squeeze %dma_wait3A_1775 : memref<1x640x2x128xbf16, #tpu.memory_space<hbm>> -> memref<640x2x128xbf16, #tpu.memory_space<hbm>>
        %dma_wait3A_1777 = arith.constant 0 : i32
        %dma_wait3A_1778 = arith.constant 0 : i32
        %dma_wait3A_1779 = tpu.memref_slice %arg9[%mul3A_1763, %dma_wait3A_1777, %dma_wait3A_1778] : memref<10240x2x128xbf16, #tpu.memory_space<vmem_shared>> -> memref<640x2x128xbf16, #tpu.memory_space<vmem_shared>>
        tpu.wait_dma2 semaphore(%run_scoped3A : memref<!tpu.dma_semaphore, #tpu.memory_space<semaphore_mem>>) src(%dma_wait3A_1779 : memref<640x2x128xbf16, #tpu.memory_space<vmem_shared>>) dst(%dma_wait3A_1776 : memref<640x2x128xbf16, #tpu.memory_space<hbm>>)
        tpu.yield
      }) : () -> ()
    }
    %scan3A_10 = arith.constant 3 : i32
    return
  }
}

module attributes {stable_mosaic.version = 14 : i64} {
  func.func @_proj_body(%arg0: i32, %arg1: i32, %arg2: memref<2x1280x128xf32, #tpu.memory_space<vmem>>, %arg3: memref<2x1280x128xf32, #tpu.memory_space<vmem>>, %arg4: memref<128x96xf32, #tpu.memory_space<vmem>>, %arg5: memref<1x1280x256xbf16, #tpu.memory_space<vmem>>) attributes {dimension_semantics = [#tpu.dimension_semantics<arbitrary>, #tpu.dimension_semantics<arbitrary>], iteration_bounds = array<i64: 6, 8>, scalar_prefetch = 0 : i64, scratch_operands = 0 : i64, tpu.core_type = #tpu.core_type<tc>, window_params = [{transform_indices = @transform_0, window_bounds = array<i64: 2, 1280, 128>}, {transform_indices = @transform_1, window_bounds = array<i64: 2, 1280, 128>}, {pipeline_mode = #tpu.pipeline_mode<synchronous>, transform_indices = @transform_2, window_bounds = array<i64: 128, 96>}, {transform_indices = @transform_3, window_bounds = array<i64: 1, 1280, 256>}]} {
    %get3A = arith.constant 0 : index
    %get3A_0 = arith.constant 0 : index
    %get3A_1 = arith.constant 0 : index
    %get3A_2 = vector.load %arg2[%get3A, %get3A_0, %get3A_1] : memref<2x1280x128xf32, #tpu.memory_space<vmem>>, vector<1x1280x1xf32>
    %get3A_3 = vector.shape_cast %get3A_2 : vector<1x1280x1xf32> to vector<1280xf32>
    %get3A_4 = arith.constant 1 : index
    %get3A_5 = arith.constant 0 : index
    %get3A_6 = arith.constant 0 : index
    %get3A_7 = vector.load %arg2[%get3A_4, %get3A_5, %get3A_6] : memref<2x1280x128xf32, #tpu.memory_space<vmem>>, vector<1x1280x1xf32>
    %get3A_8 = vector.shape_cast %get3A_7 : vector<1x1280x1xf32> to vector<1280xf32>
    %add3A = arith.addf %get3A_3, %get3A_8 : vector<1280xf32>
    %add3A_9 = arith.constant 1.000000e+00 : f32
    %add3A_10 = vector.broadcast %add3A_9 : f32 to vector<1280xf32>
    %add3A_11 = arith.addf %add3A, %add3A_10 : vector<1280xf32>
    %rsqrt3A = math.rsqrt %add3A_11 : vector<1280xf32>
    %broadcast_in_dim3A = vector.shape_cast %rsqrt3A : vector<1280xf32> to vector<1280x1xf32>
    %broadcast_in_dim3A_12 = arith.constant 0.000000e+00 : f32
    %broadcast_in_dim3A_13 = vector.broadcast %broadcast_in_dim3A_12 : f32 to vector<1280x32xf32>
    %get3A_14 = arith.constant 0 : index
    %get3A_15 = arith.constant 0 : index
    %get3A_16 = arith.constant 0 : index
    %get3A_17 = vector.load %arg3[%get3A_14, %get3A_15, %get3A_16] : memref<2x1280x128xf32, #tpu.memory_space<vmem>>, vector<1x1280x128xf32>
    %get3A_18 = vector.shape_cast %get3A_17 : vector<1x1280x128xf32> to vector<1280x128xf32>
    %get3A_19 = arith.constant 0 : index
    %get3A_20 = arith.constant 0 : index
    %get3A_21 = vector.load %arg4[%get3A_19, %get3A_20] : memref<128x96xf32, #tpu.memory_space<vmem>>, vector<128x96xf32>
    %dot_general3A = arith.constant dense<0.000000e+00> : vector<1280x96xf32>
    %dot_general3A_22 = tpu.matmul %get3A_18, %get3A_21, %dot_general3A {dimension_numbers = #tpu.dot_dimension_numbers<[1], [0], [0], [1], [0, 0, 1, 1], [], []>, transpose_lhs_hint = false} : vector<1280x128xf32>, vector<128x96xf32>, vector<1280x96xf32> -> vector<1280x96xf32>
    %mul3A = vector.broadcast %broadcast_in_dim3A : vector<1280x1xf32> to vector<1280x96xf32>
    %mul3A_23 = arith.mulf %mul3A, %dot_general3A_22 : vector<1280x96xf32>
    %get3A_24 = arith.constant 1 : index
    %get3A_25 = arith.constant 0 : index
    %get3A_26 = arith.constant 0 : index
    %get3A_27 = vector.load %arg3[%get3A_24, %get3A_25, %get3A_26] : memref<2x1280x128xf32, #tpu.memory_space<vmem>>, vector<1x1280x128xf32>
    %get3A_28 = vector.shape_cast %get3A_27 : vector<1x1280x128xf32> to vector<1280x128xf32>
    %get3A_29 = arith.constant 0 : index
    %get3A_30 = arith.constant 0 : index
    %get3A_31 = vector.load %arg4[%get3A_29, %get3A_30] : memref<128x96xf32, #tpu.memory_space<vmem>>, vector<128x96xf32>
    %dot_general3A_32 = arith.constant dense<0.000000e+00> : vector<1280x96xf32>
    %dot_general3A_33 = tpu.matmul %get3A_28, %get3A_31, %dot_general3A_32 {dimension_numbers = #tpu.dot_dimension_numbers<[1], [0], [0], [1], [0, 0, 1, 1], [], []>, transpose_lhs_hint = false} : vector<1280x128xf32>, vector<128x96xf32>, vector<1280x96xf32> -> vector<1280x96xf32>
    %mul3A_34 = vector.broadcast %broadcast_in_dim3A : vector<1280x1xf32> to vector<1280x96xf32>
    %mul3A_35 = arith.mulf %mul3A_34, %dot_general3A_33 : vector<1280x96xf32>
    %concatenate3A = tpu.concatenate %mul3A_23, %broadcast_in_dim3A_13, %mul3A_35, %broadcast_in_dim3A_13 in 1 : vector<1280x96xf32>, vector<1280x32xf32>, vector<1280x96xf32>, vector<1280x32xf32> -> vector<1280x256xf32>
    %convert_element_type3A = arith.truncf %concatenate3A : vector<1280x256xf32> to vector<1280x256xbf16>
    %swap3A = arith.constant 0 : index
    %swap3A_36 = arith.constant 0 : index
    %swap3A_37 = arith.constant 0 : index
    %swap3A_38 = vector.load %arg5[%swap3A, %swap3A_36, %swap3A_37] : memref<1x1280x256xbf16, #tpu.memory_space<vmem>>, vector<1x1280x256xbf16>
    %swap3A_39 = vector.shape_cast %swap3A_38 : vector<1x1280x256xbf16> to vector<1280x256xbf16>
    %swap3A_40 = vector.shape_cast %convert_element_type3A : vector<1280x256xbf16> to vector<1x1280x256xbf16>
    tpu.vector_store %arg5[%swap3A, %swap3A_36, %swap3A_37], %swap3A_40 {strides = array<i32>} : memref<1x1280x256xbf16, #tpu.memory_space<vmem>>, vector<1x1280x256xbf16>,
    return
  }
  func.func @transform_0(%arg0: i32, %arg1: i32) -> (i32, i32, i32) {
    %c0_i32 = arith.constant 0 : i32
    %c0_i32_0 = arith.constant 0 : i32
    %c0_i32_1 = arith.constant 0 : i32
    return %c0_i32, %arg1, %c0_i32_0 : i32, i32, i32
  }
  func.func @transform_1(%arg0: i32, %arg1: i32) -> (i32, i32, i32) {
    %c0_i32 = arith.constant 0 : i32
    %c0_i32_0 = arith.constant 0 : i32
    return %arg0, %arg1, %c0_i32 : i32, i32, i32
  }
  func.func @transform_2(%arg0: i32, %arg1: i32) -> (i32, i32) {
    %c0_i32 = arith.constant 0 : i32
    %c0_i32_0 = arith.constant 0 : i32
    %c0_i32_1 = arith.constant 0 : i32
    return %c0_i32, %c0_i32_0 : i32, i32
  }
  func.func @transform_3(%arg0: i32, %arg1: i32) -> (i32, i32, i32) {
    %c0_i32 = arith.constant 0 : i32
    %c0_i32_0 = arith.constant 0 : i32
    return %arg0, %arg1, %c0_i32 : i32, i32, i32
  }
}

module attributes {stable_mosaic.version = 14 : i64} {
  func.func @_gru_body(%arg0: i32, %arg1: memref<6x640x256xbf16, #tpu.memory_space<vmem>>, %arg2: memref<6x640x256xbf16, #tpu.memory_space<vmem>>, %arg3: memref<2x640x128xf32, #tpu.memory_space<vmem>>, %arg4: memref<12xf32, #tpu.memory_space<vmem>>, %arg5: memref<96xf32, #tpu.memory_space<vmem>>, %arg6: memref<32x32xf32, #tpu.memory_space<vmem>>, %arg7: memref<32x32xf32, #tpu.memory_space<vmem>>, %arg8: memref<32xf32, #tpu.memory_space<vmem>>, %arg9: memref<32x32xf32, #tpu.memory_space<vmem>>, %arg10: memref<32x32xf32, #tpu.memory_space<vmem>>, %arg11: memref<32xf32, #tpu.memory_space<vmem>>, %arg12: memref<32x32xf32, #tpu.memory_space<vmem>>, %arg13: memref<32x32xf32, #tpu.memory_space<vmem>>, %arg14: memref<32xf32, #tpu.memory_space<vmem>>, %arg15: memref<32x2xf32, #tpu.memory_space<vmem>>, %arg16: memref<2xf32, #tpu.memory_space<vmem>>, %arg17: memref<640x2xf32, #tpu.memory_space<vmem>>) attributes {dimension_semantics = [#tpu.dimension_semantics<arbitrary>], iteration_bounds = array<i64: 16>, scalar_prefetch = 0 : i64, scratch_operands = 0 : i64, tpu.core_type = #tpu.core_type<tc>, window_params = [{transform_indices = @transform_0, window_bounds = array<i64: 6, 640, 256>}, {transform_indices = @transform_1, window_bounds = array<i64: 6, 640, 256>}, {transform_indices = @transform_2, window_bounds = array<i64: 2, 640, 128>}, {pipeline_mode = #tpu.pipeline_mode<synchronous>, transform_indices = @transform_3, window_bounds = array<i64: 12>}, {pipeline_mode = #tpu.pipeline_mode<synchronous>, transform_indices = @transform_4, window_bounds = array<i64: 96>}, {pipeline_mode = #tpu.pipeline_mode<synchronous>, transform_indices = @transform_5, window_bounds = array<i64: 32, 32>}, {pipeline_mode = #tpu.pipeline_mode<synchronous>, transform_indices = @transform_6, window_bounds = array<i64: 32, 32>}, {pipeline_mode = #tpu.pipeline_mode<synchronous>, transform_indices = @transform_7, window_bounds = array<i64: 32>}, {pipeline_mode = #tpu.pipeline_mode<synchronous>, transform_indices = @transform_8, window_bounds = array<i64: 32, 32>}, {pipeline_mode = #tpu.pipeline_mode<synchronous>, transform_indices = @transform_9, window_bounds = array<i64: 32, 32>}, {pipeline_mode = #tpu.pipeline_mode<synchronous>, transform_indices = @transform_10, window_bounds = array<i64: 32>}, {pipeline_mode = #tpu.pipeline_mode<synchronous>, transform_indices = @transform_11, window_bounds = array<i64: 32, 32>}, {pipeline_mode = #tpu.pipeline_mode<synchronous>, transform_indices = @transform_12, window_bounds = array<i64: 32, 32>}, {pipeline_mode = #tpu.pipeline_mode<synchronous>, transform_indices = @transform_13, window_bounds = array<i64: 32>}, {pipeline_mode = #tpu.pipeline_mode<synchronous>, transform_indices = @transform_14, window_bounds = array<i64: 32, 2>}, {pipeline_mode = #tpu.pipeline_mode<synchronous>, transform_indices = @transform_15, window_bounds = array<i64: 2>}, {transform_indices = @transform_16, window_bounds = array<i64: 640, 2>}]} {
    %get3A = arith.constant 0 : index
    %get3A_0 = vector.load %arg4[%get3A] : memref<12xf32, #tpu.memory_space<vmem>>, vector<12xf32>
    %reduce_max3A = vector.shape_cast %get3A_0 : vector<12xf32> to vector<1x12xf32>
    %reduce_max3A_1 = arith.constant dense<0xFF800000> : vector<1xf32>
    %reduce_max3A_2 = vector.multi_reduction <maximumf>, %reduce_max3A, %reduce_max3A_1 [1] : vector<1x12xf32> to vector<1xf32>
    %reduce_max3A_3 = vector.shape_cast %reduce_max3A_2 : vector<1xf32> to vector<1x1xf32>
    %reduce_max3A_4 = vector.extract %reduce_max3A_3[0, 0] : f32 from vector<1x1xf32>
    %sub3A = vector.broadcast %reduce_max3A_4 : f32 to vector<12xf32>
    %sub3A_5 = arith.subf %get3A_0, %sub3A : vector<12xf32>
    %exp3A = math.exp %sub3A_5 : vector<12xf32>
    %reduce_sum3A = vector.shape_cast %exp3A : vector<12xf32> to vector<1x12xf32>
    %reduce_sum3A_6 = arith.constant dense<0.000000e+00> : vector<1xf32>
    %reduce_sum3A_7 = vector.multi_reduction <add>, %reduce_sum3A, %reduce_sum3A_6 [1] : vector<1x12xf32> to vector<1xf32>
    %reduce_sum3A_8 = vector.shape_cast %reduce_sum3A_7 : vector<1xf32> to vector<1x1xf32>
    %reduce_sum3A_9 = vector.extract %reduce_sum3A_8[0, 0] : f32 from vector<1x1xf32>
    %div3A = vector.broadcast %reduce_sum3A_9 : f32 to vector<12xf32>
    %div3A_10 = arith.divf %exp3A, %div3A : vector<12xf32>
    %get3A_11 = arith.constant 0 : index
    %get3A_12 = arith.constant 0 : index
    %get3A_13 = arith.constant 0 : index
    %get3A_14 = vector.load %arg3[%get3A_11, %get3A_12, %get3A_13] : memref<2x640x128xf32, #tpu.memory_space<vmem>>, vector<1x640x1xf32>
    %get3A_15 = vector.shape_cast %get3A_14 : vector<1x640x1xf32> to vector<640xf32>
    %get3A_16 = arith.constant 1 : index
    %get3A_17 = arith.constant 0 : index
    %get3A_18 = arith.constant 0 : index
    %get3A_19 = vector.load %arg3[%get3A_16, %get3A_17, %get3A_18] : memref<2x640x128xf32, #tpu.memory_space<vmem>>, vector<1x640x1xf32>
    %get3A_20 = vector.shape_cast %get3A_19 : vector<1x640x1xf32> to vector<640xf32>
    %add3A = arith.addf %get3A_15, %get3A_20 : vector<640xf32>
    %add3A_21 = arith.constant 1.000000e+00 : f32
    %add3A_22 = vector.broadcast %add3A_21 : f32 to vector<640xf32>
    %add3A_23 = arith.addf %add3A, %add3A_22 : vector<640xf32>
    %rsqrt3A = math.rsqrt %add3A_23 : vector<640xf32>
    %broadcast_in_dim3A = vector.shape_cast %rsqrt3A : vector<640xf32> to vector<640x1xf32>
    %get3A_24 = arith.constant 0 : index
    %get3A_25 = vector.load %arg5[%get3A_24] : memref<96xf32, #tpu.memory_space<vmem>>, vector<96xf32>
    %get3A_26 = arith.constant 0 : index
    %get3A_27 = arith.constant 0 : index
    %get3A_28 = vector.load %arg6[%get3A_26, %get3A_27] : memref<32x32xf32, #tpu.memory_space<vmem>>, vector<32x32xf32>
    %get3A_29 = arith.constant 0 : index
    %get3A_30 = arith.constant 0 : index
    %get3A_31 = vector.load %arg7[%get3A_29, %get3A_30] : memref<32x32xf32, #tpu.memory_space<vmem>>, vector<32x32xf32>
    %get3A_32 = arith.constant 0 : index
    %get3A_33 = vector.load %arg8[%get3A_32] : memref<32xf32, #tpu.memory_space<vmem>>, vector<32xf32>
    %get3A_34 = arith.constant 0 : index
    %get3A_35 = arith.constant 0 : index
    %get3A_36 = vector.load %arg9[%get3A_34, %get3A_35] : memref<32x32xf32, #tpu.memory_space<vmem>>, vector<32x32xf32>
    %get3A_37 = arith.constant 0 : index
    %get3A_38 = arith.constant 0 : index
    %get3A_39 = vector.load %arg10[%get3A_37, %get3A_38] : memref<32x32xf32, #tpu.memory_space<vmem>>, vector<32x32xf32>
    %get3A_40 = arith.constant 0 : index
    %get3A_41 = vector.load %arg11[%get3A_40] : memref<32xf32, #tpu.memory_space<vmem>>, vector<32xf32>
    %get3A_42 = arith.constant 0 : index
    %get3A_43 = arith.constant 0 : index
    %get3A_44 = vector.load %arg12[%get3A_42, %get3A_43] : memref<32x32xf32, #tpu.memory_space<vmem>>, vector<32x32xf32>
    %get3A_45 = arith.constant 0 : index
    %get3A_46 = arith.constant 0 : index
    %get3A_47 = vector.load %arg13[%get3A_45, %get3A_46] : memref<32x32xf32, #tpu.memory_space<vmem>>, vector<32x32xf32>
    %get3A_48 = arith.constant 0 : index
    %get3A_49 = vector.load %arg14[%get3A_48] : memref<32xf32, #tpu.memory_space<vmem>>, vector<32xf32>
    %broadcast_in_dim3A_50 = arith.constant 0.000000e+00 : f32
    %broadcast_in_dim3A_51 = vector.broadcast %broadcast_in_dim3A_50 : f32 to vector<640x32xf32>
    %broadcast_in_dim3A_52 = arith.constant 0.000000e+00 : f32
    %broadcast_in_dim3A_53 = vector.broadcast %broadcast_in_dim3A_52 : f32 to vector<640x32xf32>
    %get3A_54 = arith.constant 0 : index
    %get3A_55 = arith.constant 0 : index
    %get3A_56 = arith.constant 0 : index
    %get3A_57 = vector.load %arg1[%get3A_54, %get3A_55, %get3A_56] : memref<6x640x256xbf16, #tpu.memory_space<vmem>>, vector<1x640x256xbf16>
    %get3A_58 = vector.shape_cast %get3A_57 : vector<1x640x256xbf16> to vector<640x256xbf16>
    %slice3A = vector.extract_strided_slice %get3A_58 {offsets = [0, 0], sizes = [640, 96], strides = [1, 1]} : vector<640x256xbf16> to vector<640x96xbf16>
    %convert_element_type3A = arith.extf %slice3A : vector<640x96xbf16> to vector<640x96xf32>
    %get3A_59 = arith.constant 0 : index
    %get3A_60 = arith.constant 0 : index
    %get3A_61 = arith.constant 0 : index
    %get3A_62 = vector.load %arg2[%get3A_59, %get3A_60, %get3A_61] : memref<6x640x256xbf16, #tpu.memory_space<vmem>>, vector<1x640x256xbf16>
    %get3A_63 = vector.shape_cast %get3A_62 : vector<1x640x256xbf16> to vector<640x256xbf16>
    %slice3A_64 = vector.extract_strided_slice %get3A_63 {offsets = [0, 0], sizes = [640, 96], strides = [1, 1]} : vector<640x256xbf16> to vector<640x96xbf16>
    %convert_element_type3A_65 = arith.extf %slice3A_64 : vector<640x96xbf16> to vector<640x96xf32>
    %add3A_66 = arith.addf %convert_element_type3A, %convert_element_type3A_65 : vector<640x96xf32>
    %mul3A = vector.broadcast %broadcast_in_dim3A : vector<640x1xf32> to vector<640x96xf32>
    %mul3A_67 = arith.mulf %mul3A, %add3A_66 : vector<640x96xf32>
    %broadcast_in_dim3A_68 = vector.shape_cast %get3A_25 : vector<96xf32> to vector<1x96xf32>
    %add3A_69 = vector.broadcast %broadcast_in_dim3A_68 : vector<1x96xf32> to vector<640x96xf32>
    %add3A_70 = arith.addf %mul3A_67, %add3A_69 : vector<640x96xf32>
    %slice3A_71 = vector.extract_strided_slice %add3A_70 {offsets = [0, 0], sizes = [640, 32], strides = [1, 1]} : vector<640x96xf32> to vector<640x32xf32>
    %slice3A_72 = vector.extract_strided_slice %add3A_70 {offsets = [0, 32], sizes = [640, 32], strides = [1, 1]} : vector<640x96xf32> to vector<640x32xf32>
    %slice3A_73 = vector.extract_strided_slice %add3A_70 {offsets = [0, 64], sizes = [640, 32], strides = [1, 1]} : vector<640x96xf32> to vector<640x32xf32>
    %dot_general3A = arith.constant dense<0.000000e+00> : vector<640x32xf32>
    %dot_general3A_74 = tpu.matmul %slice3A_71, %get3A_28, %dot_general3A {dimension_numbers = #tpu.dot_dimension_numbers<[1], [0], [0], [1], [0, 0, 1, 1], [], []>, transpose_lhs_hint = false} : vector<640x32xf32>, vector<32x32xf32>, vector<640x32xf32> -> vector<640x32xf32>
    %dot_general3A_75 = arith.constant dense<0.000000e+00> : vector<640x32xf32>
    %dot_general3A_76 = tpu.matmul %broadcast_in_dim3A_51, %get3A_31, %dot_general3A_75 {dimension_numbers = #tpu.dot_dimension_numbers<[1], [0], [0], [1], [0, 0, 1, 1], [], []>, transpose_lhs_hint = false} : vector<640x32xf32>, vector<32x32xf32>, vector<640x32xf32> -> vector<640x32xf32>
    %add3A_77 = arith.addf %dot_general3A_74, %dot_general3A_76 : vector<640x32xf32>
    %broadcast_in_dim3A_78 = vector.shape_cast %get3A_33 : vector<32xf32> to vector<1x32xf32>
    %add3A_79 = vector.broadcast %broadcast_in_dim3A_78 : vector<1x32xf32> to vector<640x32xf32>
    %add3A_80 = arith.addf %add3A_77, %add3A_79 : vector<640x32xf32>
    %logistic3A = arith.negf %add3A_80 : vector<640x32xf32>
    %logistic3A_81 = math.exp %logistic3A : vector<640x32xf32>
    %logistic3A_82 = arith.constant 1.000000e+00 : f32
    %logistic3A_83 = vector.broadcast %logistic3A_82 : f32 to vector<640x32xf32>
    %logistic3A_84 = arith.addf %logistic3A_83, %logistic3A_81 : vector<640x32xf32>
    %logistic3A_85 = arith.divf %logistic3A_83, %logistic3A_84 : vector<640x32xf32>
    %dot_general3A_86 = arith.constant dense<0.000000e+00> : vector<640x32xf32>
    %dot_general3A_87 = tpu.matmul %slice3A_72, %get3A_36, %dot_general3A_86 {dimension_numbers = #tpu.dot_dimension_numbers<[1], [0], [0], [1], [0, 0, 1, 1], [], []>, transpose_lhs_hint = false} : vector<640x32xf32>, vector<32x32xf32>, vector<640x32xf32> -> vector<640x32xf32>
    %dot_general3A_88 = arith.constant dense<0.000000e+00> : vector<640x32xf32>
    %dot_general3A_89 = tpu.matmul %broadcast_in_dim3A_51, %get3A_39, %dot_general3A_88 {dimension_numbers = #tpu.dot_dimension_numbers<[1], [0], [0], [1], [0, 0, 1, 1], [], []>, transpose_lhs_hint = false} : vector<640x32xf32>, vector<32x32xf32>, vector<640x32xf32> -> vector<640x32xf32>
    %add3A_90 = arith.addf %dot_general3A_87, %dot_general3A_89 : vector<640x32xf32>
    %broadcast_in_dim3A_91 = vector.shape_cast %get3A_41 : vector<32xf32> to vector<1x32xf32>
    %add3A_92 = vector.broadcast %broadcast_in_dim3A_91 : vector<1x32xf32> to vector<640x32xf32>
    %add3A_93 = arith.addf %add3A_90, %add3A_92 : vector<640x32xf32>
    %logistic3A_94 = arith.negf %add3A_93 : vector<640x32xf32>
    %logistic3A_95 = math.exp %logistic3A_94 : vector<640x32xf32>
    %logistic3A_96 = arith.constant 1.000000e+00 : f32
    %logistic3A_97 = vector.broadcast %logistic3A_96 : f32 to vector<640x32xf32>
    %logistic3A_98 = arith.addf %logistic3A_97, %logistic3A_95 : vector<640x32xf32>
    %logistic3A_99 = arith.divf %logistic3A_97, %logistic3A_98 : vector<640x32xf32>
    %dot_general3A_100 = arith.constant dense<0.000000e+00> : vector<640x32xf32>
    %dot_general3A_101 = tpu.matmul %slice3A_73, %get3A_44, %dot_general3A_100 {dimension_numbers = #tpu.dot_dimension_numbers<[1], [0], [0], [1], [0, 0, 1, 1], [], []>, transpose_lhs_hint = false} : vector<640x32xf32>, vector<32x32xf32>, vector<640x32xf32> -> vector<640x32xf32>
    %mul3A_102 = arith.mulf %broadcast_in_dim3A_51, %logistic3A_99 : vector<640x32xf32>
    %dot_general3A_103 = arith.constant dense<0.000000e+00> : vector<640x32xf32>
    %dot_general3A_104 = tpu.matmul %mul3A_102, %get3A_47, %dot_general3A_103 {dimension_numbers = #tpu.dot_dimension_numbers<[1], [0], [0], [1], [0, 0, 1, 1], [], []>, transpose_lhs_hint = false} : vector<640x32xf32>, vector<32x32xf32>, vector<640x32xf32> -> vector<640x32xf32>
    %add3A_105 = arith.addf %dot_general3A_101, %dot_general3A_104 : vector<640x32xf32>
    %broadcast_in_dim3A_106 = vector.shape_cast %get3A_49 : vector<32xf32> to vector<1x32xf32>
    %add3A_107 = vector.broadcast %broadcast_in_dim3A_106 : vector<1x32xf32> to vector<640x32xf32>
    %add3A_108 = arith.addf %add3A_105, %add3A_107 : vector<640x32xf32>
    %tanh3A = math.tanh %add3A_108 : vector<640x32xf32>
    %mul3A_109 = arith.mulf %logistic3A_85, %broadcast_in_dim3A_51 : vector<640x32xf32>
    %sub3A_110 = arith.constant 1.000000e+00 : f32
    %sub3A_111 = vector.broadcast %sub3A_110 : f32 to vector<640x32xf32>
    %sub3A_112 = arith.subf %sub3A_111, %logistic3A_85 : vector<640x32xf32>
    %mul3A_113 = arith.mulf %sub3A_112, %tanh3A : vector<640x32xf32>
    %add3A_114 = arith.addf %mul3A_109, %mul3A_113 : vector<640x32xf32>
    %slice3A_115 = vector.extract_strided_slice %div3A_10 {offsets = [0], sizes = [1], strides = [1]} : vector<12xf32> to vector<1xf32>
    %broadcast_in_dim3A_116 = vector.shape_cast %slice3A_115 : vector<1xf32> to vector<1x1xf32>
    %mul3A_117 = vector.broadcast %broadcast_in_dim3A_116 : vector<1x1xf32> to vector<640x32xf32>
    %mul3A_118 = arith.mulf %mul3A_117, %add3A_114 : vector<640x32xf32>
    %add3A_119 = arith.addf %broadcast_in_dim3A_53, %mul3A_118 : vector<640x32xf32>
    %get3A_120 = arith.constant 0 : index
    %get3A_121 = arith.constant 0 : index
    %get3A_122 = arith.constant 0 : index
    %get3A_123 = vector.load %arg1[%get3A_120, %get3A_121, %get3A_122] : memref<6x640x256xbf16, #tpu.memory_space<vmem>>, vector<1x640x256xbf16>
    %get3A_124 = vector.shape_cast %get3A_123 : vector<1x640x256xbf16> to vector<640x256xbf16>
    %slice3A_125 = vector.extract_strided_slice %get3A_124 {offsets = [0, 128], sizes = [640, 96], strides = [1, 1]} : vector<640x256xbf16> to vector<640x96xbf16>
    %convert_element_type3A_126 = arith.extf %slice3A_125 : vector<640x96xbf16> to vector<640x96xf32>
    %get3A_127 = arith.constant 0 : index
    %get3A_128 = arith.constant 0 : index
    %get3A_129 = arith.constant 0 : index
    %get3A_130 = vector.load %arg2[%get3A_127, %get3A_128, %get3A_129] : memref<6x640x256xbf16, #tpu.memory_space<vmem>>, vector<1x640x256xbf16>
    %get3A_131 = vector.shape_cast %get3A_130 : vector<1x640x256xbf16> to vector<640x256xbf16>
    %slice3A_132 = vector.extract_strided_slice %get3A_131 {offsets = [0, 128], sizes = [640, 96], strides = [1, 1]} : vector<640x256xbf16> to vector<640x96xbf16>
    %convert_element_type3A_133 = arith.extf %slice3A_132 : vector<640x96xbf16> to vector<640x96xf32>
    %add3A_134 = arith.addf %convert_element_type3A_126, %convert_element_type3A_133 : vector<640x96xf32>
    %mul3A_135 = vector.broadcast %broadcast_in_dim3A : vector<640x1xf32> to vector<640x96xf32>
    %mul3A_136 = arith.mulf %mul3A_135, %add3A_134 : vector<640x96xf32>
    %broadcast_in_dim3A_137 = vector.shape_cast %get3A_25 : vector<96xf32> to vector<1x96xf32>
    %add3A_138 = vector.broadcast %broadcast_in_dim3A_137 : vector<1x96xf32> to vector<640x96xf32>
    %add3A_139 = arith.addf %mul3A_136, %add3A_138 : vector<640x96xf32>
    %slice3A_140 = vector.extract_strided_slice %add3A_139 {offsets = [0, 0], sizes = [640, 32], strides = [1, 1]} : vector<640x96xf32> to vector<640x32xf32>
    %slice3A_141 = vector.extract_strided_slice %add3A_139 {offsets = [0, 32], sizes = [640, 32], strides = [1, 1]} : vector<640x96xf32> to vector<640x32xf32>
    %slice3A_142 = vector.extract_strided_slice %add3A_139 {offsets = [0, 64], sizes = [640, 32], strides = [1, 1]} : vector<640x96xf32> to vector<640x32xf32>
    %dot_general3A_143 = arith.constant dense<0.000000e+00> : vector<640x32xf32>
    %dot_general3A_144 = tpu.matmul %slice3A_140, %get3A_28, %dot_general3A_143 {dimension_numbers = #tpu.dot_dimension_numbers<[1], [0], [0], [1], [0, 0, 1, 1], [], []>, transpose_lhs_hint = false} : vector<640x32xf32>, vector<32x32xf32>, vector<640x32xf32> -> vector<640x32xf32>
    %dot_general3A_145 = arith.constant dense<0.000000e+00> : vector<640x32xf32>
    %dot_general3A_146 = tpu.matmul %add3A_114, %get3A_31, %dot_general3A_145 {dimension_numbers = #tpu.dot_dimension_numbers<[1], [0], [0], [1], [0, 0, 1, 1], [], []>, transpose_lhs_hint = false} : vector<640x32xf32>, vector<32x32xf32>, vector<640x32xf32> -> vector<640x32xf32>
    %add3A_147 = arith.addf %dot_general3A_144, %dot_general3A_146 : vector<640x32xf32>
    %broadcast_in_dim3A_148 = vector.shape_cast %get3A_33 : vector<32xf32> to vector<1x32xf32>
    %add3A_149 = vector.broadcast %broadcast_in_dim3A_148 : vector<1x32xf32> to vector<640x32xf32>
    %add3A_150 = arith.addf %add3A_147, %add3A_149 : vector<640x32xf32>
    %logistic3A_151 = arith.negf %add3A_150 : vector<640x32xf32>
    %logistic3A_152 = math.exp %logistic3A_151 : vector<640x32xf32>
    %logistic3A_153 = arith.constant 1.000000e+00 : f32
    %logistic3A_154 = vector.broadcast %logistic3A_153 : f32 to vector<640x32xf32>
    %logistic3A_155 = arith.addf %logistic3A_154, %logistic3A_152 : vector<640x32xf32>
    %logistic3A_156 = arith.divf %logistic3A_154, %logistic3A_155 : vector<640x32xf32>
    %dot_general3A_157 = arith.constant dense<0.000000e+00> : vector<640x32xf32>
    %dot_general3A_158 = tpu.matmul %slice3A_141, %get3A_36, %dot_general3A_157 {dimension_numbers = #tpu.dot_dimension_numbers<[1], [0], [0], [1], [0, 0, 1, 1], [], []>, transpose_lhs_hint = false} : vector<640x32xf32>, vector<32x32xf32>, vector<640x32xf32> -> vector<640x32xf32>
    %dot_general3A_159 = arith.constant dense<0.000000e+00> : vector<640x32xf32>
    %dot_general3A_160 = tpu.matmul %add3A_114, %get3A_39, %dot_general3A_159 {dimension_numbers = #tpu.dot_dimension_numbers<[1], [0], [0], [1], [0, 0, 1, 1], [], []>, transpose_lhs_hint = false} : vector<640x32xf32>, vector<32x32xf32>, vector<640x32xf32> -> vector<640x32xf32>
    %add3A_161 = arith.addf %dot_general3A_158, %dot_general3A_160 : vector<640x32xf32>
    %broadcast_in_dim3A_162 = vector.shape_cast %get3A_41 : vector<32xf32> to vector<1x32xf32>
    %add3A_163 = vector.broadcast %broadcast_in_dim3A_162 : vector<1x32xf32> to vector<640x32xf32>
    %add3A_164 = arith.addf %add3A_161, %add3A_163 : vector<640x32xf32>
    %logistic3A_165 = arith.negf %add3A_164 : vector<640x32xf32>
    %logistic3A_166 = math.exp %logistic3A_165 : vector<640x32xf32>
    %logistic3A_167 = arith.constant 1.000000e+00 : f32
    %logistic3A_168 = vector.broadcast %logistic3A_167 : f32 to vector<640x32xf32>
    %logistic3A_169 = arith.addf %logistic3A_168, %logistic3A_166 : vector<640x32xf32>
    %logistic3A_170 = arith.divf %logistic3A_168, %logistic3A_169 : vector<640x32xf32>
    %dot_general3A_171 = arith.constant dense<0.000000e+00> : vector<640x32xf32>
    %dot_general3A_172 = tpu.matmul %slice3A_142, %get3A_44, %dot_general3A_171 {dimension_numbers = #tpu.dot_dimension_numbers<[1], [0], [0], [1], [0, 0, 1, 1], [], []>, transpose_lhs_hint = false} : vector<640x32xf32>, vector<32x32xf32>, vector<640x32xf32> -> vector<640x32xf32>
    %mul3A_173 = arith.mulf %add3A_114, %logistic3A_170 : vector<640x32xf32>
    %dot_general3A_174 = arith.constant dense<0.000000e+00> : vector<640x32xf32>
    %dot_general3A_175 = tpu.matmul %mul3A_173, %get3A_47, %dot_general3A_174 {dimension_numbers = #tpu.dot_dimension_numbers<[1], [0], [0], [1], [0, 0, 1, 1], [], []>, transpose_lhs_hint = false} : vector<640x32xf32>, vector<32x32xf32>, vector<640x32xf32> -> vector<640x32xf32>
    %add3A_176 = arith.addf %dot_general3A_172, %dot_general3A_175 : vector<640x32xf32>
    %broadcast_in_dim3A_177 = vector.shape_cast %get3A_49 : vector<32xf32> to vector<1x32xf32>
    %add3A_178 = vector.broadcast %broadcast_in_dim3A_177 : vector<1x32xf32> to vector<640x32xf32>
    %add3A_179 = arith.addf %add3A_176, %add3A_178 : vector<640x32xf32>
    %tanh3A_180 = math.tanh %add3A_179 : vector<640x32xf32>
    %mul3A_181 = arith.mulf %logistic3A_156, %add3A_114 : vector<640x32xf32>
    %sub3A_182 = arith.constant 1.000000e+00 : f32
    %sub3A_183 = vector.broadcast %sub3A_182 : f32 to vector<640x32xf32>
    %sub3A_184 = arith.subf %sub3A_183, %logistic3A_156 : vector<640x32xf32>
    %mul3A_185 = arith.mulf %sub3A_184, %tanh3A_180 : vector<640x32xf32>
    %add3A_186 = arith.addf %mul3A_181, %mul3A_185 : vector<640x32xf32>
    %slice3A_187 = vector.extract_strided_slice %div3A_10 {offsets = [1], sizes = [1], strides = [1]} : vector<12xf32> to vector<1xf32>
    %broadcast_in_dim3A_188 = vector.shape_cast %slice3A_187 : vector<1xf32> to vector<1x1xf32>
    %mul3A_189 = vector.broadcast %broadcast_in_dim3A_188 : vector<1x1xf32> to vector<640x32xf32>
    %mul3A_190 = arith.mulf %mul3A_189, %add3A_186 : vector<640x32xf32>
    %add3A_191 = arith.addf %add3A_119, %mul3A_190 : vector<640x32xf32>
    %get3A_192 = arith.constant 1 : index
    %get3A_193 = arith.constant 0 : index
    %get3A_194 = arith.constant 0 : index
    %get3A_195 = vector.load %arg1[%get3A_192, %get3A_193, %get3A_194] : memref<6x640x256xbf16, #tpu.memory_space<vmem>>, vector<1x640x256xbf16>
    %get3A_196 = vector.shape_cast %get3A_195 : vector<1x640x256xbf16> to vector<640x256xbf16>
    %slice3A_197 = vector.extract_strided_slice %get3A_196 {offsets = [0, 0], sizes = [640, 96], strides = [1, 1]} : vector<640x256xbf16> to vector<640x96xbf16>
    %convert_element_type3A_198 = arith.extf %slice3A_197 : vector<640x96xbf16> to vector<640x96xf32>
    %get3A_199 = arith.constant 1 : index
    %get3A_200 = arith.constant 0 : index
    %get3A_201 = arith.constant 0 : index
    %get3A_202 = vector.load %arg2[%get3A_199, %get3A_200, %get3A_201] : memref<6x640x256xbf16, #tpu.memory_space<vmem>>, vector<1x640x256xbf16>
    %get3A_203 = vector.shape_cast %get3A_202 : vector<1x640x256xbf16> to vector<640x256xbf16>
    %slice3A_204 = vector.extract_strided_slice %get3A_203 {offsets = [0, 0], sizes = [640, 96], strides = [1, 1]} : vector<640x256xbf16> to vector<640x96xbf16>
    %convert_element_type3A_205 = arith.extf %slice3A_204 : vector<640x96xbf16> to vector<640x96xf32>
    %add3A_206 = arith.addf %convert_element_type3A_198, %convert_element_type3A_205 : vector<640x96xf32>
    %mul3A_207 = vector.broadcast %broadcast_in_dim3A : vector<640x1xf32> to vector<640x96xf32>
    %mul3A_208 = arith.mulf %mul3A_207, %add3A_206 : vector<640x96xf32>
    %broadcast_in_dim3A_209 = vector.shape_cast %get3A_25 : vector<96xf32> to vector<1x96xf32>
    %add3A_210 = vector.broadcast %broadcast_in_dim3A_209 : vector<1x96xf32> to vector<640x96xf32>
    %add3A_211 = arith.addf %mul3A_208, %add3A_210 : vector<640x96xf32>
    %slice3A_212 = vector.extract_strided_slice %add3A_211 {offsets = [0, 0], sizes = [640, 32], strides = [1, 1]} : vector<640x96xf32> to vector<640x32xf32>
    %slice3A_213 = vector.extract_strided_slice %add3A_211 {offsets = [0, 32], sizes = [640, 32], strides = [1, 1]} : vector<640x96xf32> to vector<640x32xf32>
    %slice3A_214 = vector.extract_strided_slice %add3A_211 {offsets = [0, 64], sizes = [640, 32], strides = [1, 1]} : vector<640x96xf32> to vector<640x32xf32>
    %dot_general3A_215 = arith.constant dense<0.000000e+00> : vector<640x32xf32>
    %dot_general3A_216 = tpu.matmul %slice3A_212, %get3A_28, %dot_general3A_215 {dimension_numbers = #tpu.dot_dimension_numbers<[1], [0], [0], [1], [0, 0, 1, 1], [], []>, transpose_lhs_hint = false} : vector<640x32xf32>, vector<32x32xf32>, vector<640x32xf32> -> vector<640x32xf32>
    %dot_general3A_217 = arith.constant dense<0.000000e+00> : vector<640x32xf32>
    %dot_general3A_218 = tpu.matmul %add3A_186, %get3A_31, %dot_general3A_217 {dimension_numbers = #tpu.dot_dimension_numbers<[1], [0], [0], [1], [0, 0, 1, 1], [], []>, transpose_lhs_hint = false} : vector<640x32xf32>, vector<32x32xf32>, vector<640x32xf32> -> vector<640x32xf32>
    %add3A_219 = arith.addf %dot_general3A_216, %dot_general3A_218 : vector<640x32xf32>
    %broadcast_in_dim3A_220 = vector.shape_cast %get3A_33 : vector<32xf32> to vector<1x32xf32>
    %add3A_221 = vector.broadcast %broadcast_in_dim3A_220 : vector<1x32xf32> to vector<640x32xf32>
    %add3A_222 = arith.addf %add3A_219, %add3A_221 : vector<640x32xf32>
    %logistic3A_223 = arith.negf %add3A_222 : vector<640x32xf32>
    %logistic3A_224 = math.exp %logistic3A_223 : vector<640x32xf32>
    %logistic3A_225 = arith.constant 1.000000e+00 : f32
    %logistic3A_226 = vector.broadcast %logistic3A_225 : f32 to vector<640x32xf32>
    %logistic3A_227 = arith.addf %logistic3A_226, %logistic3A_224 : vector<640x32xf32>
    %logistic3A_228 = arith.divf %logistic3A_226, %logistic3A_227 : vector<640x32xf32>
    %dot_general3A_229 = arith.constant dense<0.000000e+00> : vector<640x32xf32>
    %dot_general3A_230 = tpu.matmul %slice3A_213, %get3A_36, %dot_general3A_229 {dimension_numbers = #tpu.dot_dimension_numbers<[1], [0], [0], [1], [0, 0, 1, 1], [], []>, transpose_lhs_hint = false} : vector<640x32xf32>, vector<32x32xf32>, vector<640x32xf32> -> vector<640x32xf32>
    %dot_general3A_231 = arith.constant dense<0.000000e+00> : vector<640x32xf32>
    %dot_general3A_232 = tpu.matmul %add3A_186, %get3A_39, %dot_general3A_231 {dimension_numbers = #tpu.dot_dimension_numbers<[1], [0], [0], [1], [0, 0, 1, 1], [], []>, transpose_lhs_hint = false} : vector<640x32xf32>, vector<32x32xf32>, vector<640x32xf32> -> vector<640x32xf32>
    %add3A_233 = arith.addf %dot_general3A_230, %dot_general3A_232 : vector<640x32xf32>
    %broadcast_in_dim3A_234 = vector.shape_cast %get3A_41 : vector<32xf32> to vector<1x32xf32>
    %add3A_235 = vector.broadcast %broadcast_in_dim3A_234 : vector<1x32xf32> to vector<640x32xf32>
    %add3A_236 = arith.addf %add3A_233, %add3A_235 : vector<640x32xf32>
    %logistic3A_237 = arith.negf %add3A_236 : vector<640x32xf32>
    %logistic3A_238 = math.exp %logistic3A_237 : vector<640x32xf32>
    %logistic3A_239 = arith.constant 1.000000e+00 : f32
    %logistic3A_240 = vector.broadcast %logistic3A_239 : f32 to vector<640x32xf32>
    %logistic3A_241 = arith.addf %logistic3A_240, %logistic3A_238 : vector<640x32xf32>
    %logistic3A_242 = arith.divf %logistic3A_240, %logistic3A_241 : vector<640x32xf32>
    %dot_general3A_243 = arith.constant dense<0.000000e+00> : vector<640x32xf32>
    %dot_general3A_244 = tpu.matmul %slice3A_214, %get3A_44, %dot_general3A_243 {dimension_numbers = #tpu.dot_dimension_numbers<[1], [0], [0], [1], [0, 0, 1, 1], [], []>, transpose_lhs_hint = false} : vector<640x32xf32>, vector<32x32xf32>, vector<640x32xf32> -> vector<640x32xf32>
    %mul3A_245 = arith.mulf %add3A_186, %logistic3A_242 : vector<640x32xf32>
    %dot_general3A_246 = arith.constant dense<0.000000e+00> : vector<640x32xf32>
    %dot_general3A_247 = tpu.matmul %mul3A_245, %get3A_47, %dot_general3A_246 {dimension_numbers = #tpu.dot_dimension_numbers<[1], [0], [0], [1], [0, 0, 1, 1], [], []>, transpose_lhs_hint = false} : vector<640x32xf32>, vector<32x32xf32>, vector<640x32xf32> -> vector<640x32xf32>
    %add3A_248 = arith.addf %dot_general3A_244, %dot_general3A_247 : vector<640x32xf32>
    %broadcast_in_dim3A_249 = vector.shape_cast %get3A_49 : vector<32xf32> to vector<1x32xf32>
    %add3A_250 = vector.broadcast %broadcast_in_dim3A_249 : vector<1x32xf32> to vector<640x32xf32>
    %add3A_251 = arith.addf %add3A_248, %add3A_250 : vector<640x32xf32>
    %tanh3A_252 = math.tanh %add3A_251 : vector<640x32xf32>
    %mul3A_253 = arith.mulf %logistic3A_228, %add3A_186 : vector<640x32xf32>
    %sub3A_254 = arith.constant 1.000000e+00 : f32
    %sub3A_255 = vector.broadcast %sub3A_254 : f32 to vector<640x32xf32>
    %sub3A_256 = arith.subf %sub3A_255, %logistic3A_228 : vector<640x32xf32>
    %mul3A_257 = arith.mulf %sub3A_256, %tanh3A_252 : vector<640x32xf32>
    %add3A_258 = arith.addf %mul3A_253, %mul3A_257 : vector<640x32xf32>
    %slice3A_259 = vector.extract_strided_slice %div3A_10 {offsets = [2], sizes = [1], strides = [1]} : vector<12xf32> to vector<1xf32>
    %broadcast_in_dim3A_260 = vector.shape_cast %slice3A_259 : vector<1xf32> to vector<1x1xf32>
    %mul3A_261 = vector.broadcast %broadcast_in_dim3A_260 : vector<1x1xf32> to vector<640x32xf32>
    %mul3A_262 = arith.mulf %mul3A_261, %add3A_258 : vector<640x32xf32>
    %add3A_263 = arith.addf %add3A_191, %mul3A_262 : vector<640x32xf32>
    %get3A_264 = arith.constant 1 : index
    %get3A_265 = arith.constant 0 : index
    %get3A_266 = arith.constant 0 : index
    %get3A_267 = vector.load %arg1[%get3A_264, %get3A_265, %get3A_266] : memref<6x640x256xbf16, #tpu.memory_space<vmem>>, vector<1x640x256xbf16>
    %get3A_268 = vector.shape_cast %get3A_267 : vector<1x640x256xbf16> to vector<640x256xbf16>
    %slice3A_269 = vector.extract_strided_slice %get3A_268 {offsets = [0, 128], sizes = [640, 96], strides = [1, 1]} : vector<640x256xbf16> to vector<640x96xbf16>
    %convert_element_type3A_270 = arith.extf %slice3A_269 : vector<640x96xbf16> to vector<640x96xf32>
    %get3A_271 = arith.constant 1 : index
    %get3A_272 = arith.constant 0 : index
    %get3A_273 = arith.constant 0 : index
    %get3A_274 = vector.load %arg2[%get3A_271, %get3A_272, %get3A_273] : memref<6x640x256xbf16, #tpu.memory_space<vmem>>, vector<1x640x256xbf16>
    %get3A_275 = vector.shape_cast %get3A_274 : vector<1x640x256xbf16> to vector<640x256xbf16>
    %slice3A_276 = vector.extract_strided_slice %get3A_275 {offsets = [0, 128], sizes = [640, 96], strides = [1, 1]} : vector<640x256xbf16> to vector<640x96xbf16>
    %convert_element_type3A_277 = arith.extf %slice3A_276 : vector<640x96xbf16> to vector<640x96xf32>
    %add3A_278 = arith.addf %convert_element_type3A_270, %convert_element_type3A_277 : vector<640x96xf32>
    %mul3A_279 = vector.broadcast %broadcast_in_dim3A : vector<640x1xf32> to vector<640x96xf32>
    %mul3A_280 = arith.mulf %mul3A_279, %add3A_278 : vector<640x96xf32>
    %broadcast_in_dim3A_281 = vector.shape_cast %get3A_25 : vector<96xf32> to vector<1x96xf32>
    %add3A_282 = vector.broadcast %broadcast_in_dim3A_281 : vector<1x96xf32> to vector<640x96xf32>
    %add3A_283 = arith.addf %mul3A_280, %add3A_282 : vector<640x96xf32>
    %slice3A_284 = vector.extract_strided_slice %add3A_283 {offsets = [0, 0], sizes = [640, 32], strides = [1, 1]} : vector<640x96xf32> to vector<640x32xf32>
    %slice3A_285 = vector.extract_strided_slice %add3A_283 {offsets = [0, 32], sizes = [640, 32], strides = [1, 1]} : vector<640x96xf32> to vector<640x32xf32>
    %slice3A_286 = vector.extract_strided_slice %add3A_283 {offsets = [0, 64], sizes = [640, 32], strides = [1, 1]} : vector<640x96xf32> to vector<640x32xf32>
    %dot_general3A_287 = arith.constant dense<0.000000e+00> : vector<640x32xf32>
    %dot_general3A_288 = tpu.matmul %slice3A_284, %get3A_28, %dot_general3A_287 {dimension_numbers = #tpu.dot_dimension_numbers<[1], [0], [0], [1], [0, 0, 1, 1], [], []>, transpose_lhs_hint = false} : vector<640x32xf32>, vector<32x32xf32>, vector<640x32xf32> -> vector<640x32xf32>
    %dot_general3A_289 = arith.constant dense<0.000000e+00> : vector<640x32xf32>
    %dot_general3A_290 = tpu.matmul %add3A_258, %get3A_31, %dot_general3A_289 {dimension_numbers = #tpu.dot_dimension_numbers<[1], [0], [0], [1], [0, 0, 1, 1], [], []>, transpose_lhs_hint = false} : vector<640x32xf32>, vector<32x32xf32>, vector<640x32xf32> -> vector<640x32xf32>
    %add3A_291 = arith.addf %dot_general3A_288, %dot_general3A_290 : vector<640x32xf32>
    %broadcast_in_dim3A_292 = vector.shape_cast %get3A_33 : vector<32xf32> to vector<1x32xf32>
    %add3A_293 = vector.broadcast %broadcast_in_dim3A_292 : vector<1x32xf32> to vector<640x32xf32>
    %add3A_294 = arith.addf %add3A_291, %add3A_293 : vector<640x32xf32>
    %logistic3A_295 = arith.negf %add3A_294 : vector<640x32xf32>
    %logistic3A_296 = math.exp %logistic3A_295 : vector<640x32xf32>
    %logistic3A_297 = arith.constant 1.000000e+00 : f32
    %logistic3A_298 = vector.broadcast %logistic3A_297 : f32 to vector<640x32xf32>
    %logistic3A_299 = arith.addf %logistic3A_298, %logistic3A_296 : vector<640x32xf32>
    %logistic3A_300 = arith.divf %logistic3A_298, %logistic3A_299 : vector<640x32xf32>
    %dot_general3A_301 = arith.constant dense<0.000000e+00> : vector<640x32xf32>
    %dot_general3A_302 = tpu.matmul %slice3A_285, %get3A_36, %dot_general3A_301 {dimension_numbers = #tpu.dot_dimension_numbers<[1], [0], [0], [1], [0, 0, 1, 1], [], []>, transpose_lhs_hint = false} : vector<640x32xf32>, vector<32x32xf32>, vector<640x32xf32> -> vector<640x32xf32>
    %dot_general3A_303 = arith.constant dense<0.000000e+00> : vector<640x32xf32>
    %dot_general3A_304 = tpu.matmul %add3A_258, %get3A_39, %dot_general3A_303 {dimension_numbers = #tpu.dot_dimension_numbers<[1], [0], [0], [1], [0, 0, 1, 1], [], []>, transpose_lhs_hint = false} : vector<640x32xf32>, vector<32x32xf32>, vector<640x32xf32> -> vector<640x32xf32>
    %add3A_305 = arith.addf %dot_general3A_302, %dot_general3A_304 : vector<640x32xf32>
    %broadcast_in_dim3A_306 = vector.shape_cast %get3A_41 : vector<32xf32> to vector<1x32xf32>
    %add3A_307 = vector.broadcast %broadcast_in_dim3A_306 : vector<1x32xf32> to vector<640x32xf32>
    %add3A_308 = arith.addf %add3A_305, %add3A_307 : vector<640x32xf32>
    %logistic3A_309 = arith.negf %add3A_308 : vector<640x32xf32>
    %logistic3A_310 = math.exp %logistic3A_309 : vector<640x32xf32>
    %logistic3A_311 = arith.constant 1.000000e+00 : f32
    %logistic3A_312 = vector.broadcast %logistic3A_311 : f32 to vector<640x32xf32>
    %logistic3A_313 = arith.addf %logistic3A_312, %logistic3A_310 : vector<640x32xf32>
    %logistic3A_314 = arith.divf %logistic3A_312, %logistic3A_313 : vector<640x32xf32>
    %dot_general3A_315 = arith.constant dense<0.000000e+00> : vector<640x32xf32>
    %dot_general3A_316 = tpu.matmul %slice3A_286, %get3A_44, %dot_general3A_315 {dimension_numbers = #tpu.dot_dimension_numbers<[1], [0], [0], [1], [0, 0, 1, 1], [], []>, transpose_lhs_hint = false} : vector<640x32xf32>, vector<32x32xf32>, vector<640x32xf32> -> vector<640x32xf32>
    %mul3A_317 = arith.mulf %add3A_258, %logistic3A_314 : vector<640x32xf32>
    %dot_general3A_318 = arith.constant dense<0.000000e+00> : vector<640x32xf32>
    %dot_general3A_319 = tpu.matmul %mul3A_317, %get3A_47, %dot_general3A_318 {dimension_numbers = #tpu.dot_dimension_numbers<[1], [0], [0], [1], [0, 0, 1, 1], [], []>, transpose_lhs_hint = false} : vector<640x32xf32>, vector<32x32xf32>, vector<640x32xf32> -> vector<640x32xf32>
    %add3A_320 = arith.addf %dot_general3A_316, %dot_general3A_319 : vector<640x32xf32>
    %broadcast_in_dim3A_321 = vector.shape_cast %get3A_49 : vector<32xf32> to vector<1x32xf32>
    %add3A_322 = vector.broadcast %broadcast_in_dim3A_321 : vector<1x32xf32> to vector<640x32xf32>
    %add3A_323 = arith.addf %add3A_320, %add3A_322 : vector<640x32xf32>
    %tanh3A_324 = math.tanh %add3A_323 : vector<640x32xf32>
    %mul3A_325 = arith.mulf %logistic3A_300, %add3A_258 : vector<640x32xf32>
    %sub3A_326 = arith.constant 1.000000e+00 : f32
    %sub3A_327 = vector.broadcast %sub3A_326 : f32 to vector<640x32xf32>
    %sub3A_328 = arith.subf %sub3A_327, %logistic3A_300 : vector<640x32xf32>
    %mul3A_329 = arith.mulf %sub3A_328, %tanh3A_324 : vector<640x32xf32>
    %add3A_330 = arith.addf %mul3A_325, %mul3A_329 : vector<640x32xf32>
    %slice3A_331 = vector.extract_strided_slice %div3A_10 {offsets = [3], sizes = [1], strides = [1]} : vector<12xf32> to vector<1xf32>
    %broadcast_in_dim3A_332 = vector.shape_cast %slice3A_331 : vector<1xf32> to vector<1x1xf32>
    %mul3A_333 = vector.broadcast %broadcast_in_dim3A_332 : vector<1x1xf32> to vector<640x32xf32>
    %mul3A_334 = arith.mulf %mul3A_333, %add3A_330 : vector<640x32xf32>
    %add3A_335 = arith.addf %add3A_263, %mul3A_334 : vector<640x32xf32>
    %get3A_336 = arith.constant 2 : index
    %get3A_337 = arith.constant 0 : index
    %get3A_338 = arith.constant 0 : index
    %get3A_339 = vector.load %arg1[%get3A_336, %get3A_337, %get3A_338] : memref<6x640x256xbf16, #tpu.memory_space<vmem>>, vector<1x640x256xbf16>
    %get3A_340 = vector.shape_cast %get3A_339 : vector<1x640x256xbf16> to vector<640x256xbf16>
    %slice3A_341 = vector.extract_strided_slice %get3A_340 {offsets = [0, 0], sizes = [640, 96], strides = [1, 1]} : vector<640x256xbf16> to vector<640x96xbf16>
    %convert_element_type3A_342 = arith.extf %slice3A_341 : vector<640x96xbf16> to vector<640x96xf32>
    %get3A_343 = arith.constant 2 : index
    %get3A_344 = arith.constant 0 : index
    %get3A_345 = arith.constant 0 : index
    %get3A_346 = vector.load %arg2[%get3A_343, %get3A_344, %get3A_345] : memref<6x640x256xbf16, #tpu.memory_space<vmem>>, vector<1x640x256xbf16>
    %get3A_347 = vector.shape_cast %get3A_346 : vector<1x640x256xbf16> to vector<640x256xbf16>
    %slice3A_348 = vector.extract_strided_slice %get3A_347 {offsets = [0, 0], sizes = [640, 96], strides = [1, 1]} : vector<640x256xbf16> to vector<640x96xbf16>
    %convert_element_type3A_349 = arith.extf %slice3A_348 : vector<640x96xbf16> to vector<640x96xf32>
    %add3A_350 = arith.addf %convert_element_type3A_342, %convert_element_type3A_349 : vector<640x96xf32>
    %mul3A_351 = vector.broadcast %broadcast_in_dim3A : vector<640x1xf32> to vector<640x96xf32>
    %mul3A_352 = arith.mulf %mul3A_351, %add3A_350 : vector<640x96xf32>
    %broadcast_in_dim3A_353 = vector.shape_cast %get3A_25 : vector<96xf32> to vector<1x96xf32>
    %add3A_354 = vector.broadcast %broadcast_in_dim3A_353 : vector<1x96xf32> to vector<640x96xf32>
    %add3A_355 = arith.addf %mul3A_352, %add3A_354 : vector<640x96xf32>
    %slice3A_356 = vector.extract_strided_slice %add3A_355 {offsets = [0, 0], sizes = [640, 32], strides = [1, 1]} : vector<640x96xf32> to vector<640x32xf32>
    %slice3A_357 = vector.extract_strided_slice %add3A_355 {offsets = [0, 32], sizes = [640, 32], strides = [1, 1]} : vector<640x96xf32> to vector<640x32xf32>
    %slice3A_358 = vector.extract_strided_slice %add3A_355 {offsets = [0, 64], sizes = [640, 32], strides = [1, 1]} : vector<640x96xf32> to vector<640x32xf32>
    %dot_general3A_359 = arith.constant dense<0.000000e+00> : vector<640x32xf32>
    %dot_general3A_360 = tpu.matmul %slice3A_356, %get3A_28, %dot_general3A_359 {dimension_numbers = #tpu.dot_dimension_numbers<[1], [0], [0], [1], [0, 0, 1, 1], [], []>, transpose_lhs_hint = false} : vector<640x32xf32>, vector<32x32xf32>, vector<640x32xf32> -> vector<640x32xf32>
    %dot_general3A_361 = arith.constant dense<0.000000e+00> : vector<640x32xf32>
    %dot_general3A_362 = tpu.matmul %add3A_330, %get3A_31, %dot_general3A_361 {dimension_numbers = #tpu.dot_dimension_numbers<[1], [0], [0], [1], [0, 0, 1, 1], [], []>, transpose_lhs_hint = false} : vector<640x32xf32>, vector<32x32xf32>, vector<640x32xf32> -> vector<640x32xf32>
    %add3A_363 = arith.addf %dot_general3A_360, %dot_general3A_362 : vector<640x32xf32>
    %broadcast_in_dim3A_364 = vector.shape_cast %get3A_33 : vector<32xf32> to vector<1x32xf32>
    %add3A_365 = vector.broadcast %broadcast_in_dim3A_364 : vector<1x32xf32> to vector<640x32xf32>
    %add3A_366 = arith.addf %add3A_363, %add3A_365 : vector<640x32xf32>
    %logistic3A_367 = arith.negf %add3A_366 : vector<640x32xf32>
    %logistic3A_368 = math.exp %logistic3A_367 : vector<640x32xf32>
    %logistic3A_369 = arith.constant 1.000000e+00 : f32
    %logistic3A_370 = vector.broadcast %logistic3A_369 : f32 to vector<640x32xf32>
    %logistic3A_371 = arith.addf %logistic3A_370, %logistic3A_368 : vector<640x32xf32>
    %logistic3A_372 = arith.divf %logistic3A_370, %logistic3A_371 : vector<640x32xf32>
    %dot_general3A_373 = arith.constant dense<0.000000e+00> : vector<640x32xf32>
    %dot_general3A_374 = tpu.matmul %slice3A_357, %get3A_36, %dot_general3A_373 {dimension_numbers = #tpu.dot_dimension_numbers<[1], [0], [0], [1], [0, 0, 1, 1], [], []>, transpose_lhs_hint = false} : vector<640x32xf32>, vector<32x32xf32>, vector<640x32xf32> -> vector<640x32xf32>
    %dot_general3A_375 = arith.constant dense<0.000000e+00> : vector<640x32xf32>
    %dot_general3A_376 = tpu.matmul %add3A_330, %get3A_39, %dot_general3A_375 {dimension_numbers = #tpu.dot_dimension_numbers<[1], [0], [0], [1], [0, 0, 1, 1], [], []>, transpose_lhs_hint = false} : vector<640x32xf32>, vector<32x32xf32>, vector<640x32xf32> -> vector<640x32xf32>
    %add3A_377 = arith.addf %dot_general3A_374, %dot_general3A_376 : vector<640x32xf32>
    %broadcast_in_dim3A_378 = vector.shape_cast %get3A_41 : vector<32xf32> to vector<1x32xf32>
    %add3A_379 = vector.broadcast %broadcast_in_dim3A_378 : vector<1x32xf32> to vector<640x32xf32>
    %add3A_380 = arith.addf %add3A_377, %add3A_379 : vector<640x32xf32>
    %logistic3A_381 = arith.negf %add3A_380 : vector<640x32xf32>
    %logistic3A_382 = math.exp %logistic3A_381 : vector<640x32xf32>
    %logistic3A_383 = arith.constant 1.000000e+00 : f32
    %logistic3A_384 = vector.broadcast %logistic3A_383 : f32 to vector<640x32xf32>
    %logistic3A_385 = arith.addf %logistic3A_384, %logistic3A_382 : vector<640x32xf32>
    %logistic3A_386 = arith.divf %logistic3A_384, %logistic3A_385 : vector<640x32xf32>
    %dot_general3A_387 = arith.constant dense<0.000000e+00> : vector<640x32xf32>
    %dot_general3A_388 = tpu.matmul %slice3A_358, %get3A_44, %dot_general3A_387 {dimension_numbers = #tpu.dot_dimension_numbers<[1], [0], [0], [1], [0, 0, 1, 1], [], []>, transpose_lhs_hint = false} : vector<640x32xf32>, vector<32x32xf32>, vector<640x32xf32> -> vector<640x32xf32>
    %mul3A_389 = arith.mulf %add3A_330, %logistic3A_386 : vector<640x32xf32>
    %dot_general3A_390 = arith.constant dense<0.000000e+00> : vector<640x32xf32>
    %dot_general3A_391 = tpu.matmul %mul3A_389, %get3A_47, %dot_general3A_390 {dimension_numbers = #tpu.dot_dimension_numbers<[1], [0], [0], [1], [0, 0, 1, 1], [], []>, transpose_lhs_hint = false} : vector<640x32xf32>, vector<32x32xf32>, vector<640x32xf32> -> vector<640x32xf32>
    %add3A_392 = arith.addf %dot_general3A_388, %dot_general3A_391 : vector<640x32xf32>
    %broadcast_in_dim3A_393 = vector.shape_cast %get3A_49 : vector<32xf32> to vector<1x32xf32>
    %add3A_394 = vector.broadcast %broadcast_in_dim3A_393 : vector<1x32xf32> to vector<640x32xf32>
    %add3A_395 = arith.addf %add3A_392, %add3A_394 : vector<640x32xf32>
    %tanh3A_396 = math.tanh %add3A_395 : vector<640x32xf32>
    %mul3A_397 = arith.mulf %logistic3A_372, %add3A_330 : vector<640x32xf32>
    %sub3A_398 = arith.constant 1.000000e+00 : f32
    %sub3A_399 = vector.broadcast %sub3A_398 : f32 to vector<640x32xf32>
    %sub3A_400 = arith.subf %sub3A_399, %logistic3A_372 : vector<640x32xf32>
    %mul3A_401 = arith.mulf %sub3A_400, %tanh3A_396 : vector<640x32xf32>
    %add3A_402 = arith.addf %mul3A_397, %mul3A_401 : vector<640x32xf32>
    %slice3A_403 = vector.extract_strided_slice %div3A_10 {offsets = [4], sizes = [1], strides = [1]} : vector<12xf32> to vector<1xf32>
    %broadcast_in_dim3A_404 = vector.shape_cast %slice3A_403 : vector<1xf32> to vector<1x1xf32>
    %mul3A_405 = vector.broadcast %broadcast_in_dim3A_404 : vector<1x1xf32> to vector<640x32xf32>
    %mul3A_406 = arith.mulf %mul3A_405, %add3A_402 : vector<640x32xf32>
    %add3A_407 = arith.addf %add3A_335, %mul3A_406 : vector<640x32xf32>
    %get3A_408 = arith.constant 2 : index
    %get3A_409 = arith.constant 0 : index
    %get3A_410 = arith.constant 0 : index
    %get3A_411 = vector.load %arg1[%get3A_408, %get3A_409, %get3A_410] : memref<6x640x256xbf16, #tpu.memory_space<vmem>>, vector<1x640x256xbf16>
    %get3A_412 = vector.shape_cast %get3A_411 : vector<1x640x256xbf16> to vector<640x256xbf16>
    %slice3A_413 = vector.extract_strided_slice %get3A_412 {offsets = [0, 128], sizes = [640, 96], strides = [1, 1]} : vector<640x256xbf16> to vector<640x96xbf16>
    %convert_element_type3A_414 = arith.extf %slice3A_413 : vector<640x96xbf16> to vector<640x96xf32>
    %get3A_415 = arith.constant 2 : index
    %get3A_416 = arith.constant 0 : index
    %get3A_417 = arith.constant 0 : index
    %get3A_418 = vector.load %arg2[%get3A_415, %get3A_416, %get3A_417] : memref<6x640x256xbf16, #tpu.memory_space<vmem>>, vector<1x640x256xbf16>
    %get3A_419 = vector.shape_cast %get3A_418 : vector<1x640x256xbf16> to vector<640x256xbf16>
    %slice3A_420 = vector.extract_strided_slice %get3A_419 {offsets = [0, 128], sizes = [640, 96], strides = [1, 1]} : vector<640x256xbf16> to vector<640x96xbf16>
    %convert_element_type3A_421 = arith.extf %slice3A_420 : vector<640x96xbf16> to vector<640x96xf32>
    %add3A_422 = arith.addf %convert_element_type3A_414, %convert_element_type3A_421 : vector<640x96xf32>
    %mul3A_423 = vector.broadcast %broadcast_in_dim3A : vector<640x1xf32> to vector<640x96xf32>
    %mul3A_424 = arith.mulf %mul3A_423, %add3A_422 : vector<640x96xf32>
    %broadcast_in_dim3A_425 = vector.shape_cast %get3A_25 : vector<96xf32> to vector<1x96xf32>
    %add3A_426 = vector.broadcast %broadcast_in_dim3A_425 : vector<1x96xf32> to vector<640x96xf32>
    %add3A_427 = arith.addf %mul3A_424, %add3A_426 : vector<640x96xf32>
    %slice3A_428 = vector.extract_strided_slice %add3A_427 {offsets = [0, 0], sizes = [640, 32], strides = [1, 1]} : vector<640x96xf32> to vector<640x32xf32>
    %slice3A_429 = vector.extract_strided_slice %add3A_427 {offsets = [0, 32], sizes = [640, 32], strides = [1, 1]} : vector<640x96xf32> to vector<640x32xf32>
    %slice3A_430 = vector.extract_strided_slice %add3A_427 {offsets = [0, 64], sizes = [640, 32], strides = [1, 1]} : vector<640x96xf32> to vector<640x32xf32>
    %dot_general3A_431 = arith.constant dense<0.000000e+00> : vector<640x32xf32>
    %dot_general3A_432 = tpu.matmul %slice3A_428, %get3A_28, %dot_general3A_431 {dimension_numbers = #tpu.dot_dimension_numbers<[1], [0], [0], [1], [0, 0, 1, 1], [], []>, transpose_lhs_hint = false} : vector<640x32xf32>, vector<32x32xf32>, vector<640x32xf32> -> vector<640x32xf32>
    %dot_general3A_433 = arith.constant dense<0.000000e+00> : vector<640x32xf32>
    %dot_general3A_434 = tpu.matmul %add3A_402, %get3A_31, %dot_general3A_433 {dimension_numbers = #tpu.dot_dimension_numbers<[1], [0], [0], [1], [0, 0, 1, 1], [], []>, transpose_lhs_hint = false} : vector<640x32xf32>, vector<32x32xf32>, vector<640x32xf32> -> vector<640x32xf32>
    %add3A_435 = arith.addf %dot_general3A_432, %dot_general3A_434 : vector<640x32xf32>
    %broadcast_in_dim3A_436 = vector.shape_cast %get3A_33 : vector<32xf32> to vector<1x32xf32>
    %add3A_437 = vector.broadcast %broadcast_in_dim3A_436 : vector<1x32xf32> to vector<640x32xf32>
    %add3A_438 = arith.addf %add3A_435, %add3A_437 : vector<640x32xf32>
    %logistic3A_439 = arith.negf %add3A_438 : vector<640x32xf32>
    %logistic3A_440 = math.exp %logistic3A_439 : vector<640x32xf32>
    %logistic3A_441 = arith.constant 1.000000e+00 : f32
    %logistic3A_442 = vector.broadcast %logistic3A_441 : f32 to vector<640x32xf32>
    %logistic3A_443 = arith.addf %logistic3A_442, %logistic3A_440 : vector<640x32xf32>
    %logistic3A_444 = arith.divf %logistic3A_442, %logistic3A_443 : vector<640x32xf32>
    %dot_general3A_445 = arith.constant dense<0.000000e+00> : vector<640x32xf32>
    %dot_general3A_446 = tpu.matmul %slice3A_429, %get3A_36, %dot_general3A_445 {dimension_numbers = #tpu.dot_dimension_numbers<[1], [0], [0], [1], [0, 0, 1, 1], [], []>, transpose_lhs_hint = false} : vector<640x32xf32>, vector<32x32xf32>, vector<640x32xf32> -> vector<640x32xf32>
    %dot_general3A_447 = arith.constant dense<0.000000e+00> : vector<640x32xf32>
    %dot_general3A_448 = tpu.matmul %add3A_402, %get3A_39, %dot_general3A_447 {dimension_numbers = #tpu.dot_dimension_numbers<[1], [0], [0], [1], [0, 0, 1, 1], [], []>, transpose_lhs_hint = false} : vector<640x32xf32>, vector<32x32xf32>, vector<640x32xf32> -> vector<640x32xf32>
    %add3A_449 = arith.addf %dot_general3A_446, %dot_general3A_448 : vector<640x32xf32>
    %broadcast_in_dim3A_450 = vector.shape_cast %get3A_41 : vector<32xf32> to vector<1x32xf32>
    %add3A_451 = vector.broadcast %broadcast_in_dim3A_450 : vector<1x32xf32> to vector<640x32xf32>
    %add3A_452 = arith.addf %add3A_449, %add3A_451 : vector<640x32xf32>
    %logistic3A_453 = arith.negf %add3A_452 : vector<640x32xf32>
    %logistic3A_454 = math.exp %logistic3A_453 : vector<640x32xf32>
    %logistic3A_455 = arith.constant 1.000000e+00 : f32
    %logistic3A_456 = vector.broadcast %logistic3A_455 : f32 to vector<640x32xf32>
    %logistic3A_457 = arith.addf %logistic3A_456, %logistic3A_454 : vector<640x32xf32>
    %logistic3A_458 = arith.divf %logistic3A_456, %logistic3A_457 : vector<640x32xf32>
    %dot_general3A_459 = arith.constant dense<0.000000e+00> : vector<640x32xf32>
    %dot_general3A_460 = tpu.matmul %slice3A_430, %get3A_44, %dot_general3A_459 {dimension_numbers = #tpu.dot_dimension_numbers<[1], [0], [0], [1], [0, 0, 1, 1], [], []>, transpose_lhs_hint = false} : vector<640x32xf32>, vector<32x32xf32>, vector<640x32xf32> -> vector<640x32xf32>
    %mul3A_461 = arith.mulf %add3A_402, %logistic3A_458 : vector<640x32xf32>
    %dot_general3A_462 = arith.constant dense<0.000000e+00> : vector<640x32xf32>
    %dot_general3A_463 = tpu.matmul %mul3A_461, %get3A_47, %dot_general3A_462 {dimension_numbers = #tpu.dot_dimension_numbers<[1], [0], [0], [1], [0, 0, 1, 1], [], []>, transpose_lhs_hint = false} : vector<640x32xf32>, vector<32x32xf32>, vector<640x32xf32> -> vector<640x32xf32>
    %add3A_464 = arith.addf %dot_general3A_460, %dot_general3A_463 : vector<640x32xf32>
    %broadcast_in_dim3A_465 = vector.shape_cast %get3A_49 : vector<32xf32> to vector<1x32xf32>
    %add3A_466 = vector.broadcast %broadcast_in_dim3A_465 : vector<1x32xf32> to vector<640x32xf32>
    %add3A_467 = arith.addf %add3A_464, %add3A_466 : vector<640x32xf32>
    %tanh3A_468 = math.tanh %add3A_467 : vector<640x32xf32>
    %mul3A_469 = arith.mulf %logistic3A_444, %add3A_402 : vector<640x32xf32>
    %sub3A_470 = arith.constant 1.000000e+00 : f32
    %sub3A_471 = vector.broadcast %sub3A_470 : f32 to vector<640x32xf32>
    %sub3A_472 = arith.subf %sub3A_471, %logistic3A_444 : vector<640x32xf32>
    %mul3A_473 = arith.mulf %sub3A_472, %tanh3A_468 : vector<640x32xf32>
    %add3A_474 = arith.addf %mul3A_469, %mul3A_473 : vector<640x32xf32>
    %slice3A_475 = vector.extract_strided_slice %div3A_10 {offsets = [5], sizes = [1], strides = [1]} : vector<12xf32> to vector<1xf32>
    %broadcast_in_dim3A_476 = vector.shape_cast %slice3A_475 : vector<1xf32> to vector<1x1xf32>
    %mul3A_477 = vector.broadcast %broadcast_in_dim3A_476 : vector<1x1xf32> to vector<640x32xf32>
    %mul3A_478 = arith.mulf %mul3A_477, %add3A_474 : vector<640x32xf32>
    %add3A_479 = arith.addf %add3A_407, %mul3A_478 : vector<640x32xf32>
    %get3A_480 = arith.constant 3 : index
    %get3A_481 = arith.constant 0 : index
    %get3A_482 = arith.constant 0 : index
    %get3A_483 = vector.load %arg1[%get3A_480, %get3A_481, %get3A_482] : memref<6x640x256xbf16, #tpu.memory_space<vmem>>, vector<1x640x256xbf16>
    %get3A_484 = vector.shape_cast %get3A_483 : vector<1x640x256xbf16> to vector<640x256xbf16>
    %slice3A_485 = vector.extract_strided_slice %get3A_484 {offsets = [0, 0], sizes = [640, 96], strides = [1, 1]} : vector<640x256xbf16> to vector<640x96xbf16>
    %convert_element_type3A_486 = arith.extf %slice3A_485 : vector<640x96xbf16> to vector<640x96xf32>
    %get3A_487 = arith.constant 3 : index
    %get3A_488 = arith.constant 0 : index
    %get3A_489 = arith.constant 0 : index
    %get3A_490 = vector.load %arg2[%get3A_487, %get3A_488, %get3A_489] : memref<6x640x256xbf16, #tpu.memory_space<vmem>>, vector<1x640x256xbf16>
    %get3A_491 = vector.shape_cast %get3A_490 : vector<1x640x256xbf16> to vector<640x256xbf16>
    %slice3A_492 = vector.extract_strided_slice %get3A_491 {offsets = [0, 0], sizes = [640, 96], strides = [1, 1]} : vector<640x256xbf16> to vector<640x96xbf16>
    %convert_element_type3A_493 = arith.extf %slice3A_492 : vector<640x96xbf16> to vector<640x96xf32>
    %add3A_494 = arith.addf %convert_element_type3A_486, %convert_element_type3A_493 : vector<640x96xf32>
    %mul3A_495 = vector.broadcast %broadcast_in_dim3A : vector<640x1xf32> to vector<640x96xf32>
    %mul3A_496 = arith.mulf %mul3A_495, %add3A_494 : vector<640x96xf32>
    %broadcast_in_dim3A_497 = vector.shape_cast %get3A_25 : vector<96xf32> to vector<1x96xf32>
    %add3A_498 = vector.broadcast %broadcast_in_dim3A_497 : vector<1x96xf32> to vector<640x96xf32>
    %add3A_499 = arith.addf %mul3A_496, %add3A_498 : vector<640x96xf32>
    %slice3A_500 = vector.extract_strided_slice %add3A_499 {offsets = [0, 0], sizes = [640, 32], strides = [1, 1]} : vector<640x96xf32> to vector<640x32xf32>
    %slice3A_501 = vector.extract_strided_slice %add3A_499 {offsets = [0, 32], sizes = [640, 32], strides = [1, 1]} : vector<640x96xf32> to vector<640x32xf32>
    %slice3A_502 = vector.extract_strided_slice %add3A_499 {offsets = [0, 64], sizes = [640, 32], strides = [1, 1]} : vector<640x96xf32> to vector<640x32xf32>
    %dot_general3A_503 = arith.constant dense<0.000000e+00> : vector<640x32xf32>
    %dot_general3A_504 = tpu.matmul %slice3A_500, %get3A_28, %dot_general3A_503 {dimension_numbers = #tpu.dot_dimension_numbers<[1], [0], [0], [1], [0, 0, 1, 1], [], []>, transpose_lhs_hint = false} : vector<640x32xf32>, vector<32x32xf32>, vector<640x32xf32> -> vector<640x32xf32>
    %dot_general3A_505 = arith.constant dense<0.000000e+00> : vector<640x32xf32>
    %dot_general3A_506 = tpu.matmul %add3A_474, %get3A_31, %dot_general3A_505 {dimension_numbers = #tpu.dot_dimension_numbers<[1], [0], [0], [1], [0, 0, 1, 1], [], []>, transpose_lhs_hint = false} : vector<640x32xf32>, vector<32x32xf32>, vector<640x32xf32> -> vector<640x32xf32>
    %add3A_507 = arith.addf %dot_general3A_504, %dot_general3A_506 : vector<640x32xf32>
    %broadcast_in_dim3A_508 = vector.shape_cast %get3A_33 : vector<32xf32> to vector<1x32xf32>
    %add3A_509 = vector.broadcast %broadcast_in_dim3A_508 : vector<1x32xf32> to vector<640x32xf32>
    %add3A_510 = arith.addf %add3A_507, %add3A_509 : vector<640x32xf32>
    %logistic3A_511 = arith.negf %add3A_510 : vector<640x32xf32>
    %logistic3A_512 = math.exp %logistic3A_511 : vector<640x32xf32>
    %logistic3A_513 = arith.constant 1.000000e+00 : f32
    %logistic3A_514 = vector.broadcast %logistic3A_513 : f32 to vector<640x32xf32>
    %logistic3A_515 = arith.addf %logistic3A_514, %logistic3A_512 : vector<640x32xf32>
    %logistic3A_516 = arith.divf %logistic3A_514, %logistic3A_515 : vector<640x32xf32>
    %dot_general3A_517 = arith.constant dense<0.000000e+00> : vector<640x32xf32>
    %dot_general3A_518 = tpu.matmul %slice3A_501, %get3A_36, %dot_general3A_517 {dimension_numbers = #tpu.dot_dimension_numbers<[1], [0], [0], [1], [0, 0, 1, 1], [], []>, transpose_lhs_hint = false} : vector<640x32xf32>, vector<32x32xf32>, vector<640x32xf32> -> vector<640x32xf32>
    %dot_general3A_519 = arith.constant dense<0.000000e+00> : vector<640x32xf32>
    %dot_general3A_520 = tpu.matmul %add3A_474, %get3A_39, %dot_general3A_519 {dimension_numbers = #tpu.dot_dimension_numbers<[1], [0], [0], [1], [0, 0, 1, 1], [], []>, transpose_lhs_hint = false} : vector<640x32xf32>, vector<32x32xf32>, vector<640x32xf32> -> vector<640x32xf32>
    %add3A_521 = arith.addf %dot_general3A_518, %dot_general3A_520 : vector<640x32xf32>
    %broadcast_in_dim3A_522 = vector.shape_cast %get3A_41 : vector<32xf32> to vector<1x32xf32>
    %add3A_523 = vector.broadcast %broadcast_in_dim3A_522 : vector<1x32xf32> to vector<640x32xf32>
    %add3A_524 = arith.addf %add3A_521, %add3A_523 : vector<640x32xf32>
    %logistic3A_525 = arith.negf %add3A_524 : vector<640x32xf32>
    %logistic3A_526 = math.exp %logistic3A_525 : vector<640x32xf32>
    %logistic3A_527 = arith.constant 1.000000e+00 : f32
    %logistic3A_528 = vector.broadcast %logistic3A_527 : f32 to vector<640x32xf32>
    %logistic3A_529 = arith.addf %logistic3A_528, %logistic3A_526 : vector<640x32xf32>
    %logistic3A_530 = arith.divf %logistic3A_528, %logistic3A_529 : vector<640x32xf32>
    %dot_general3A_531 = arith.constant dense<0.000000e+00> : vector<640x32xf32>
    %dot_general3A_532 = tpu.matmul %slice3A_502, %get3A_44, %dot_general3A_531 {dimension_numbers = #tpu.dot_dimension_numbers<[1], [0], [0], [1], [0, 0, 1, 1], [], []>, transpose_lhs_hint = false} : vector<640x32xf32>, vector<32x32xf32>, vector<640x32xf32> -> vector<640x32xf32>
    %mul3A_533 = arith.mulf %add3A_474, %logistic3A_530 : vector<640x32xf32>
    %dot_general3A_534 = arith.constant dense<0.000000e+00> : vector<640x32xf32>
    %dot_general3A_535 = tpu.matmul %mul3A_533, %get3A_47, %dot_general3A_534 {dimension_numbers = #tpu.dot_dimension_numbers<[1], [0], [0], [1], [0, 0, 1, 1], [], []>, transpose_lhs_hint = false} : vector<640x32xf32>, vector<32x32xf32>, vector<640x32xf32> -> vector<640x32xf32>
    %add3A_536 = arith.addf %dot_general3A_532, %dot_general3A_535 : vector<640x32xf32>
    %broadcast_in_dim3A_537 = vector.shape_cast %get3A_49 : vector<32xf32> to vector<1x32xf32>
    %add3A_538 = vector.broadcast %broadcast_in_dim3A_537 : vector<1x32xf32> to vector<640x32xf32>
    %add3A_539 = arith.addf %add3A_536, %add3A_538 : vector<640x32xf32>
    %tanh3A_540 = math.tanh %add3A_539 : vector<640x32xf32>
    %mul3A_541 = arith.mulf %logistic3A_516, %add3A_474 : vector<640x32xf32>
    %sub3A_542 = arith.constant 1.000000e+00 : f32
    %sub3A_543 = vector.broadcast %sub3A_542 : f32 to vector<640x32xf32>
    %sub3A_544 = arith.subf %sub3A_543, %logistic3A_516 : vector<640x32xf32>
    %mul3A_545 = arith.mulf %sub3A_544, %tanh3A_540 : vector<640x32xf32>
    %add3A_546 = arith.addf %mul3A_541, %mul3A_545 : vector<640x32xf32>
    %slice3A_547 = vector.extract_strided_slice %div3A_10 {offsets = [6], sizes = [1], strides = [1]} : vector<12xf32> to vector<1xf32>
    %broadcast_in_dim3A_548 = vector.shape_cast %slice3A_547 : vector<1xf32> to vector<1x1xf32>
    %mul3A_549 = vector.broadcast %broadcast_in_dim3A_548 : vector<1x1xf32> to vector<640x32xf32>
    %mul3A_550 = arith.mulf %mul3A_549, %add3A_546 : vector<640x32xf32>
    %add3A_551 = arith.addf %add3A_479, %mul3A_550 : vector<640x32xf32>
    %get3A_552 = arith.constant 3 : index
    %get3A_553 = arith.constant 0 : index
    %get3A_554 = arith.constant 0 : index
    %get3A_555 = vector.load %arg1[%get3A_552, %get3A_553, %get3A_554] : memref<6x640x256xbf16, #tpu.memory_space<vmem>>, vector<1x640x256xbf16>
    %get3A_556 = vector.shape_cast %get3A_555 : vector<1x640x256xbf16> to vector<640x256xbf16>
    %slice3A_557 = vector.extract_strided_slice %get3A_556 {offsets = [0, 128], sizes = [640, 96], strides = [1, 1]} : vector<640x256xbf16> to vector<640x96xbf16>
    %convert_element_type3A_558 = arith.extf %slice3A_557 : vector<640x96xbf16> to vector<640x96xf32>
    %get3A_559 = arith.constant 3 : index
    %get3A_560 = arith.constant 0 : index
    %get3A_561 = arith.constant 0 : index
    %get3A_562 = vector.load %arg2[%get3A_559, %get3A_560, %get3A_561] : memref<6x640x256xbf16, #tpu.memory_space<vmem>>, vector<1x640x256xbf16>
    %get3A_563 = vector.shape_cast %get3A_562 : vector<1x640x256xbf16> to vector<640x256xbf16>
    %slice3A_564 = vector.extract_strided_slice %get3A_563 {offsets = [0, 128], sizes = [640, 96], strides = [1, 1]} : vector<640x256xbf16> to vector<640x96xbf16>
    %convert_element_type3A_565 = arith.extf %slice3A_564 : vector<640x96xbf16> to vector<640x96xf32>
    %add3A_566 = arith.addf %convert_element_type3A_558, %convert_element_type3A_565 : vector<640x96xf32>
    %mul3A_567 = vector.broadcast %broadcast_in_dim3A : vector<640x1xf32> to vector<640x96xf32>
    %mul3A_568 = arith.mulf %mul3A_567, %add3A_566 : vector<640x96xf32>
    %broadcast_in_dim3A_569 = vector.shape_cast %get3A_25 : vector<96xf32> to vector<1x96xf32>
    %add3A_570 = vector.broadcast %broadcast_in_dim3A_569 : vector<1x96xf32> to vector<640x96xf32>
    %add3A_571 = arith.addf %mul3A_568, %add3A_570 : vector<640x96xf32>
    %slice3A_572 = vector.extract_strided_slice %add3A_571 {offsets = [0, 0], sizes = [640, 32], strides = [1, 1]} : vector<640x96xf32> to vector<640x32xf32>
    %slice3A_573 = vector.extract_strided_slice %add3A_571 {offsets = [0, 32], sizes = [640, 32], strides = [1, 1]} : vector<640x96xf32> to vector<640x32xf32>
    %slice3A_574 = vector.extract_strided_slice %add3A_571 {offsets = [0, 64], sizes = [640, 32], strides = [1, 1]} : vector<640x96xf32> to vector<640x32xf32>
    %dot_general3A_575 = arith.constant dense<0.000000e+00> : vector<640x32xf32>
    %dot_general3A_576 = tpu.matmul %slice3A_572, %get3A_28, %dot_general3A_575 {dimension_numbers = #tpu.dot_dimension_numbers<[1], [0], [0], [1], [0, 0, 1, 1], [], []>, transpose_lhs_hint = false} : vector<640x32xf32>, vector<32x32xf32>, vector<640x32xf32> -> vector<640x32xf32>
    %dot_general3A_577 = arith.constant dense<0.000000e+00> : vector<640x32xf32>
    %dot_general3A_578 = tpu.matmul %add3A_546, %get3A_31, %dot_general3A_577 {dimension_numbers = #tpu.dot_dimension_numbers<[1], [0], [0], [1], [0, 0, 1, 1], [], []>, transpose_lhs_hint = false} : vector<640x32xf32>, vector<32x32xf32>, vector<640x32xf32> -> vector<640x32xf32>
    %add3A_579 = arith.addf %dot_general3A_576, %dot_general3A_578 : vector<640x32xf32>
    %broadcast_in_dim3A_580 = vector.shape_cast %get3A_33 : vector<32xf32> to vector<1x32xf32>
    %add3A_581 = vector.broadcast %broadcast_in_dim3A_580 : vector<1x32xf32> to vector<640x32xf32>
    %add3A_582 = arith.addf %add3A_579, %add3A_581 : vector<640x32xf32>
    %logistic3A_583 = arith.negf %add3A_582 : vector<640x32xf32>
    %logistic3A_584 = math.exp %logistic3A_583 : vector<640x32xf32>
    %logistic3A_585 = arith.constant 1.000000e+00 : f32
    %logistic3A_586 = vector.broadcast %logistic3A_585 : f32 to vector<640x32xf32>
    %logistic3A_587 = arith.addf %logistic3A_586, %logistic3A_584 : vector<640x32xf32>
    %logistic3A_588 = arith.divf %logistic3A_586, %logistic3A_587 : vector<640x32xf32>
    %dot_general3A_589 = arith.constant dense<0.000000e+00> : vector<640x32xf32>
    %dot_general3A_590 = tpu.matmul %slice3A_573, %get3A_36, %dot_general3A_589 {dimension_numbers = #tpu.dot_dimension_numbers<[1], [0], [0], [1], [0, 0, 1, 1], [], []>, transpose_lhs_hint = false} : vector<640x32xf32>, vector<32x32xf32>, vector<640x32xf32> -> vector<640x32xf32>
    %dot_general3A_591 = arith.constant dense<0.000000e+00> : vector<640x32xf32>
    %dot_general3A_592 = tpu.matmul %add3A_546, %get3A_39, %dot_general3A_591 {dimension_numbers = #tpu.dot_dimension_numbers<[1], [0], [0], [1], [0, 0, 1, 1], [], []>, transpose_lhs_hint = false} : vector<640x32xf32>, vector<32x32xf32>, vector<640x32xf32> -> vector<640x32xf32>
    %add3A_593 = arith.addf %dot_general3A_590, %dot_general3A_592 : vector<640x32xf32>
    %broadcast_in_dim3A_594 = vector.shape_cast %get3A_41 : vector<32xf32> to vector<1x32xf32>
    %add3A_595 = vector.broadcast %broadcast_in_dim3A_594 : vector<1x32xf32> to vector<640x32xf32>
    %add3A_596 = arith.addf %add3A_593, %add3A_595 : vector<640x32xf32>
    %logistic3A_597 = arith.negf %add3A_596 : vector<640x32xf32>
    %logistic3A_598 = math.exp %logistic3A_597 : vector<640x32xf32>
    %logistic3A_599 = arith.constant 1.000000e+00 : f32
    %logistic3A_600 = vector.broadcast %logistic3A_599 : f32 to vector<640x32xf32>
    %logistic3A_601 = arith.addf %logistic3A_600, %logistic3A_598 : vector<640x32xf32>
    %logistic3A_602 = arith.divf %logistic3A_600, %logistic3A_601 : vector<640x32xf32>
    %dot_general3A_603 = arith.constant dense<0.000000e+00> : vector<640x32xf32>
    %dot_general3A_604 = tpu.matmul %slice3A_574, %get3A_44, %dot_general3A_603 {dimension_numbers = #tpu.dot_dimension_numbers<[1], [0], [0], [1], [0, 0, 1, 1], [], []>, transpose_lhs_hint = false} : vector<640x32xf32>, vector<32x32xf32>, vector<640x32xf32> -> vector<640x32xf32>
    %mul3A_605 = arith.mulf %add3A_546, %logistic3A_602 : vector<640x32xf32>
    %dot_general3A_606 = arith.constant dense<0.000000e+00> : vector<640x32xf32>
    %dot_general3A_607 = tpu.matmul %mul3A_605, %get3A_47, %dot_general3A_606 {dimension_numbers = #tpu.dot_dimension_numbers<[1], [0], [0], [1], [0, 0, 1, 1], [], []>, transpose_lhs_hint = false} : vector<640x32xf32>, vector<32x32xf32>, vector<640x32xf32> -> vector<640x32xf32>
    %add3A_608 = arith.addf %dot_general3A_604, %dot_general3A_607 : vector<640x32xf32>
    %broadcast_in_dim3A_609 = vector.shape_cast %get3A_49 : vector<32xf32> to vector<1x32xf32>
    %add3A_610 = vector.broadcast %broadcast_in_dim3A_609 : vector<1x32xf32> to vector<640x32xf32>
    %add3A_611 = arith.addf %add3A_608, %add3A_610 : vector<640x32xf32>
    %tanh3A_612 = math.tanh %add3A_611 : vector<640x32xf32>
    %mul3A_613 = arith.mulf %logistic3A_588, %add3A_546 : vector<640x32xf32>
    %sub3A_614 = arith.constant 1.000000e+00 : f32
    %sub3A_615 = vector.broadcast %sub3A_614 : f32 to vector<640x32xf32>
    %sub3A_616 = arith.subf %sub3A_615, %logistic3A_588 : vector<640x32xf32>
    %mul3A_617 = arith.mulf %sub3A_616, %tanh3A_612 : vector<640x32xf32>
    %add3A_618 = arith.addf %mul3A_613, %mul3A_617 : vector<640x32xf32>
    %slice3A_619 = vector.extract_strided_slice %div3A_10 {offsets = [7], sizes = [1], strides = [1]} : vector<12xf32> to vector<1xf32>
    %broadcast_in_dim3A_620 = vector.shape_cast %slice3A_619 : vector<1xf32> to vector<1x1xf32>
    %mul3A_621 = vector.broadcast %broadcast_in_dim3A_620 : vector<1x1xf32> to vector<640x32xf32>
    %mul3A_622 = arith.mulf %mul3A_621, %add3A_618 : vector<640x32xf32>
    %add3A_623 = arith.addf %add3A_551, %mul3A_622 : vector<640x32xf32>
    %get3A_624 = arith.constant 4 : index
    %get3A_625 = arith.constant 0 : index
    %get3A_626 = arith.constant 0 : index
    %get3A_627 = vector.load %arg1[%get3A_624, %get3A_625, %get3A_626] : memref<6x640x256xbf16, #tpu.memory_space<vmem>>, vector<1x640x256xbf16>
    %get3A_628 = vector.shape_cast %get3A_627 : vector<1x640x256xbf16> to vector<640x256xbf16>
    %slice3A_629 = vector.extract_strided_slice %get3A_628 {offsets = [0, 0], sizes = [640, 96], strides = [1, 1]} : vector<640x256xbf16> to vector<640x96xbf16>
    %convert_element_type3A_630 = arith.extf %slice3A_629 : vector<640x96xbf16> to vector<640x96xf32>
    %get3A_631 = arith.constant 4 : index
    %get3A_632 = arith.constant 0 : index
    %get3A_633 = arith.constant 0 : index
    %get3A_634 = vector.load %arg2[%get3A_631, %get3A_632, %get3A_633] : memref<6x640x256xbf16, #tpu.memory_space<vmem>>, vector<1x640x256xbf16>
    %get3A_635 = vector.shape_cast %get3A_634 : vector<1x640x256xbf16> to vector<640x256xbf16>
    %slice3A_636 = vector.extract_strided_slice %get3A_635 {offsets = [0, 0], sizes = [640, 96], strides = [1, 1]} : vector<640x256xbf16> to vector<640x96xbf16>
    %convert_element_type3A_637 = arith.extf %slice3A_636 : vector<640x96xbf16> to vector<640x96xf32>
    %add3A_638 = arith.addf %convert_element_type3A_630, %convert_element_type3A_637 : vector<640x96xf32>
    %mul3A_639 = vector.broadcast %broadcast_in_dim3A : vector<640x1xf32> to vector<640x96xf32>
    %mul3A_640 = arith.mulf %mul3A_639, %add3A_638 : vector<640x96xf32>
    %broadcast_in_dim3A_641 = vector.shape_cast %get3A_25 : vector<96xf32> to vector<1x96xf32>
    %add3A_642 = vector.broadcast %broadcast_in_dim3A_641 : vector<1x96xf32> to vector<640x96xf32>
    %add3A_643 = arith.addf %mul3A_640, %add3A_642 : vector<640x96xf32>
    %slice3A_644 = vector.extract_strided_slice %add3A_643 {offsets = [0, 0], sizes = [640, 32], strides = [1, 1]} : vector<640x96xf32> to vector<640x32xf32>
    %slice3A_645 = vector.extract_strided_slice %add3A_643 {offsets = [0, 32], sizes = [640, 32], strides = [1, 1]} : vector<640x96xf32> to vector<640x32xf32>
    %slice3A_646 = vector.extract_strided_slice %add3A_643 {offsets = [0, 64], sizes = [640, 32], strides = [1, 1]} : vector<640x96xf32> to vector<640x32xf32>
    %dot_general3A_647 = arith.constant dense<0.000000e+00> : vector<640x32xf32>
    %dot_general3A_648 = tpu.matmul %slice3A_644, %get3A_28, %dot_general3A_647 {dimension_numbers = #tpu.dot_dimension_numbers<[1], [0], [0], [1], [0, 0, 1, 1], [], []>, transpose_lhs_hint = false} : vector<640x32xf32>, vector<32x32xf32>, vector<640x32xf32> -> vector<640x32xf32>
    %dot_general3A_649 = arith.constant dense<0.000000e+00> : vector<640x32xf32>
    %dot_general3A_650 = tpu.matmul %add3A_618, %get3A_31, %dot_general3A_649 {dimension_numbers = #tpu.dot_dimension_numbers<[1], [0], [0], [1], [0, 0, 1, 1], [], []>, transpose_lhs_hint = false} : vector<640x32xf32>, vector<32x32xf32>, vector<640x32xf32> -> vector<640x32xf32>
    %add3A_651 = arith.addf %dot_general3A_648, %dot_general3A_650 : vector<640x32xf32>
    %broadcast_in_dim3A_652 = vector.shape_cast %get3A_33 : vector<32xf32> to vector<1x32xf32>
    %add3A_653 = vector.broadcast %broadcast_in_dim3A_652 : vector<1x32xf32> to vector<640x32xf32>
    %add3A_654 = arith.addf %add3A_651, %add3A_653 : vector<640x32xf32>
    %logistic3A_655 = arith.negf %add3A_654 : vector<640x32xf32>
    %logistic3A_656 = math.exp %logistic3A_655 : vector<640x32xf32>
    %logistic3A_657 = arith.constant 1.000000e+00 : f32
    %logistic3A_658 = vector.broadcast %logistic3A_657 : f32 to vector<640x32xf32>
    %logistic3A_659 = arith.addf %logistic3A_658, %logistic3A_656 : vector<640x32xf32>
    %logistic3A_660 = arith.divf %logistic3A_658, %logistic3A_659 : vector<640x32xf32>
    %dot_general3A_661 = arith.constant dense<0.000000e+00> : vector<640x32xf32>
    %dot_general3A_662 = tpu.matmul %slice3A_645, %get3A_36, %dot_general3A_661 {dimension_numbers = #tpu.dot_dimension_numbers<[1], [0], [0], [1], [0, 0, 1, 1], [], []>, transpose_lhs_hint = false} : vector<640x32xf32>, vector<32x32xf32>, vector<640x32xf32> -> vector<640x32xf32>
    %dot_general3A_663 = arith.constant dense<0.000000e+00> : vector<640x32xf32>
    %dot_general3A_664 = tpu.matmul %add3A_618, %get3A_39, %dot_general3A_663 {dimension_numbers = #tpu.dot_dimension_numbers<[1], [0], [0], [1], [0, 0, 1, 1], [], []>, transpose_lhs_hint = false} : vector<640x32xf32>, vector<32x32xf32>, vector<640x32xf32> -> vector<640x32xf32>
    %add3A_665 = arith.addf %dot_general3A_662, %dot_general3A_664 : vector<640x32xf32>
    %broadcast_in_dim3A_666 = vector.shape_cast %get3A_41 : vector<32xf32> to vector<1x32xf32>
    %add3A_667 = vector.broadcast %broadcast_in_dim3A_666 : vector<1x32xf32> to vector<640x32xf32>
    %add3A_668 = arith.addf %add3A_665, %add3A_667 : vector<640x32xf32>
    %logistic3A_669 = arith.negf %add3A_668 : vector<640x32xf32>
    %logistic3A_670 = math.exp %logistic3A_669 : vector<640x32xf32>
    %logistic3A_671 = arith.constant 1.000000e+00 : f32
    %logistic3A_672 = vector.broadcast %logistic3A_671 : f32 to vector<640x32xf32>
    %logistic3A_673 = arith.addf %logistic3A_672, %logistic3A_670 : vector<640x32xf32>
    %logistic3A_674 = arith.divf %logistic3A_672, %logistic3A_673 : vector<640x32xf32>
    %dot_general3A_675 = arith.constant dense<0.000000e+00> : vector<640x32xf32>
    %dot_general3A_676 = tpu.matmul %slice3A_646, %get3A_44, %dot_general3A_675 {dimension_numbers = #tpu.dot_dimension_numbers<[1], [0], [0], [1], [0, 0, 1, 1], [], []>, transpose_lhs_hint = false} : vector<640x32xf32>, vector<32x32xf32>, vector<640x32xf32> -> vector<640x32xf32>
    %mul3A_677 = arith.mulf %add3A_618, %logistic3A_674 : vector<640x32xf32>
    %dot_general3A_678 = arith.constant dense<0.000000e+00> : vector<640x32xf32>
    %dot_general3A_679 = tpu.matmul %mul3A_677, %get3A_47, %dot_general3A_678 {dimension_numbers = #tpu.dot_dimension_numbers<[1], [0], [0], [1], [0, 0, 1, 1], [], []>, transpose_lhs_hint = false} : vector<640x32xf32>, vector<32x32xf32>, vector<640x32xf32> -> vector<640x32xf32>
    %add3A_680 = arith.addf %dot_general3A_676, %dot_general3A_679 : vector<640x32xf32>
    %broadcast_in_dim3A_681 = vector.shape_cast %get3A_49 : vector<32xf32> to vector<1x32xf32>
    %add3A_682 = vector.broadcast %broadcast_in_dim3A_681 : vector<1x32xf32> to vector<640x32xf32>
    %add3A_683 = arith.addf %add3A_680, %add3A_682 : vector<640x32xf32>
    %tanh3A_684 = math.tanh %add3A_683 : vector<640x32xf32>
    %mul3A_685 = arith.mulf %logistic3A_660, %add3A_618 : vector<640x32xf32>
    %sub3A_686 = arith.constant 1.000000e+00 : f32
    %sub3A_687 = vector.broadcast %sub3A_686 : f32 to vector<640x32xf32>
    %sub3A_688 = arith.subf %sub3A_687, %logistic3A_660 : vector<640x32xf32>
    %mul3A_689 = arith.mulf %sub3A_688, %tanh3A_684 : vector<640x32xf32>
    %add3A_690 = arith.addf %mul3A_685, %mul3A_689 : vector<640x32xf32>
    %slice3A_691 = vector.extract_strided_slice %div3A_10 {offsets = [8], sizes = [1], strides = [1]} : vector<12xf32> to vector<1xf32>
    %broadcast_in_dim3A_692 = vector.shape_cast %slice3A_691 : vector<1xf32> to vector<1x1xf32>
    %mul3A_693 = vector.broadcast %broadcast_in_dim3A_692 : vector<1x1xf32> to vector<640x32xf32>
    %mul3A_694 = arith.mulf %mul3A_693, %add3A_690 : vector<640x32xf32>
    %add3A_695 = arith.addf %add3A_623, %mul3A_694 : vector<640x32xf32>
    %get3A_696 = arith.constant 4 : index
    %get3A_697 = arith.constant 0 : index
    %get3A_698 = arith.constant 0 : index
    %get3A_699 = vector.load %arg1[%get3A_696, %get3A_697, %get3A_698] : memref<6x640x256xbf16, #tpu.memory_space<vmem>>, vector<1x640x256xbf16>
    %get3A_700 = vector.shape_cast %get3A_699 : vector<1x640x256xbf16> to vector<640x256xbf16>
    %slice3A_701 = vector.extract_strided_slice %get3A_700 {offsets = [0, 128], sizes = [640, 96], strides = [1, 1]} : vector<640x256xbf16> to vector<640x96xbf16>
    %convert_element_type3A_702 = arith.extf %slice3A_701 : vector<640x96xbf16> to vector<640x96xf32>
    %get3A_703 = arith.constant 4 : index
    %get3A_704 = arith.constant 0 : index
    %get3A_705 = arith.constant 0 : index
    %get3A_706 = vector.load %arg2[%get3A_703, %get3A_704, %get3A_705] : memref<6x640x256xbf16, #tpu.memory_space<vmem>>, vector<1x640x256xbf16>
    %get3A_707 = vector.shape_cast %get3A_706 : vector<1x640x256xbf16> to vector<640x256xbf16>
    %slice3A_708 = vector.extract_strided_slice %get3A_707 {offsets = [0, 128], sizes = [640, 96], strides = [1, 1]} : vector<640x256xbf16> to vector<640x96xbf16>
    %convert_element_type3A_709 = arith.extf %slice3A_708 : vector<640x96xbf16> to vector<640x96xf32>
    %add3A_710 = arith.addf %convert_element_type3A_702, %convert_element_type3A_709 : vector<640x96xf32>
    %mul3A_711 = vector.broadcast %broadcast_in_dim3A : vector<640x1xf32> to vector<640x96xf32>
    %mul3A_712 = arith.mulf %mul3A_711, %add3A_710 : vector<640x96xf32>
    %broadcast_in_dim3A_713 = vector.shape_cast %get3A_25 : vector<96xf32> to vector<1x96xf32>
    %add3A_714 = vector.broadcast %broadcast_in_dim3A_713 : vector<1x96xf32> to vector<640x96xf32>
    %add3A_715 = arith.addf %mul3A_712, %add3A_714 : vector<640x96xf32>
    %slice3A_716 = vector.extract_strided_slice %add3A_715 {offsets = [0, 0], sizes = [640, 32], strides = [1, 1]} : vector<640x96xf32> to vector<640x32xf32>
    %slice3A_717 = vector.extract_strided_slice %add3A_715 {offsets = [0, 32], sizes = [640, 32], strides = [1, 1]} : vector<640x96xf32> to vector<640x32xf32>
    %slice3A_718 = vector.extract_strided_slice %add3A_715 {offsets = [0, 64], sizes = [640, 32], strides = [1, 1]} : vector<640x96xf32> to vector<640x32xf32>
    %dot_general3A_719 = arith.constant dense<0.000000e+00> : vector<640x32xf32>
    %dot_general3A_720 = tpu.matmul %slice3A_716, %get3A_28, %dot_general3A_719 {dimension_numbers = #tpu.dot_dimension_numbers<[1], [0], [0], [1], [0, 0, 1, 1], [], []>, transpose_lhs_hint = false} : vector<640x32xf32>, vector<32x32xf32>, vector<640x32xf32> -> vector<640x32xf32>
    %dot_general3A_721 = arith.constant dense<0.000000e+00> : vector<640x32xf32>
    %dot_general3A_722 = tpu.matmul %add3A_690, %get3A_31, %dot_general3A_721 {dimension_numbers = #tpu.dot_dimension_numbers<[1], [0], [0], [1], [0, 0, 1, 1], [], []>, transpose_lhs_hint = false} : vector<640x32xf32>, vector<32x32xf32>, vector<640x32xf32> -> vector<640x32xf32>
    %add3A_723 = arith.addf %dot_general3A_720, %dot_general3A_722 : vector<640x32xf32>
    %broadcast_in_dim3A_724 = vector.shape_cast %get3A_33 : vector<32xf32> to vector<1x32xf32>
    %add3A_725 = vector.broadcast %broadcast_in_dim3A_724 : vector<1x32xf32> to vector<640x32xf32>
    %add3A_726 = arith.addf %add3A_723, %add3A_725 : vector<640x32xf32>
    %logistic3A_727 = arith.negf %add3A_726 : vector<640x32xf32>
    %logistic3A_728 = math.exp %logistic3A_727 : vector<640x32xf32>
    %logistic3A_729 = arith.constant 1.000000e+00 : f32
    %logistic3A_730 = vector.broadcast %logistic3A_729 : f32 to vector<640x32xf32>
    %logistic3A_731 = arith.addf %logistic3A_730, %logistic3A_728 : vector<640x32xf32>
    %logistic3A_732 = arith.divf %logistic3A_730, %logistic3A_731 : vector<640x32xf32>
    %dot_general3A_733 = arith.constant dense<0.000000e+00> : vector<640x32xf32>
    %dot_general3A_734 = tpu.matmul %slice3A_717, %get3A_36, %dot_general3A_733 {dimension_numbers = #tpu.dot_dimension_numbers<[1], [0], [0], [1], [0, 0, 1, 1], [], []>, transpose_lhs_hint = false} : vector<640x32xf32>, vector<32x32xf32>, vector<640x32xf32> -> vector<640x32xf32>
    %dot_general3A_735 = arith.constant dense<0.000000e+00> : vector<640x32xf32>
    %dot_general3A_736 = tpu.matmul %add3A_690, %get3A_39, %dot_general3A_735 {dimension_numbers = #tpu.dot_dimension_numbers<[1], [0], [0], [1], [0, 0, 1, 1], [], []>, transpose_lhs_hint = false} : vector<640x32xf32>, vector<32x32xf32>, vector<640x32xf32> -> vector<640x32xf32>
    %add3A_737 = arith.addf %dot_general3A_734, %dot_general3A_736 : vector<640x32xf32>
    %broadcast_in_dim3A_738 = vector.shape_cast %get3A_41 : vector<32xf32> to vector<1x32xf32>
    %add3A_739 = vector.broadcast %broadcast_in_dim3A_738 : vector<1x32xf32> to vector<640x32xf32>
    %add3A_740 = arith.addf %add3A_737, %add3A_739 : vector<640x32xf32>
    %logistic3A_741 = arith.negf %add3A_740 : vector<640x32xf32>
    %logistic3A_742 = math.exp %logistic3A_741 : vector<640x32xf32>
    %logistic3A_743 = arith.constant 1.000000e+00 : f32
    %logistic3A_744 = vector.broadcast %logistic3A_743 : f32 to vector<640x32xf32>
    %logistic3A_745 = arith.addf %logistic3A_744, %logistic3A_742 : vector<640x32xf32>
    %logistic3A_746 = arith.divf %logistic3A_744, %logistic3A_745 : vector<640x32xf32>
    %dot_general3A_747 = arith.constant dense<0.000000e+00> : vector<640x32xf32>
    %dot_general3A_748 = tpu.matmul %slice3A_718, %get3A_44, %dot_general3A_747 {dimension_numbers = #tpu.dot_dimension_numbers<[1], [0], [0], [1], [0, 0, 1, 1], [], []>, transpose_lhs_hint = false} : vector<640x32xf32>, vector<32x32xf32>, vector<640x32xf32> -> vector<640x32xf32>
    %mul3A_749 = arith.mulf %add3A_690, %logistic3A_746 : vector<640x32xf32>
    %dot_general3A_750 = arith.constant dense<0.000000e+00> : vector<640x32xf32>
    %dot_general3A_751 = tpu.matmul %mul3A_749, %get3A_47, %dot_general3A_750 {dimension_numbers = #tpu.dot_dimension_numbers<[1], [0], [0], [1], [0, 0, 1, 1], [], []>, transpose_lhs_hint = false} : vector<640x32xf32>, vector<32x32xf32>, vector<640x32xf32> -> vector<640x32xf32>
    %add3A_752 = arith.addf %dot_general3A_748, %dot_general3A_751 : vector<640x32xf32>
    %broadcast_in_dim3A_753 = vector.shape_cast %get3A_49 : vector<32xf32> to vector<1x32xf32>
    %add3A_754 = vector.broadcast %broadcast_in_dim3A_753 : vector<1x32xf32> to vector<640x32xf32>
    %add3A_755 = arith.addf %add3A_752, %add3A_754 : vector<640x32xf32>
    %tanh3A_756 = math.tanh %add3A_755 : vector<640x32xf32>
    %mul3A_757 = arith.mulf %logistic3A_732, %add3A_690 : vector<640x32xf32>
    %sub3A_758 = arith.constant 1.000000e+00 : f32
    %sub3A_759 = vector.broadcast %sub3A_758 : f32 to vector<640x32xf32>
    %sub3A_760 = arith.subf %sub3A_759, %logistic3A_732 : vector<640x32xf32>
    %mul3A_761 = arith.mulf %sub3A_760, %tanh3A_756 : vector<640x32xf32>
    %add3A_762 = arith.addf %mul3A_757, %mul3A_761 : vector<640x32xf32>
    %slice3A_763 = vector.extract_strided_slice %div3A_10 {offsets = [9], sizes = [1], strides = [1]} : vector<12xf32> to vector<1xf32>
    %broadcast_in_dim3A_764 = vector.shape_cast %slice3A_763 : vector<1xf32> to vector<1x1xf32>
    %mul3A_765 = vector.broadcast %broadcast_in_dim3A_764 : vector<1x1xf32> to vector<640x32xf32>
    %mul3A_766 = arith.mulf %mul3A_765, %add3A_762 : vector<640x32xf32>
    %add3A_767 = arith.addf %add3A_695, %mul3A_766 : vector<640x32xf32>
    %get3A_768 = arith.constant 5 : index
    %get3A_769 = arith.constant 0 : index
    %get3A_770 = arith.constant 0 : index
    %get3A_771 = vector.load %arg1[%get3A_768, %get3A_769, %get3A_770] : memref<6x640x256xbf16, #tpu.memory_space<vmem>>, vector<1x640x256xbf16>
    %get3A_772 = vector.shape_cast %get3A_771 : vector<1x640x256xbf16> to vector<640x256xbf16>
    %slice3A_773 = vector.extract_strided_slice %get3A_772 {offsets = [0, 0], sizes = [640, 96], strides = [1, 1]} : vector<640x256xbf16> to vector<640x96xbf16>
    %convert_element_type3A_774 = arith.extf %slice3A_773 : vector<640x96xbf16> to vector<640x96xf32>
    %get3A_775 = arith.constant 5 : index
    %get3A_776 = arith.constant 0 : index
    %get3A_777 = arith.constant 0 : index
    %get3A_778 = vector.load %arg2[%get3A_775, %get3A_776, %get3A_777] : memref<6x640x256xbf16, #tpu.memory_space<vmem>>, vector<1x640x256xbf16>
    %get3A_779 = vector.shape_cast %get3A_778 : vector<1x640x256xbf16> to vector<640x256xbf16>
    %slice3A_780 = vector.extract_strided_slice %get3A_779 {offsets = [0, 0], sizes = [640, 96], strides = [1, 1]} : vector<640x256xbf16> to vector<640x96xbf16>
    %convert_element_type3A_781 = arith.extf %slice3A_780 : vector<640x96xbf16> to vector<640x96xf32>
    %add3A_782 = arith.addf %convert_element_type3A_774, %convert_element_type3A_781 : vector<640x96xf32>
    %mul3A_783 = vector.broadcast %broadcast_in_dim3A : vector<640x1xf32> to vector<640x96xf32>
    %mul3A_784 = arith.mulf %mul3A_783, %add3A_782 : vector<640x96xf32>
    %broadcast_in_dim3A_785 = vector.shape_cast %get3A_25 : vector<96xf32> to vector<1x96xf32>
    %add3A_786 = vector.broadcast %broadcast_in_dim3A_785 : vector<1x96xf32> to vector<640x96xf32>
    %add3A_787 = arith.addf %mul3A_784, %add3A_786 : vector<640x96xf32>
    %slice3A_788 = vector.extract_strided_slice %add3A_787 {offsets = [0, 0], sizes = [640, 32], strides = [1, 1]} : vector<640x96xf32> to vector<640x32xf32>
    %slice3A_789 = vector.extract_strided_slice %add3A_787 {offsets = [0, 32], sizes = [640, 32], strides = [1, 1]} : vector<640x96xf32> to vector<640x32xf32>
    %slice3A_790 = vector.extract_strided_slice %add3A_787 {offsets = [0, 64], sizes = [640, 32], strides = [1, 1]} : vector<640x96xf32> to vector<640x32xf32>
    %dot_general3A_791 = arith.constant dense<0.000000e+00> : vector<640x32xf32>
    %dot_general3A_792 = tpu.matmul %slice3A_788, %get3A_28, %dot_general3A_791 {dimension_numbers = #tpu.dot_dimension_numbers<[1], [0], [0], [1], [0, 0, 1, 1], [], []>, transpose_lhs_hint = false} : vector<640x32xf32>, vector<32x32xf32>, vector<640x32xf32> -> vector<640x32xf32>
    %dot_general3A_793 = arith.constant dense<0.000000e+00> : vector<640x32xf32>
    %dot_general3A_794 = tpu.matmul %add3A_762, %get3A_31, %dot_general3A_793 {dimension_numbers = #tpu.dot_dimension_numbers<[1], [0], [0], [1], [0, 0, 1, 1], [], []>, transpose_lhs_hint = false} : vector<640x32xf32>, vector<32x32xf32>, vector<640x32xf32> -> vector<640x32xf32>
    %add3A_795 = arith.addf %dot_general3A_792, %dot_general3A_794 : vector<640x32xf32>
    %broadcast_in_dim3A_796 = vector.shape_cast %get3A_33 : vector<32xf32> to vector<1x32xf32>
    %add3A_797 = vector.broadcast %broadcast_in_dim3A_796 : vector<1x32xf32> to vector<640x32xf32>
    %add3A_798 = arith.addf %add3A_795, %add3A_797 : vector<640x32xf32>
    %logistic3A_799 = arith.negf %add3A_798 : vector<640x32xf32>
    %logistic3A_800 = math.exp %logistic3A_799 : vector<640x32xf32>
    %logistic3A_801 = arith.constant 1.000000e+00 : f32
    %logistic3A_802 = vector.broadcast %logistic3A_801 : f32 to vector<640x32xf32>
    %logistic3A_803 = arith.addf %logistic3A_802, %logistic3A_800 : vector<640x32xf32>
    %logistic3A_804 = arith.divf %logistic3A_802, %logistic3A_803 : vector<640x32xf32>
    %dot_general3A_805 = arith.constant dense<0.000000e+00> : vector<640x32xf32>
    %dot_general3A_806 = tpu.matmul %slice3A_789, %get3A_36, %dot_general3A_805 {dimension_numbers = #tpu.dot_dimension_numbers<[1], [0], [0], [1], [0, 0, 1, 1], [], []>, transpose_lhs_hint = false} : vector<640x32xf32>, vector<32x32xf32>, vector<640x32xf32> -> vector<640x32xf32>
    %dot_general3A_807 = arith.constant dense<0.000000e+00> : vector<640x32xf32>
    %dot_general3A_808 = tpu.matmul %add3A_762, %get3A_39, %dot_general3A_807 {dimension_numbers = #tpu.dot_dimension_numbers<[1], [0], [0], [1], [0, 0, 1, 1], [], []>, transpose_lhs_hint = false} : vector<640x32xf32>, vector<32x32xf32>, vector<640x32xf32> -> vector<640x32xf32>
    %add3A_809 = arith.addf %dot_general3A_806, %dot_general3A_808 : vector<640x32xf32>
    %broadcast_in_dim3A_810 = vector.shape_cast %get3A_41 : vector<32xf32> to vector<1x32xf32>
    %add3A_811 = vector.broadcast %broadcast_in_dim3A_810 : vector<1x32xf32> to vector<640x32xf32>
    %add3A_812 = arith.addf %add3A_809, %add3A_811 : vector<640x32xf32>
    %logistic3A_813 = arith.negf %add3A_812 : vector<640x32xf32>
    %logistic3A_814 = math.exp %logistic3A_813 : vector<640x32xf32>
    %logistic3A_815 = arith.constant 1.000000e+00 : f32
    %logistic3A_816 = vector.broadcast %logistic3A_815 : f32 to vector<640x32xf32>
    %logistic3A_817 = arith.addf %logistic3A_816, %logistic3A_814 : vector<640x32xf32>
    %logistic3A_818 = arith.divf %logistic3A_816, %logistic3A_817 : vector<640x32xf32>
    %dot_general3A_819 = arith.constant dense<0.000000e+00> : vector<640x32xf32>
    %dot_general3A_820 = tpu.matmul %slice3A_790, %get3A_44, %dot_general3A_819 {dimension_numbers = #tpu.dot_dimension_numbers<[1], [0], [0], [1], [0, 0, 1, 1], [], []>, transpose_lhs_hint = false} : vector<640x32xf32>, vector<32x32xf32>, vector<640x32xf32> -> vector<640x32xf32>
    %mul3A_821 = arith.mulf %add3A_762, %logistic3A_818 : vector<640x32xf32>
    %dot_general3A_822 = arith.constant dense<0.000000e+00> : vector<640x32xf32>
    %dot_general3A_823 = tpu.matmul %mul3A_821, %get3A_47, %dot_general3A_822 {dimension_numbers = #tpu.dot_dimension_numbers<[1], [0], [0], [1], [0, 0, 1, 1], [], []>, transpose_lhs_hint = false} : vector<640x32xf32>, vector<32x32xf32>, vector<640x32xf32> -> vector<640x32xf32>
    %add3A_824 = arith.addf %dot_general3A_820, %dot_general3A_823 : vector<640x32xf32>
    %broadcast_in_dim3A_825 = vector.shape_cast %get3A_49 : vector<32xf32> to vector<1x32xf32>
    %add3A_826 = vector.broadcast %broadcast_in_dim3A_825 : vector<1x32xf32> to vector<640x32xf32>
    %add3A_827 = arith.addf %add3A_824, %add3A_826 : vector<640x32xf32>
    %tanh3A_828 = math.tanh %add3A_827 : vector<640x32xf32>
    %mul3A_829 = arith.mulf %logistic3A_804, %add3A_762 : vector<640x32xf32>
    %sub3A_830 = arith.constant 1.000000e+00 : f32
    %sub3A_831 = vector.broadcast %sub3A_830 : f32 to vector<640x32xf32>
    %sub3A_832 = arith.subf %sub3A_831, %logistic3A_804 : vector<640x32xf32>
    %mul3A_833 = arith.mulf %sub3A_832, %tanh3A_828 : vector<640x32xf32>
    %add3A_834 = arith.addf %mul3A_829, %mul3A_833 : vector<640x32xf32>
    %slice3A_835 = vector.extract_strided_slice %div3A_10 {offsets = [10], sizes = [1], strides = [1]} : vector<12xf32> to vector<1xf32>
    %broadcast_in_dim3A_836 = vector.shape_cast %slice3A_835 : vector<1xf32> to vector<1x1xf32>
    %mul3A_837 = vector.broadcast %broadcast_in_dim3A_836 : vector<1x1xf32> to vector<640x32xf32>
    %mul3A_838 = arith.mulf %mul3A_837, %add3A_834 : vector<640x32xf32>
    %add3A_839 = arith.addf %add3A_767, %mul3A_838 : vector<640x32xf32>
    %get3A_840 = arith.constant 5 : index
    %get3A_841 = arith.constant 0 : index
    %get3A_842 = arith.constant 0 : index
    %get3A_843 = vector.load %arg1[%get3A_840, %get3A_841, %get3A_842] : memref<6x640x256xbf16, #tpu.memory_space<vmem>>, vector<1x640x256xbf16>
    %get3A_844 = vector.shape_cast %get3A_843 : vector<1x640x256xbf16> to vector<640x256xbf16>
    %slice3A_845 = vector.extract_strided_slice %get3A_844 {offsets = [0, 128], sizes = [640, 96], strides = [1, 1]} : vector<640x256xbf16> to vector<640x96xbf16>
    %convert_element_type3A_846 = arith.extf %slice3A_845 : vector<640x96xbf16> to vector<640x96xf32>
    %get3A_847 = arith.constant 5 : index
    %get3A_848 = arith.constant 0 : index
    %get3A_849 = arith.constant 0 : index
    %get3A_850 = vector.load %arg2[%get3A_847, %get3A_848, %get3A_849] : memref<6x640x256xbf16, #tpu.memory_space<vmem>>, vector<1x640x256xbf16>
    %get3A_851 = vector.shape_cast %get3A_850 : vector<1x640x256xbf16> to vector<640x256xbf16>
    %slice3A_852 = vector.extract_strided_slice %get3A_851 {offsets = [0, 128], sizes = [640, 96], strides = [1, 1]} : vector<640x256xbf16> to vector<640x96xbf16>
    %convert_element_type3A_853 = arith.extf %slice3A_852 : vector<640x96xbf16> to vector<640x96xf32>
    %add3A_854 = arith.addf %convert_element_type3A_846, %convert_element_type3A_853 : vector<640x96xf32>
    %mul3A_855 = vector.broadcast %broadcast_in_dim3A : vector<640x1xf32> to vector<640x96xf32>
    %mul3A_856 = arith.mulf %mul3A_855, %add3A_854 : vector<640x96xf32>
    %broadcast_in_dim3A_857 = vector.shape_cast %get3A_25 : vector<96xf32> to vector<1x96xf32>
    %add3A_858 = vector.broadcast %broadcast_in_dim3A_857 : vector<1x96xf32> to vector<640x96xf32>
    %add3A_859 = arith.addf %mul3A_856, %add3A_858 : vector<640x96xf32>
    %slice3A_860 = vector.extract_strided_slice %add3A_859 {offsets = [0, 0], sizes = [640, 32], strides = [1, 1]} : vector<640x96xf32> to vector<640x32xf32>
    %slice3A_861 = vector.extract_strided_slice %add3A_859 {offsets = [0, 32], sizes = [640, 32], strides = [1, 1]} : vector<640x96xf32> to vector<640x32xf32>
    %slice3A_862 = vector.extract_strided_slice %add3A_859 {offsets = [0, 64], sizes = [640, 32], strides = [1, 1]} : vector<640x96xf32> to vector<640x32xf32>
    %dot_general3A_863 = arith.constant dense<0.000000e+00> : vector<640x32xf32>
    %dot_general3A_864 = tpu.matmul %slice3A_860, %get3A_28, %dot_general3A_863 {dimension_numbers = #tpu.dot_dimension_numbers<[1], [0], [0], [1], [0, 0, 1, 1], [], []>, transpose_lhs_hint = false} : vector<640x32xf32>, vector<32x32xf32>, vector<640x32xf32> -> vector<640x32xf32>
    %dot_general3A_865 = arith.constant dense<0.000000e+00> : vector<640x32xf32>
    %dot_general3A_866 = tpu.matmul %add3A_834, %get3A_31, %dot_general3A_865 {dimension_numbers = #tpu.dot_dimension_numbers<[1], [0], [0], [1], [0, 0, 1, 1], [], []>, transpose_lhs_hint = false} : vector<640x32xf32>, vector<32x32xf32>, vector<640x32xf32> -> vector<640x32xf32>
    %add3A_867 = arith.addf %dot_general3A_864, %dot_general3A_866 : vector<640x32xf32>
    %broadcast_in_dim3A_868 = vector.shape_cast %get3A_33 : vector<32xf32> to vector<1x32xf32>
    %add3A_869 = vector.broadcast %broadcast_in_dim3A_868 : vector<1x32xf32> to vector<640x32xf32>
    %add3A_870 = arith.addf %add3A_867, %add3A_869 : vector<640x32xf32>
    %logistic3A_871 = arith.negf %add3A_870 : vector<640x32xf32>
    %logistic3A_872 = math.exp %logistic3A_871 : vector<640x32xf32>
    %logistic3A_873 = arith.constant 1.000000e+00 : f32
    %logistic3A_874 = vector.broadcast %logistic3A_873 : f32 to vector<640x32xf32>
    %logistic3A_875 = arith.addf %logistic3A_874, %logistic3A_872 : vector<640x32xf32>
    %logistic3A_876 = arith.divf %logistic3A_874, %logistic3A_875 : vector<640x32xf32>
    %dot_general3A_877 = arith.constant dense<0.000000e+00> : vector<640x32xf32>
    %dot_general3A_878 = tpu.matmul %slice3A_861, %get3A_36, %dot_general3A_877 {dimension_numbers = #tpu.dot_dimension_numbers<[1], [0], [0], [1], [0, 0, 1, 1], [], []>, transpose_lhs_hint = false} : vector<640x32xf32>, vector<32x32xf32>, vector<640x32xf32> -> vector<640x32xf32>
    %dot_general3A_879 = arith.constant dense<0.000000e+00> : vector<640x32xf32>
    %dot_general3A_880 = tpu.matmul %add3A_834, %get3A_39, %dot_general3A_879 {dimension_numbers = #tpu.dot_dimension_numbers<[1], [0], [0], [1], [0, 0, 1, 1], [], []>, transpose_lhs_hint = false} : vector<640x32xf32>, vector<32x32xf32>, vector<640x32xf32> -> vector<640x32xf32>
    %add3A_881 = arith.addf %dot_general3A_878, %dot_general3A_880 : vector<640x32xf32>
    %broadcast_in_dim3A_882 = vector.shape_cast %get3A_41 : vector<32xf32> to vector<1x32xf32>
    %add3A_883 = vector.broadcast %broadcast_in_dim3A_882 : vector<1x32xf32> to vector<640x32xf32>
    %add3A_884 = arith.addf %add3A_881, %add3A_883 : vector<640x32xf32>
    %logistic3A_885 = arith.negf %add3A_884 : vector<640x32xf32>
    %logistic3A_886 = math.exp %logistic3A_885 : vector<640x32xf32>
    %logistic3A_887 = arith.constant 1.000000e+00 : f32
    %logistic3A_888 = vector.broadcast %logistic3A_887 : f32 to vector<640x32xf32>
    %logistic3A_889 = arith.addf %logistic3A_888, %logistic3A_886 : vector<640x32xf32>
    %logistic3A_890 = arith.divf %logistic3A_888, %logistic3A_889 : vector<640x32xf32>
    %dot_general3A_891 = arith.constant dense<0.000000e+00> : vector<640x32xf32>
    %dot_general3A_892 = tpu.matmul %slice3A_862, %get3A_44, %dot_general3A_891 {dimension_numbers = #tpu.dot_dimension_numbers<[1], [0], [0], [1], [0, 0, 1, 1], [], []>, transpose_lhs_hint = false} : vector<640x32xf32>, vector<32x32xf32>, vector<640x32xf32> -> vector<640x32xf32>
    %mul3A_893 = arith.mulf %add3A_834, %logistic3A_890 : vector<640x32xf32>
    %dot_general3A_894 = arith.constant dense<0.000000e+00> : vector<640x32xf32>
    %dot_general3A_895 = tpu.matmul %mul3A_893, %get3A_47, %dot_general3A_894 {dimension_numbers = #tpu.dot_dimension_numbers<[1], [0], [0], [1], [0, 0, 1, 1], [], []>, transpose_lhs_hint = false} : vector<640x32xf32>, vector<32x32xf32>, vector<640x32xf32> -> vector<640x32xf32>
    %add3A_896 = arith.addf %dot_general3A_892, %dot_general3A_895 : vector<640x32xf32>
    %broadcast_in_dim3A_897 = vector.shape_cast %get3A_49 : vector<32xf32> to vector<1x32xf32>
    %add3A_898 = vector.broadcast %broadcast_in_dim3A_897 : vector<1x32xf32> to vector<640x32xf32>
    %add3A_899 = arith.addf %add3A_896, %add3A_898 : vector<640x32xf32>
    %tanh3A_900 = math.tanh %add3A_899 : vector<640x32xf32>
    %mul3A_901 = arith.mulf %logistic3A_876, %add3A_834 : vector<640x32xf32>
    %sub3A_902 = arith.constant 1.000000e+00 : f32
    %sub3A_903 = vector.broadcast %sub3A_902 : f32 to vector<640x32xf32>
    %sub3A_904 = arith.subf %sub3A_903, %logistic3A_876 : vector<640x32xf32>
    %mul3A_905 = arith.mulf %sub3A_904, %tanh3A_900 : vector<640x32xf32>
    %add3A_906 = arith.addf %mul3A_901, %mul3A_905 : vector<640x32xf32>
    %slice3A_907 = vector.extract_strided_slice %div3A_10 {offsets = [11], sizes = [1], strides = [1]} : vector<12xf32> to vector<1xf32>
    %broadcast_in_dim3A_908 = vector.shape_cast %slice3A_907 : vector<1xf32> to vector<1x1xf32>
    %mul3A_909 = vector.broadcast %broadcast_in_dim3A_908 : vector<1x1xf32> to vector<640x32xf32>
    %mul3A_910 = arith.mulf %mul3A_909, %add3A_906 : vector<640x32xf32>
    %add3A_911 = arith.addf %add3A_839, %mul3A_910 : vector<640x32xf32>
    %max3A = arith.constant 0.000000e+00 : f32
    %max3A_912 = vector.broadcast %max3A : f32 to vector<640x32xf32>
    %max3A_913 = arith.maximumf %add3A_911, %max3A_912 : vector<640x32xf32>
    %get3A_914 = arith.constant 0 : index
    %get3A_915 = arith.constant 0 : index
    %get3A_916 = vector.load %arg15[%get3A_914, %get3A_915] : memref<32x2xf32, #tpu.memory_space<vmem>>, vector<32x2xf32>
    %dot_general3A_917 = arith.constant dense<0.000000e+00> : vector<640x2xf32>
    %dot_general3A_918 = tpu.matmul %max3A_913, %get3A_916, %dot_general3A_917 {dimension_numbers = #tpu.dot_dimension_numbers<[1], [0], [0], [1], [0, 0, 1, 1], [], []>, transpose_lhs_hint = false} : vector<640x32xf32>, vector<32x2xf32>, vector<640x2xf32> -> vector<640x2xf32>
    %get3A_919 = arith.constant 0 : index
    %get3A_920 = vector.load %arg16[%get3A_919] : memref<2xf32, #tpu.memory_space<vmem>>, vector<2xf32>
    %broadcast_in_dim3A_921 = vector.shape_cast %get3A_920 : vector<2xf32> to vector<1x2xf32>
    %add3A_922 = vector.broadcast %broadcast_in_dim3A_921 : vector<1x2xf32> to vector<640x2xf32>
    %add3A_923 = arith.addf %dot_general3A_918, %add3A_922 : vector<640x2xf32>
    %swap3A = arith.constant 0 : index
    %swap3A_924 = arith.constant 0 : index
    %swap3A_925 = vector.load %arg17[%swap3A, %swap3A_924] : memref<640x2xf32, #tpu.memory_space<vmem>>, vector<640x2xf32>
    tpu.vector_store %arg17[%swap3A, %swap3A_924], %add3A_923 {strides = array<i32>} : memref<640x2xf32, #tpu.memory_space<vmem>>, vector<640x2xf32>,
    return
  }
  func.func @transform_0(%arg0: i32) -> (i32, i32, i32) {
    %c0_i32 = arith.constant 0 : i32
    %c0_i32_0 = arith.constant 0 : i32
    %c0_i32_1 = arith.constant 0 : i32
    return %c0_i32, %arg0, %c0_i32_0 : i32, i32, i32
  }
  func.func @transform_1(%arg0: i32) -> (i32, i32, i32) {
    %c0_i32 = arith.constant 0 : i32
    %c0_i32_0 = arith.constant 0 : i32
    %c0_i32_1 = arith.constant 0 : i32
    return %c0_i32, %arg0, %c0_i32_0 : i32, i32, i32
  }
  func.func @transform_2(%arg0: i32) -> (i32, i32, i32) {
    %c0_i32 = arith.constant 0 : i32
    %c0_i32_0 = arith.constant 0 : i32
    %c0_i32_1 = arith.constant 0 : i32
    return %c0_i32, %arg0, %c0_i32_0 : i32, i32, i32
  }
  func.func @transform_3(%arg0: i32) -> i32 {
    %c0_i32 = arith.constant 0 : i32
    %c0_i32_0 = arith.constant 0 : i32
    return %c0_i32 : i32
  }
  func.func @transform_4(%arg0: i32) -> i32 {
    %c0_i32 = arith.constant 0 : i32
    %c0_i32_0 = arith.constant 0 : i32
    return %c0_i32 : i32
  }
  func.func @transform_5(%arg0: i32) -> (i32, i32) {
    %c0_i32 = arith.constant 0 : i32
    %c0_i32_0 = arith.constant 0 : i32
    %c0_i32_1 = arith.constant 0 : i32
    return %c0_i32, %c0_i32_0 : i32, i32
  }
  func.func @transform_6(%arg0: i32) -> (i32, i32) {
    %c0_i32 = arith.constant 0 : i32
    %c0_i32_0 = arith.constant 0 : i32
    %c0_i32_1 = arith.constant 0 : i32
    return %c0_i32, %c0_i32_0 : i32, i32
  }
  func.func @transform_7(%arg0: i32) -> i32 {
    %c0_i32 = arith.constant 0 : i32
    %c0_i32_0 = arith.constant 0 : i32
    return %c0_i32 : i32
  }
  func.func @transform_8(%arg0: i32) -> (i32, i32) {
    %c0_i32 = arith.constant 0 : i32
    %c0_i32_0 = arith.constant 0 : i32
    %c0_i32_1 = arith.constant 0 : i32
    return %c0_i32, %c0_i32_0 : i32, i32
  }
  func.func @transform_9(%arg0: i32) -> (i32, i32) {
    %c0_i32 = arith.constant 0 : i32
    %c0_i32_0 = arith.constant 0 : i32
    %c0_i32_1 = arith.constant 0 : i32
    return %c0_i32, %c0_i32_0 : i32, i32
  }
  func.func @transform_10(%arg0: i32) -> i32 {
    %c0_i32 = arith.constant 0 : i32
    %c0_i32_0 = arith.constant 0 : i32
    return %c0_i32 : i32
  }
  func.func @transform_11(%arg0: i32) -> (i32, i32) {
    %c0_i32 = arith.constant 0 : i32
    %c0_i32_0 = arith.constant 0 : i32
    %c0_i32_1 = arith.constant 0 : i32
    return %c0_i32, %c0_i32_0 : i32, i32
  }
  func.func @transform_12(%arg0: i32) -> (i32, i32) {
    %c0_i32 = arith.constant 0 : i32
    %c0_i32_0 = arith.constant 0 : i32
    %c0_i32_1 = arith.constant 0 : i32
    return %c0_i32, %c0_i32_0 : i32, i32
  }
  func.func @transform_13(%arg0: i32) -> i32 {
    %c0_i32 = arith.constant 0 : i32
    %c0_i32_0 = arith.constant 0 : i32
    return %c0_i32 : i32
  }
  func.func @transform_14(%arg0: i32) -> (i32, i32) {
    %c0_i32 = arith.constant 0 : i32
    %c0_i32_0 = arith.constant 0 : i32
    %c0_i32_1 = arith.constant 0 : i32
    return %c0_i32, %c0_i32_0 : i32, i32
  }
  func.func @transform_15(%arg0: i32) -> i32 {
    %c0_i32 = arith.constant 0 : i32
    %c0_i32_0 = arith.constant 0 : i32
    return %c0_i32 : i32
  }
  func.func @transform_16(%arg0: i32) -> (i32, i32) {
    %c0_i32 = arith.constant 0 : i32
    %c0_i32_0 = arith.constant 0 : i32
    return %arg0, %c0_i32 : i32, i32
  }
}

</mosaic_0001>

<sc_bundles>
// kernel: kernel.6.cloned.1.call-start
scs
__scs_entry_jumppad:
0x0: {  	(pc) =	sbr.rel $0x88, $3  }
0x1: {  	(tag) =	ssettag $0x0;
	lr =	simm.s32 $0x1  }
0x2: {  	[smem:$0x3F90] =	sst lr;
	_ =	strace $0xD0000000  }
0x3: {  	_ = 	snop  }
0x4: {  	_ = 	snop  }
0x5: {  	_ = 	snop  }
0x6: {  	_ = 	snop  }
0x7: {  	_ = 	snop  }
__scs_overlays_trampoline_lowered:
0x8: {  	[smem:$0x3F9F] =	sst s0  }
0x9: {  	[smem:$0x3FA0] =	sst s1  }
0xa: {  	[smem:$0x3FA1] =	sst s2  }
0xb: {  	[smem:$0x3FA2] =	sst s3  }
0xc: {  	[smem:$0x3FA3] =	sst s4  }
0xd: {  	[smem:$0x3FA4] =	sst s5  }
0xe: {  	[smem:$0x3FA5] =	sst s6  }
0xf: {  	[smem:$0x3FA6] =	sst s7  }
0x10: {  	[smem:$0x3FA7] =	sst s8  }
0x11: {  	[smem:$0x3FA8] =	sst s9;
	s0 =	simm.s32 @!p0 $0x0  }
0x12: {  	s1 =	sld [smem:$0x3F8E];
	s0 =	simm.s32 @p0 $0x1  }
0x13: {  	[smem:$0x3FA9] =	sst s0;
	s0 =	simm.s32 @!p1 $0x0  }
0x14: {  	s2 =	sld [smem:$0x3F8D];
	s0 =	simm.s32 @p1 $0x1  }
0x15: {  	[smem:$0x3FAA] =	sst s0;
	s0 =	simm.s32 @!p2 $0x0  }
0x16: {  	s3 =	sld [smem:$0x3FDB];
	s0 =	simm.s32 @p2 $0x1  }
0x17: {  	s4 =	simm.s32 $0x1BF5;
	[smem:$0x3FAC] =	sst s0  }
0x18: {  	s0 =	sld [smem:$0x3F8F];
	_ =	swait.ge [sflag:s4], $0x0  }
0x19: {  	s7 =	sld [smem:$0x3F90]  }
0x1a: {  	s8 =	sadd.s32 $0xFFFFE003, lr  }
0x1b: {  	s9 =	sadd.s32 $0xFFFFFEF7, lr;
	s5 =	simm.s32 $0xFFFFFFFF;
	p2 =	slt.u32 s8, $0xFFFFF086  }
0x1c: {  	p1 =	slt.u32 s9, $0xF7A;
	s5 =	simm.s32 @!p2 $0x0  }
0x1d: {  	s5 =	simm.s32 @p1 $0x1;
	p0 =	seq.s32 s7, s2  }
0x1e: {  	s7 =	smul.u32 @!p0 $0xF7A, s2;
	p2 =	seq.s32 @!p0 s5, $0x0  }
0x1f: {  	s9 =	smul.u32 $0xF7A, s1;
	s8 =	simm.s32 @!p0 $0x1BF5;
	p2 =	por !p2, p0  }
0x20: {  	[sflag:s8] =	ssyncset.s32 @!p0 $0xFFFFF086;
	s6 =	sadd.s32 @!p0 s3, s7;
	s7 =	simm.s32 @!p0 $0x108  }
0x21: {  	s3 =	sadd.s32 s3, s9;
	s6 =	sadd.s32 @!p0 $0x88, s6;
	s7 =	simm.s32 @p2 $0x1082  }
0x22: {  	[simem:s7], [sflag:s8] =	dma.local @!p0 [hbm:s6], $0xF7A  }
0x23: {  	s9 =	sor.u32 $0xD0000000, s2;
	s6 =	simm.s32 $0x108;
	_ =	swait.ge @!p0 [sflag:s8], $0x0  }
0x24: {  	s3 =	sadd.s32 $0x88, s3;
	s6 =	simm.s32 @!p1 $0x1082;
	[sflag:s4] =	ssyncset.s32 $0xFFFFF086  }
0x25: {  	[simem:s6], [sflag:s4] =	dma.local [hbm:s3], $0xF7A  }
0x26: {  	[smem:$0x3F90] =	sst s1;
	(tag) =	ssettag s2;
	_ =	strace s9  }
0x27: {  	s1 =	sld [smem:$0x3FA0]  }
0x28: {  	s2 =	sld [smem:$0x3FA1]  }
0x29: {  	s4 =	sld [smem:$0x3FA3]  }
0x2a: {  	p0 =	seq.s32 s5, $0x0;
	s5 =	sld [smem:$0x3FA4]  }
0x2b: {  	s6 =	sld [smem:$0x3FA5]  }
0x2c: {  	s7 =	sld [smem:$0x3FA6]  }
0x2d: {  	s3 =	simm.s32 $0x108;
	s8 =	sld [smem:$0x3FA7]  }
0x2e: {  	s3 =	simm.s32 @!p0 $0x1082;
	s9 =	sld [smem:$0x3FA8]  }
0x2f: {  	lr =	sadd.s32 s0, s3;
	s0 =	sld [smem:$0x3F9F]  }
0x30: {  	s3 =	sld [smem:$0x3FA2]  }
0x31: {  	[smem:$0x3FAB] =	sst s10  }
0x32: {  	s10 =	sld [smem:$0x3FA9];
	_ =	sdelay $0x3  }
0x33: {  	p0 =	seq.s32 s10, $0x1;
	s10 =	sld [smem:$0x3FAB];
	_ =	sdelay $0x3  }
0x34: {  	[smem:$0x3FAB] =	sst s10  }
0x35: {  	s10 =	sld [smem:$0x3FAA];
	_ =	sdelay $0x3  }
0x36: {  	p1 =	seq.s32 s10, $0x1;
	s10 =	sld [smem:$0x3FAB];
	_ =	sdelay $0x3  }
0x37: {  	[smem:$0x3FAB] =	sst s10  }
0x38: {  	s10 =	sld [smem:$0x3FAC]  }
0x39: {  	_ = 	snop;
	(pc) =	sbr.ind lr, $3  }
0x3a: {  	_ = 	snop  }
0x3b: {  	_ = 	snop  }
0x3c: {  	p2 =	seq.s32 s10, $0x1;
	s10 =	sld [smem:$0x3FAB]  }
0x3d: {  	_ =	shalt  }
0x3e: {  	_ =	shalt  }
0x3f: {  	_ =	shalt  }
0x40: {  	_ =	shalt  }
0x41: {  	_ =	shalt  }
0x42: {  	_ =	shalt  }
0x43: {  	_ =	shalt  }
0x44: {  	_ =	shalt  }
0x45: {  	_ =	shalt  }
0x46: {  	_ =	shalt  }
0x47: {  	_ =	shalt  }
0x48: {  	_ =	shalt  }
0x49: {  	_ =	shalt  }
0x4a: {  	_ =	shalt  }
0x4b: {  	_ =	shalt  }
0x4c: {  	_ =	shalt  }
0x4d: {  	_ =	shalt  }
0x4e: {  	_ =	shalt  }
0x4f: {  	_ =	shalt  }
0x50: {  	_ =	shalt  }
0x51: {  	_ =	shalt  }
0x52: {  	_ =	shalt  }
0x53: {  	_ =	shalt  }
0x54: {  	_ =	shalt  }
0x55: {  	_ =	shalt  }
0x56: {  	_ =	shalt  }
0x57: {  	_ =	shalt  }
0x58: {  	_ =	shalt  }
0x59: {  	_ =	shalt  }
0x5a: {  	_ =	shalt  }
0x5b: {  	_ =	shalt  }
0x5c: {  	_ =	shalt  }
0x5d: {  	_ =	shalt  }
0x5e: {  	_ =	shalt  }
0x5f: {  	_ =	shalt  }
0x60: {  	_ =	shalt  }
0x61: {  	_ =	shalt  }
0x62: {  	_ =	shalt  }
0x63: {  	_ =	shalt  }
0x64: {  	_ =	shalt  }
0x65: {  	_ =	shalt  }
0x66: {  	_ =	shalt  }
0x67: {  	_ =	shalt  }
0x68: {  	_ =	shalt  }
0x69: {  	_ =	shalt  }
0x6a: {  	_ =	shalt  }
0x6b: {  	_ =	shalt  }
0x6c: {  	_ =	shalt  }
0x6d: {  	_ =	shalt  }
0x6e: {  	_ =	shalt  }
0x6f: {  	_ =	shalt  }
0x70: {  	_ =	shalt  }
0x71: {  	_ =	shalt  }
0x72: {  	_ =	shalt  }
0x73: {  	_ =	shalt  }
0x74: {  	_ =	shalt  }
0x75: {  	_ =	shalt  }
0x76: {  	_ =	shalt  }
0x77: {  	_ =	shalt  }
0x78: {  	_ =	shalt  }
0x79: {  	_ =	shalt  }
0x7a: {  	_ =	shalt  }
0x7b: {  	_ =	shalt  }
0x7c: {  	_ =	shalt  }
0x7d: {  	_ =	shalt  }
0x7e: {  	_ =	shalt  }
0x7f: {  	_ =	shalt  }
0x80: {  	_ =	shalt  }
0x81: {  	_ =	shalt  }
0x82: {  	_ =	shalt  }
0x83: {  	_ =	shalt  }
0x84: {  	_ =	shalt  }
0x85: {  	_ =	shalt  }
0x86: {  	_ =	shalt  }
0x87: {  	_ =	shalt  }
.Lfunc_end0:
.L_simem_size_0:
called_computation_lowered:
.L_overlay_start_0:
0x88: {  	s2 =	sld [smem:$0x3FD9]  }
0x89: {  	s3 =	sld [smem:$0x3FFE];
	_ =	sdelay $0x1  }
0x8a: {  	s1 =	srdreg.scid  }
0x8b: {  	s0 =	sand.u32 $0x1, s1  }
0x8c: {  	s16 =	sshll.u32 s0, $0xA;
	s2 =	sadd.s32 s3, s2  }
0x8d: {  	s2 =	sadd.s32 s2, s16  }
0x8e: {  	[smem:$0x3FB7] =	sst s2  }
0x8f: {  	_ = 	snop  }
0x90: {  	(tm) =	ssettm $0x1  }
0x91: {  	s17 =	sld [smem:$0x3FFB];
	_ =	sdelay $0x3  }
0x92: {  	_ =	strace s17  }
0x93: {  	s2 =	sld [smem:$0x3FFC];
	_ =	sdelay $0x3  }
0x94: {  	_ =	strace s2  }
0x95: {  	s2 =	sld [smem:$0x3FFD];
	_ =	sdelay $0x3  }
0x96: {  	_ =	strace s2  }
0x97: {  	_ =	strace $0x8FFFFFFF  }
0x98: {  	s18 =	sld [smem:$0x3FDB];
	_ =	sdelay $0x1  }
0x99: {  	s19 =	simm.s32 $_scs_section_size  }
0x9a: {  	s4 =	simm.s32 $_size__tile_overlayer_lowered;
	s5 =	simm.s32 $_tile_overlayer_lowered  }
0x9b: {  	s22 =	simm.s32 $0x1BFF;
	s21 =	sshll.u32 s5, $0x1;
	s2 =	sadd.s32 s19, s18  }
0x9c: {  	s6 =	simm.s32 $0x0;
	s20 =	sshll.u32 s4, $0x1;
	s4 =	sadd.s32 s21, s2  }
0x9d: {  	[timem:s6], [sflag:s22] =	dma.local [hbm:s4], s20  }
0x9e: {  	_ =	swait.ge [sflag:s22], s20  }
0x9f: {  	s3 =	ssub.s32 $0x0, s20;
	[sflag:s22] =	ssyncset.done $0x0  }
0xa0: {  	[sflag:s22] =	ssyncadd.s32 s3;
	_ =	sdelay $0x1  }
0xa1: {  	s23 =	simm.s32 $0x1B8B  }
0xa2: {  	_ =	swait.ge [sflag:s23], $0x1  }
0xa3: {  	[sflag:s23] =	ssyncset.done $0x0  }
0xa4: {  	s25 =	simm.s32 $0x1B8E;
	s24 =	sld [smem:$0x3FFE];
	[sflag:s23] =	ssyncadd.s32 $0xFFFFFFFF  }
0xa5: {  	s26 =	simm.s32 $execute0_lowered;
	[smem:$0x3FD2] =	sst s25  }
0xa6: {  	s4 =	sshll.u32 s26, $0x1;
	_ =	strace $0x80000046;
	[dreg:$0x1] =	wrdreg $0xFFFFFFFF  }
0xa7: {  	s28 =	simm.s32 $_size_execute0_lowered;
	s2 =	sadd.s32 s2, s4;
	[dreg:$0x0] =	wrdreg $0x0  }
0xa8: {  	s4 =	sshll.u32 s28, $0x1;
	[dreg:$0x2] =	wrdreg s2  }
0xa9: {  	[dreg:$0x3] =	wrdreg s4  }
0xaa: {  	[dreg:$0x4] =	wrdreg $0xC0  }
0xab: {  	_ =	task [dreg:s6], $0x5FFFF  }
0xac: {  	[dreg:$0x1] =	wrdreg $0xFFFFFFFF  }
0xad: {  	[dreg:$0x0] =	wrdreg $0x60  }
0xae: {  	[dreg:$0x2] =	wrdreg s24  }
0xaf: {  	[dreg:$0x3] =	wrdreg $0x90000  }
0xb0: {  	[dreg:$0x4] =	wrdreg $0x9  }
0xb1: {  	_ =	task.clear_ibuf [dreg:s6], $0x5FFFF;
	_ =	strace $0x90000046  }
0xb2: {  	s29 =	simm.s32 $0x9;
	_ =	strace $0x80000048  }
0xb3: {  	_ =	swait.ge [sflag:s29], $0x1  }
0xb4: {  	[sflag:s29] =	ssyncadd.s32 $0xFFFFFFFF  }
0xb5: {  	_ =	strace $0x90000048  }
0xb6: {  	_ =	sfence  }
0xb7: {  	s30 =	sld [smem:$0x0];
	_ =	sdelay $0x2  }
0xb8: {  	s31 =	sshll.u32 s1, $0xD;
	s1 =	sshrl.u32 s1, $0x2  }
0xb9: {  	s3 =	sand.u32 $0x4000, s31;
	s1 =	sadd.s32 s1, s30  }
0xba: {  	s0 =	sor.u32 s3, s0;
	s1 =	sshll.u32 s1, $0x11  }
0xbb: {  	s0 =	sor.u32 s1, s0  }
0xbc: {  	s0 =	sadd.s32 $0x8F2B, s0  }
0xbd: {  	[sflag:s0] =	ssyncadd.remote.s32 $0x1  }
0xbe: {  	_ =	sfence.sel $0xFFFF  }
0xbf: {  	[dreg:$0x0] =	wrdreg $0xFFFFFFFF;
	(pc) =	sbr.abs _section_cstart, $3  }
0xc0: {  	[dreg:$0x1] =	wrdreg $0xFFFFFFFF  }
0xc1: {  	_ =	task.clear_ibuf [dreg:s6], $0x2FFFF;
	_ =	strace $0x9FFFFFFF  }
0xc2: {  	(tm) =	ssettm $0x7FFFFFFF  }
0xc3: {  	_ =	shalt  }
tec
execute0_lowered:
.L_overlay_start_1:
0x0: {  	(tag) =	ssettag $0x1  }
0x1: {  	s1 =	srdreg.scid;
	s5 =	rddreg [dreg:$0x0]  }
0x2: {  	s0 =	stileid.u32;
	s2 =	rddreg [dreg:$0x1];
	s3 =	simm.s32 $0x0  }
0x3: {  	s15 =	simm.s32 $0x1;
	s16 =	simm.s32 $0x6800;
	s17 =	simm.s32 $0x80  }
0x4: {  	s18 =	simm.s32 $0x2800;
	s4 =	sand.u32 $0x1, s1;
	s8 =	smul.u32 $0x14000, s0  }
0x5: {  	s28 =	sshll.u32 s0, $0x1;
	[smem:$0x7FF] =	sst s3;
	s9 =	smul.u32 $0x50000, s0  }
0x6: {  	s1 =	sor.u32 s4, s28;
	s7 =	smul.u32 $0x140000, s4;
	s29 =	ssub.s32 $0x2, s4  }
0x7: {  	s6 =	smul.u32 $0x500, s1;
	s1 =	rddreg [dreg:$0x2];
	_ =	strace $0x80000047  }
0x8: {  	s30 =	sshrl.u32 s9, $0x2;
	s31 =	sshrl.u32 s29, $0x1;
	s7 =	sadd.s32 s8, s7  }
0x9: {  	s4 =	sadd.s32 s30, s2;
	s14 =	ssub.s32 s29, s31;
	s6 =	sadd.s32 s6, s5  }
0xa: {  	s7 =	sshrl.u32 s7, $0x3;
	s8 =	sadd.s32 $0x7800, s4;
	s9 =	sadd.s32 $0xA000, s4  }
0xb: {  	s10 =	sadd.s32 $0xC800, s4;
	s11 =	sadd.s32 $0xF000, s4;
	s12 =	sadd.s32 $0x11800, s4  }
0xc: {  	s14 =	smax.u32 s14, $0x1;
	s13 =	sadd.s32 s7, s5;
	s5 =	sadd.s32 $0x2800, s6  }
0xd: {  	v0 =	vimm.f32 $1.000000000e+00;
	v1 =	vimm.f32 $0.0e+00;
	s6 =	sadd.s32 $0x2800, s4;
	s7 =	sadd.s32 $0x5000, s4;
	s13 =	sadd.s32 $0xC800, s13  }
.LBB2_1:
0xe: {  	s19 =	simm.s32 $0x0;
	s20 =	simm.s32 $0x200  }
.LBB2_2:
0xf: {  	p0 =	sne.s32 s20, $0xFE00;
	[tilespmem:s19+$0x2870] =	vst v0  }
0x10: {  	[tilespmem:s19+$0x2800] =	vst v0  }
0x11: {  	[tilespmem:s19+$0x2810] =	vst v0  }
.Ltmp0:
0x12: {  	[tilespmem:s19+$0x2820] =	vst v0;
	(pc) =	sbr.rel @p0 .LBB2_2-.Ltmp0, $4  }
0x13: {  	[tilespmem:s19+$0x2830] =	vst v0  }
0x14: {  	[tilespmem:s19+$0x2840] =	vst v0  }
0x15: {  	[tilespmem:s19+$0x2850] =	vst v0  }
0x16: {  	[tilespmem:s19+$0x2860] =	vst v0;
	s19 =	sshra.s32 s20, $0x2;
	s20 =	sadd.s32 $0x200, s20  }
0x17: {  	[tilespmem:s19+$0x2870] =	vst v0  }
0x18: {  	[tilespmem:s19+$0x2800] =	vst v0  }
0x19: {  	[tilespmem:s19+$0x2810] =	vst v0  }
0x1a: {  	[tilespmem:s19+$0x2820] =	vst v0  }
0x1b: {  	[tilespmem:s19+$0x2830] =	vst v0  }
0x1c: {  	[tilespmem:s19+$0x2840] =	vst v0  }
0x1d: {  	[tilespmem:s19+$0x2850] =	vst v0  }
0x1e: {  	[tilespmem:s19+$0x2860] =	vst v0;
	s19 =	simm.s32 $0x0;
	s20 =	simm.s32 $0x200  }
.LBB2_4:
0x1f: {  	p0 =	sne.s32 s20, $0x9E00;
	[tilespmem:s19+$0x6870] =	vst v1  }
0x20: {  	[tilespmem:s19+$0x6800] =	vst v1  }
0x21: {  	[tilespmem:s19+$0x6810] =	vst v1  }
.Ltmp1:
0x22: {  	[tilespmem:s19+$0x6820] =	vst v1;
	(pc) =	sbr.rel @p0 .LBB2_4-.Ltmp1, $4  }
0x23: {  	[tilespmem:s19+$0x6830] =	vst v1  }
0x24: {  	[tilespmem:s19+$0x6840] =	vst v1  }
0x25: {  	[tilespmem:s19+$0x6850] =	vst v1  }
0x26: {  	[tilespmem:s19+$0x6860] =	vst v1;
	s19 =	sshra.s32 s20, $0x2;
	s20 =	sadd.s32 $0x200, s20  }
0x27: {  	[tilespmem:s19+$0x6870] =	vst v1  }
0x28: {  	[tilespmem:s19+$0x6800] =	vst v1  }
0x29: {  	[tilespmem:s19+$0x6810] =	vst v1  }
0x2a: {  	[tilespmem:s19+$0x6820] =	vst v1  }
0x2b: {  	[tilespmem:s19+$0x6830] =	vst v1  }
0x2c: {  	[tilespmem:s19+$0x6840] =	vst v1  }
0x2d: {  	[tilespmem:s19+$0x6850] =	vst v1  }
0x2e: {  	[tilespmem:s19+$0x6860] =	vst v1;
	s30 =	simm.s32 $0x0  }
0x2f: {  	[tilespmem:s30], [sflag:$0x1] =	stream.linear.gather [hbm4b:s5+s30], $0x2800, $0x38;
	[tilespmem:$0x1D000] =	vst v63  }
0x30: {  	_ =	swait.ge [sflag:s15], $0x2800  }
0x31: {  	[sflag:s15] =	ssyncset.done $0x0  }
0x32: {  	[sflag:s15] =	ssyncadd.s32 $0xFFFFD800  }
0x33: {  	[spmem:s4] =	stream.linear.scatter [tilespmem:s16], [sflag:$0x1], $0x2800, $0x38;
	[tilespmem:$0x1D000] =	vst v63  }
0x34: {  	_ =	swait.ge [sflag:s15], $0x2800  }
0x35: {  	[sflag:s15] =	ssyncset.done $0x0  }
0x36: {  	[sflag:s15] =	ssyncadd.s32 $0xFFFFD800  }
0x37: {  	[spmem:s6] =	stream.linear.scatter [tilespmem:s16], [sflag:$0x1], $0x2800, $0x38;
	[tilespmem:$0x1D000] =	vst v63  }
0x38: {  	_ =	swait.ge [sflag:s15], $0x2800  }
0x39: {  	[sflag:s15] =	ssyncset.done $0x0  }
0x3a: {  	[sflag:s15] =	ssyncadd.s32 $0xFFFFD800  }
0x3b: {  	[spmem:s7] =	stream.linear.scatter [tilespmem:s16], [sflag:$0x1], $0x2800, $0x38;
	[tilespmem:$0x1D000] =	vst v63  }
0x3c: {  	_ =	swait.ge [sflag:s15], $0x2800  }
0x3d: {  	[sflag:s15] =	ssyncset.done $0x0  }
0x3e: {  	[sflag:s15] =	ssyncadd.s32 $0xFFFFD800  }
0x3f: {  	[spmem:s8] =	stream.linear.scatter [tilespmem:s16], [sflag:$0x1], $0x2800, $0x38;
	[tilespmem:$0x1D000] =	vst v63  }
0x40: {  	_ =	swait.ge [sflag:s15], $0x2800  }
0x41: {  	[sflag:s15] =	ssyncset.done $0x0  }
0x42: {  	[sflag:s15] =	ssyncadd.s32 $0xFFFFD800  }
0x43: {  	[spmem:s9] =	stream.linear.scatter [tilespmem:s16], [sflag:$0x1], $0x2800, $0x38;
	[tilespmem:$0x1D000] =	vst v63  }
0x44: {  	_ =	swait.ge [sflag:s15], $0x2800  }
0x45: {  	[sflag:s15] =	ssyncset.done $0x0  }
0x46: {  	[sflag:s15] =	ssyncadd.s32 $0xFFFFD800  }
0x47: {  	[spmem:s10] =	stream.linear.scatter [tilespmem:s16], [sflag:$0x1], $0x2800, $0x38;
	[tilespmem:$0x1D000] =	vst v63  }
0x48: {  	_ =	swait.ge [sflag:s15], $0x2800  }
0x49: {  	[sflag:s15] =	ssyncset.done $0x0  }
0x4a: {  	[sflag:s15] =	ssyncadd.s32 $0xFFFFD800  }
0x4b: {  	[spmem:s11] =	stream.linear.scatter [tilespmem:s16], [sflag:$0x1], $0x2800, $0x38;
	[tilespmem:$0x1D000] =	vst v63  }
0x4c: {  	_ =	swait.ge [sflag:s15], $0x2800  }
0x4d: {  	[sflag:s15] =	ssyncset.done $0x0  }
0x4e: {  	[sflag:s15] =	ssyncadd.s32 $0xFFFFD800  }
0x4f: {  	[spmem:s12] =	stream.linear.scatter [tilespmem:s16], [sflag:$0x1], $0x2800, $0x38;
	[tilespmem:$0x1D000] =	vst v63  }
0x50: {  	_ =	swait.ge [sflag:s15], $0x2800  }
0x51: {  	[sflag:s15] =	ssyncset.done $0x0  }
0x52: {  	[sflag:s15] =	ssyncadd.s32 $0xFFFFD800  }
0x53: {  	s31 =	simm.s32 $0x0;
	[bflag:$0x0] =	sbarrier.arrive $0xFFFF  }
0x54: {  	[spmem:s2] =	stream.indirect.scatter.add.f32 [tilespmem:s18], [sflag:$0x1], $0x80, s31, s17, $0xb8;
	[tilespmem:$0x1D000] =	vst v63  }
0x55: {  	_ =	swait.ge [sflag:s15], $0x4000  }
0x56: {  	s19 =	simm.s32 $0x200;
	[sflag:s15] =	ssyncset.done $0x0  }
.LBB2_6:
0x57: {  	s20 =	sshra.s32 s19, $0x2;
	[sflag:s15] =	ssyncadd.s32 $0xFFFFC000;
	p0 =	sne.s32 s19, $0x9E00  }
0x58: {  	[spmem:s2] =	stream.indirect.scatter.add.f32 [tilespmem:s18], [sflag:$0x1], $0x80, s20, s17, $0xb8;
	[tilespmem:$0x1D000] =	vst v63  }
.Ltmp2:
0x59: {  	_ = 	snop;
	(pc) =	sbr.rel @p0 .LBB2_6-.Ltmp2, $4  }
0x5a: {  	_ = 	snop  }
0x5b: {  	s19 =	sadd.s32 $0x200, s19  }
0x5c: {  	_ =	swait.ge [sflag:s15], $0x4000  }
0x5d: {  	[sflag:s15] =	ssyncset.done $0x0  }
0x5e: {  	[sflag:s15] =	ssyncadd.s32 $0xFFFFC000;
	s3 =	sadd.s32 $0x1, s3  }
0x5f: {  	s19 =	sshll.u32 s0, $0x6;
	s20 =	sshrl.u32 s4, $0x3;
	p0 =	sne.s32 s3, s14  }
.Ltmp3:
0x60: {  	[bflag:$0x0] =	sbarrier.arrive $0xFFFF;
	s19 =	sor.u32 $0x1C01, s19;
	(pc) =	sbr.rel @p0 .LBB2_1-.Ltmp3, $4  }
0x61: {  	[hbm:s13], [sflag:s19] =	dma.local [spmem:s20], $0x2800  }
0x62: {  	_ =	swait.ge [sflag:s15], $0x2800  }
0x63: {  	[sflag:s15] =	ssyncset.done $0x0  }
0x64: {  	[sflag:s15] =	ssyncadd.s32 $0xFFFFD800  }
0x65: {  	_ =	sfence.sel $0x180000  }
0x66: {  	[bflag:$0x0] =	sbarrier.arrive $0xFFFF  }
0x67: {  	p0 =	sne.s32 s0, $0x0;
	_ =	strace $0x90000047  }
0x68: {  	s0 =	sadd.s32 @!p0 $0x100000, s1;
	[bflag:$0x2] =	sbarrier.arrive $0xFFFF  }
0x69: {  	[sflag:s0] =	ssyncadd.tile.s32 @!p0 $0x1;
	_ =	shalt  }
.Lfunc_end2:
_tile_overlayer_lowered:
.L_overlay_start_2:
0x6a: {  	(tag) =	ssettag $0x2  }
0x6b: {  	s0 =	rddreg [dreg:$0x0];
	s2 =	stileid.u32  }
0x6c: {  	s1 =	rddreg [dreg:$0x1];
	p0 =	sne.s32 s2, $0x0  }
0x6d: {  	s3 =	rddreg [dreg:$0x2];
	[bflag:$0x3] =	sbarrier.arrive $0xFFFF;
	s2 =	simm.s32 @!p0 $0x1C01  }
0x6e: {  	[timem:s3], [sflag:s2] =	dma.local @!p0 [hbm:s0], s1  }
0x6f: {  	s0 =	simm.s32 @!p0 $0x1  }
0x70: {  	_ =	swait.ge @!p0 [sflag:s0], s1  }
0x71: {  	s1 =	ssub.s32 @!p0 $0x0, s1;
	[sflag:s0] =	ssyncset.done @!p0 $0x0  }
0x72: {  	[sflag:s0] =	ssyncadd.s32 @!p0 s1  }
0x73: {  	[bflag:$0x3] =	sbarrier.arrive $0xFFFF  }
0x74: {  	_ =	shalt  }

// kernel: kernel.9.cloned.1.call-start
scs
__scs_entry_jumppad:
0x0: {  	(pc) =	sbr.rel $0x88, $3  }
0x1: {  	(tag) =	ssettag $0x0;
	lr =	simm.s32 $0x1  }
0x2: {  	[smem:$0x3F90] =	sst lr;
	_ =	strace $0xD0000000  }
0x3: {  	_ = 	snop  }
0x4: {  	_ = 	snop  }
0x5: {  	_ = 	snop  }
0x6: {  	_ = 	snop  }
0x7: {  	_ = 	snop  }
__scs_overlays_trampoline_lowered:
0x8: {  	[smem:$0x3F9F] =	sst s0  }
0x9: {  	[smem:$0x3FA0] =	sst s1  }
0xa: {  	[smem:$0x3FA1] =	sst s2  }
0xb: {  	[smem:$0x3FA2] =	sst s3  }
0xc: {  	[smem:$0x3FA3] =	sst s4  }
0xd: {  	[smem:$0x3FA4] =	sst s5  }
0xe: {  	[smem:$0x3FA5] =	sst s6  }
0xf: {  	[smem:$0x3FA6] =	sst s7  }
0x10: {  	[smem:$0x3FA7] =	sst s8  }
0x11: {  	[smem:$0x3FA8] =	sst s9;
	s0 =	simm.s32 @!p0 $0x0  }
0x12: {  	s1 =	sld [smem:$0x3F8E];
	s0 =	simm.s32 @p0 $0x1  }
0x13: {  	[smem:$0x3FA9] =	sst s0;
	s0 =	simm.s32 @!p1 $0x0  }
0x14: {  	s2 =	sld [smem:$0x3F8D];
	s0 =	simm.s32 @p1 $0x1  }
0x15: {  	[smem:$0x3FAA] =	sst s0;
	s0 =	simm.s32 @!p2 $0x0  }
0x16: {  	s3 =	sld [smem:$0x3FDB];
	s0 =	simm.s32 @p2 $0x1  }
0x17: {  	s4 =	simm.s32 $0x1BF5;
	[smem:$0x3FAC] =	sst s0  }
0x18: {  	s0 =	sld [smem:$0x3F8F];
	_ =	swait.ge [sflag:s4], $0x0  }
0x19: {  	s7 =	sld [smem:$0x3F90]  }
0x1a: {  	s8 =	sadd.s32 $0xFFFFE003, lr  }
0x1b: {  	s9 =	sadd.s32 $0xFFFFFEF7, lr;
	s5 =	simm.s32 $0xFFFFFFFF;
	p2 =	slt.u32 s8, $0xFFFFF086  }
0x1c: {  	p1 =	slt.u32 s9, $0xF7A;
	s5 =	simm.s32 @!p2 $0x0  }
0x1d: {  	s5 =	simm.s32 @p1 $0x1;
	p0 =	seq.s32 s7, s2  }
0x1e: {  	s7 =	smul.u32 @!p0 $0xF7A, s2;
	p2 =	seq.s32 @!p0 s5, $0x0  }
0x1f: {  	s9 =	smul.u32 $0xF7A, s1;
	s8 =	simm.s32 @!p0 $0x1BF5;
	p2 =	por !p2, p0  }
0x20: {  	[sflag:s8] =	ssyncset.s32 @!p0 $0xFFFFF086;
	s6 =	sadd.s32 @!p0 s3, s7;
	s7 =	simm.s32 @!p0 $0x108  }
0x21: {  	s3 =	sadd.s32 s3, s9;
	s6 =	sadd.s32 @!p0 $0x88, s6;
	s7 =	simm.s32 @p2 $0x1082  }
0x22: {  	[simem:s7], [sflag:s8] =	dma.local @!p0 [hbm:s6], $0xF7A  }
0x23: {  	s9 =	sor.u32 $0xD0000000, s2;
	s6 =	simm.s32 $0x108;
	_ =	swait.ge @!p0 [sflag:s8], $0x0  }
0x24: {  	s3 =	sadd.s32 $0x88, s3;
	s6 =	simm.s32 @!p1 $0x1082;
	[sflag:s4] =	ssyncset.s32 $0xFFFFF086  }
0x25: {  	[simem:s6], [sflag:s4] =	dma.local [hbm:s3], $0xF7A  }
0x26: {  	[smem:$0x3F90] =	sst s1;
	(tag) =	ssettag s2;
	_ =	strace s9  }
0x27: {  	s1 =	sld [smem:$0x3FA0]  }
0x28: {  	s2 =	sld [smem:$0x3FA1]  }
0x29: {  	s4 =	sld [smem:$0x3FA3]  }
0x2a: {  	p0 =	seq.s32 s5, $0x0;
	s5 =	sld [smem:$0x3FA4]  }
0x2b: {  	s6 =	sld [smem:$0x3FA5]  }
0x2c: {  	s7 =	sld [smem:$0x3FA6]  }
0x2d: {  	s3 =	simm.s32 $0x108;
	s8 =	sld [smem:$0x3FA7]  }
0x2e: {  	s3 =	simm.s32 @!p0 $0x1082;
	s9 =	sld [smem:$0x3FA8]  }
0x2f: {  	lr =	sadd.s32 s0, s3;
	s0 =	sld [smem:$0x3F9F]  }
0x30: {  	s3 =	sld [smem:$0x3FA2]  }
0x31: {  	[smem:$0x3FAB] =	sst s10  }
0x32: {  	s10 =	sld [smem:$0x3FA9];
	_ =	sdelay $0x3  }
0x33: {  	p0 =	seq.s32 s10, $0x1;
	s10 =	sld [smem:$0x3FAB];
	_ =	sdelay $0x3  }
0x34: {  	[smem:$0x3FAB] =	sst s10  }
0x35: {  	s10 =	sld [smem:$0x3FAA];
	_ =	sdelay $0x3  }
0x36: {  	p1 =	seq.s32 s10, $0x1;
	s10 =	sld [smem:$0x3FAB];
	_ =	sdelay $0x3  }
0x37: {  	[smem:$0x3FAB] =	sst s10  }
0x38: {  	s10 =	sld [smem:$0x3FAC]  }
0x39: {  	_ = 	snop;
	(pc) =	sbr.ind lr, $3  }
0x3a: {  	_ = 	snop  }
0x3b: {  	_ = 	snop  }
0x3c: {  	p2 =	seq.s32 s10, $0x1;
	s10 =	sld [smem:$0x3FAB]  }
0x3d: {  	_ =	shalt  }
0x3e: {  	_ =	shalt  }
0x3f: {  	_ =	shalt  }
0x40: {  	_ =	shalt  }
0x41: {  	_ =	shalt  }
0x42: {  	_ =	shalt  }
0x43: {  	_ =	shalt  }
0x44: {  	_ =	shalt  }
0x45: {  	_ =	shalt  }
0x46: {  	_ =	shalt  }
0x47: {  	_ =	shalt  }
0x48: {  	_ =	shalt  }
0x49: {  	_ =	shalt  }
0x4a: {  	_ =	shalt  }
0x4b: {  	_ =	shalt  }
0x4c: {  	_ =	shalt  }
0x4d: {  	_ =	shalt  }
0x4e: {  	_ =	shalt  }
0x4f: {  	_ =	shalt  }
0x50: {  	_ =	shalt  }
0x51: {  	_ =	shalt  }
0x52: {  	_ =	shalt  }
0x53: {  	_ =	shalt  }
0x54: {  	_ =	shalt  }
0x55: {  	_ =	shalt  }
0x56: {  	_ =	shalt  }
0x57: {  	_ =	shalt  }
0x58: {  	_ =	shalt  }
0x59: {  	_ =	shalt  }
0x5a: {  	_ =	shalt  }
0x5b: {  	_ =	shalt  }
0x5c: {  	_ =	shalt  }
0x5d: {  	_ =	shalt  }
0x5e: {  	_ =	shalt  }
0x5f: {  	_ =	shalt  }
0x60: {  	_ =	shalt  }
0x61: {  	_ =	shalt  }
0x62: {  	_ =	shalt  }
0x63: {  	_ =	shalt  }
0x64: {  	_ =	shalt  }
0x65: {  	_ =	shalt  }
0x66: {  	_ =	shalt  }
0x67: {  	_ =	shalt  }
0x68: {  	_ =	shalt  }
0x69: {  	_ =	shalt  }
0x6a: {  	_ =	shalt  }
0x6b: {  	_ =	shalt  }
0x6c: {  	_ =	shalt  }
0x6d: {  	_ =	shalt  }
0x6e: {  	_ =	shalt  }
0x6f: {  	_ =	shalt  }
0x70: {  	_ =	shalt  }
0x71: {  	_ =	shalt  }
0x72: {  	_ =	shalt  }
0x73: {  	_ =	shalt  }
0x74: {  	_ =	shalt  }
0x75: {  	_ =	shalt  }
0x76: {  	_ =	shalt  }
0x77: {  	_ =	shalt  }
0x78: {  	_ =	shalt  }
0x79: {  	_ =	shalt  }
0x7a: {  	_ =	shalt  }
0x7b: {  	_ =	shalt  }
0x7c: {  	_ =	shalt  }
0x7d: {  	_ =	shalt  }
0x7e: {  	_ =	shalt  }
0x7f: {  	_ =	shalt  }
0x80: {  	_ =	shalt  }
0x81: {  	_ =	shalt  }
0x82: {  	_ =	shalt  }
0x83: {  	_ =	shalt  }
0x84: {  	_ =	shalt  }
0x85: {  	_ =	shalt  }
0x86: {  	_ =	shalt  }
0x87: {  	_ =	shalt  }
.Lfunc_end0:
.L_simem_size_0:
called_computation.1_lowered:
.L_overlay_start_0:
0x88: {  	s2 =	sld [smem:$0x3FD9]  }
0x89: {  	s3 =	sld [smem:$0x3FFE];
	_ =	sdelay $0x1  }
0x8a: {  	s1 =	srdreg.scid  }
0x8b: {  	s0 =	sand.u32 $0x1, s1  }
0x8c: {  	s16 =	sshll.u32 s0, $0xA;
	s2 =	sadd.s32 s3, s2  }
0x8d: {  	s2 =	sadd.s32 s2, s16  }
0x8e: {  	[smem:$0x3FB7] =	sst s2  }
0x8f: {  	_ = 	snop  }
0x90: {  	(tm) =	ssettm $0x1  }
0x91: {  	s17 =	sld [smem:$0x3FFB];
	_ =	sdelay $0x3  }
0x92: {  	_ =	strace s17  }
0x93: {  	s2 =	sld [smem:$0x3FFC];
	_ =	sdelay $0x3  }
0x94: {  	_ =	strace s2  }
0x95: {  	s2 =	sld [smem:$0x3FFD];
	_ =	sdelay $0x3  }
0x96: {  	_ =	strace s2  }
0x97: {  	_ =	strace $0x8FFFFFFF  }
0x98: {  	s18 =	sld [smem:$0x3FDB];
	_ =	sdelay $0x1  }
0x99: {  	s19 =	simm.s32 $_scs_section_size  }
0x9a: {  	s4 =	simm.s32 $_size__tile_overlayer_lowered;
	s5 =	simm.s32 $_tile_overlayer_lowered  }
0x9b: {  	s22 =	simm.s32 $0x1BFF;
	s21 =	sshll.u32 s5, $0x1;
	s2 =	sadd.s32 s19, s18  }
0x9c: {  	s6 =	simm.s32 $0x0;
	s20 =	sshll.u32 s4, $0x1;
	s4 =	sadd.s32 s21, s2  }
0x9d: {  	[timem:s6], [sflag:s22] =	dma.local [hbm:s4], s20  }
0x9e: {  	_ =	swait.ge [sflag:s22], s20  }
0x9f: {  	s3 =	ssub.s32 $0x0, s20;
	[sflag:s22] =	ssyncset.done $0x0  }
0xa0: {  	[sflag:s22] =	ssyncadd.s32 s3;
	_ =	sdelay $0x1  }
0xa1: {  	s23 =	simm.s32 $0x1B8B  }
0xa2: {  	_ =	swait.ge [sflag:s23], $0x1  }
0xa3: {  	[sflag:s23] =	ssyncset.done $0x0  }
0xa4: {  	s25 =	simm.s32 $0x1B8E;
	s24 =	sld [smem:$0x3FFE];
	[sflag:s23] =	ssyncadd.s32 $0xFFFFFFFF  }
0xa5: {  	s26 =	simm.s32 $execute0_lowered;
	[smem:$0x3FD2] =	sst s25  }
0xa6: {  	s4 =	sshll.u32 s26, $0x1;
	_ =	strace $0x80000049;
	[dreg:$0x1] =	wrdreg $0xFFFFFFFF  }
0xa7: {  	s28 =	simm.s32 $_size_execute0_lowered;
	s2 =	sadd.s32 s2, s4;
	[dreg:$0x0] =	wrdreg $0x0  }
0xa8: {  	s4 =	sshll.u32 s28, $0x1;
	[dreg:$0x2] =	wrdreg s2  }
0xa9: {  	[dreg:$0x3] =	wrdreg s4  }
0xaa: {  	[dreg:$0x4] =	wrdreg $0xC0  }
0xab: {  	_ =	task [dreg:s6], $0x5FFFF  }
0xac: {  	[dreg:$0x1] =	wrdreg $0xFFFFFFFF  }
0xad: {  	[dreg:$0x0] =	wrdreg $0x60  }
0xae: {  	[dreg:$0x2] =	wrdreg s24  }
0xaf: {  	[dreg:$0x3] =	wrdreg $0xAE000  }
0xb0: {  	[dreg:$0x4] =	wrdreg $0x9  }
0xb1: {  	_ =	task.clear_ibuf [dreg:s6], $0x5FFFF;
	_ =	strace $0x90000049  }
0xb2: {  	s29 =	simm.s32 $0x9;
	_ =	strace $0x8000004B  }
0xb3: {  	_ =	swait.ge [sflag:s29], $0x1  }
0xb4: {  	[sflag:s29] =	ssyncadd.s32 $0xFFFFFFFF  }
0xb5: {  	_ =	strace $0x9000004B  }
0xb6: {  	_ =	sfence  }
0xb7: {  	s30 =	sld [smem:$0x0];
	_ =	sdelay $0x2  }
0xb8: {  	s31 =	sshll.u32 s1, $0xD;
	s1 =	sshrl.u32 s1, $0x2  }
0xb9: {  	s3 =	sand.u32 $0x4000, s31;
	s1 =	sadd.s32 s1, s30  }
0xba: {  	s0 =	sor.u32 s3, s0;
	s1 =	sshll.u32 s1, $0x11  }
0xbb: {  	s0 =	sor.u32 s1, s0  }
0xbc: {  	s0 =	sadd.s32 $0x8F2B, s0  }
0xbd: {  	[sflag:s0] =	ssyncadd.remote.s32 $0x1  }
0xbe: {  	_ =	sfence.sel $0xFFFF  }
0xbf: {  	[dreg:$0x0] =	wrdreg $0xFFFFFFFF;
	(pc) =	sbr.abs _section_cstart, $3  }
0xc0: {  	[dreg:$0x1] =	wrdreg $0xFFFFFFFF  }
0xc1: {  	_ =	task.clear_ibuf [dreg:s6], $0x2FFFF;
	_ =	strace $0x9FFFFFFF  }
0xc2: {  	(tm) =	ssettm $0x7FFFFFFF  }
0xc3: {  	_ =	shalt  }
tec
execute0_lowered:
.L_overlay_start_1:
0x0: {  	(tag) =	ssettag $0x1  }
0x1: {  	s0 =	rddreg [dreg:$0x0]  }
0x2: {  	s1 =	rddreg [dreg:$0x1]  }
0x3: {  	s3 =	simm.s32 $0x0;
	s2 =	srdreg.scid;
	s9 =	stileid.u32  }
0x4: {  	s28 =	simm.s32 $0x100;
	s29 =	simm.s32 $0x200;
	s30 =	simm.s32 $0x1  }
0x5: {  	s31 =	simm.s32 $0x80;
	[smem:$0x7FF] =	sst s3;
	s7 =	smul.u32 $0x50000, s9  }
0x6: {  	s2 =	sand.u32 $0x1, s2;
	s5 =	sadd.s32 $0x5C800, s0;
	s10 =	smul.u32 $0x28000, s9  }
0x7: {  	s4 =	sadd.s32 $0x160A00, s0;
	s0 =	sadd.s32 $0x70A00, s0;
	s14 =	smul.u32 $0x1400, s9  }
0x8: {  	s19 =	smul.u32 $0xA000, s9;
	s9 =	simm.s32 $0x5;
	_ =	strace $0x8000004A  }
0x9: {  	s6 =	ssub.s32 $0x2, s2;
	[dreg:$0x4] =	wrdreg s0;
	s2 =	smul.u32 $0x3, s2  }
0xa: {  	s8 =	sshrl.u32 s6, $0x1;
	[dreg:$0x3] =	wrdreg s10;
	s14 =	sadd.s32 s5, s14  }
0xb: {  	s11 =	sshrl.u32 s7, $0x2;
	[dreg:$0x5] =	wrdreg s2;
	s21 =	sadd.s32 $0x20, s14  }
0xc: {  	s12 =	sshrl.u32 s10, $0x1;
	s23 =	sadd.s32 $0x40, s14;
	[dreg:$0xe] =	wrdreg s21  }
0xd: {  	s7 =	simm.s32 $0x4600;
	s24 =	sadd.s32 $0x60, s14;
	[dreg:$0xf] =	wrdreg s23  }
0xe: {  	s10 =	simm.s32 $0x7;
	s25 =	sadd.s32 $0x80, s14;
	[dreg:$0x10] =	wrdreg s24  }
0xf: {  	s8 =	ssub.s32 s6, s8;
	s26 =	sadd.s32 $0xA0, s14;
	[dreg:$0x11] =	wrdreg s25  }
0x10: {  	s6 =	sadd.s32 s11, s1;
	s22 =	sadd.s32 s12, s1;
	[dreg:$0x12] =	wrdreg s26  }
0x11: {  	s2 =	sshrl.u32 s19, $0x3;
	s13 =	sadd.s32 $0x2800, s6;
	[dreg:$0x6] =	wrdreg s22  }
0x12: {  	s11 =	simm.s32 $0x3;
	s15 =	sadd.s32 $0x5000, s6;
	[dreg:$0x7] =	wrdreg s13  }
0x13: {  	s12 =	simm.s32 $0x500;
	s16 =	sadd.s32 $0x7800, s6;
	[dreg:$0x8] =	wrdreg s15  }
0x14: {  	s19 =	simm.s32 $0x280;
	s17 =	sadd.s32 $0xA000, s6;
	[dreg:$0x9] =	wrdreg s16  }
0x15: {  	s18 =	sadd.s32 $0xC800, s6;
	s20 =	sadd.s32 $0xF000, s6;
	[dreg:$0xa] =	wrdreg s17  }
0x16: {  	s6 =	sadd.s32 $0x11800, s6;
	s2 =	sadd.s32 s5, s2;
	[dreg:$0xb] =	wrdreg s18  }
0x17: {  	s0 =	smax.u32 s8, $0x1;
	s26 =	simm.s32 $0x9;
	[dreg:$0xc] =	wrdreg s20  }
0x18: {  	s24 =	simm.s32 $0x600;
	s21 =	simm.s32 $0x0;
	[dreg:$0xd] =	wrdreg s6  }
0x19: {  	s5 =	sadd.s32 $0x13C0, s2;
	s2 =	sadd.s32 $0x13E0, s2;
	[dreg:$0x15] =	wrdreg s0  }
0x1a: {  	s0 =	simm.s32 $0x400;
	s6 =	simm.s32 $0x480;
	s13 =	simm.s32 $0x6  }
0x1b: {  	s15 =	simm.s32 $0x180;
	s16 =	simm.s32 $0x8;
	s17 =	simm.s32 $0x4  }
0x1c: {  	s18 =	simm.s32 $0x580;
	s20 =	simm.s32 $0x380;
	[dreg:$0x13] =	wrdreg s5  }
0x1d: {  	v0 =	vimm.bf16 $0.0e+00;
	[dreg:$0x14] =	wrdreg s2;
	s2 =	simm.s32 $0x300;
	s5 =	simm.s32 $0x2  }
.LBB2_1:
0x1e: {  	[dreg:$0x16] =	wrdreg s21;
	s8 =	simm.s32 $0x0;
	s21 =	simm.s32 $0x200  }
.LBB2_2:
0x1f: {  	p0 =	sne.s32 s21, $0x9E00;
	[tilespmem:s8+$0x8670] =	vst v0  }
0x20: {  	[tilespmem:s8+$0x8600] =	vst v0  }
0x21: {  	[tilespmem:s8+$0x8610] =	vst v0  }
.Ltmp0:
0x22: {  	[tilespmem:s8+$0x8620] =	vst v0;
	(pc) =	sbr.rel @p0 .LBB2_2-.Ltmp0, $4  }
0x23: {  	[tilespmem:s8+$0x8630] =	vst v0  }
0x24: {  	[tilespmem:s8+$0x8640] =	vst v0  }
0x25: {  	[tilespmem:s8+$0x8650] =	vst v0  }
0x26: {  	[tilespmem:s8+$0x8660] =	vst v0;
	s8 =	sshra.s32 s21, $0x2;
	s21 =	sadd.s32 $0x200, s21  }
0x27: {  	[tilespmem:s8+$0x8670] =	vst v0  }
0x28: {  	[tilespmem:s8+$0x8600] =	vst v0  }
0x29: {  	[tilespmem:s8+$0x8610] =	vst v0  }
0x2a: {  	[tilespmem:s8+$0x8620] =	vst v0  }
0x2b: {  	[tilespmem:s8+$0x8630] =	vst v0  }
0x2c: {  	[tilespmem:s8+$0x8640] =	vst v0  }
0x2d: {  	[tilespmem:s8+$0x8650] =	vst v0  }
0x2e: {  	[tilespmem:s8+$0x8660] =	vst v0;
	s21 =	simm.s32 $0x0  }
.LBB2_4:
0x2f: {  	s23 =	simm.s32 $0x8600  }
0x30: {  	[spmem:s22] =	stream.linear.scatter [tilespmem:s23], [sflag:$0x9], $0x2800, $0x38;
	[tilespmem:$0x1EE00] =	vst v63  }
0x31: {  	_ =	swait.ge [sflag:s26], $0x2800  }
0x32: {  	[sflag:s26] =	ssyncset.done $0x0  }
0x33: {  	s8 =	rddreg [dreg:$0x7];
	[sflag:s26] =	ssyncadd.s32 $0xFFFFD800  }
0x34: {  	[spmem:s8] =	stream.linear.scatter [tilespmem:s23], [sflag:$0x9], $0x2800, $0x38;
	[tilespmem:$0x1EE00] =	vst v63  }
0x35: {  	_ =	swait.ge [sflag:s26], $0x2800  }
0x36: {  	[sflag:s26] =	ssyncset.done $0x0  }
0x37: {  	s25 =	rddreg [dreg:$0x8];
	[sflag:s26] =	ssyncadd.s32 $0xFFFFD800  }
0x38: {  	[spmem:s25] =	stream.linear.scatter [tilespmem:s23], [sflag:$0x9], $0x2800, $0x38;
	[tilespmem:$0x1EE00] =	vst v63  }
0x39: {  	_ =	swait.ge [sflag:s26], $0x2800  }
0x3a: {  	[sflag:s26] =	ssyncset.done $0x0  }
0x3b: {  	s22 =	rddreg [dreg:$0x9];
	[sflag:s26] =	ssyncadd.s32 $0xFFFFD800  }
0x3c: {  	[spmem:s22] =	stream.linear.scatter [tilespmem:s23], [sflag:$0x9], $0x2800, $0x38;
	[tilespmem:$0x1EE00] =	vst v63  }
0x3d: {  	_ =	swait.ge [sflag:s26], $0x2800  }
0x3e: {  	[sflag:s26] =	ssyncset.done $0x0  }
0x3f: {  	s25 =	rddreg [dreg:$0xa];
	[sflag:s26] =	ssyncadd.s32 $0xFFFFD800  }
0x40: {  	[spmem:s25] =	stream.linear.scatter [tilespmem:s23], [sflag:$0x9], $0x2800, $0x38;
	[tilespmem:$0x1EE00] =	vst v63  }
0x41: {  	_ =	swait.ge [sflag:s26], $0x2800  }
0x42: {  	[sflag:s26] =	ssyncset.done $0x0  }
0x43: {  	s22 =	rddreg [dreg:$0xb];
	[sflag:s26] =	ssyncadd.s32 $0xFFFFD800  }
0x44: {  	[spmem:s22] =	stream.linear.scatter [tilespmem:s23], [sflag:$0x9], $0x2800, $0x38;
	[tilespmem:$0x1EE00] =	vst v63  }
0x45: {  	_ =	swait.ge [sflag:s26], $0x2800  }
0x46: {  	[sflag:s26] =	ssyncset.done $0x0  }
0x47: {  	s25 =	rddreg [dreg:$0xc];
	[sflag:s26] =	ssyncadd.s32 $0xFFFFD800  }
0x48: {  	[spmem:s25] =	stream.linear.scatter [tilespmem:s23], [sflag:$0x9], $0x2800, $0x38;
	[tilespmem:$0x1EE00] =	vst v63  }
0x49: {  	_ =	swait.ge [sflag:s26], $0x2800  }
0x4a: {  	[sflag:s26] =	ssyncset.done $0x0  }
0x4b: {  	s22 =	rddreg [dreg:$0xd];
	[sflag:s26] =	ssyncadd.s32 $0xFFFFD800  }
0x4c: {  	[spmem:s22] =	stream.linear.scatter [tilespmem:s23], [sflag:$0x9], $0x2800, $0x38;
	[tilespmem:$0x1EE00] =	vst v63  }
0x4d: {  	_ =	swait.ge [sflag:s26], $0x2800  }
0x4e: {  	[sflag:s26] =	ssyncset.done $0x0  }
0x4f: {  	[sflag:s26] =	ssyncadd.s32 $0xFFFFD800  }
0x50: {  	[tilespmem:s3], [sflag:$0x1] =	stream.linear.gather [hbm4b:s14+s3], $0x100, $0x38;
	[tilespmem:$0x1EE00] =	vst v63  }
0x51: {  	s23 =	rddreg [dreg:$0xe]  }
0x52: {  	[tilespmem:s28], [sflag:$0x2] =	stream.linear.gather [hbm4b:s23+s3], $0x100, $0x38;
	[tilespmem:$0x1EE00] =	vst v63  }
0x53: {  	[bflag:$0x0] =	sbarrier.arrive $0xFFFF  }
0x54: {  	s25 =	rddreg [dreg:$0xf]  }
0x55: {  	[tilespmem:s29], [sflag:$0x3] =	stream.linear.gather [hbm4b:s25+s3], $0x100, $0x38;
	[tilespmem:$0x1EE00] =	vst v63  }
0x56: {  	_ =	swait.ge [sflag:s30], $0x100  }
0x57: {  	[sflag:s30] =	ssyncset.done $0x0  }
0x58: {  	[sflag:s30] =	ssyncadd.s32 $0xFFFFFF00  }
0x59: {  	v1 =	vld [tilespmem:$0x0]  }
0x5a: {  	s22 =	rddreg [dreg:$0x5];
	v2 =	vld [tilespmem:$0x10]  }
0x5b: {  	s25 =	sadd.s32 s22, s21;
	v3 =	vld [tilespmem:$0x20]  }
0x5c: {  	s8 =	smul.u32 $0x2800, s25;
	v4 =	vld [tilespmem:$0x30]  }
0x5d: {  	v5 =	vld [tilespmem:$0x40]  }
0x5e: {  	v6 =	vld [tilespmem:$0x50];
	v1 =	vadd.s32 s8, v1  }
0x5f: {  	[tilespmem:$0x400] =	vst v1;
	v1 =	vadd.s32 s8, v2;
	v2 =	vld [tilespmem:$0x60]  }
0x60: {  	[tilespmem:$0x410] =	vst v1;
	v1 =	vadd.s32 s8, v3;
	v3 =	vld [tilespmem:$0x70]  }
0x61: {  	[tilespmem:$0x420] =	vst v1;
	v1 =	vadd.s32 s8, v4  }
0x62: {  	[tilespmem:$0x430] =	vst v1;
	v1 =	vadd.s32 s8, v5  }
0x63: {  	[tilespmem:$0x440] =	vst v1;
	v1 =	vadd.s32 s8, v6  }
0x64: {  	[tilespmem:$0x450] =	vst v1;
	v1 =	vadd.s32 s8, v2  }
0x65: {  	[tilespmem:$0x460] =	vst v1;
	v1 =	vadd.s32 s8, v3  }
0x66: {  	[tilespmem:$0x470] =	vst v1  }
0x67: {  	[tilespmem:s24], [sflag:$0x5] =	stream.indirect.gather [hbm4b:s4+s31], $0x80, s0, s31, $0xb8;
	[tilespmem:$0x1EE00] =	vst v63  }
0x68: {  	s23 =	rddreg [dreg:$0x10]  }
0x69: {  	[tilespmem:s2], [sflag:$0x4] =	stream.linear.gather [hbm4b:s23+s3], $0x100, $0x38;
	[tilespmem:$0x1EE00] =	vst v63  }
0x6a: {  	_ =	swait.ge [sflag:s5], $0x100  }
0x6b: {  	[sflag:s5] =	ssyncset.done $0x0  }
0x6c: {  	[sflag:s5] =	ssyncadd.s32 $0xFFFFFF00  }
0x6d: {  	v1 =	vld [tilespmem:$0x100]  }
0x6e: {  	v2 =	vld [tilespmem:$0x110]  }
0x6f: {  	v3 =	vld [tilespmem:$0x120]  }
0x70: {  	v4 =	vld [tilespmem:$0x130]  }
0x71: {  	v5 =	vld [tilespmem:$0x140]  }
0x72: {  	v6 =	vld [tilespmem:$0x150];
	v1 =	vadd.s32 s8, v1  }
0x73: {  	[tilespmem:$0x480] =	vst v1;
	v1 =	vadd.s32 s8, v2;
	v2 =	vld [tilespmem:$0x160]  }
0x74: {  	[tilespmem:$0x490] =	vst v1;
	v1 =	vadd.s32 s8, v3;
	v3 =	vld [tilespmem:$0x170]  }
0x75: {  	[tilespmem:$0x4A0] =	vst v1;
	v1 =	vadd.s32 s8, v4  }
0x76: {  	[tilespmem:$0x4B0] =	vst v1;
	v1 =	vadd.s32 s8, v5  }
0x77: {  	[tilespmem:$0x4C0] =	vst v1;
	v1 =	vadd.s32 s8, v6  }
0x78: {  	[tilespmem:$0x4D0] =	vst v1;
	v1 =	vadd.s32 s8, v2  }
0x79: {  	[tilespmem:$0x4E0] =	vst v1;
	v1 =	vadd.s32 s8, v3  }
0x7a: {  	[tilespmem:$0x4F0] =	vst v1  }
0x7b: {  	[tilespmem:s7], [sflag:$0x6] =	stream.indirect.gather [hbm4b:s4+s31], $0x80, s6, s31, $0xb8;
	[tilespmem:$0x1EE00] =	vst v63  }
0x7c: {  	_ =	swait.ge [sflag:s9], $0x4000  }
0x7d: {  	[sflag:s9] =	ssyncset.done $0x0  }
0x7e: {  	[sflag:s9] =	ssyncadd.s32 $0xFFFFC000  }
0x7f: {  	[spmem:s1] =	stream.indirect.scatter.add.bf16 [tilespmem:s24], [sflag:$0x7], $0x80, s31, s31, $0xb8;
	[tilespmem:$0x1EE00] =	vst v63  }
0x80: {  	_ =	swait.ge [sflag:s10], $0x4000  }
0x81: {  	[sflag:s10] =	ssyncset.done $0x0  }
0x82: {  	s23 =	rddreg [dreg:$0x11];
	[sflag:s10] =	ssyncadd.s32 $0xFFFFC000  }
0x83: {  	[tilespmem:s3], [sflag:$0x1] =	stream.linear.gather [hbm4b:s23+s3], $0x100, $0x38;
	[tilespmem:$0x1EE00] =	vst v63  }
0x84: {  	_ =	swait.ge [sflag:s11], $0x100  }
0x85: {  	[sflag:s11] =	ssyncset.done $0x0  }
0x86: {  	[sflag:s11] =	ssyncadd.s32 $0xFFFFFF00  }
0x87: {  	v1 =	vld [tilespmem:$0x200]  }
0x88: {  	v2 =	vld [tilespmem:$0x210]  }
0x89: {  	v3 =	vld [tilespmem:$0x220]  }
0x8a: {  	v4 =	vld [tilespmem:$0x230]  }
0x8b: {  	v5 =	vld [tilespmem:$0x240]  }
0x8c: {  	v6 =	vld [tilespmem:$0x250];
	v1 =	vadd.s32 s8, v1  }
0x8d: {  	[tilespmem:$0x500] =	vst v1;
	v1 =	vadd.s32 s8, v2;
	v2 =	vld [tilespmem:$0x260]  }
0x8e: {  	[tilespmem:$0x510] =	vst v1;
	v1 =	vadd.s32 s8, v3;
	v3 =	vld [tilespmem:$0x270]  }
0x8f: {  	[tilespmem:$0x520] =	vst v1;
	v1 =	vadd.s32 s8, v4  }
0x90: {  	[tilespmem:$0x530] =	vst v1;
	v1 =	vadd.s32 s8, v5  }
0x91: {  	[tilespmem:$0x540] =	vst v1;
	v1 =	vadd.s32 s8, v6  }
0x92: {  	[tilespmem:$0x550] =	vst v1;
	v1 =	vadd.s32 s8, v2  }
0x93: {  	[tilespmem:$0x560] =	vst v1;
	v1 =	vadd.s32 s8, v3  }
0x94: {  	[tilespmem:$0x570] =	vst v1  }
0x95: {  	[tilespmem:s24], [sflag:$0x5] =	stream.indirect.gather [hbm4b:s4+s31], $0x80, s12, s31, $0xb8;
	[tilespmem:$0x1EE00] =	vst v63  }
0x96: {  	_ =	swait.ge [sflag:s13], $0x4000  }
0x97: {  	[sflag:s13] =	ssyncset.done $0x0  }
0x98: {  	[sflag:s13] =	ssyncadd.s32 $0xFFFFC000  }
0x99: {  	[spmem:s1] =	stream.indirect.scatter.add.bf16 [tilespmem:s7], [sflag:$0x8], $0x80, s15, s31, $0xb8;
	[tilespmem:$0x1EE00] =	vst v63  }
0x9a: {  	_ =	swait.ge [sflag:s16], $0x4000  }
0x9b: {  	[sflag:s16] =	ssyncset.done $0x0  }
0x9c: {  	s23 =	rddreg [dreg:$0x12];
	[sflag:s16] =	ssyncadd.s32 $0xFFFFC000  }
0x9d: {  	[tilespmem:s28], [sflag:$0x2] =	stream.linear.gather [hbm4b:s23+s3], $0x100, $0x38;
	[tilespmem:$0x1EE00] =	vst v63  }
0x9e: {  	_ =	swait.ge [sflag:s17], $0x100  }
0x9f: {  	[sflag:s17] =	ssyncset.done $0x0  }
0xa0: {  	[sflag:s17] =	ssyncadd.s32 $0xFFFFFF00  }
0xa1: {  	v1 =	vld [tilespmem:$0x300]  }
0xa2: {  	v2 =	vld [tilespmem:$0x310]  }
0xa3: {  	v3 =	vld [tilespmem:$0x320]  }
0xa4: {  	v4 =	vld [tilespmem:$0x330]  }
0xa5: {  	v5 =	vld [tilespmem:$0x340]  }
0xa6: {  	v6 =	vld [tilespmem:$0x350];
	v1 =	vadd.s32 s8, v1  }
0xa7: {  	[tilespmem:$0x580] =	vst v1;
	v1 =	vadd.s32 s8, v2;
	v2 =	vld [tilespmem:$0x360]  }
0xa8: {  	[tilespmem:$0x590] =	vst v1;
	v1 =	vadd.s32 s8, v3;
	v3 =	vld [tilespmem:$0x370]  }
0xa9: {  	[tilespmem:$0x5A0] =	vst v1;
	v1 =	vadd.s32 s8, v4  }
0xaa: {  	[tilespmem:$0x5B0] =	vst v1;
	v1 =	vadd.s32 s8, v5  }
0xab: {  	[tilespmem:$0x5C0] =	vst v1;
	v1 =	vadd.s32 s8, v6  }
0xac: {  	[tilespmem:$0x5D0] =	vst v1;
	v1 =	vadd.s32 s8, v2  }
0xad: {  	[tilespmem:$0x5E0] =	vst v1;
	v1 =	vadd.s32 s8, v3  }
0xae: {  	[tilespmem:$0x5F0] =	vst v1  }
0xaf: {  	[tilespmem:s7], [sflag:$0x6] =	stream.indirect.gather [hbm4b:s4+s31], $0x80, s18, s31, $0xb8;
	[tilespmem:$0x1EE00] =	vst v63  }
0xb0: {  	_ =	swait.ge [sflag:s9], $0x4000  }
0xb1: {  	[sflag:s9] =	ssyncset.done $0x0  }
0xb2: {  	[sflag:s9] =	ssyncadd.s32 $0xFFFFC000  }
0xb3: {  	[spmem:s1] =	stream.indirect.scatter.add.bf16 [tilespmem:s24], [sflag:$0x7], $0x80, s19, s31, $0xb8;
	[tilespmem:$0x1EE00] =	vst v63  }
0xb4: {  	_ =	swait.ge [sflag:s10], $0x4000  }
0xb5: {  	s23 =	sadd.s32 $0xFFFFED00, s14;
	[sflag:s10] =	ssyncset.done $0x0  }
0xb6: {  	s22 =	sadd.s32 $0x13C0, s23;
	[sflag:s10] =	ssyncadd.s32 $0xFFFFC000  }
0xb7: {  	[tilespmem:s29], [sflag:$0x3] =	stream.linear.gather [hbm4b:s22+s3], $0x100, $0x38;
	[tilespmem:$0x1EE00] =	vst v63  }
0xb8: {  	_ =	swait.ge [sflag:s30], $0x100  }
0xb9: {  	[sflag:s30] =	ssyncset.done $0x0  }
0xba: {  	[sflag:s30] =	ssyncadd.s32 $0xFFFFFF00  }
0xbb: {  	v2 =	vld [tilespmem:$0x10]  }
0xbc: {  	v3 =	vld [tilespmem:$0x20]  }
0xbd: {  	v4 =	vld [tilespmem:$0x50];
	_ =	sdelay $0x1  }
0xbe: {  	v7 =	vld [tilespmem:$0x30]  }
0xbf: {  	v1 =	vmov s8;
	v5 =	vld [tilespmem:$0x0]  }
0xc0: {  	v6 =	vld [tilespmem:$0x40];
	v2 =	vadd.s32 v1, v2  }
0xc1: {  	v4 =	vadd.s32 v1, v4;
	[tilespmem:$0x410] =	vst v2;
	v2 =	vadd.s32 v1, v3;
	v3 =	vld [tilespmem:$0x70]  }
0xc2: {  	v8 =	vld [tilespmem:$0x60];
	[tilespmem:$0x450] =	vst v4  }
0xc3: {  	v4 =	vadd.s32 v1, v7;
	[tilespmem:$0x420] =	vst v2  }
0xc4: {  	v2 =	vadd.s32 v1, v5;
	[tilespmem:$0x430] =	vst v4  }
0xc5: {  	[tilespmem:$0x400] =	vst v2;
	v2 =	vadd.s32 v1, v6  }
0xc6: {  	[tilespmem:$0x440] =	vst v2;
	v2 =	vadd.s32 v1, v3  }
0xc7: {  	v3 =	vadd.s32 v1, v8;
	[tilespmem:$0x470] =	vst v2  }
0xc8: {  	[tilespmem:$0x460] =	vst v3  }
0xc9: {  	[tilespmem:s24], [sflag:$0x5] =	stream.indirect.gather [hbm4b:s4+s31], $0x80, s0, s31, $0xb8;
	[tilespmem:$0x1EE00] =	vst v63  }
0xca: {  	_ =	swait.ge [sflag:s13], $0x4000  }
0xcb: {  	[sflag:s13] =	ssyncset.done $0x0  }
0xcc: {  	[sflag:s13] =	ssyncadd.s32 $0xFFFFC000  }
0xcd: {  	[spmem:s1] =	stream.indirect.scatter.add.bf16 [tilespmem:s7], [sflag:$0x8], $0x80, s20, s31, $0xb8;
	[tilespmem:$0x1EE00] =	vst v63  }
0xce: {  	_ =	swait.ge [sflag:s16], $0x4000  }
0xcf: {  	[sflag:s16] =	ssyncset.done $0x0  }
0xd0: {  	s22 =	sadd.s32 $0x13E0, s23;
	[sflag:s16] =	ssyncadd.s32 $0xFFFFC000  }
0xd1: {  	[tilespmem:s2], [sflag:$0x4] =	stream.linear.gather [hbm4b:s22+s3], $0x100, $0x38;
	[tilespmem:$0x1EE00] =	vst v63  }
0xd2: {  	_ =	swait.ge [sflag:s5], $0x100  }
0xd3: {  	[sflag:s5] =	ssyncset.done $0x0  }
0xd4: {  	[sflag:s5] =	ssyncadd.s32 $0xFFFFFF00  }
0xd5: {  	v2 =	vld [tilespmem:$0x160]  }
0xd6: {  	v3 =	vld [tilespmem:$0x100]  }
0xd7: {  	v4 =	vld [tilespmem:$0x120]  }
0xd8: {  	v6 =	vld [tilespmem:$0x150]  }
0xd9: {  	v5 =	vld [tilespmem:$0x170]  }
0xda: {  	v8 =	vld [tilespmem:$0x110];
	v2 =	vadd.s32 v1, v2  }
0xdb: {  	v7 =	vld [tilespmem:$0x140];
	v3 =	vadd.s32 v1, v3;
	[tilespmem:$0x4E0] =	vst v2  }
0xdc: {  	[tilespmem:$0x480] =	vst v3;
	v2 =	vadd.s32 v1, v4;
	v3 =	vld [tilespmem:$0x130]  }
0xdd: {  	v4 =	vadd.s32 v1, v6;
	[tilespmem:$0x4A0] =	vst v2  }
0xde: {  	v2 =	vadd.s32 v1, v5;
	[tilespmem:$0x4D0] =	vst v4  }
0xdf: {  	v4 =	vadd.s32 v1, v8;
	[tilespmem:$0x4F0] =	vst v2  }
0xe0: {  	v2 =	vadd.s32 v1, v7;
	[tilespmem:$0x490] =	vst v4  }
0xe1: {  	[tilespmem:$0x4C0] =	vst v2;
	v2 =	vadd.s32 v1, v3  }
0xe2: {  	[tilespmem:$0x4B0] =	vst v2  }
0xe3: {  	[tilespmem:s7], [sflag:$0x6] =	stream.indirect.gather [hbm4b:s4+s31], $0x80, s6, s31, $0xb8;
	[tilespmem:$0x1EE00] =	vst v63  }
0xe4: {  	_ =	swait.ge [sflag:s9], $0x4000  }
0xe5: {  	[sflag:s9] =	ssyncset.done $0x0  }
0xe6: {  	[sflag:s9] =	ssyncadd.s32 $0xFFFFC000  }
0xe7: {  	[spmem:s1] =	stream.indirect.scatter.add.bf16 [tilespmem:s24], [sflag:$0x7], $0x80, s31, s31, $0xb8;
	[tilespmem:$0x1EE00] =	vst v63  }
0xe8: {  	_ =	swait.ge [sflag:s10], $0x4000  }
0xe9: {  	[sflag:s10] =	ssyncset.done $0x0  }
0xea: {  	s22 =	sadd.s32 $0x1400, s23;
	[sflag:s10] =	ssyncadd.s32 $0xFFFFC000  }
0xeb: {  	[tilespmem:s3], [sflag:$0x1] =	stream.linear.gather [hbm4b:s22+s3], $0x100, $0x38;
	[tilespmem:$0x1EE00] =	vst v63  }
0xec: {  	_ =	swait.ge [sflag:s11], $0x100  }
0xed: {  	[sflag:s11] =	ssyncset.done $0x0  }
0xee: {  	[sflag:s11] =	ssyncadd.s32 $0xFFFFFF00  }
0xef: {  	v7 =	vld [tilespmem:$0x270]  }
0xf0: {  	v2 =	vld [tilespmem:$0x260]  }
0xf1: {  	v3 =	vld [tilespmem:$0x220]  }
0xf2: {  	v6 =	vld [tilespmem:$0x240]  }
0xf3: {  	v5 =	vld [tilespmem:$0x210]  }
0xf4: {  	s8 =	simm.s32 $0xFFFFED80;
	v4 =	vld [tilespmem:$0x200];
	v7 =	vadd.s32 v1, v7  }
.LBB2_5:
0xf5: {  	p0 =	sne.s32 s8, $0xFFFFFF80;
	v8 =	vld [tilespmem:$0x230];
	s22 =	smov.u32 s8;
	s8 =	sadd.s32 $0x80, s8  }
0xf6: {  	v9 =	vld [tilespmem:$0x250]  }
0xf7: {  	v6 =	vadd.s32 v1, v6;
	[tilespmem:$0x570] =	vst v7  }
0xf8: {  	v5 =	vadd.s32 v1, v5;
	[tilespmem:$0x540] =	vst v6  }
0xf9: {  	v3 =	vadd.s32 v1, v3;
	v4 =	vadd.s32 v1, v4;
	[tilespmem:$0x510] =	vst v5  }
0xfa: {  	v2 =	vadd.s32 v1, v2;
	[tilespmem:$0x500] =	vst v4;
	v4 =	vadd.s32 v1, v8  }
0xfb: {  	[tilespmem:$0x530] =	vst v4;
	v4 =	vadd.s32 v1, v9  }
0xfc: {  	[tilespmem:$0x550] =	vst v4  }
0xfd: {  	[tilespmem:$0x560] =	vst v2  }
0xfe: {  	[tilespmem:$0x520] =	vst v3  }
0xff: {  	[tilespmem:s24], [sflag:$0x5] =	stream.indirect.gather [hbm4b:s4+s31], $0x80, s12, s31, $0xb8;
	[tilespmem:$0x1EE00] =	vst v63  }
0x100: {  	_ =	swait.ge [sflag:s13], $0x4000  }
0x101: {  	[sflag:s13] =	ssyncset.done $0x0  }
0x102: {  	[sflag:s13] =	ssyncadd.s32 $0xFFFFC000  }
0x103: {  	[spmem:s1] =	stream.indirect.scatter.add.bf16 [tilespmem:s7], [sflag:$0x8], $0x80, s15, s31, $0xb8;
	[tilespmem:$0x1EE00] =	vst v63  }
0x104: {  	_ =	swait.ge [sflag:s16], $0x4000  }
0x105: {  	[sflag:s16] =	ssyncset.done $0x0  }
0x106: {  	s23 =	sadd.s32 $0x1420, s23;
	[sflag:s16] =	ssyncadd.s32 $0xFFFFC000  }
0x107: {  	[tilespmem:s28], [sflag:$0x2] =	stream.linear.gather [hbm4b:s23+s3], $0x100, $0x38;
	[tilespmem:$0x1EE00] =	vst v63  }
0x108: {  	_ =	swait.ge [sflag:s17], $0x100  }
0x109: {  	[sflag:s17] =	ssyncset.done $0x0  }
0x10a: {  	[sflag:s17] =	ssyncadd.s32 $0xFFFFFF00  }
0x10b: {  	v2 =	vld [tilespmem:$0x300]  }
0x10c: {  	v3 =	vld [tilespmem:$0x310]  }
0x10d: {  	v4 =	vld [tilespmem:$0x320]  }
0x10e: {  	v5 =	vld [tilespmem:$0x330]  }
0x10f: {  	v6 =	vld [tilespmem:$0x350]  }
0x110: {  	v2 =	vadd.s32 v1, v2;
	v7 =	vld [tilespmem:$0x360]  }
0x111: {  	[tilespmem:$0x580] =	vst v2;
	v2 =	vadd.s32 v1, v3;
	v3 =	vld [tilespmem:$0x370]  }
0x112: {  	[tilespmem:$0x590] =	vst v2;
	v2 =	vadd.s32 v1, v4;
	v4 =	vld [tilespmem:$0x340]  }
0x113: {  	[tilespmem:$0x5A0] =	vst v2;
	v2 =	vadd.s32 v1, v5  }
0x114: {  	[tilespmem:$0x5B0] =	vst v2;
	v2 =	vadd.s32 v1, v6  }
0x115: {  	[tilespmem:$0x5D0] =	vst v2;
	v2 =	vadd.s32 v1, v7  }
0x116: {  	[tilespmem:$0x5E0] =	vst v2;
	v2 =	vadd.s32 v1, v3  }
0x117: {  	v3 =	vadd.s32 v1, v4;
	[tilespmem:$0x5F0] =	vst v2  }
0x118: {  	[tilespmem:$0x5C0] =	vst v3  }
0x119: {  	[tilespmem:s7], [sflag:$0x6] =	stream.indirect.gather [hbm4b:s4+s31], $0x80, s18, s31, $0xb8;
	[tilespmem:$0x1EE00] =	vst v63  }
0x11a: {  	_ =	swait.ge [sflag:s9], $0x4000  }
0x11b: {  	[sflag:s9] =	ssyncset.done $0x0  }
0x11c: {  	[sflag:s9] =	ssyncadd.s32 $0xFFFFC000  }
0x11d: {  	[spmem:s1] =	stream.indirect.scatter.add.bf16 [tilespmem:s24], [sflag:$0x7], $0x80, s19, s31, $0xb8;
	[tilespmem:$0x1EE00] =	vst v63  }
0x11e: {  	_ =	swait.ge [sflag:s10], $0x4000  }
0x11f: {  	s23 =	sadd.s32 s22, s14;
	[sflag:s10] =	ssyncset.done $0x0  }
0x120: {  	s22 =	sadd.s32 $0x13C0, s23;
	[sflag:s10] =	ssyncadd.s32 $0xFFFFC000  }
0x121: {  	[tilespmem:s29], [sflag:$0x3] =	stream.linear.gather [hbm4b:s22+s3], $0x100, $0x38;
	[tilespmem:$0x1EE00] =	vst v63  }
0x122: {  	_ =	swait.ge [sflag:s30], $0x100  }
0x123: {  	[sflag:s30] =	ssyncset.done $0x0  }
0x124: {  	[sflag:s30] =	ssyncadd.s32 $0xFFFFFF00  }
0x125: {  	v2 =	vld [tilespmem:$0x50]  }
0x126: {  	v3 =	vld [tilespmem:$0x10]  }
0x127: {  	v4 =	vld [tilespmem:$0x20]  }
0x128: {  	v5 =	vld [tilespmem:$0x60]  }
0x129: {  	v6 =	vld [tilespmem:$0x0]  }
0x12a: {  	v7 =	vld [tilespmem:$0x40]  }
0x12b: {  	v3 =	vadd.s32 v1, v3;
	v8 =	vld [tilespmem:$0x30]  }
0x12c: {  	v2 =	vadd.s32 v1, v2;
	[tilespmem:$0x410] =	vst v3;
	v3 =	vadd.s32 v1, v4;
	v4 =	vld [tilespmem:$0x70]  }
0x12d: {  	[tilespmem:$0x420] =	vst v3;
	v3 =	vadd.s32 v1, v5  }
0x12e: {  	v5 =	vadd.s32 v1, v6;
	[tilespmem:$0x450] =	vst v2  }
0x12f: {  	[tilespmem:$0x400] =	vst v5;
	v2 =	vadd.s32 v1, v7  }
0x130: {  	v5 =	vadd.s32 v1, v8;
	[tilespmem:$0x440] =	vst v2  }
0x131: {  	[tilespmem:$0x430] =	vst v5;
	v2 =	vadd.s32 v1, v4  }
0x132: {  	[tilespmem:$0x470] =	vst v2  }
0x133: {  	[tilespmem:$0x460] =	vst v3  }
0x134: {  	[tilespmem:s24], [sflag:$0x5] =	stream.indirect.gather [hbm4b:s4+s31], $0x80, s0, s31, $0xb8;
	[tilespmem:$0x1EE00] =	vst v63  }
0x135: {  	_ =	swait.ge [sflag:s13], $0x4000  }
0x136: {  	[sflag:s13] =	ssyncset.done $0x0  }
0x137: {  	[sflag:s13] =	ssyncadd.s32 $0xFFFFC000  }
0x138: {  	[spmem:s1] =	stream.indirect.scatter.add.bf16 [tilespmem:s7], [sflag:$0x8], $0x80, s20, s31, $0xb8;
	[tilespmem:$0x1EE00] =	vst v63  }
0x139: {  	_ =	swait.ge [sflag:s16], $0x4000  }
0x13a: {  	[sflag:s16] =	ssyncset.done $0x0  }
0x13b: {  	s22 =	sadd.s32 $0x13E0, s23;
	[sflag:s16] =	ssyncadd.s32 $0xFFFFC000  }
0x13c: {  	[tilespmem:s2], [sflag:$0x4] =	stream.linear.gather [hbm4b:s22+s3], $0x100, $0x38;
	[tilespmem:$0x1EE00] =	vst v63  }
0x13d: {  	_ =	swait.ge [sflag:s5], $0x100  }
0x13e: {  	[sflag:s5] =	ssyncset.done $0x0  }
0x13f: {  	[sflag:s5] =	ssyncadd.s32 $0xFFFFFF00  }
0x140: {  	v2 =	vld [tilespmem:$0x160]  }
0x141: {  	v3 =	vld [tilespmem:$0x100]  }
0x142: {  	v4 =	vld [tilespmem:$0x120]  }
0x143: {  	v5 =	vld [tilespmem:$0x170]  }
0x144: {  	v6 =	vld [tilespmem:$0x150]  }
0x145: {  	v7 =	vld [tilespmem:$0x140];
	v2 =	vadd.s32 v1, v2  }
0x146: {  	v3 =	vadd.s32 v1, v3;
	v8 =	vld [tilespmem:$0x110];
	[tilespmem:$0x4E0] =	vst v2  }
0x147: {  	[tilespmem:$0x480] =	vst v3;
	v2 =	vadd.s32 v1, v4;
	v3 =	vld [tilespmem:$0x130]  }
0x148: {  	[tilespmem:$0x4A0] =	vst v2;
	v2 =	vadd.s32 v1, v5  }
0x149: {  	v4 =	vadd.s32 v1, v6;
	[tilespmem:$0x4F0] =	vst v2  }
0x14a: {  	v2 =	vadd.s32 v1, v7;
	[tilespmem:$0x4D0] =	vst v4  }
0x14b: {  	v4 =	vadd.s32 v1, v8;
	[tilespmem:$0x4C0] =	vst v2  }
0x14c: {  	[tilespmem:$0x490] =	vst v4;
	v2 =	vadd.s32 v1, v3  }
0x14d: {  	[tilespmem:$0x4B0] =	vst v2  }
0x14e: {  	[tilespmem:s7], [sflag:$0x6] =	stream.indirect.gather [hbm4b:s4+s31], $0x80, s6, s31, $0xb8;
	[tilespmem:$0x1EE00] =	vst v63  }
0x14f: {  	_ =	swait.ge [sflag:s9], $0x4000  }
0x150: {  	[sflag:s9] =	ssyncset.done $0x0  }
0x151: {  	[sflag:s9] =	ssyncadd.s32 $0xFFFFC000  }
0x152: {  	[spmem:s1] =	stream.indirect.scatter.add.bf16 [tilespmem:s24], [sflag:$0x7], $0x80, s31, s31, $0xb8;
	[tilespmem:$0x1EE00] =	vst v63  }
0x153: {  	_ =	swait.ge [sflag:s10], $0x4000  }
0x154: {  	[sflag:s10] =	ssyncset.done $0x0  }
0x155: {  	s22 =	sadd.s32 $0x1400, s23;
	[sflag:s10] =	ssyncadd.s32 $0xFFFFC000  }
0x156: {  	[tilespmem:s3], [sflag:$0x1] =	stream.linear.gather [hbm4b:s22+s3], $0x100, $0x38;
	[tilespmem:$0x1EE00] =	vst v63  }
0x157: {  	_ =	swait.ge [sflag:s11], $0x100  }
0x158: {  	[sflag:s11] =	ssyncset.done $0x0  }
0x159: {  	[sflag:s11] =	ssyncadd.s32 $0xFFFFFF00  }
0x15a: {  	v7 =	vld [tilespmem:$0x270]  }
.Ltmp1:
0x15b: {  	v2 =	vld [tilespmem:$0x260];
	(pc) =	sbr.rel @p0 .LBB2_5-.Ltmp1, $4  }
0x15c: {  	v3 =	vld [tilespmem:$0x220]  }
0x15d: {  	v6 =	vld [tilespmem:$0x240]  }
0x15e: {  	v5 =	vld [tilespmem:$0x210]  }
0x15f: {  	v4 =	vld [tilespmem:$0x200];
	v7 =	vadd.s32 v1, v7  }
0x160: {  	v8 =	vld [tilespmem:$0x230];
	[tilespmem:$0x570] =	vst v7;
	v2 =	vadd.s32 v1, v2  }
0x161: {  	v9 =	vld [tilespmem:$0x250];
	v3 =	vadd.s32 v1, v3;
	[tilespmem:$0x560] =	vst v2  }
0x162: {  	v6 =	vadd.s32 v1, v6;
	[tilespmem:$0x520] =	vst v3  }
0x163: {  	v5 =	vadd.s32 v1, v5;
	[tilespmem:$0x540] =	vst v6  }
0x164: {  	v4 =	vadd.s32 v1, v4;
	[tilespmem:$0x510] =	vst v5  }
0x165: {  	[tilespmem:$0x500] =	vst v4;
	v37 =	vadd.s32 v1, v8  }
0x166: {  	v38 =	vadd.s32 v1, v9;
	[tilespmem:$0x530] =	vst v37  }
0x167: {  	[tilespmem:$0x550] =	vst v38  }
0x168: {  	[tilespmem:s24], [sflag:$0x5] =	stream.indirect.gather [hbm4b:s4+s31], $0x80, s12, s31, $0xb8;
	[tilespmem:$0x1EE00] =	vst v63  }
0x169: {  	_ =	swait.ge [sflag:s13], $0x4000  }
0x16a: {  	[sflag:s13] =	ssyncset.done $0x0  }
0x16b: {  	[sflag:s13] =	ssyncadd.s32 $0xFFFFC000  }
0x16c: {  	[spmem:s1] =	stream.indirect.scatter.add.bf16 [tilespmem:s7], [sflag:$0x8], $0x80, s15, s31, $0xb8;
	[tilespmem:$0x1EE00] =	vst v63  }
0x16d: {  	_ =	swait.ge [sflag:s16], $0x4000  }
0x16e: {  	[sflag:s16] =	ssyncset.done $0x0  }
0x16f: {  	s8 =	sadd.s32 $0x1420, s23;
	[sflag:s16] =	ssyncadd.s32 $0xFFFFC000  }
0x170: {  	[tilespmem:s28], [sflag:$0x2] =	stream.linear.gather [hbm4b:s8+s3], $0x100, $0x38;
	[tilespmem:$0x1EE00] =	vst v63  }
0x171: {  	_ =	swait.ge [sflag:s17], $0x100  }
0x172: {  	[sflag:s17] =	ssyncset.done $0x0  }
0x173: {  	[sflag:s17] =	ssyncadd.s32 $0xFFFFFF00  }
0x174: {  	v2 =	vld [tilespmem:$0x300]  }
0x175: {  	v3 =	vld [tilespmem:$0x310]  }
0x176: {  	v39 =	vld [tilespmem:$0x320]  }
0x177: {  	v40 =	vld [tilespmem:$0x330]  }
0x178: {  	v41 =	vld [tilespmem:$0x350]  }
0x179: {  	v42 =	vld [tilespmem:$0x360];
	v2 =	vadd.s32 v1, v2  }
0x17a: {  	[tilespmem:$0x580] =	vst v2;
	v2 =	vadd.s32 v1, v3;
	v3 =	vld [tilespmem:$0x370]  }
0x17b: {  	v43 =	vld [tilespmem:$0x340];
	[tilespmem:$0x590] =	vst v2;
	v2 =	vadd.s32 v1, v39  }
0x17c: {  	[tilespmem:$0x5A0] =	vst v2;
	v2 =	vadd.s32 v1, v40  }
0x17d: {  	[tilespmem:$0x5B0] =	vst v2;
	v2 =	vadd.s32 v1, v41  }
0x17e: {  	[tilespmem:$0x5D0] =	vst v2;
	v2 =	vadd.s32 v1, v42  }
0x17f: {  	[tilespmem:$0x5E0] =	vst v2;
	v2 =	vadd.s32 v1, v3  }
0x180: {  	v3 =	vadd.s32 v1, v43;
	[tilespmem:$0x5F0] =	vst v2  }
0x181: {  	[tilespmem:$0x5C0] =	vst v3  }
0x182: {  	[tilespmem:s7], [sflag:$0x6] =	stream.indirect.gather [hbm4b:s4+s31], $0x80, s18, s31, $0xb8;
	[tilespmem:$0x1EE00] =	vst v63  }
0x183: {  	_ =	swait.ge [sflag:s9], $0x4000  }
0x184: {  	[sflag:s9] =	ssyncset.done $0x0  }
0x185: {  	[sflag:s9] =	ssyncadd.s32 $0xFFFFC000  }
0x186: {  	[spmem:s1] =	stream.indirect.scatter.add.bf16 [tilespmem:s24], [sflag:$0x7], $0x80, s19, s31, $0xb8;
	[tilespmem:$0x1EE00] =	vst v63  }
0x187: {  	_ =	swait.ge [sflag:s10], $0x4000  }
0x188: {  	[sflag:s10] =	ssyncset.done $0x0  }
0x189: {  	s22 =	rddreg [dreg:$0x13];
	[sflag:s10] =	ssyncadd.s32 $0xFFFFC000  }
0x18a: {  	[tilespmem:s29], [sflag:$0x3] =	stream.linear.gather [hbm4b:s22+s3], $0x100, $0x38;
	[tilespmem:$0x1EE00] =	vst v63  }
0x18b: {  	_ =	swait.ge [sflag:s30], $0x100  }
0x18c: {  	[sflag:s30] =	ssyncset.done $0x0  }
0x18d: {  	[sflag:s30] =	ssyncadd.s32 $0xFFFFFF00  }
0x18e: {  	v2 =	vld [tilespmem:$0x0]  }
0x18f: {  	v3 =	vld [tilespmem:$0x10]  }
0x190: {  	v44 =	vld [tilespmem:$0x20]  }
0x191: {  	v45 =	vld [tilespmem:$0x30]  }
0x192: {  	v46 =	vld [tilespmem:$0x40]  }
0x193: {  	v47 =	vld [tilespmem:$0x50];
	v2 =	vadd.s32 v1, v2  }
0x194: {  	[tilespmem:$0x400] =	vst v2;
	v2 =	vadd.s32 v1, v3;
	v3 =	vld [tilespmem:$0x60]  }
0x195: {  	v48 =	vld [tilespmem:$0x70];
	[tilespmem:$0x410] =	vst v2;
	v2 =	vadd.s32 v1, v44  }
0x196: {  	[tilespmem:$0x420] =	vst v2;
	v2 =	vadd.s32 v1, v45  }
0x197: {  	[tilespmem:$0x430] =	vst v2;
	v2 =	vadd.s32 v1, v46  }
0x198: {  	[tilespmem:$0x440] =	vst v2;
	v2 =	vadd.s32 v1, v47  }
0x199: {  	[tilespmem:$0x450] =	vst v2;
	v2 =	vadd.s32 v1, v3  }
0x19a: {  	[tilespmem:$0x460] =	vst v2;
	v2 =	vadd.s32 v1, v48  }
0x19b: {  	[tilespmem:$0x470] =	vst v2  }
0x19c: {  	[tilespmem:s24], [sflag:$0x5] =	stream.indirect.gather [hbm4b:s4+s31], $0x80, s0, s31, $0xb8;
	[tilespmem:$0x1EE00] =	vst v63  }
0x19d: {  	_ =	swait.ge [sflag:s13], $0x4000  }
0x19e: {  	[sflag:s13] =	ssyncset.done $0x0  }
0x19f: {  	[sflag:s13] =	ssyncadd.s32 $0xFFFFC000  }
0x1a0: {  	[spmem:s1] =	stream.indirect.scatter.add.bf16 [tilespmem:s7], [sflag:$0x8], $0x80, s20, s31, $0xb8;
	[tilespmem:$0x1EE00] =	vst v63  }
0x1a1: {  	_ =	swait.ge [sflag:s16], $0x4000  }
0x1a2: {  	[sflag:s16] =	ssyncset.done $0x0  }
0x1a3: {  	s23 =	rddreg [dreg:$0x14];
	[sflag:s16] =	ssyncadd.s32 $0xFFFFC000  }
0x1a4: {  	[tilespmem:s2], [sflag:$0x4] =	stream.linear.gather [hbm4b:s23+s3], $0x100, $0x38;
	[tilespmem:$0x1EE00] =	vst v63  }
0x1a5: {  	_ =	swait.ge [sflag:s5], $0x100  }
0x1a6: {  	[sflag:s5] =	ssyncset.done $0x0  }
0x1a7: {  	[sflag:s5] =	ssyncadd.s32 $0xFFFFFF00  }
0x1a8: {  	v2 =	vld [tilespmem:$0x100]  }
0x1a9: {  	v3 =	vld [tilespmem:$0x110]  }
0x1aa: {  	v49 =	vld [tilespmem:$0x120]  }
0x1ab: {  	v50 =	vld [tilespmem:$0x130]  }
0x1ac: {  	v51 =	vld [tilespmem:$0x140]  }
0x1ad: {  	v52 =	vld [tilespmem:$0x150];
	v2 =	vadd.s32 v1, v2  }
0x1ae: {  	[tilespmem:$0x480] =	vst v2;
	v2 =	vadd.s32 v1, v3;
	v3 =	vld [tilespmem:$0x160]  }
0x1af: {  	v53 =	vld [tilespmem:$0x170];
	[tilespmem:$0x490] =	vst v2;
	v2 =	vadd.s32 v1, v49  }
0x1b0: {  	[tilespmem:$0x4A0] =	vst v2;
	v2 =	vadd.s32 v1, v50  }
0x1b1: {  	[tilespmem:$0x4B0] =	vst v2;
	v2 =	vadd.s32 v1, v51  }
0x1b2: {  	[tilespmem:$0x4C0] =	vst v2;
	v2 =	vadd.s32 v1, v52  }
0x1b3: {  	[tilespmem:$0x4D0] =	vst v2;
	v2 =	vadd.s32 v1, v3  }
0x1b4: {  	[tilespmem:$0x4E0] =	vst v2;
	v2 =	vadd.s32 v1, v53  }
0x1b5: {  	[tilespmem:$0x4F0] =	vst v2  }
0x1b6: {  	[tilespmem:s7], [sflag:$0x6] =	stream.indirect.gather [hbm4b:s4+s31], $0x80, s6, s31, $0xb8;
	[tilespmem:$0x1EE00] =	vst v63  }
0x1b7: {  	_ =	swait.ge [sflag:s9], $0x4000  }
0x1b8: {  	[sflag:s9] =	ssyncset.done $0x0  }
0x1b9: {  	[sflag:s9] =	ssyncadd.s32 $0xFFFFC000  }
0x1ba: {  	[spmem:s1] =	stream.indirect.scatter.add.bf16 [tilespmem:s24], [sflag:$0x7], $0x80, s31, s31, $0xb8;
	[tilespmem:$0x1EE00] =	vst v63  }
0x1bb: {  	_ =	swait.ge [sflag:s10], $0x4000  }
0x1bc: {  	[sflag:s10] =	ssyncset.done $0x0  }
0x1bd: {  	[sflag:s10] =	ssyncadd.s32 $0xFFFFC000  }
0x1be: {  	_ =	swait.ge [sflag:s11], $0x100  }
0x1bf: {  	[sflag:s11] =	ssyncset.done $0x0  }
0x1c0: {  	[sflag:s11] =	ssyncadd.s32 $0xFFFFFF00  }
0x1c1: {  	v2 =	vld [tilespmem:$0x200]  }
0x1c2: {  	v3 =	vld [tilespmem:$0x210]  }
0x1c3: {  	v54 =	vld [tilespmem:$0x220]  }
0x1c4: {  	v55 =	vld [tilespmem:$0x230]  }
0x1c5: {  	v56 =	vld [tilespmem:$0x240]  }
0x1c6: {  	v57 =	vld [tilespmem:$0x250];
	v2 =	vadd.s32 v1, v2  }
0x1c7: {  	[tilespmem:$0x500] =	vst v2;
	v2 =	vadd.s32 v1, v3;
	v3 =	vld [tilespmem:$0x260]  }
0x1c8: {  	v58 =	vld [tilespmem:$0x270];
	[tilespmem:$0x510] =	vst v2;
	v2 =	vadd.s32 v1, v54  }
0x1c9: {  	[tilespmem:$0x520] =	vst v2;
	v2 =	vadd.s32 v1, v55  }
0x1ca: {  	[tilespmem:$0x530] =	vst v2;
	v2 =	vadd.s32 v1, v56  }
0x1cb: {  	[tilespmem:$0x540] =	vst v2;
	v2 =	vadd.s32 v1, v57  }
0x1cc: {  	[tilespmem:$0x550] =	vst v2;
	v2 =	vadd.s32 v1, v3  }
0x1cd: {  	[tilespmem:$0x560] =	vst v2;
	v2 =	vadd.s32 v1, v58  }
0x1ce: {  	[tilespmem:$0x570] =	vst v2  }
0x1cf: {  	[tilespmem:s24], [sflag:$0x5] =	stream.indirect.gather [hbm4b:s4+s31], $0x80, s12, s31, $0xb8;
	[tilespmem:$0x1EE00] =	vst v63  }
0x1d0: {  	_ =	swait.ge [sflag:s13], $0x4000  }
0x1d1: {  	[sflag:s13] =	ssyncset.done $0x0  }
0x1d2: {  	[sflag:s13] =	ssyncadd.s32 $0xFFFFC000  }
0x1d3: {  	[spmem:s1] =	stream.indirect.scatter.add.bf16 [tilespmem:s7], [sflag:$0x8], $0x80, s15, s31, $0xb8;
	[tilespmem:$0x1EE00] =	vst v63  }
0x1d4: {  	_ =	swait.ge [sflag:s16], $0x4000  }
0x1d5: {  	[sflag:s16] =	ssyncset.done $0x0  }
0x1d6: {  	[sflag:s16] =	ssyncadd.s32 $0xFFFFC000  }
0x1d7: {  	_ =	swait.ge [sflag:s17], $0x100  }
0x1d8: {  	[sflag:s17] =	ssyncset.done $0x0  }
0x1d9: {  	[sflag:s17] =	ssyncadd.s32 $0xFFFFFF00  }
0x1da: {  	v2 =	vld [tilespmem:$0x300]  }
0x1db: {  	v3 =	vld [tilespmem:$0x310]  }
0x1dc: {  	v59 =	vld [tilespmem:$0x320]  }
0x1dd: {  	v60 =	vld [tilespmem:$0x330]  }
0x1de: {  	v61 =	vld [tilespmem:$0x340]  }
0x1df: {  	v62 =	vld [tilespmem:$0x350];
	v2 =	vadd.s32 v1, v2  }
0x1e0: {  	[tilespmem:$0x580] =	vst v2;
	v2 =	vadd.s32 v1, v3;
	v3 =	vld [tilespmem:$0x360]  }
0x1e1: {  	v63 =	vld [tilespmem:$0x370];
	[tilespmem:$0x590] =	vst v2;
	v2 =	vadd.s32 v1, v59  }
0x1e2: {  	[tilespmem:$0x5A0] =	vst v2;
	v2 =	vadd.s32 v1, v60  }
0x1e3: {  	[tilespmem:$0x5B0] =	vst v2;
	v2 =	vadd.s32 v1, v61  }
0x1e4: {  	[tilespmem:$0x5C0] =	vst v2;
	v2 =	vadd.s32 v1, v62  }
0x1e5: {  	[tilespmem:$0x5D0] =	vst v2;
	v2 =	vadd.s32 v1, v3  }
0x1e6: {  	v1 =	vadd.s32 v1, v63;
	[tilespmem:$0x5E0] =	vst v2  }
0x1e7: {  	[tilespmem:$0x5F0] =	vst v1  }
0x1e8: {  	[tilespmem:s7], [sflag:$0x6] =	stream.indirect.gather [hbm4b:s4+s31], $0x80, s18, s31, $0xb8;
	[tilespmem:$0x1EE00] =	vst v63  }
0x1e9: {  	_ =	swait.ge [sflag:s9], $0x4000  }
0x1ea: {  	[sflag:s9] =	ssyncset.done $0x0  }
0x1eb: {  	[sflag:s9] =	ssyncadd.s32 $0xFFFFC000  }
0x1ec: {  	[spmem:s1] =	stream.indirect.scatter.add.bf16 [tilespmem:s24], [sflag:$0x7], $0x80, s19, s31, $0xb8;
	[tilespmem:$0x1EE00] =	vst v63  }
0x1ed: {  	_ =	swait.ge [sflag:s13], $0x4000  }
0x1ee: {  	[sflag:s13] =	ssyncset.done $0x0  }
0x1ef: {  	[sflag:s13] =	ssyncadd.s32 $0xFFFFC000  }
0x1f0: {  	[spmem:s1] =	stream.indirect.scatter.add.bf16 [tilespmem:s7], [sflag:$0x8], $0x80, s20, s31, $0xb8;
	[tilespmem:$0x1EE00] =	vst v63  }
0x1f1: {  	_ =	swait.ge [sflag:s10], $0x4000  }
0x1f2: {  	[sflag:s10] =	ssyncset.done $0x0  }
0x1f3: {  	[sflag:s10] =	ssyncadd.s32 $0xFFFFC000  }
0x1f4: {  	_ =	swait.ge [sflag:s16], $0x4000  }
0x1f5: {  	s25 =	smul.u32 $0x280000, s25;
	s21 =	sadd.s32 $0x1, s21;
	[sflag:s16] =	ssyncset.done $0x0  }
0x1f6: {  	p0 =	sne.s32 s21, $0x3;
	s22 =	rddreg [dreg:$0x3];
	[sflag:s16] =	ssyncadd.s32 $0xFFFFC000  }
0x1f7: {  	s23 =	stileid.u32;
	s8 =	sadd.s32 s22, s25;
	[bflag:$0x0] =	sbarrier.arrive $0xFFFF  }
0x1f8: {  	s22 =	sshll.u32 s23, $0x6;
	s8 =	sshrl.u32 s8, $0x4;
	s25 =	rddreg [dreg:$0x4]  }
0x1f9: {  	s8 =	sadd.s32 s25, s8;
	s25 =	sor.u32 $0x1C09, s22;
	s22 =	rddreg [dreg:$0x6]  }
.Ltmp2:
0x1fa: {  	s23 =	sshrl.u32 s22, $0x3;
	(pc) =	sbr.rel @p0 .LBB2_4-.Ltmp2, $4  }
0x1fb: {  	[hbm:s8], [sflag:s25] =	dma.local [spmem:s23], $0x2800  }
0x1fc: {  	_ =	swait.ge [sflag:s26], $0x2800  }
0x1fd: {  	[sflag:s26] =	ssyncset.done $0x0  }
0x1fe: {  	[sflag:s26] =	ssyncadd.s32 $0xFFFFD800  }
0x1ff: {  	s21 =	rddreg [dreg:$0x16]  }
0x200: {  	s8 =	rddreg [dreg:$0x15];
	s21 =	sadd.s32 $0x1, s21  }
0x201: {  	p0 =	sne.s32 s21, s8  }
.Ltmp3:
0x202: {  	_ = 	snop;
	(pc) =	sbr.rel @p0 .LBB2_1-.Ltmp3, $1  }
0x203: {  	_ =	sdelay $0x3  }
0x204: {  	_ =	sfence.sel $0x180000  }
0x205: {  	[bflag:$0x0] =	sbarrier.arrive $0xFFFF  }
0x206: {  	_ =	strace $0x9000004A  }
0x207: {  	s0 =	stileid.u32;
	[bflag:$0x2] =	sbarrier.arrive $0xFFFF  }
0x208: {  	p0 =	sne.s32 s0, $0x0;
	s0 =	rddreg [dreg:$0x2]  }
0x209: {  	s0 =	sadd.s32 @!p0 $0x100000, s0  }
0x20a: {  	[sflag:s0] =	ssyncadd.tile.s32 @!p0 $0x1;
	_ =	shalt  }
.Lfunc_end2:
_tile_overlayer_lowered:
.L_overlay_start_2:
0x20b: {  	(tag) =	ssettag $0x2  }
0x20c: {  	s0 =	rddreg [dreg:$0x0];
	s2 =	stileid.u32  }
0x20d: {  	s1 =	rddreg [dreg:$0x1];
	p0 =	sne.s32 s2, $0x0  }
0x20e: {  	s3 =	rddreg [dreg:$0x2];
	[bflag:$0x3] =	sbarrier.arrive $0xFFFF;
	s2 =	simm.s32 @!p0 $0x1C09  }
0x20f: {  	[timem:s3], [sflag:s2] =	dma.local @!p0 [hbm:s0], s1  }
0x210: {  	s0 =	simm.s32 @!p0 $0x9  }
0x211: {  	_ =	swait.ge @!p0 [sflag:s0], s1  }
0x212: {  	s1 =	ssub.s32 @!p0 $0x0, s1;
	[sflag:s0] =	ssyncset.done @!p0 $0x0  }
0x213: {  	[sflag:s0] =	ssyncadd.s32 @!p0 s1  }
0x214: {  	[bflag:$0x3] =	sbarrier.arrive $0xFFFF  }
0x215: {  	_ =	shalt  }

</sc_bundles>
